<compile_context>
chip_gen: v7x
topology: tpu7x:2x2x1
jax: 0.10.2.dev20260603
libtpu: 0.0.44.dev20260713+nightly
codegen_flags: <defaults>
</compile_context>

<pallas_src>
import jax
import jax.numpy as jnp
import numpy as np
from jax import lax
from jax.experimental import pallas as pl
from jax.experimental.pallas import tpu as pltpu
from jax.experimental.pallas import tpu_sc as plsc

N_NODES = 10000
N_EDGES = 320000
D = 128
NC = 2
NS = 16
NW = NC * NS
CHUNK = 128
CG = 64
CPW = 80
TOTCH = CPW * NW
EP = TOTCH * CHUNK
K0 = 80
K1 = 2 * CPW - K0
NP = 10112
RPT = NP // NS
RB = 1000
HW = 128
NBUF = 4

_MESH = plsc.VectorSubcoreMesh(core_axis_name="c", subcore_axis_name="s")

_NPAD = EP - N_EDGES
_PAD_DST = np.int32(N_NODES) + (np.arange(_NPAD, dtype=np.int32) % (NP - N_NODES))
_PAD_SRC = np.arange(_NPAD, dtype=np.int32) % N_NODES


def _sc_hist_body(dst_hbm, zeros_hbm, ones_hbm, hist_out,
                  hist_sh, ones_v, didx_v, sem):
    c = lax.axis_index("c")
    s = lax.axis_index("s")
    wid = s * NC + c
    row0 = pl.multiple_of(s * RPT, 8)
    pltpu.sync_copy(zeros_hbm.at[pl.ds(row0, RPT)], hist_sh.at[pl.ds(row0, RPT)])
    pltpu.sync_copy(ones_hbm, ones_v)
    cb = pl.multiple_of(wid * CPW, 8)
    pltpu.sync_copy(dst_hbm.at[pl.ds(cb, CPW)], didx_v)
    plsc.subcore_barrier()

    def fire(j, carry):
        pltpu.async_copy(ones_v, hist_sh.at[didx_v.at[j]], sem, add=True)
        return carry

    lax.fori_loop(0, CPW, fire, 0)

    def drain(j, carry):
        pltpu.make_async_copy(ones_v, hist_sh.at[didx_v.at[0]], sem).wait()
        return carry

    lax.fori_loop(0, CPW, drain, 0)
    plsc.subcore_barrier()
    pltpu.sync_copy(hist_sh.at[pl.ds(row0, RPT)], hist_out.at[c, pl.ds(row0, RPT)])


_sc_hist = pl.kernel(
    _sc_hist_body,
    out_type=jax.ShapeDtypeStruct((NC, NP, HW), jnp.float32),
    mesh=_MESH,
    scratch_types=[
        pltpu.VMEM_SHARED((NP, HW), jnp.float32),
        pltpu.VMEM((CHUNK, HW), jnp.float32),
        pltpu.VMEM((CPW, CHUNK), jnp.int32),
        pltpu.SemaphoreType.DMA,
    ],
)


def _edge_loop(hs_hbm, src_hbm, dst_hbm, acc_sh, rows_v, sidx_v, didx_v,
               gsems, dsems, cb, K):
    pltpu.sync_copy(src_hbm.at[pl.ds(cb, K)], sidx_v.at[pl.ds(0, K)])
    kg = 2 * K

    def sidx_slice(j):
        return sidx_v.at[j // 2, pl.ds(pl.multiple_of((j % 2) * CG, 8), CG)]

    def dsrc(j):
        return dst_hbm.at[cb + j // 2, pl.ds(pl.multiple_of((j % 2) * CG, 8), CG)]

    for b in range(NBUF):
        pltpu.async_copy(hs_hbm.at[sidx_slice(b)], rows_v.at[b], gsems[b])
        pltpu.async_copy(dsrc(b), didx_v.at[b], dsems[b])

    def body(i, carry):
        for b in range(NBUF):
            j = i * NBUF + b
            pltpu.make_async_copy(hs_hbm.at[sidx_slice(j)], rows_v.at[b],
                                  gsems[b]).wait()
            pltpu.make_async_copy(dsrc(j), didx_v.at[b], dsems[b]).wait()
            pltpu.sync_copy(rows_v.at[b], acc_sh.at[didx_v.at[b]], add=True)

            @pl.when(j + NBUF < kg)
            def _():
                pltpu.async_copy(hs_hbm.at[sidx_slice(j + NBUF)], rows_v.at[b],
                                 gsems[b])
                pltpu.async_copy(dsrc(j + NBUF), didx_v.at[b], dsems[b])
        return carry

    lax.fori_loop(0, kg // NBUF, body, 0)


def _sc_scatter_body(hs_hbm, src_hbm, dst_hbm, zeros_hbm, part_out,
                     acc_sh, rows_v, sidx_v, didx_v,
                     gsem0, gsem1, gsem2, gsem3, dsem0, dsem1, dsem2, dsem3):
    gsems = (gsem0, gsem1, gsem2, gsem3)
    dsems = (dsem0, dsem1, dsem2, dsem3)
    c = lax.axis_index("c")
    s = lax.axis_index("s")
    row0 = pl.multiple_of(s * RPT, 8)
    with jax.named_scope("acc_init"):
        @pl.when((c == 0) & (s < NS - 1))
        def _():
            pltpu.sync_copy(hs_hbm.at[pl.ds(row0, RPT)],
                            acc_sh.at[pl.ds(row0, RPT)])

        @pl.when((c == 0) & (s == NS - 1))
        def _():
            nreal = N_NODES - (NS - 1) * RPT
            pltpu.sync_copy(hs_hbm.at[pl.ds(row0, nreal)],
                            acc_sh.at[pl.ds(row0, nreal)])
            pltpu.sync_copy(zeros_hbm.at[pl.ds(N_NODES, NP - N_NODES)],
                            acc_sh.at[pl.ds(N_NODES, NP - N_NODES)])

        @pl.when(c == 1)
        def _():
            pltpu.sync_copy(zeros_hbm.at[pl.ds(row0, RPT)],
                            acc_sh.at[pl.ds(row0, RPT)])

        plsc.subcore_barrier()

    with jax.named_scope("edges"):
        @pl.when(c == 0)
        def _():
            cb = pl.multiple_of(s * K0, 8)
            _edge_loop(hs_hbm, src_hbm, dst_hbm, acc_sh, rows_v, sidx_v, didx_v,
                       gsems, dsems, cb, K0)

        @pl.when(c == 1)
        def _():
            cb = pl.multiple_of(NS * K0 + s * K1, 8)
            _edge_loop(hs_hbm, src_hbm, dst_hbm, acc_sh, rows_v, sidx_v, didx_v,
                       gsems, dsems, cb, K1)

    with jax.named_scope("drain"):
        plsc.subcore_barrier()
        pltpu.sync_copy(acc_sh.at[pl.ds(row0, RPT)], part_out.at[c, pl.ds(row0, RPT)])


_sc_scatter = pl.kernel(
    _sc_scatter_body,
    out_type=jax.ShapeDtypeStruct((NC, NP, D), jnp.float32),
    mesh=_MESH,
    scratch_types=[
        pltpu.VMEM_SHARED((NP, D), jnp.float32),
        pltpu.VMEM((NBUF, CG, D), jnp.float32),
        pltpu.VMEM((max(K0, K1), CHUNK), jnp.int32),
        pltpu.VMEM((NBUF, CG), jnp.int32),
        pltpu.SemaphoreType.DMA,
        pltpu.SemaphoreType.DMA,
        pltpu.SemaphoreType.DMA,
        pltpu.SemaphoreType.DMA,
        pltpu.SemaphoreType.DMA,
        pltpu.SemaphoreType.DMA,
        pltpu.SemaphoreType.DMA,
        pltpu.SemaphoreType.DMA,
    ],
)


def _dis(hist_ref):
    deg = hist_ref[0, :, 0:1] + hist_ref[1, :, 0:1] + 1.0
    return lax.rsqrt(deg)


def _tc_first_body(x_ref, w_ref, hist_ref, hs_ref):
    dis = _dis(hist_ref)
    hs_ref[...] = dis * jnp.dot(x_ref[...], w_ref[...],
                                preferred_element_type=jnp.float32)


_tc_first = pl.pallas_call(
    _tc_first_body,
    grid=(N_NODES // RB,),
    in_specs=[
        pl.BlockSpec((RB, D), lambda i: (i, 0)),
        pl.BlockSpec((D, D), lambda i: (0, 0)),
        pl.BlockSpec((NC, RB, HW), lambda i: (0, i, 0)),
    ],
    out_specs=pl.BlockSpec((RB, D), lambda i: (i, 0)),
    out_shape=jax.ShapeDtypeStruct((N_NODES, D), jnp.float32),
)


def _tc_mid_body(hist_ref, p_ref, w_ref, b_ref, out_ref):
    dis = _dis(hist_ref)
    acc = p_ref[0] + p_ref[1]
    h2 = jnp.maximum(dis * acc + b_ref[...], 0.0)
    out_ref[...] = dis * jnp.dot(h2, w_ref[...],
                                 preferred_element_type=jnp.float32)


_tc_mid = pl.pallas_call(
    _tc_mid_body,
    grid=(N_NODES // RB,),
    in_specs=[
        pl.BlockSpec((NC, RB, HW), lambda i: (0, i, 0)),
        pl.BlockSpec((NC, RB, D), lambda i: (0, i, 0)),
        pl.BlockSpec((D, D), lambda i: (0, 0)),
        pl.BlockSpec((1, D), lambda i: (0, 0)),
    ],
    out_specs=pl.BlockSpec((RB, D), lambda i: (i, 0)),
    out_shape=jax.ShapeDtypeStruct((N_NODES, D), jnp.float32),
)


def _tc_last_body(hist_ref, p_ref, b_ref, out_ref):
    dis = _dis(hist_ref)
    acc = p_ref[0] + p_ref[1]
    out_ref[...] = dis * acc + b_ref[...]


_tc_last = pl.pallas_call(
    _tc_last_body,
    grid=(N_NODES // RB,),
    in_specs=[
        pl.BlockSpec((NC, RB, HW), lambda i: (0, i, 0)),
        pl.BlockSpec((NC, RB, D), lambda i: (0, i, 0)),
        pl.BlockSpec((1, D), lambda i: (0, 0)),
    ],
    out_specs=pl.BlockSpec((RB, D), lambda i: (i, 0)),
    out_shape=jax.ShapeDtypeStruct((N_NODES, D), jnp.float32),
)


def kernel(x, edge_index, W1, b1, W2, b2):
    srcp = jnp.concatenate([edge_index[0], _PAD_SRC]).reshape(TOTCH, CHUNK)
    dstp = jnp.concatenate([edge_index[1], _PAD_DST]).reshape(TOTCH, CHUNK)
    zeros_nd = jnp.zeros((NP, D), jnp.float32)
    ones_ch = jnp.ones((CHUNK, HW), jnp.float32)

    hist = _sc_hist(dstp, zeros_nd, ones_ch)
    hs1 = _tc_first(x, W1, hist)
    p = _sc_scatter(hs1, srcp, dstp, zeros_nd)
    hs2 = _tc_mid(hist, p, W2, b1.reshape(1, D))
    q = _sc_scatter(hs2, srcp, dstp, zeros_nd)
    return _tc_last(hist, q, b2.reshape(1, D))

# --- scband reference (transcript-rebuilt; emitter-appended) ---
"""Pipeline reference for scband-geom-gcn-26474178413290 (READ-ONLY COPY).

The authoritative reference and input builder live on the scoring server;
editing this copy changes nothing except your own understanding.
"""

import jax, jax.numpy as jnp
import numpy as np

N_NODES = 10000
N_EDGES = 320000
D_IN = 128
D_HID = 128
D_OUT = 128


def setup_inputs(seed: int = 0) -> dict:
    key = jax.random.key(seed)
    k1, k2, k3, k4 = jax.random.split(key, 4)
    x = jax.random.normal(k1, (N_NODES, D_IN), dtype=jnp.float32)
    edge_index = jax.random.randint(k2, (2, N_EDGES), 0, N_NODES, dtype=jnp.int32)
    W1 = jax.random.normal(k3, (D_IN, D_HID), dtype=jnp.float32) * (1.0 / np.sqrt(D_IN))
    b1 = jnp.zeros((D_HID,), dtype=jnp.float32)
    W2 = jax.random.normal(k4, (D_HID, D_OUT), dtype=jnp.float32) * (1.0 / np.sqrt(D_HID))
    b2 = jnp.zeros((D_OUT,), dtype=jnp.float32)
    return {"x": x, "edge_index": edge_index, "W1": W1, "b1": b1, "W2": W2, "b2": b2}


def _gcn_conv(x, edge_index, W, b, num_nodes):
    # PyG GCNConv: x' = D^{-1/2} (A + I) D^{-1/2} (X W) + b
    src = edge_index[0]
    dst = edge_index[1]
    loop = jnp.arange(num_nodes, dtype=edge_index.dtype)
    src = jnp.concatenate([src, loop])
    dst = jnp.concatenate([dst, loop])
    deg = jnp.zeros((num_nodes,), dtype=x.dtype).at[dst].add(1.0)
    deg_inv_sqrt = jnp.where(deg > 0, 1.0 / jnp.sqrt(deg), 0.0)
    norm = deg_inv_sqrt[src] * deg_inv_sqrt[dst]
    h = x @ W
    msg = jnp.take(h, src, axis=0) * norm[:, None]
    out = jnp.zeros((num_nodes, h.shape[1]), dtype=h.dtype).at[dst].add(msg)
    return out + b


def reference(x, edge_index, W1, b1, W2, b2):
    # dropout is identity in eval mode (training=False)
    num_nodes = x.shape[0]
    h = _gcn_conv(x, edge_index, W1, b1, num_nodes)
    h = jax.nn.relu(h)
    out = _gcn_conv(h, edge_index, W2, b2, num_nodes)
    return out

if __name__ == "__main__":
    import jax
    _d = setup_inputs()
    print(jax.jit(kernel)(*tuple(_d.values())))

</pallas_src>

<mosaic_0001>
#map = affine_map<(d0, d1) -> (0, 0)>
#map1 = affine_map<(d0, d1) -> (0, 0, 0)>
module attributes {stable_mosaic.version = 14 : i64} {
  func.func @_sc_hist_body(%arg0: i32, %arg1: i32, %arg2: memref<2560x128xi32, #tpu.memory_space<hbm>>, %arg3: memref<10112x128xf32, #tpu.memory_space<hbm>>, %arg4: memref<128x128xf32, #tpu.memory_space<hbm>>, %arg5: memref<2x10112x128xf32, #tpu.memory_space<hbm>>, %arg6: memref<10112x128xf32, #tpu.memory_space<vmem_shared>>, %arg7: memref<128x128xf32, #tpu.memory_space<vmem>>, %arg8: memref<80x128xi32, #tpu.memory_space<vmem>>, %arg9: memref<!tpu.dma_semaphore, #tpu.memory_space<semaphore_mem>>) attributes {dimension_semantics = [#tpu.dimension_semantics<core_parallel>, #tpu.dimension_semantics<subcore_parallel>], iteration_bounds = array<i64: 2, 16>, scalar_prefetch = 0 : i64, scratch_operands = 4 : i64, tpu.core_type = #tpu.core_type<sc_vector_subcore>, window_params = [{transform_indices = #map}, {transform_indices = #map}, {transform_indices = #map}, {transform_indices = #map1}]} {
    %mul3A = arith.constant 2 : i32
    %mul3A_0 = arith.muli %arg1, %mul3A : i32
    %add3A = arith.addi %mul3A_0, %arg0 : i32
    %mul3A_1 = arith.constant 632 : i32
    %mul3A_2 = arith.muli %arg1, %mul3A_1 : i32
    %multiple_of3A = tpu.assume_multiple %mul3A_2, 8 : i32
    "tpu.region"() ({
      %run_scoped3A = tpu.sem_alloc : memref<!tpu.dma_semaphore, #tpu.memory_space<semaphore_mem>>
      %dma_start3A = arith.constant 0 : i32
      %dma_start3A_18 = tpu.memref_slice %arg6[%multiple_of3A, %dma_start3A] : memref<10112x128xf32, #tpu.memory_space<vmem_shared>> -> memref<632x128xf32, #tpu.memory_space<vmem_shared>>
      %dma_start3A_19 = arith.constant 0 : i32
      %dma_start3A_20 = tpu.memref_slice %arg3[%multiple_of3A, %dma_start3A_19] : memref<10112x128xf32, #tpu.memory_space<hbm>> -> memref<632x128xf32, #tpu.memory_space<hbm>>
      tpu.enqueue_dma source(%dma_start3A_20 : memref<632x128xf32, #tpu.memory_space<hbm>>) target(%dma_start3A_18 : memref<632x128xf32, #tpu.memory_space<vmem_shared>>) target_semaphore(%run_scoped3A : memref<!tpu.dma_semaphore, #tpu.memory_space<semaphore_mem>>)
      %dma_wait3A = arith.constant 0 : i32
      %dma_wait3A_21 = tpu.memref_slice %arg6[%multiple_of3A, %dma_wait3A] : memref<10112x128xf32, #tpu.memory_space<vmem_shared>> -> memref<632x128xf32, #tpu.memory_space<vmem_shared>>
      %dma_wait3A_22 = arith.constant 0 : i32
      %dma_wait3A_23 = tpu.memref_slice %arg3[%multiple_of3A, %dma_wait3A_22] : memref<10112x128xf32, #tpu.memory_space<hbm>> -> memref<632x128xf32, #tpu.memory_space<hbm>>
      tpu.wait_dma2 semaphore(%run_scoped3A : memref<!tpu.dma_semaphore, #tpu.memory_space<semaphore_mem>>) src(%dma_wait3A_23 : memref<632x128xf32, #tpu.memory_space<hbm>>) dst(%dma_wait3A_21 : memref<632x128xf32, #tpu.memory_space<vmem_shared>>)
      tpu.yield
    }) : () -> ()
    "tpu.region"() ({
      %run_scoped3A = tpu.sem_alloc : memref<!tpu.dma_semaphore, #tpu.memory_space<semaphore_mem>>
      tpu.enqueue_dma source(%arg4 : memref<128x128xf32, #tpu.memory_space<hbm>>) target(%arg7 : memref<128x128xf32, #tpu.memory_space<vmem>>) target_semaphore(%run_scoped3A : memref<!tpu.dma_semaphore, #tpu.memory_space<semaphore_mem>>)
      tpu.wait_dma2 semaphore(%run_scoped3A : memref<!tpu.dma_semaphore, #tpu.memory_space<semaphore_mem>>) src(%arg4 : memref<128x128xf32, #tpu.memory_space<hbm>>) dst(%arg7 : memref<128x128xf32, #tpu.memory_space<vmem>>)
      tpu.yield
    }) : () -> ()
    %mul3A_3 = arith.constant 80 : i32
    %mul3A_4 = arith.muli %add3A, %mul3A_3 : i32
    %multiple_of3A_5 = tpu.assume_multiple %mul3A_4, 8 : i32
    "tpu.region"() ({
      %run_scoped3A = tpu.sem_alloc : memref<!tpu.dma_semaphore, #tpu.memory_space<semaphore_mem>>
      %dma_start3A = arith.constant 0 : i32
      %dma_start3A_18 = tpu.memref_slice %arg2[%multiple_of3A_5, %dma_start3A] : memref<2560x128xi32, #tpu.memory_space<hbm>> -> memref<80x128xi32, #tpu.memory_space<hbm>>
      %dma_start3A_19 = arith.constant 0 : i32
      %dma_start3A_20 = tpu.memref_slice %arg2[%multiple_of3A_5, %dma_start3A_19] : memref<2560x128xi32, #tpu.memory_space<hbm>> -> memref<80x128xi32, #tpu.memory_space<hbm>>
      tpu.enqueue_dma source(%dma_start3A_20 : memref<80x128xi32, #tpu.memory_space<hbm>>) target(%arg8 : memref<80x128xi32, #tpu.memory_space<vmem>>) target_semaphore(%run_scoped3A : memref<!tpu.dma_semaphore, #tpu.memory_space<semaphore_mem>>)
      %dma_wait3A = arith.constant 0 : i32
      %dma_wait3A_21 = tpu.memref_slice %arg2[%multiple_of3A_5, %dma_wait3A] : memref<2560x128xi32, #tpu.memory_space<hbm>> -> memref<80x128xi32, #tpu.memory_space<hbm>>
      %dma_wait3A_22 = arith.constant 0 : i32
      %dma_wait3A_23 = tpu.memref_slice %arg2[%multiple_of3A_5, %dma_wait3A_22] : memref<2560x128xi32, #tpu.memory_space<hbm>> -> memref<80x128xi32, #tpu.memory_space<hbm>>
      tpu.wait_dma2 semaphore(%run_scoped3A : memref<!tpu.dma_semaphore, #tpu.memory_space<semaphore_mem>>) src(%dma_wait3A_23 : memref<80x128xi32, #tpu.memory_space<hbm>>) dst(%arg8 : memref<80x128xi32, #tpu.memory_space<vmem>>)
      tpu.yield
    }) : () -> ()
    %barrier3A = arith.constant 0 : index
    tpu.barrier barrier_id(%barrier3A)
    %scan3A = arith.constant 0 : i32
    %scan3A_6 = arith.constant 0 : i32
    %scan3A_7 = arith.constant 80 : i32
    %scan3A_8 = arith.addi %scan3A_6, %scan3A_7 : i32
    %scan3A_9 = arith.constant 1 : i32
    scf.for %scan3A_18 = %scan3A_6 to %scan3A_8 step %scan3A_9  : i32 {
      %dma_start3A = arith.constant 0 : i32
      %dma_start3A_19 = tpu.memref_slice %arg8[%scan3A_18, %dma_start3A] : memref<80x128xi32, #tpu.memory_space<vmem>> -> memref<1x128xi32, #tpu.memory_space<vmem>>
      %dma_start3A_20 = tpu.memref_squeeze %dma_start3A_19 : memref<1x128xi32, #tpu.memory_space<vmem>> -> memref<128xi32, #tpu.memory_space<vmem>>
      %dma_start3A_21 = arith.constant 0 : i32
      %dma_start3A_22 = arith.constant 0 : i32
      %dma_start3A_23 = tpu.memref_slice %arg6[%dma_start3A_21, %dma_start3A_22] : memref<10112x128xf32, #tpu.memory_space<vmem_shared>> -> memref<10112x128xf32, #tpu.memory_space<vmem_shared>>
      tpu.enqueue_indirect_dma source(%arg7 : memref<128x128xf32, #tpu.memory_space<vmem>>) target(%dma_start3A_23 : memref<10112x128xf32, #tpu.memory_space<vmem_shared>>) offsets(%dma_start3A_20 : memref<128xi32, #tpu.memory_space<vmem>>) semaphore(%arg9 : memref<!tpu.dma_semaphore, #tpu.memory_space<semaphore_mem>>) {add = true}
    }
    %scan3A_10 = arith.constant 80 : i32
    %scan3A_11 = arith.constant 0 : i32
    %scan3A_12 = arith.constant 0 : i32
    %scan3A_13 = arith.constant 80 : i32
    %scan3A_14 = arith.addi %scan3A_12, %scan3A_13 : i32
    %scan3A_15 = arith.constant 1 : i32
    scf.for %scan3A_18 = %scan3A_12 to %scan3A_14 step %scan3A_15  : i32 {
      %dma_wait3A = arith.constant 0 : i32
      %dma_wait3A_19 = arith.constant 0 : i32
      %dma_wait3A_20 = tpu.memref_slice %arg8[%dma_wait3A, %dma_wait3A_19] : memref<80x128xi32, #tpu.memory_space<vmem>> -> memref<1x128xi32, #tpu.memory_space<vmem>>
      %dma_wait3A_21 = tpu.memref_squeeze %dma_wait3A_20 : memref<1x128xi32, #tpu.memory_space<vmem>> -> memref<128xi32, #tpu.memory_space<vmem>>
      %dma_wait3A_22 = arith.constant 0 : i32
      %dma_wait3A_23 = arith.constant 0 : i32
      %dma_wait3A_24 = tpu.memref_slice %arg6[%dma_wait3A_22, %dma_wait3A_23] : memref<10112x128xf32, #tpu.memory_space<vmem_shared>> -> memref<10112x128xf32, #tpu.memory_space<vmem_shared>>
      tpu.wait_indirect_dma semaphore(%arg9 : memref<!tpu.dma_semaphore, #tpu.memory_space<semaphore_mem>>) src(%arg7 : memref<128x128xf32, #tpu.memory_space<vmem>>) dst(%dma_wait3A_24 : memref<10112x128xf32, #tpu.memory_space<vmem_shared>>)
    }
    %scan3A_16 = arith.constant 80 : i32
    %barrier3A_17 = arith.constant 0 : index
    tpu.barrier barrier_id(%barrier3A_17)
    "tpu.region"() ({
      %run_scoped3A = tpu.sem_alloc : memref<!tpu.dma_semaphore, #tpu.memory_space<semaphore_mem>>
      %dma_start3A = arith.constant 0 : i32
      %dma_start3A_18 = tpu.memref_slice %arg5[%arg0, %multiple_of3A, %dma_start3A] : memref<2x10112x128xf32, #tpu.memory_space<hbm>> -> memref<1x632x128xf32, #tpu.memory_space<hbm>>
      %dma_start3A_19 = tpu.memref_squeeze %dma_start3A_18 : memref<1x632x128xf32, #tpu.memory_space<hbm>> -> memref<632x128xf32, #tpu.memory_space<hbm>>
      %dma_start3A_20 = arith.constant 0 : i32
      %dma_start3A_21 = tpu.memref_slice %arg6[%multiple_of3A, %dma_start3A_20] : memref<10112x128xf32, #tpu.memory_space<vmem_shared>> -> memref<632x128xf32, #tpu.memory_space<vmem_shared>>
      tpu.enqueue_dma source(%dma_start3A_21 : memref<632x128xf32, #tpu.memory_space<vmem_shared>>) target(%dma_start3A_19 : memref<632x128xf32, #tpu.memory_space<hbm>>) target_semaphore(%run_scoped3A : memref<!tpu.dma_semaphore, #tpu.memory_space<semaphore_mem>>)
      %dma_wait3A = arith.constant 0 : i32
      %dma_wait3A_22 = tpu.memref_slice %arg5[%arg0, %multiple_of3A, %dma_wait3A] : memref<2x10112x128xf32, #tpu.memory_space<hbm>> -> memref<1x632x128xf32, #tpu.memory_space<hbm>>
      %dma_wait3A_23 = tpu.memref_squeeze %dma_wait3A_22 : memref<1x632x128xf32, #tpu.memory_space<hbm>> -> memref<632x128xf32, #tpu.memory_space<hbm>>
      %dma_wait3A_24 = arith.constant 0 : i32
      %dma_wait3A_25 = tpu.memref_slice %arg6[%multiple_of3A, %dma_wait3A_24] : memref<10112x128xf32, #tpu.memory_space<vmem_shared>> -> memref<632x128xf32, #tpu.memory_space<vmem_shared>>
      tpu.wait_dma2 semaphore(%run_scoped3A : memref<!tpu.dma_semaphore, #tpu.memory_space<semaphore_mem>>) src(%dma_wait3A_25 : memref<632x128xf32, #tpu.memory_space<vmem_shared>>) dst(%dma_wait3A_23 : memref<632x128xf32, #tpu.memory_space<hbm>>)
      tpu.yield
    }) : () -> ()
    return
  }
}

#map = affine_map<(d0, d1) -> (0, 0)>
#map1 = affine_map<(d0, d1) -> (0, 0, 0)>
module attributes {stable_mosaic.version = 14 : i64} {
  func.func @_sc_scatter_body(%arg0: i32, %arg1: i32, %arg2: memref<10000x128xf32, #tpu.memory_space<hbm>>, %arg3: memref<2560x128xi32, #tpu.memory_space<hbm>>, %arg4: memref<2560x128xi32, #tpu.memory_space<hbm>>, %arg5: memref<10112x128xf32, #tpu.memory_space<hbm>>, %arg6: memref<2x10112x128xf32, #tpu.memory_space<hbm>>, %arg7: memref<10112x128xf32, #tpu.memory_space<vmem_shared>>, %arg8: memref<4x64x128xf32, #tpu.memory_space<vmem>>, %arg9: memref<80x128xi32, #tpu.memory_space<vmem>>, %arg10: memref<4x64xi32, #tpu.memory_space<vmem>>, %arg11: memref<!tpu.dma_semaphore, #tpu.memory_space<semaphore_mem>>, %arg12: memref<!tpu.dma_semaphore, #tpu.memory_space<semaphore_mem>>, %arg13: memref<!tpu.dma_semaphore, #tpu.memory_space<semaphore_mem>>, %arg14: memref<!tpu.dma_semaphore, #tpu.memory_space<semaphore_mem>>, %arg15: memref<!tpu.dma_semaphore, #tpu.memory_space<semaphore_mem>>, %arg16: memref<!tpu.dma_semaphore, #tpu.memory_space<semaphore_mem>>, %arg17: memref<!tpu.dma_semaphore, #tpu.memory_space<semaphore_mem>>, %arg18: memref<!tpu.dma_semaphore, #tpu.memory_space<semaphore_mem>>) attributes {dimension_semantics = [#tpu.dimension_semantics<core_parallel>, #tpu.dimension_semantics<subcore_parallel>], iteration_bounds = array<i64: 2, 16>, scalar_prefetch = 0 : i64, scratch_operands = 12 : i64, tpu.core_type = #tpu.core_type<sc_vector_subcore>, window_params = [{transform_indices = #map}, {transform_indices = #map}, {transform_indices = #map}, {transform_indices = #map}, {transform_indices = #map1}]} {
    %mul3A = arith.constant 632 : i32
    %mul3A_0 = arith.muli %arg1, %mul3A : i32
    %multiple_of3A = tpu.assume_multiple %mul3A_0, 8 : i32
    %eq3A = arith.constant 0 : i32
    "tpu.trace_start"() <{level = 10 : i32, message = "acc_init"}> : () -> ()
    %eq3A_1 = arith.cmpi eq, %arg0, %eq3A : i32
    %lt3A = arith.constant 15 : i32
    %lt3A_2 = arith.cmpi slt, %arg1, %lt3A : i32
    %and3A = arith.andi %eq3A_1, %lt3A_2 : i1
    %convert_element_type3A = arith.extui %and3A : i1 to i32
    %cond3A = arith.constant 0 : i32
    %cond3A_3 = arith.cmpi ne, %convert_element_type3A, %cond3A : i32
    scf.if %cond3A_3 {
      "tpu.region"() ({
        %run_scoped3A = tpu.sem_alloc : memref<!tpu.dma_semaphore, #tpu.memory_space<semaphore_mem>>
        %dma_start3A = arith.constant 0 : i32
        %dma_start3A_28 = tpu.memref_slice %arg7[%multiple_of3A, %dma_start3A] : memref<10112x128xf32, #tpu.memory_space<vmem_shared>> -> memref<632x128xf32, #tpu.memory_space<vmem_shared>>
        %dma_start3A_29 = arith.constant 0 : i32
        %dma_start3A_30 = tpu.memref_slice %arg2[%multiple_of3A, %dma_start3A_29] : memref<10000x128xf32, #tpu.memory_space<hbm>> -> memref<632x128xf32, #tpu.memory_space<hbm>>
        tpu.enqueue_dma source(%dma_start3A_30 : memref<632x128xf32, #tpu.memory_space<hbm>>) target(%dma_start3A_28 : memref<632x128xf32, #tpu.memory_space<vmem_shared>>) target_semaphore(%run_scoped3A : memref<!tpu.dma_semaphore, #tpu.memory_space<semaphore_mem>>)
        %dma_wait3A = arith.constant 0 : i32
        %dma_wait3A_31 = tpu.memref_slice %arg7[%multiple_of3A, %dma_wait3A] : memref<10112x128xf32, #tpu.memory_space<vmem_shared>> -> memref<632x128xf32, #tpu.memory_space<vmem_shared>>
        %dma_wait3A_32 = arith.constant 0 : i32
        %dma_wait3A_33 = tpu.memref_slice %arg2[%multiple_of3A, %dma_wait3A_32] : memref<10000x128xf32, #tpu.memory_space<hbm>> -> memref<632x128xf32, #tpu.memory_space<hbm>>
        tpu.wait_dma2 semaphore(%run_scoped3A : memref<!tpu.dma_semaphore, #tpu.memory_space<semaphore_mem>>) src(%dma_wait3A_33 : memref<632x128xf32, #tpu.memory_space<hbm>>) dst(%dma_wait3A_31 : memref<632x128xf32, #tpu.memory_space<vmem_shared>>)
        tpu.yield
      }) : () -> ()
    } else {
    }
    %eq3A_4 = arith.constant 0 : i32
    %eq3A_5 = arith.cmpi eq, %arg0, %eq3A_4 : i32
    %eq3A_6 = arith.constant 15 : i32
    %eq3A_7 = arith.cmpi eq, %arg1, %eq3A_6 : i32
    %and3A_8 = arith.andi %eq3A_5, %eq3A_7 : i1
    %convert_element_type3A_9 = arith.extui %and3A_8 : i1 to i32
    %cond3A_10 = arith.constant 0 : i32
    %cond3A_11 = arith.cmpi ne, %convert_element_type3A_9, %cond3A_10 : i32
    scf.if %cond3A_11 {
      "tpu.region"() ({
        %run_scoped3A = tpu.sem_alloc : memref<!tpu.dma_semaphore, #tpu.memory_space<semaphore_mem>>
        %dma_start3A = arith.constant 0 : i32
        %dma_start3A_28 = tpu.memref_slice %arg7[%multiple_of3A, %dma_start3A] : memref<10112x128xf32, #tpu.memory_space<vmem_shared>> -> memref<520x128xf32, #tpu.memory_space<vmem_shared>>
        %dma_start3A_29 = arith.constant 0 : i32
        %dma_start3A_30 = tpu.memref_slice %arg2[%multiple_of3A, %dma_start3A_29] : memref<10000x128xf32, #tpu.memory_space<hbm>> -> memref<520x128xf32, #tpu.memory_space<hbm>>
        tpu.enqueue_dma source(%dma_start3A_30 : memref<520x128xf32, #tpu.memory_space<hbm>>) target(%dma_start3A_28 : memref<520x128xf32, #tpu.memory_space<vmem_shared>>) target_semaphore(%run_scoped3A : memref<!tpu.dma_semaphore, #tpu.memory_space<semaphore_mem>>)
        %dma_wait3A = arith.constant 0 : i32
        %dma_wait3A_31 = tpu.memref_slice %arg7[%multiple_of3A, %dma_wait3A] : memref<10112x128xf32, #tpu.memory_space<vmem_shared>> -> memref<520x128xf32, #tpu.memory_space<vmem_shared>>
        %dma_wait3A_32 = arith.constant 0 : i32
        %dma_wait3A_33 = tpu.memref_slice %arg2[%multiple_of3A, %dma_wait3A_32] : memref<10000x128xf32, #tpu.memory_space<hbm>> -> memref<520x128xf32, #tpu.memory_space<hbm>>
        tpu.wait_dma2 semaphore(%run_scoped3A : memref<!tpu.dma_semaphore, #tpu.memory_space<semaphore_mem>>) src(%dma_wait3A_33 : memref<520x128xf32, #tpu.memory_space<hbm>>) dst(%dma_wait3A_31 : memref<520x128xf32, #tpu.memory_space<vmem_shared>>)
        tpu.yield
      }) : () -> ()
      "tpu.region"() ({
        %run_scoped3A = tpu.sem_alloc : memref<!tpu.dma_semaphore, #tpu.memory_space<semaphore_mem>>
        %dma_start3A = arith.constant 10000 : i32
        %dma_start3A_28 = arith.constant 0 : i32
        %dma_start3A_29 = tpu.memref_slice %arg7[%dma_start3A, %dma_start3A_28] : memref<10112x128xf32, #tpu.memory_space<vmem_shared>> -> memref<112x128xf32, #tpu.memory_space<vmem_shared>>
        %dma_start3A_30 = arith.constant 10000 : i32
        %dma_start3A_31 = arith.constant 0 : i32
        %dma_start3A_32 = tpu.memref_slice %arg5[%dma_start3A_30, %dma_start3A_31] : memref<10112x128xf32, #tpu.memory_space<hbm>> -> memref<112x128xf32, #tpu.memory_space<hbm>>
        tpu.enqueue_dma source(%dma_start3A_32 : memref<112x128xf32, #tpu.memory_space<hbm>>) target(%dma_start3A_29 : memref<112x128xf32, #tpu.memory_space<vmem_shared>>) target_semaphore(%run_scoped3A : memref<!tpu.dma_semaphore, #tpu.memory_space<semaphore_mem>>)
        %dma_wait3A = arith.constant 10000 : i32
        %dma_wait3A_33 = arith.constant 0 : i32
        %dma_wait3A_34 = tpu.memref_slice %arg7[%dma_wait3A, %dma_wait3A_33] : memref<10112x128xf32, #tpu.memory_space<vmem_shared>> -> memref<112x128xf32, #tpu.memory_space<vmem_shared>>
        %dma_wait3A_35 = arith.constant 10000 : i32
        %dma_wait3A_36 = arith.constant 0 : i32
        %dma_wait3A_37 = tpu.memref_slice %arg5[%dma_wait3A_35, %dma_wait3A_36] : memref<10112x128xf32, #tpu.memory_space<hbm>> -> memref<112x128xf32, #tpu.memory_space<hbm>>
        tpu.wait_dma2 semaphore(%run_scoped3A : memref<!tpu.dma_semaphore, #tpu.memory_space<semaphore_mem>>) src(%dma_wait3A_37 : memref<112x128xf32, #tpu.memory_space<hbm>>) dst(%dma_wait3A_34 : memref<112x128xf32, #tpu.memory_space<vmem_shared>>)
        tpu.yield
      }) : () -> ()
    } else {
    }
    %eq3A_12 = arith.constant 1 : i32
    %eq3A_13 = arith.cmpi eq, %arg0, %eq3A_12 : i32
    %convert_element_type3A_14 = arith.extui %eq3A_13 : i1 to i32
    %cond3A_15 = arith.constant 0 : i32
    %cond3A_16 = arith.cmpi ne, %convert_element_type3A_14, %cond3A_15 : i32
    scf.if %cond3A_16 {
      "tpu.region"() ({
        %run_scoped3A = tpu.sem_alloc : memref<!tpu.dma_semaphore, #tpu.memory_space<semaphore_mem>>
        %dma_start3A = arith.constant 0 : i32
        %dma_start3A_28 = tpu.memref_slice %arg7[%multiple_of3A, %dma_start3A] : memref<10112x128xf32, #tpu.memory_space<vmem_shared>> -> memref<632x128xf32, #tpu.memory_space<vmem_shared>>
        %dma_start3A_29 = arith.constant 0 : i32
        %dma_start3A_30 = tpu.memref_slice %arg5[%multiple_of3A, %dma_start3A_29] : memref<10112x128xf32, #tpu.memory_space<hbm>> -> memref<632x128xf32, #tpu.memory_space<hbm>>
        tpu.enqueue_dma source(%dma_start3A_30 : memref<632x128xf32, #tpu.memory_space<hbm>>) target(%dma_start3A_28 : memref<632x128xf32, #tpu.memory_space<vmem_shared>>) target_semaphore(%run_scoped3A : memref<!tpu.dma_semaphore, #tpu.memory_space<semaphore_mem>>)
        %dma_wait3A = arith.constant 0 : i32
        %dma_wait3A_31 = tpu.memref_slice %arg7[%multiple_of3A, %dma_wait3A] : memref<10112x128xf32, #tpu.memory_space<vmem_shared>> -> memref<632x128xf32, #tpu.memory_space<vmem_shared>>
        %dma_wait3A_32 = arith.constant 0 : i32
        %dma_wait3A_33 = tpu.memref_slice %arg5[%multiple_of3A, %dma_wait3A_32] : memref<10112x128xf32, #tpu.memory_space<hbm>> -> memref<632x128xf32, #tpu.memory_space<hbm>>
        tpu.wait_dma2 semaphore(%run_scoped3A : memref<!tpu.dma_semaphore, #tpu.memory_space<semaphore_mem>>) src(%dma_wait3A_33 : memref<632x128xf32, #tpu.memory_space<hbm>>) dst(%dma_wait3A_31 : memref<632x128xf32, #tpu.memory_space<vmem_shared>>)
        tpu.yield
      }) : () -> ()
    } else {
    }
    %barrier3A = arith.constant 0 : index
    tpu.barrier barrier_id(%barrier3A)
    %eq3A_17 = arith.constant 0 : i32
    "tpu.trace_stop"() : () -> ()
    "tpu.trace_start"() <{level = 10 : i32, message = "edges"}> : () -> ()
    %eq3A_18 = arith.cmpi eq, %arg0, %eq3A_17 : i32
    %convert_element_type3A_19 = arith.extui %eq3A_18 : i1 to i32
    %cond3A_20 = arith.constant 0 : i32
    %cond3A_21 = arith.cmpi ne, %convert_element_type3A_19, %cond3A_20 : i32
    scf.if %cond3A_21 {
      %mul3A_28 = arith.constant 80 : i32
      %mul3A_29 = arith.muli %arg1, %mul3A_28 : i32
      %multiple_of3A_30 = tpu.assume_multiple %mul3A_29, 8 : i32
      "tpu.region"() ({
        %run_scoped3A = tpu.sem_alloc : memref<!tpu.dma_semaphore, #tpu.memory_space<semaphore_mem>>
        %dma_start3A_146 = arith.constant 0 : i32
        %dma_start3A_147 = arith.constant 0 : i32
        %dma_start3A_148 = tpu.memref_slice %arg9[%dma_start3A_146, %dma_start3A_147] : memref<80x128xi32, #tpu.memory_space<vmem>> -> memref<80x128xi32, #tpu.memory_space<vmem>>
        %dma_start3A_149 = arith.constant 0 : i32
        %dma_start3A_150 = tpu.memref_slice %arg3[%multiple_of3A_30, %dma_start3A_149] : memref<2560x128xi32, #tpu.memory_space<hbm>> -> memref<80x128xi32, #tpu.memory_space<hbm>>
        %dma_start3A_151 = arith.constant 0 : i32
        %dma_start3A_152 = arith.constant 0 : i32
        %dma_start3A_153 = tpu.memref_slice %arg9[%dma_start3A_151, %dma_start3A_152] : memref<80x128xi32, #tpu.memory_space<vmem>> -> memref<80x128xi32, #tpu.memory_space<vmem>>
        %dma_start3A_154 = arith.constant 0 : i32
        %dma_start3A_155 = tpu.memref_slice %arg3[%multiple_of3A_30, %dma_start3A_154] : memref<2560x128xi32, #tpu.memory_space<hbm>> -> memref<80x128xi32, #tpu.memory_space<hbm>>
        tpu.enqueue_dma source(%dma_start3A_155 : memref<80x128xi32, #tpu.memory_space<hbm>>) target(%dma_start3A_153 : memref<80x128xi32, #tpu.memory_space<vmem>>) target_semaphore(%run_scoped3A : memref<!tpu.dma_semaphore, #tpu.memory_space<semaphore_mem>>)
        %dma_wait3A = arith.constant 0 : i32
        %dma_wait3A_156 = arith.constant 0 : i32
        %dma_wait3A_157 = tpu.memref_slice %arg9[%dma_wait3A, %dma_wait3A_156] : memref<80x128xi32, #tpu.memory_space<vmem>> -> memref<80x128xi32, #tpu.memory_space<vmem>>
        %dma_wait3A_158 = arith.constant 0 : i32
        %dma_wait3A_159 = tpu.memref_slice %arg3[%multiple_of3A_30, %dma_wait3A_158] : memref<2560x128xi32, #tpu.memory_space<hbm>> -> memref<80x128xi32, #tpu.memory_space<hbm>>
        %dma_wait3A_160 = arith.constant 0 : i32
        %dma_wait3A_161 = arith.constant 0 : i32
        %dma_wait3A_162 = tpu.memref_slice %arg9[%dma_wait3A_160, %dma_wait3A_161] : memref<80x128xi32, #tpu.memory_space<vmem>> -> memref<80x128xi32, #tpu.memory_space<vmem>>
        %dma_wait3A_163 = arith.constant 0 : i32
        %dma_wait3A_164 = tpu.memref_slice %arg3[%multiple_of3A_30, %dma_wait3A_163] : memref<2560x128xi32, #tpu.memory_space<hbm>> -> memref<80x128xi32, #tpu.memory_space<hbm>>
        tpu.wait_dma2 semaphore(%run_scoped3A : memref<!tpu.dma_semaphore, #tpu.memory_space<semaphore_mem>>) src(%dma_wait3A_164 : memref<80x128xi32, #tpu.memory_space<hbm>>) dst(%dma_wait3A_162 : memref<80x128xi32, #tpu.memory_space<vmem>>)
        tpu.yield
      }) : () -> ()
      %multiple_of3A_31 = arith.constant 0 : i32
      %multiple_of3A_32 = tpu.assume_multiple %multiple_of3A_31, 8 : i32
      %dma_start3A = arith.constant 0 : i32
      %dma_start3A_33 = arith.constant 0 : i32
      %dma_start3A_34 = arith.constant 0 : i32
      %dma_start3A_35 = arith.constant 0 : i32
      %dma_start3A_36 = tpu.memref_slice %arg8[%dma_start3A_33, %dma_start3A_34, %dma_start3A_35] : memref<4x64x128xf32, #tpu.memory_space<vmem>> -> memref<1x64x128xf32, #tpu.memory_space<vmem>>
      %dma_start3A_37 = tpu.memref_squeeze %dma_start3A_36 : memref<1x64x128xf32, #tpu.memory_space<vmem>> -> memref<64x128xf32, #tpu.memory_space<vmem>>
      %dma_start3A_38 = tpu.memref_slice %arg9[%dma_start3A, %multiple_of3A_32] : memref<80x128xi32, #tpu.memory_space<vmem>> -> memref<1x64xi32, #tpu.memory_space<vmem>>
      %dma_start3A_39 = tpu.memref_squeeze %dma_start3A_38 : memref<1x64xi32, #tpu.memory_space<vmem>> -> memref<64xi32, #tpu.memory_space<vmem>>
      %dma_start3A_40 = arith.constant 0 : i32
      %dma_start3A_41 = arith.constant 0 : i32
      %dma_start3A_42 = tpu.memref_slice %arg2[%dma_start3A_40, %dma_start3A_41] : memref<10000x128xf32, #tpu.memory_space<hbm>> -> memref<10000x128xf32, #tpu.memory_space<hbm>>
      tpu.enqueue_indirect_dma source(%dma_start3A_42 : memref<10000x128xf32, #tpu.memory_space<hbm>>) target(%dma_start3A_37 : memref<64x128xf32, #tpu.memory_space<vmem>>) offsets(%dma_start3A_39 : memref<64xi32, #tpu.memory_space<vmem>>) semaphore(%arg11 : memref<!tpu.dma_semaphore, #tpu.memory_space<semaphore_mem>>)
      %add3A = arith.constant 0 : i32
      %add3A_43 = arith.addi %multiple_of3A_30, %add3A : i32
      %multiple_of3A_44 = arith.constant 0 : i32
      %multiple_of3A_45 = tpu.assume_multiple %multiple_of3A_44, 8 : i32
      %dma_start3A_46 = arith.constant 0 : i32
      %dma_start3A_47 = arith.constant 0 : i32
      %dma_start3A_48 = tpu.memref_slice %arg10[%dma_start3A_46, %dma_start3A_47] : memref<4x64xi32, #tpu.memory_space<vmem>> -> memref<1x64xi32, #tpu.memory_space<vmem>>
      %dma_start3A_49 = tpu.memref_squeeze %dma_start3A_48 : memref<1x64xi32, #tpu.memory_space<vmem>> -> memref<64xi32, #tpu.memory_space<vmem>>
      %dma_start3A_50 = tpu.memref_slice %arg4[%add3A_43, %multiple_of3A_45] : memref<2560x128xi32, #tpu.memory_space<hbm>> -> memref<1x64xi32, #tpu.memory_space<hbm>>
      %dma_start3A_51 = tpu.memref_squeeze %dma_start3A_50 : memref<1x64xi32, #tpu.memory_space<hbm>> -> memref<64xi32, #tpu.memory_space<hbm>>
      %dma_start3A_52 = arith.constant 0 : i32
      %dma_start3A_53 = tpu.memref_slice %arg10[%dma_start3A_46, %dma_start3A_52] : memref<4x64xi32, #tpu.memory_space<vmem>> -> memref<1x64xi32, #tpu.memory_space<vmem>>
      %dma_start3A_54 = tpu.memref_squeeze %dma_start3A_53 : memref<1x64xi32, #tpu.memory_space<vmem>> -> memref<64xi32, #tpu.memory_space<vmem>>
      %dma_start3A_55 = tpu.memref_slice %arg4[%add3A_43, %multiple_of3A_45] : memref<2560x128xi32, #tpu.memory_space<hbm>> -> memref<1x64xi32, #tpu.memory_space<hbm>>
      %dma_start3A_56 = tpu.memref_squeeze %dma_start3A_55 : memref<1x64xi32, #tpu.memory_space<hbm>> -> memref<64xi32, #tpu.memory_space<hbm>>
      tpu.enqueue_dma source(%dma_start3A_56 : memref<64xi32, #tpu.memory_space<hbm>>) target(%dma_start3A_54 : memref<64xi32, #tpu.memory_space<vmem>>) target_semaphore(%arg15 : memref<!tpu.dma_semaphore, #tpu.memory_space<semaphore_mem>>)
      %multiple_of3A_57 = arith.constant 64 : i32
      %multiple_of3A_58 = tpu.assume_multiple %multiple_of3A_57, 8 : i32
      %dma_start3A_59 = arith.constant 0 : i32
      %dma_start3A_60 = arith.constant 1 : i32
      %dma_start3A_61 = arith.constant 0 : i32
      %dma_start3A_62 = arith.constant 0 : i32
      %dma_start3A_63 = tpu.memref_slice %arg8[%dma_start3A_60, %dma_start3A_61, %dma_start3A_62] : memref<4x64x128xf32, #tpu.memory_space<vmem>> -> memref<1x64x128xf32, #tpu.memory_space<vmem>>
      %dma_start3A_64 = tpu.memref_squeeze %dma_start3A_63 : memref<1x64x128xf32, #tpu.memory_space<vmem>> -> memref<64x128xf32, #tpu.memory_space<vmem>>
      %dma_start3A_65 = tpu.memref_slice %arg9[%dma_start3A_59, %multiple_of3A_58] : memref<80x128xi32, #tpu.memory_space<vmem>> -> memref<1x64xi32, #tpu.memory_space<vmem>>
      %dma_start3A_66 = tpu.memref_squeeze %dma_start3A_65 : memref<1x64xi32, #tpu.memory_space<vmem>> -> memref<64xi32, #tpu.memory_space<vmem>>
      %dma_start3A_67 = arith.constant 0 : i32
      %dma_start3A_68 = arith.constant 0 : i32
      %dma_start3A_69 = tpu.memref_slice %arg2[%dma_start3A_67, %dma_start3A_68] : memref<10000x128xf32, #tpu.memory_space<hbm>> -> memref<10000x128xf32, #tpu.memory_space<hbm>>
      tpu.enqueue_indirect_dma source(%dma_start3A_69 : memref<10000x128xf32, #tpu.memory_space<hbm>>) target(%dma_start3A_64 : memref<64x128xf32, #tpu.memory_space<vmem>>) offsets(%dma_start3A_66 : memref<64xi32, #tpu.memory_space<vmem>>) semaphore(%arg12 : memref<!tpu.dma_semaphore, #tpu.memory_space<semaphore_mem>>)
      %add3A_70 = arith.constant 0 : i32
      %add3A_71 = arith.addi %multiple_of3A_30, %add3A_70 : i32
      %multiple_of3A_72 = arith.constant 64 : i32
      %multiple_of3A_73 = tpu.assume_multiple %multiple_of3A_72, 8 : i32
      %dma_start3A_74 = arith.constant 1 : i32
      %dma_start3A_75 = arith.constant 0 : i32
      %dma_start3A_76 = tpu.memref_slice %arg10[%dma_start3A_74, %dma_start3A_75] : memref<4x64xi32, #tpu.memory_space<vmem>> -> memref<1x64xi32, #tpu.memory_space<vmem>>
      %dma_start3A_77 = tpu.memref_squeeze %dma_start3A_76 : memref<1x64xi32, #tpu.memory_space<vmem>> -> memref<64xi32, #tpu.memory_space<vmem>>
      %dma_start3A_78 = tpu.memref_slice %arg4[%add3A_71, %multiple_of3A_73] : memref<2560x128xi32, #tpu.memory_space<hbm>> -> memref<1x64xi32, #tpu.memory_space<hbm>>
      %dma_start3A_79 = tpu.memref_squeeze %dma_start3A_78 : memref<1x64xi32, #tpu.memory_space<hbm>> -> memref<64xi32, #tpu.memory_space<hbm>>
      %dma_start3A_80 = arith.constant 0 : i32
      %dma_start3A_81 = tpu.memref_slice %arg10[%dma_start3A_74, %dma_start3A_80] : memref<4x64xi32, #tpu.memory_space<vmem>> -> memref<1x64xi32, #tpu.memory_space<vmem>>
      %dma_start3A_82 = tpu.memref_squeeze %dma_start3A_81 : memref<1x64xi32, #tpu.memory_space<vmem>> -> memref<64xi32, #tpu.memory_space<vmem>>
      %dma_start3A_83 = tpu.memref_slice %arg4[%add3A_71, %multiple_of3A_73] : memref<2560x128xi32, #tpu.memory_space<hbm>> -> memref<1x64xi32, #tpu.memory_space<hbm>>
      %dma_start3A_84 = tpu.memref_squeeze %dma_start3A_83 : memref<1x64xi32, #tpu.memory_space<hbm>> -> memref<64xi32, #tpu.memory_space<hbm>>
      tpu.enqueue_dma source(%dma_start3A_84 : memref<64xi32, #tpu.memory_space<hbm>>) target(%dma_start3A_82 : memref<64xi32, #tpu.memory_space<vmem>>) target_semaphore(%arg16 : memref<!tpu.dma_semaphore, #tpu.memory_space<semaphore_mem>>)
      %multiple_of3A_85 = arith.constant 0 : i32
      %multiple_of3A_86 = tpu.assume_multiple %multiple_of3A_85, 8 : i32
      %dma_start3A_87 = arith.constant 1 : i32
      %dma_start3A_88 = arith.constant 2 : i32
      %dma_start3A_89 = arith.constant 0 : i32
      %dma_start3A_90 = arith.constant 0 : i32
      %dma_start3A_91 = tpu.memref_slice %arg8[%dma_start3A_88, %dma_start3A_89, %dma_start3A_90] : memref<4x64x128xf32, #tpu.memory_space<vmem>> -> memref<1x64x128xf32, #tpu.memory_space<vmem>>
      %dma_start3A_92 = tpu.memref_squeeze %dma_start3A_91 : memref<1x64x128xf32, #tpu.memory_space<vmem>> -> memref<64x128xf32, #tpu.memory_space<vmem>>
      %dma_start3A_93 = tpu.memref_slice %arg9[%dma_start3A_87, %multiple_of3A_86] : memref<80x128xi32, #tpu.memory_space<vmem>> -> memref<1x64xi32, #tpu.memory_space<vmem>>
      %dma_start3A_94 = tpu.memref_squeeze %dma_start3A_93 : memref<1x64xi32, #tpu.memory_space<vmem>> -> memref<64xi32, #tpu.memory_space<vmem>>
      %dma_start3A_95 = arith.constant 0 : i32
      %dma_start3A_96 = arith.constant 0 : i32
      %dma_start3A_97 = tpu.memref_slice %arg2[%dma_start3A_95, %dma_start3A_96] : memref<10000x128xf32, #tpu.memory_space<hbm>> -> memref<10000x128xf32, #tpu.memory_space<hbm>>
      tpu.enqueue_indirect_dma source(%dma_start3A_97 : memref<10000x128xf32, #tpu.memory_space<hbm>>) target(%dma_start3A_92 : memref<64x128xf32, #tpu.memory_space<vmem>>) offsets(%dma_start3A_94 : memref<64xi32, #tpu.memory_space<vmem>>) semaphore(%arg13 : memref<!tpu.dma_semaphore, #tpu.memory_space<semaphore_mem>>)
      %add3A_98 = arith.constant 1 : i32
      %add3A_99 = arith.addi %multiple_of3A_30, %add3A_98 : i32
      %multiple_of3A_100 = arith.constant 0 : i32
      %multiple_of3A_101 = tpu.assume_multiple %multiple_of3A_100, 8 : i32
      %dma_start3A_102 = arith.constant 2 : i32
      %dma_start3A_103 = arith.constant 0 : i32
      %dma_start3A_104 = tpu.memref_slice %arg10[%dma_start3A_102, %dma_start3A_103] : memref<4x64xi32, #tpu.memory_space<vmem>> -> memref<1x64xi32, #tpu.memory_space<vmem>>
      %dma_start3A_105 = tpu.memref_squeeze %dma_start3A_104 : memref<1x64xi32, #tpu.memory_space<vmem>> -> memref<64xi32, #tpu.memory_space<vmem>>
      %dma_start3A_106 = tpu.memref_slice %arg4[%add3A_99, %multiple_of3A_101] : memref<2560x128xi32, #tpu.memory_space<hbm>> -> memref<1x64xi32, #tpu.memory_space<hbm>>
      %dma_start3A_107 = tpu.memref_squeeze %dma_start3A_106 : memref<1x64xi32, #tpu.memory_space<hbm>> -> memref<64xi32, #tpu.memory_space<hbm>>
      %dma_start3A_108 = arith.constant 0 : i32
      %dma_start3A_109 = tpu.memref_slice %arg10[%dma_start3A_102, %dma_start3A_108] : memref<4x64xi32, #tpu.memory_space<vmem>> -> memref<1x64xi32, #tpu.memory_space<vmem>>
      %dma_start3A_110 = tpu.memref_squeeze %dma_start3A_109 : memref<1x64xi32, #tpu.memory_space<vmem>> -> memref<64xi32, #tpu.memory_space<vmem>>
      %dma_start3A_111 = tpu.memref_slice %arg4[%add3A_99, %multiple_of3A_101] : memref<2560x128xi32, #tpu.memory_space<hbm>> -> memref<1x64xi32, #tpu.memory_space<hbm>>
      %dma_start3A_112 = tpu.memref_squeeze %dma_start3A_111 : memref<1x64xi32, #tpu.memory_space<hbm>> -> memref<64xi32, #tpu.memory_space<hbm>>
      tpu.enqueue_dma source(%dma_start3A_112 : memref<64xi32, #tpu.memory_space<hbm>>) target(%dma_start3A_110 : memref<64xi32, #tpu.memory_space<vmem>>) target_semaphore(%arg17 : memref<!tpu.dma_semaphore, #tpu.memory_space<semaphore_mem>>)
      %multiple_of3A_113 = arith.constant 64 : i32
      %multiple_of3A_114 = tpu.assume_multiple %multiple_of3A_113, 8 : i32
      %dma_start3A_115 = arith.constant 1 : i32
      %dma_start3A_116 = arith.constant 3 : i32
      %dma_start3A_117 = arith.constant 0 : i32
      %dma_start3A_118 = arith.constant 0 : i32
      %dma_start3A_119 = tpu.memref_slice %arg8[%dma_start3A_116, %dma_start3A_117, %dma_start3A_118] : memref<4x64x128xf32, #tpu.memory_space<vmem>> -> memref<1x64x128xf32, #tpu.memory_space<vmem>>
      %dma_start3A_120 = tpu.memref_squeeze %dma_start3A_119 : memref<1x64x128xf32, #tpu.memory_space<vmem>> -> memref<64x128xf32, #tpu.memory_space<vmem>>
      %dma_start3A_121 = tpu.memref_slice %arg9[%dma_start3A_115, %multiple_of3A_114] : memref<80x128xi32, #tpu.memory_space<vmem>> -> memref<1x64xi32, #tpu.memory_space<vmem>>
      %dma_start3A_122 = tpu.memref_squeeze %dma_start3A_121 : memref<1x64xi32, #tpu.memory_space<vmem>> -> memref<64xi32, #tpu.memory_space<vmem>>
      %dma_start3A_123 = arith.constant 0 : i32
      %dma_start3A_124 = arith.constant 0 : i32
      %dma_start3A_125 = tpu.memref_slice %arg2[%dma_start3A_123, %dma_start3A_124] : memref<10000x128xf32, #tpu.memory_space<hbm>> -> memref<10000x128xf32, #tpu.memory_space<hbm>>
      tpu.enqueue_indirect_dma source(%dma_start3A_125 : memref<10000x128xf32, #tpu.memory_space<hbm>>) target(%dma_start3A_120 : memref<64x128xf32, #tpu.memory_space<vmem>>) offsets(%dma_start3A_122 : memref<64xi32, #tpu.memory_space<vmem>>) semaphore(%arg14 : memref<!tpu.dma_semaphore, #tpu.memory_space<semaphore_mem>>)
      %add3A_126 = arith.constant 1 : i32
      %add3A_127 = arith.addi %multiple_of3A_30, %add3A_126 : i32
      %multiple_of3A_128 = arith.constant 64 : i32
      %multiple_of3A_129 = tpu.assume_multiple %multiple_of3A_128, 8 : i32
      %dma_start3A_130 = arith.constant 3 : i32
      %dma_start3A_131 = arith.constant 0 : i32
      %dma_start3A_132 = tpu.memref_slice %arg10[%dma_start3A_130, %dma_start3A_131] : memref<4x64xi32, #tpu.memory_space<vmem>> -> memref<1x64xi32, #tpu.memory_space<vmem>>
      %dma_start3A_133 = tpu.memref_squeeze %dma_start3A_132 : memref<1x64xi32, #tpu.memory_space<vmem>> -> memref<64xi32, #tpu.memory_space<vmem>>
      %dma_start3A_134 = tpu.memref_slice %arg4[%add3A_127, %multiple_of3A_129] : memref<2560x128xi32, #tpu.memory_space<hbm>> -> memref<1x64xi32, #tpu.memory_space<hbm>>
      %dma_start3A_135 = tpu.memref_squeeze %dma_start3A_134 : memref<1x64xi32, #tpu.memory_space<hbm>> -> memref<64xi32, #tpu.memory_space<hbm>>
      %dma_start3A_136 = arith.constant 0 : i32
      %dma_start3A_137 = tpu.memref_slice %arg10[%dma_start3A_130, %dma_start3A_136] : memref<4x64xi32, #tpu.memory_space<vmem>> -> memref<1x64xi32, #tpu.memory_space<vmem>>
      %dma_start3A_138 = tpu.memref_squeeze %dma_start3A_137 : memref<1x64xi32, #tpu.memory_space<vmem>> -> memref<64xi32, #tpu.memory_space<vmem>>
      %dma_start3A_139 = tpu.memref_slice %arg4[%add3A_127, %multiple_of3A_129] : memref<2560x128xi32, #tpu.memory_space<hbm>> -> memref<1x64xi32, #tpu.memory_space<hbm>>
      %dma_start3A_140 = tpu.memref_squeeze %dma_start3A_139 : memref<1x64xi32, #tpu.memory_space<hbm>> -> memref<64xi32, #tpu.memory_space<hbm>>
      tpu.enqueue_dma source(%dma_start3A_140 : memref<64xi32, #tpu.memory_space<hbm>>) target(%dma_start3A_138 : memref<64xi32, #tpu.memory_space<vmem>>) target_semaphore(%arg18 : memref<!tpu.dma_semaphore, #tpu.memory_space<semaphore_mem>>)
      %scan3A = arith.constant 0 : i32
      %scan3A_141 = arith.constant 0 : i32
      %scan3A_142 = arith.constant 40 : i32
      %scan3A_143 = arith.addi %scan3A_141, %scan3A_142 : i32
      %scan3A_144 = arith.constant 1 : i32
      scf.for %scan3A_146 = %scan3A_141 to %scan3A_143 step %scan3A_144  : i32 {
        %mul3A_147 = arith.constant 4 : i32
        %mul3A_148 = arith.muli %scan3A_146, %mul3A_147 : i32
        %add3A_149 = arith.constant 0 : i32
        %add3A_150 = arith.addi %mul3A_148, %add3A_149 : i32
        %jit3A = arith.constant 2 : i32
        %div3A = arith.divsi %add3A_150, %jit3A : i32
        %sign3A = arith.constant 0 : i32
        %sign3A_151 = arith.cmpi sgt, %add3A_150, %sign3A : i32
        %sign3A_152 = arith.extui %sign3A_151 : i1 to i32
        %sign3A_153 = arith.constant 0 : i32
        %sign3A_154 = arith.cmpi slt, %add3A_150, %sign3A_153 : i32
        %sign3A_155 = arith.extui %sign3A_154 : i1 to i32
        %sign3A_156 = arith.subi %sign3A_152, %sign3A_155 : i32
        %sign3A_157 = arith.constant 0 : i32
        %sign3A_158 = arith.cmpi sgt, %jit3A, %sign3A_157 : i32
        %sign3A_159 = arith.extui %sign3A_158 : i1 to i32
        %sign3A_160 = arith.constant 0 : i32
        %sign3A_161 = arith.cmpi slt, %jit3A, %sign3A_160 : i32
        %sign3A_162 = arith.extui %sign3A_161 : i1 to i32
        %sign3A_163 = arith.subi %sign3A_159, %sign3A_162 : i32
        %ne3A = arith.cmpi ne, %sign3A_156, %sign3A_163 : i32
        %rem3A = arith.remsi %add3A_150, %jit3A : i32
        %ne3A_164 = arith.constant 0 : i32
        %ne3A_165 = arith.cmpi ne, %rem3A, %ne3A_164 : i32
        %and3A_166 = arith.andi %ne3A, %ne3A_165 : i1
        %sub3A = arith.constant 1 : i32
        %sub3A_167 = arith.subi %div3A, %sub3A : i32
        %select_n3A = arith.select %and3A_166, %sub3A_167, %div3A : i32
        %jit3A_168 = arith.constant 2 : i32
        %eq3A_169 = arith.constant 0 : i32
        %eq3A_170 = arith.cmpi eq, %jit3A_168, %eq3A_169 : i32
        %jit3A_171 = arith.constant 1 : i32
        %select_n3A_172 = arith.select %eq3A_170, %jit3A_171, %jit3A_168 : i32
        %rem3A_173 = arith.remsi %add3A_150, %select_n3A_172 : i32
        %ne3A_174 = arith.constant 0 : i32
        %ne3A_175 = arith.cmpi ne, %rem3A_173, %ne3A_174 : i32
        %lt3A_176 = arith.constant 0 : i32
        %lt3A_177 = arith.cmpi slt, %rem3A_173, %lt3A_176 : i32
        %lt3A_178 = arith.constant 0 : i32
        %lt3A_179 = arith.cmpi slt, %select_n3A_172, %lt3A_178 : i32
        %ne3A_180 = arith.xori %lt3A_177, %lt3A_179 : i1
        %and3A_181 = arith.andi %ne3A_180, %ne3A_175 : i1
        %add3A_182 = arith.addi %rem3A_173, %select_n3A_172 : i32
        %select_n3A_183 = arith.select %and3A_181, %add3A_182, %rem3A_173 : i32
        %mul3A_184 = arith.constant 64 : i32
        %mul3A_185 = arith.muli %select_n3A_183, %mul3A_184 : i32
        %multiple_of3A_186 = tpu.assume_multiple %mul3A_185, 8 : i32
        %dma_wait3A = arith.constant 0 : i32
        %dma_wait3A_187 = arith.constant 0 : i32
        %dma_wait3A_188 = arith.constant 0 : i32
        %dma_wait3A_189 = tpu.memref_slice %arg8[%dma_wait3A, %dma_wait3A_187, %dma_wait3A_188] : memref<4x64x128xf32, #tpu.memory_space<vmem>> -> memref<1x64x128xf32, #tpu.memory_space<vmem>>
        %dma_wait3A_190 = tpu.memref_squeeze %dma_wait3A_189 : memref<1x64x128xf32, #tpu.memory_space<vmem>> -> memref<64x128xf32, #tpu.memory_space<vmem>>
        %dma_wait3A_191 = tpu.memref_slice %arg9[%select_n3A, %multiple_of3A_186] : memref<80x128xi32, #tpu.memory_space<vmem>> -> memref<1x64xi32, #tpu.memory_space<vmem>>
        %dma_wait3A_192 = tpu.memref_squeeze %dma_wait3A_191 : memref<1x64xi32, #tpu.memory_space<vmem>> -> memref<64xi32, #tpu.memory_space<vmem>>
        %dma_wait3A_193 = arith.constant 0 : i32
        %dma_wait3A_194 = arith.constant 0 : i32
        %dma_wait3A_195 = tpu.memref_slice %arg2[%dma_wait3A_193, %dma_wait3A_194] : memref<10000x128xf32, #tpu.memory_space<hbm>> -> memref<10000x128xf32, #tpu.memory_space<hbm>>
        tpu.wait_indirect_dma semaphore(%arg11 : memref<!tpu.dma_semaphore, #tpu.memory_space<semaphore_mem>>) src(%dma_wait3A_195 : memref<10000x128xf32, #tpu.memory_space<hbm>>) dst(%dma_wait3A_190 : memref<64x128xf32, #tpu.memory_space<vmem>>)
        %jit3A_196 = arith.constant 2 : i32
        %div3A_197 = arith.divsi %add3A_150, %jit3A_196 : i32
        %sign3A_198 = arith.constant 0 : i32
        %sign3A_199 = arith.cmpi sgt, %add3A_150, %sign3A_198 : i32
        %sign3A_200 = arith.extui %sign3A_199 : i1 to i32
        %sign3A_201 = arith.constant 0 : i32
        %sign3A_202 = arith.cmpi slt, %add3A_150, %sign3A_201 : i32
        %sign3A_203 = arith.extui %sign3A_202 : i1 to i32
        %sign3A_204 = arith.subi %sign3A_200, %sign3A_203 : i32
        %sign3A_205 = arith.constant 0 : i32
        %sign3A_206 = arith.cmpi sgt, %jit3A_196, %sign3A_205 : i32
        %sign3A_207 = arith.extui %sign3A_206 : i1 to i32
        %sign3A_208 = arith.constant 0 : i32
        %sign3A_209 = arith.cmpi slt, %jit3A_196, %sign3A_208 : i32
        %sign3A_210 = arith.extui %sign3A_209 : i1 to i32
        %sign3A_211 = arith.subi %sign3A_207, %sign3A_210 : i32
        %ne3A_212 = arith.cmpi ne, %sign3A_204, %sign3A_211 : i32
        %rem3A_213 = arith.remsi %add3A_150, %jit3A_196 : i32
        %ne3A_214 = arith.constant 0 : i32
        %ne3A_215 = arith.cmpi ne, %rem3A_213, %ne3A_214 : i32
        %and3A_216 = arith.andi %ne3A_212, %ne3A_215 : i1
        %sub3A_217 = arith.constant 1 : i32
        %sub3A_218 = arith.subi %div3A_197, %sub3A_217 : i32
        %select_n3A_219 = arith.select %and3A_216, %sub3A_218, %div3A_197 : i32
        %add3A_220 = arith.addi %multiple_of3A_30, %select_n3A_219 : i32
        %jit3A_221 = arith.constant 2 : i32
        %eq3A_222 = arith.constant 0 : i32
        %eq3A_223 = arith.cmpi eq, %jit3A_221, %eq3A_222 : i32
        %jit3A_224 = arith.constant 1 : i32
        %select_n3A_225 = arith.select %eq3A_223, %jit3A_224, %jit3A_221 : i32
        %rem3A_226 = arith.remsi %add3A_150, %select_n3A_225 : i32
        %ne3A_227 = arith.constant 0 : i32
        %ne3A_228 = arith.cmpi ne, %rem3A_226, %ne3A_227 : i32
        %lt3A_229 = arith.constant 0 : i32
        %lt3A_230 = arith.cmpi slt, %rem3A_226, %lt3A_229 : i32
        %lt3A_231 = arith.constant 0 : i32
        %lt3A_232 = arith.cmpi slt, %select_n3A_225, %lt3A_231 : i32
        %ne3A_233 = arith.xori %lt3A_230, %lt3A_232 : i1
        %and3A_234 = arith.andi %ne3A_233, %ne3A_228 : i1
        %add3A_235 = arith.addi %rem3A_226, %select_n3A_225 : i32
        %select_n3A_236 = arith.select %and3A_234, %add3A_235, %rem3A_226 : i32
        %mul3A_237 = arith.constant 64 : i32
        %mul3A_238 = arith.muli %select_n3A_236, %mul3A_237 : i32
        %multiple_of3A_239 = tpu.assume_multiple %mul3A_238, 8 : i32
        %dma_wait3A_240 = arith.constant 0 : i32
        %dma_wait3A_241 = arith.constant 0 : i32
        %dma_wait3A_242 = tpu.memref_slice %arg10[%dma_wait3A_240, %dma_wait3A_241] : memref<4x64xi32, #tpu.memory_space<vmem>> -> memref<1x64xi32, #tpu.memory_space<vmem>>
        %dma_wait3A_243 = tpu.memref_squeeze %dma_wait3A_242 : memref<1x64xi32, #tpu.memory_space<vmem>> -> memref<64xi32, #tpu.memory_space<vmem>>
        %dma_wait3A_244 = tpu.memref_slice %arg4[%add3A_220, %multiple_of3A_239] : memref<2560x128xi32, #tpu.memory_space<hbm>> -> memref<1x64xi32, #tpu.memory_space<hbm>>
        %dma_wait3A_245 = tpu.memref_squeeze %dma_wait3A_244 : memref<1x64xi32, #tpu.memory_space<hbm>> -> memref<64xi32, #tpu.memory_space<hbm>>
        %dma_wait3A_246 = arith.constant 0 : i32
        %dma_wait3A_247 = tpu.memref_slice %arg10[%dma_wait3A_240, %dma_wait3A_246] : memref<4x64xi32, #tpu.memory_space<vmem>> -> memref<1x64xi32, #tpu.memory_space<vmem>>
        %dma_wait3A_248 = tpu.memref_squeeze %dma_wait3A_247 : memref<1x64xi32, #tpu.memory_space<vmem>> -> memref<64xi32, #tpu.memory_space<vmem>>
        %dma_wait3A_249 = tpu.memref_slice %arg4[%add3A_220, %multiple_of3A_239] : memref<2560x128xi32, #tpu.memory_space<hbm>> -> memref<1x64xi32, #tpu.memory_space<hbm>>
        %dma_wait3A_250 = tpu.memref_squeeze %dma_wait3A_249 : memref<1x64xi32, #tpu.memory_space<hbm>> -> memref<64xi32, #tpu.memory_space<hbm>>
        tpu.wait_dma2 semaphore(%arg15 : memref<!tpu.dma_semaphore, #tpu.memory_space<semaphore_mem>>) src(%dma_wait3A_250 : memref<64xi32, #tpu.memory_space<hbm>>) dst(%dma_wait3A_248 : memref<64xi32, #tpu.memory_space<vmem>>)
        %run_scoped3A = arith.constant 0 : i32
        %run_scoped3A_251 = arith.constant 0 : i32
        "tpu.region"() ({
          %run_scoped3A_622 = tpu.sem_alloc : memref<!tpu.dma_semaphore, #tpu.memory_space<semaphore_mem>>
          %dma_start3A_623 = arith.constant 0 : i32
          %dma_start3A_624 = arith.constant 0 : i32
          %dma_start3A_625 = tpu.memref_slice %arg8[%run_scoped3A, %dma_start3A_623, %dma_start3A_624] : memref<4x64x128xf32, #tpu.memory_space<vmem>> -> memref<1x64x128xf32, #tpu.memory_space<vmem>>
          %dma_start3A_626 = tpu.memref_squeeze %dma_start3A_625 : memref<1x64x128xf32, #tpu.memory_space<vmem>> -> memref<64x128xf32, #tpu.memory_space<vmem>>
          %dma_start3A_627 = arith.constant 0 : i32
          %dma_start3A_628 = tpu.memref_slice %arg10[%run_scoped3A_251, %dma_start3A_627] : memref<4x64xi32, #tpu.memory_space<vmem>> -> memref<1x64xi32, #tpu.memory_space<vmem>>
          %dma_start3A_629 = tpu.memref_squeeze %dma_start3A_628 : memref<1x64xi32, #tpu.memory_space<vmem>> -> memref<64xi32, #tpu.memory_space<vmem>>
          %dma_start3A_630 = arith.constant 0 : i32
          %dma_start3A_631 = arith.constant 0 : i32
          %dma_start3A_632 = tpu.memref_slice %arg7[%dma_start3A_630, %dma_start3A_631] : memref<10112x128xf32, #tpu.memory_space<vmem_shared>> -> memref<10112x128xf32, #tpu.memory_space<vmem_shared>>
          tpu.enqueue_indirect_dma source(%dma_start3A_626 : memref<64x128xf32, #tpu.memory_space<vmem>>) target(%dma_start3A_632 : memref<10112x128xf32, #tpu.memory_space<vmem_shared>>) offsets(%dma_start3A_629 : memref<64xi32, #tpu.memory_space<vmem>>) semaphore(%run_scoped3A_622 : memref<!tpu.dma_semaphore, #tpu.memory_space<semaphore_mem>>) {add = true}
          %dma_wait3A_633 = arith.constant 0 : i32
          %dma_wait3A_634 = arith.constant 0 : i32
          %dma_wait3A_635 = tpu.memref_slice %arg8[%run_scoped3A, %dma_wait3A_633, %dma_wait3A_634] : memref<4x64x128xf32, #tpu.memory_space<vmem>> -> memref<1x64x128xf32, #tpu.memory_space<vmem>>
          %dma_wait3A_636 = tpu.memref_squeeze %dma_wait3A_635 : memref<1x64x128xf32, #tpu.memory_space<vmem>> -> memref<64x128xf32, #tpu.memory_space<vmem>>
          %dma_wait3A_637 = arith.constant 0 : i32
          %dma_wait3A_638 = tpu.memref_slice %arg10[%run_scoped3A_251, %dma_wait3A_637] : memref<4x64xi32, #tpu.memory_space<vmem>> -> memref<1x64xi32, #tpu.memory_space<vmem>>
          %dma_wait3A_639 = tpu.memref_squeeze %dma_wait3A_638 : memref<1x64xi32, #tpu.memory_space<vmem>> -> memref<64xi32, #tpu.memory_space<vmem>>
          %dma_wait3A_640 = arith.constant 0 : i32
          %dma_wait3A_641 = arith.constant 0 : i32
          %dma_wait3A_642 = tpu.memref_slice %arg7[%dma_wait3A_640, %dma_wait3A_641] : memref<10112x128xf32, #tpu.memory_space<vmem_shared>> -> memref<10112x128xf32, #tpu.memory_space<vmem_shared>>
          tpu.wait_indirect_dma semaphore(%run_scoped3A_622 : memref<!tpu.dma_semaphore, #tpu.memory_space<semaphore_mem>>) src(%dma_wait3A_636 : memref<64x128xf32, #tpu.memory_space<vmem>>) dst(%dma_wait3A_642 : memref<10112x128xf32, #tpu.memory_space<vmem_shared>>)
          tpu.yield
        }) : () -> ()
        %add3A_252 = arith.constant 4 : i32
        %add3A_253 = arith.addi %add3A_150, %add3A_252 : i32
        %lt3A_254 = arith.constant 160 : i32
        %lt3A_255 = arith.cmpi slt, %add3A_253, %lt3A_254 : i32
        %convert_element_type3A_256 = arith.extui %lt3A_255 : i1 to i32
        %cond3A_257 = arith.constant 0 : i32
        %cond3A_258 = arith.cmpi ne, %convert_element_type3A_256, %cond3A_257 : i32
        scf.if %cond3A_258 {
          %add3A_622 = arith.constant 4 : i32
          %add3A_623 = arith.addi %add3A_150, %add3A_622 : i32
          %jit3A_624 = arith.constant 2 : i32
          %div3A_625 = arith.divsi %add3A_623, %jit3A_624 : i32
          %sign3A_626 = arith.constant 0 : i32
          %sign3A_627 = arith.cmpi sgt, %add3A_623, %sign3A_626 : i32
          %sign3A_628 = arith.extui %sign3A_627 : i1 to i32
          %sign3A_629 = arith.constant 0 : i32
          %sign3A_630 = arith.cmpi slt, %add3A_623, %sign3A_629 : i32
          %sign3A_631 = arith.extui %sign3A_630 : i1 to i32
          %sign3A_632 = arith.subi %sign3A_628, %sign3A_631 : i32
          %sign3A_633 = arith.constant 0 : i32
          %sign3A_634 = arith.cmpi sgt, %jit3A_624, %sign3A_633 : i32
          %sign3A_635 = arith.extui %sign3A_634 : i1 to i32
          %sign3A_636 = arith.constant 0 : i32
          %sign3A_637 = arith.cmpi slt, %jit3A_624, %sign3A_636 : i32
          %sign3A_638 = arith.extui %sign3A_637 : i1 to i32
          %sign3A_639 = arith.subi %sign3A_635, %sign3A_638 : i32
          %ne3A_640 = arith.cmpi ne, %sign3A_632, %sign3A_639 : i32
          %rem3A_641 = arith.remsi %add3A_623, %jit3A_624 : i32
          %ne3A_642 = arith.constant 0 : i32
          %ne3A_643 = arith.cmpi ne, %rem3A_641, %ne3A_642 : i32
          %and3A_644 = arith.andi %ne3A_640, %ne3A_643 : i1
          %sub3A_645 = arith.constant 1 : i32
          %sub3A_646 = arith.subi %div3A_625, %sub3A_645 : i32
          %select_n3A_647 = arith.select %and3A_644, %sub3A_646, %div3A_625 : i32
          %jit3A_648 = arith.constant 2 : i32
          %eq3A_649 = arith.constant 0 : i32
          %eq3A_650 = arith.cmpi eq, %jit3A_648, %eq3A_649 : i32
          %jit3A_651 = arith.constant 1 : i32
          %select_n3A_652 = arith.select %eq3A_650, %jit3A_651, %jit3A_648 : i32
          %rem3A_653 = arith.remsi %add3A_623, %select_n3A_652 : i32
          %ne3A_654 = arith.constant 0 : i32
          %ne3A_655 = arith.cmpi ne, %rem3A_653, %ne3A_654 : i32
          %lt3A_656 = arith.constant 0 : i32
          %lt3A_657 = arith.cmpi slt, %rem3A_653, %lt3A_656 : i32
          %lt3A_658 = arith.constant 0 : i32
          %lt3A_659 = arith.cmpi slt, %select_n3A_652, %lt3A_658 : i32
          %ne3A_660 = arith.xori %lt3A_657, %lt3A_659 : i1
          %and3A_661 = arith.andi %ne3A_660, %ne3A_655 : i1
          %add3A_662 = arith.addi %rem3A_653, %select_n3A_652 : i32
          %select_n3A_663 = arith.select %and3A_661, %add3A_662, %rem3A_653 : i32
          %mul3A_664 = arith.constant 64 : i32
          %mul3A_665 = arith.muli %select_n3A_663, %mul3A_664 : i32
          %multiple_of3A_666 = tpu.assume_multiple %mul3A_665, 8 : i32
          %dma_start3A_667 = arith.constant 0 : i32
          %dma_start3A_668 = arith.constant 0 : i32
          %dma_start3A_669 = arith.constant 0 : i32
          %dma_start3A_670 = tpu.memref_slice %arg8[%dma_start3A_667, %dma_start3A_668, %dma_start3A_669] : memref<4x64x128xf32, #tpu.memory_space<vmem>> -> memref<1x64x128xf32, #tpu.memory_space<vmem>>
          %dma_start3A_671 = tpu.memref_squeeze %dma_start3A_670 : memref<1x64x128xf32, #tpu.memory_space<vmem>> -> memref<64x128xf32, #tpu.memory_space<vmem>>
          %dma_start3A_672 = tpu.memref_slice %arg9[%select_n3A_647, %multiple_of3A_666] : memref<80x128xi32, #tpu.memory_space<vmem>> -> memref<1x64xi32, #tpu.memory_space<vmem>>
          %dma_start3A_673 = tpu.memref_squeeze %dma_start3A_672 : memref<1x64xi32, #tpu.memory_space<vmem>> -> memref<64xi32, #tpu.memory_space<vmem>>
          %dma_start3A_674 = arith.constant 0 : i32
          %dma_start3A_675 = arith.constant 0 : i32
          %dma_start3A_676 = tpu.memref_slice %arg2[%dma_start3A_674, %dma_start3A_675] : memref<10000x128xf32, #tpu.memory_space<hbm>> -> memref<10000x128xf32, #tpu.memory_space<hbm>>
          tpu.enqueue_indirect_dma source(%dma_start3A_676 : memref<10000x128xf32, #tpu.memory_space<hbm>>) target(%dma_start3A_671 : memref<64x128xf32, #tpu.memory_space<vmem>>) offsets(%dma_start3A_673 : memref<64xi32, #tpu.memory_space<vmem>>) semaphore(%arg11 : memref<!tpu.dma_semaphore, #tpu.memory_space<semaphore_mem>>)
          %add3A_677 = arith.constant 4 : i32
          %add3A_678 = arith.addi %add3A_150, %add3A_677 : i32
          %jit3A_679 = arith.constant 2 : i32
          %div3A_680 = arith.divsi %add3A_678, %jit3A_679 : i32
          %sign3A_681 = arith.constant 0 : i32
          %sign3A_682 = arith.cmpi sgt, %add3A_678, %sign3A_681 : i32
          %sign3A_683 = arith.extui %sign3A_682 : i1 to i32
          %sign3A_684 = arith.constant 0 : i32
          %sign3A_685 = arith.cmpi slt, %add3A_678, %sign3A_684 : i32
          %sign3A_686 = arith.extui %sign3A_685 : i1 to i32
          %sign3A_687 = arith.subi %sign3A_683, %sign3A_686 : i32
          %sign3A_688 = arith.constant 0 : i32
          %sign3A_689 = arith.cmpi sgt, %jit3A_679, %sign3A_688 : i32
          %sign3A_690 = arith.extui %sign3A_689 : i1 to i32
          %sign3A_691 = arith.constant 0 : i32
          %sign3A_692 = arith.cmpi slt, %jit3A_679, %sign3A_691 : i32
          %sign3A_693 = arith.extui %sign3A_692 : i1 to i32
          %sign3A_694 = arith.subi %sign3A_690, %sign3A_693 : i32
          %ne3A_695 = arith.cmpi ne, %sign3A_687, %sign3A_694 : i32
          %rem3A_696 = arith.remsi %add3A_678, %jit3A_679 : i32
          %ne3A_697 = arith.constant 0 : i32
          %ne3A_698 = arith.cmpi ne, %rem3A_696, %ne3A_697 : i32
          %and3A_699 = arith.andi %ne3A_695, %ne3A_698 : i1
          %sub3A_700 = arith.constant 1 : i32
          %sub3A_701 = arith.subi %div3A_680, %sub3A_700 : i32
          %select_n3A_702 = arith.select %and3A_699, %sub3A_701, %div3A_680 : i32
          %add3A_703 = arith.addi %multiple_of3A_30, %select_n3A_702 : i32
          %jit3A_704 = arith.constant 2 : i32
          %eq3A_705 = arith.constant 0 : i32
          %eq3A_706 = arith.cmpi eq, %jit3A_704, %eq3A_705 : i32
          %jit3A_707 = arith.constant 1 : i32
          %select_n3A_708 = arith.select %eq3A_706, %jit3A_707, %jit3A_704 : i32
          %rem3A_709 = arith.remsi %add3A_678, %select_n3A_708 : i32
          %ne3A_710 = arith.constant 0 : i32
          %ne3A_711 = arith.cmpi ne, %rem3A_709, %ne3A_710 : i32
          %lt3A_712 = arith.constant 0 : i32
          %lt3A_713 = arith.cmpi slt, %rem3A_709, %lt3A_712 : i32
          %lt3A_714 = arith.constant 0 : i32
          %lt3A_715 = arith.cmpi slt, %select_n3A_708, %lt3A_714 : i32
          %ne3A_716 = arith.xori %lt3A_713, %lt3A_715 : i1
          %and3A_717 = arith.andi %ne3A_716, %ne3A_711 : i1
          %add3A_718 = arith.addi %rem3A_709, %select_n3A_708 : i32
          %select_n3A_719 = arith.select %and3A_717, %add3A_718, %rem3A_709 : i32
          %mul3A_720 = arith.constant 64 : i32
          %mul3A_721 = arith.muli %select_n3A_719, %mul3A_720 : i32
          %multiple_of3A_722 = tpu.assume_multiple %mul3A_721, 8 : i32
          %dma_start3A_723 = arith.constant 0 : i32
          %dma_start3A_724 = arith.constant 0 : i32
          %dma_start3A_725 = tpu.memref_slice %arg10[%dma_start3A_723, %dma_start3A_724] : memref<4x64xi32, #tpu.memory_space<vmem>> -> memref<1x64xi32, #tpu.memory_space<vmem>>
          %dma_start3A_726 = tpu.memref_squeeze %dma_start3A_725 : memref<1x64xi32, #tpu.memory_space<vmem>> -> memref<64xi32, #tpu.memory_space<vmem>>
          %dma_start3A_727 = tpu.memref_slice %arg4[%add3A_703, %multiple_of3A_722] : memref<2560x128xi32, #tpu.memory_space<hbm>> -> memref<1x64xi32, #tpu.memory_space<hbm>>
          %dma_start3A_728 = tpu.memref_squeeze %dma_start3A_727 : memref<1x64xi32, #tpu.memory_space<hbm>> -> memref<64xi32, #tpu.memory_space<hbm>>
          %dma_start3A_729 = arith.constant 0 : i32
          %dma_start3A_730 = tpu.memref_slice %arg10[%dma_start3A_723, %dma_start3A_729] : memref<4x64xi32, #tpu.memory_space<vmem>> -> memref<1x64xi32, #tpu.memory_space<vmem>>
          %dma_start3A_731 = tpu.memref_squeeze %dma_start3A_730 : memref<1x64xi32, #tpu.memory_space<vmem>> -> memref<64xi32, #tpu.memory_space<vmem>>
          %dma_start3A_732 = tpu.memref_slice %arg4[%add3A_703, %multiple_of3A_722] : memref<2560x128xi32, #tpu.memory_space<hbm>> -> memref<1x64xi32, #tpu.memory_space<hbm>>
          %dma_start3A_733 = tpu.memref_squeeze %dma_start3A_732 : memref<1x64xi32, #tpu.memory_space<hbm>> -> memref<64xi32, #tpu.memory_space<hbm>>
          tpu.enqueue_dma source(%dma_start3A_733 : memref<64xi32, #tpu.memory_space<hbm>>) target(%dma_start3A_731 : memref<64xi32, #tpu.memory_space<vmem>>) target_semaphore(%arg15 : memref<!tpu.dma_semaphore, #tpu.memory_space<semaphore_mem>>)
        } else {
        }
        %mul3A_259 = arith.constant 4 : i32
        %mul3A_260 = arith.muli %scan3A_146, %mul3A_259 : i32
        %add3A_261 = arith.constant 1 : i32
        %add3A_262 = arith.addi %mul3A_260, %add3A_261 : i32
        %jit3A_263 = arith.constant 2 : i32
        %div3A_264 = arith.divsi %add3A_262, %jit3A_263 : i32
        %sign3A_265 = arith.constant 0 : i32
        %sign3A_266 = arith.cmpi sgt, %add3A_262, %sign3A_265 : i32
        %sign3A_267 = arith.extui %sign3A_266 : i1 to i32
        %sign3A_268 = arith.constant 0 : i32
        %sign3A_269 = arith.cmpi slt, %add3A_262, %sign3A_268 : i32
        %sign3A_270 = arith.extui %sign3A_269 : i1 to i32
        %sign3A_271 = arith.subi %sign3A_267, %sign3A_270 : i32
        %sign3A_272 = arith.constant 0 : i32
        %sign3A_273 = arith.cmpi sgt, %jit3A_263, %sign3A_272 : i32
        %sign3A_274 = arith.extui %sign3A_273 : i1 to i32
        %sign3A_275 = arith.constant 0 : i32
        %sign3A_276 = arith.cmpi slt, %jit3A_263, %sign3A_275 : i32
        %sign3A_277 = arith.extui %sign3A_276 : i1 to i32
        %sign3A_278 = arith.subi %sign3A_274, %sign3A_277 : i32
        %ne3A_279 = arith.cmpi ne, %sign3A_271, %sign3A_278 : i32
        %rem3A_280 = arith.remsi %add3A_262, %jit3A_263 : i32
        %ne3A_281 = arith.constant 0 : i32
        %ne3A_282 = arith.cmpi ne, %rem3A_280, %ne3A_281 : i32
        %and3A_283 = arith.andi %ne3A_279, %ne3A_282 : i1
        %sub3A_284 = arith.constant 1 : i32
        %sub3A_285 = arith.subi %div3A_264, %sub3A_284 : i32
        %select_n3A_286 = arith.select %and3A_283, %sub3A_285, %div3A_264 : i32
        %jit3A_287 = arith.constant 2 : i32
        %eq3A_288 = arith.constant 0 : i32
        %eq3A_289 = arith.cmpi eq, %jit3A_287, %eq3A_288 : i32
        %jit3A_290 = arith.constant 1 : i32
        %select_n3A_291 = arith.select %eq3A_289, %jit3A_290, %jit3A_287 : i32
        %rem3A_292 = arith.remsi %add3A_262, %select_n3A_291 : i32
        %ne3A_293 = arith.constant 0 : i32
        %ne3A_294 = arith.cmpi ne, %rem3A_292, %ne3A_293 : i32
        %lt3A_295 = arith.constant 0 : i32
        %lt3A_296 = arith.cmpi slt, %rem3A_292, %lt3A_295 : i32
        %lt3A_297 = arith.constant 0 : i32
        %lt3A_298 = arith.cmpi slt, %select_n3A_291, %lt3A_297 : i32
        %ne3A_299 = arith.xori %lt3A_296, %lt3A_298 : i1
        %and3A_300 = arith.andi %ne3A_299, %ne3A_294 : i1
        %add3A_301 = arith.addi %rem3A_292, %select_n3A_291 : i32
        %select_n3A_302 = arith.select %and3A_300, %add3A_301, %rem3A_292 : i32
        %mul3A_303 = arith.constant 64 : i32
        %mul3A_304 = arith.muli %select_n3A_302, %mul3A_303 : i32
        %multiple_of3A_305 = tpu.assume_multiple %mul3A_304, 8 : i32
        %dma_wait3A_306 = arith.constant 1 : i32
        %dma_wait3A_307 = arith.constant 0 : i32
        %dma_wait3A_308 = arith.constant 0 : i32
        %dma_wait3A_309 = tpu.memref_slice %arg8[%dma_wait3A_306, %dma_wait3A_307, %dma_wait3A_308] : memref<4x64x128xf32, #tpu.memory_space<vmem>> -> memref<1x64x128xf32, #tpu.memory_space<vmem>>
        %dma_wait3A_310 = tpu.memref_squeeze %dma_wait3A_309 : memref<1x64x128xf32, #tpu.memory_space<vmem>> -> memref<64x128xf32, #tpu.memory_space<vmem>>
        %dma_wait3A_311 = tpu.memref_slice %arg9[%select_n3A_286, %multiple_of3A_305] : memref<80x128xi32, #tpu.memory_space<vmem>> -> memref<1x64xi32, #tpu.memory_space<vmem>>
        %dma_wait3A_312 = tpu.memref_squeeze %dma_wait3A_311 : memref<1x64xi32, #tpu.memory_space<vmem>> -> memref<64xi32, #tpu.memory_space<vmem>>
        %dma_wait3A_313 = arith.constant 0 : i32
        %dma_wait3A_314 = arith.constant 0 : i32
        %dma_wait3A_315 = tpu.memref_slice %arg2[%dma_wait3A_313, %dma_wait3A_314] : memref<10000x128xf32, #tpu.memory_space<hbm>> -> memref<10000x128xf32, #tpu.memory_space<hbm>>
        tpu.wait_indirect_dma semaphore(%arg12 : memref<!tpu.dma_semaphore, #tpu.memory_space<semaphore_mem>>) src(%dma_wait3A_315 : memref<10000x128xf32, #tpu.memory_space<hbm>>) dst(%dma_wait3A_310 : memref<64x128xf32, #tpu.memory_space<vmem>>)
        %jit3A_316 = arith.constant 2 : i32
        %div3A_317 = arith.divsi %add3A_262, %jit3A_316 : i32
        %sign3A_318 = arith.constant 0 : i32
        %sign3A_319 = arith.cmpi sgt, %add3A_262, %sign3A_318 : i32
        %sign3A_320 = arith.extui %sign3A_319 : i1 to i32
        %sign3A_321 = arith.constant 0 : i32
        %sign3A_322 = arith.cmpi slt, %add3A_262, %sign3A_321 : i32
        %sign3A_323 = arith.extui %sign3A_322 : i1 to i32
        %sign3A_324 = arith.subi %sign3A_320, %sign3A_323 : i32
        %sign3A_325 = arith.constant 0 : i32
        %sign3A_326 = arith.cmpi sgt, %jit3A_316, %sign3A_325 : i32
        %sign3A_327 = arith.extui %sign3A_326 : i1 to i32
        %sign3A_328 = arith.constant 0 : i32
        %sign3A_329 = arith.cmpi slt, %jit3A_316, %sign3A_328 : i32
        %sign3A_330 = arith.extui %sign3A_329 : i1 to i32
        %sign3A_331 = arith.subi %sign3A_327, %sign3A_330 : i32
        %ne3A_332 = arith.cmpi ne, %sign3A_324, %sign3A_331 : i32
        %rem3A_333 = arith.remsi %add3A_262, %jit3A_316 : i32
        %ne3A_334 = arith.constant 0 : i32
        %ne3A_335 = arith.cmpi ne, %rem3A_333, %ne3A_334 : i32
        %and3A_336 = arith.andi %ne3A_332, %ne3A_335 : i1
        %sub3A_337 = arith.constant 1 : i32
        %sub3A_338 = arith.subi %div3A_317, %sub3A_337 : i32
        %select_n3A_339 = arith.select %and3A_336, %sub3A_338, %div3A_317 : i32
        %add3A_340 = arith.addi %multiple_of3A_30, %select_n3A_339 : i32
        %jit3A_341 = arith.constant 2 : i32
        %eq3A_342 = arith.constant 0 : i32
        %eq3A_343 = arith.cmpi eq, %jit3A_341, %eq3A_342 : i32
        %jit3A_344 = arith.constant 1 : i32
        %select_n3A_345 = arith.select %eq3A_343, %jit3A_344, %jit3A_341 : i32
        %rem3A_346 = arith.remsi %add3A_262, %select_n3A_345 : i32
        %ne3A_347 = arith.constant 0 : i32
        %ne3A_348 = arith.cmpi ne, %rem3A_346, %ne3A_347 : i32
        %lt3A_349 = arith.constant 0 : i32
        %lt3A_350 = arith.cmpi slt, %rem3A_346, %lt3A_349 : i32
        %lt3A_351 = arith.constant 0 : i32
        %lt3A_352 = arith.cmpi slt, %select_n3A_345, %lt3A_351 : i32
        %ne3A_353 = arith.xori %lt3A_350, %lt3A_352 : i1
        %and3A_354 = arith.andi %ne3A_353, %ne3A_348 : i1
        %add3A_355 = arith.addi %rem3A_346, %select_n3A_345 : i32
        %select_n3A_356 = arith.select %and3A_354, %add3A_355, %rem3A_346 : i32
        %mul3A_357 = arith.constant 64 : i32
        %mul3A_358 = arith.muli %select_n3A_356, %mul3A_357 : i32
        %multiple_of3A_359 = tpu.assume_multiple %mul3A_358, 8 : i32
        %dma_wait3A_360 = arith.constant 1 : i32
        %dma_wait3A_361 = arith.constant 0 : i32
        %dma_wait3A_362 = tpu.memref_slice %arg10[%dma_wait3A_360, %dma_wait3A_361] : memref<4x64xi32, #tpu.memory_space<vmem>> -> memref<1x64xi32, #tpu.memory_space<vmem>>
        %dma_wait3A_363 = tpu.memref_squeeze %dma_wait3A_362 : memref<1x64xi32, #tpu.memory_space<vmem>> -> memref<64xi32, #tpu.memory_space<vmem>>
        %dma_wait3A_364 = tpu.memref_slice %arg4[%add3A_340, %multiple_of3A_359] : memref<2560x128xi32, #tpu.memory_space<hbm>> -> memref<1x64xi32, #tpu.memory_space<hbm>>
        %dma_wait3A_365 = tpu.memref_squeeze %dma_wait3A_364 : memref<1x64xi32, #tpu.memory_space<hbm>> -> memref<64xi32, #tpu.memory_space<hbm>>
        %dma_wait3A_366 = arith.constant 0 : i32
        %dma_wait3A_367 = tpu.memref_slice %arg10[%dma_wait3A_360, %dma_wait3A_366] : memref<4x64xi32, #tpu.memory_space<vmem>> -> memref<1x64xi32, #tpu.memory_space<vmem>>
        %dma_wait3A_368 = tpu.memref_squeeze %dma_wait3A_367 : memref<1x64xi32, #tpu.memory_space<vmem>> -> memref<64xi32, #tpu.memory_space<vmem>>
        %dma_wait3A_369 = tpu.memref_slice %arg4[%add3A_340, %multiple_of3A_359] : memref<2560x128xi32, #tpu.memory_space<hbm>> -> memref<1x64xi32, #tpu.memory_space<hbm>>
        %dma_wait3A_370 = tpu.memref_squeeze %dma_wait3A_369 : memref<1x64xi32, #tpu.memory_space<hbm>> -> memref<64xi32, #tpu.memory_space<hbm>>
        tpu.wait_dma2 semaphore(%arg16 : memref<!tpu.dma_semaphore, #tpu.memory_space<semaphore_mem>>) src(%dma_wait3A_370 : memref<64xi32, #tpu.memory_space<hbm>>) dst(%dma_wait3A_368 : memref<64xi32, #tpu.memory_space<vmem>>)
        %run_scoped3A_371 = arith.constant 1 : i32
        %run_scoped3A_372 = arith.constant 1 : i32
        "tpu.region"() ({
          %run_scoped3A_622 = tpu.sem_alloc : memref<!tpu.dma_semaphore, #tpu.memory_space<semaphore_mem>>
          %dma_start3A_623 = arith.constant 0 : i32
          %dma_start3A_624 = arith.constant 0 : i32
          %dma_start3A_625 = tpu.memref_slice %arg8[%run_scoped3A_371, %dma_start3A_623, %dma_start3A_624] : memref<4x64x128xf32, #tpu.memory_space<vmem>> -> memref<1x64x128xf32, #tpu.memory_space<vmem>>
          %dma_start3A_626 = tpu.memref_squeeze %dma_start3A_625 : memref<1x64x128xf32, #tpu.memory_space<vmem>> -> memref<64x128xf32, #tpu.memory_space<vmem>>
          %dma_start3A_627 = arith.constant 0 : i32
          %dma_start3A_628 = tpu.memref_slice %arg10[%run_scoped3A_372, %dma_start3A_627] : memref<4x64xi32, #tpu.memory_space<vmem>> -> memref<1x64xi32, #tpu.memory_space<vmem>>
          %dma_start3A_629 = tpu.memref_squeeze %dma_start3A_628 : memref<1x64xi32, #tpu.memory_space<vmem>> -> memref<64xi32, #tpu.memory_space<vmem>>
          %dma_start3A_630 = arith.constant 0 : i32
          %dma_start3A_631 = arith.constant 0 : i32
          %dma_start3A_632 = tpu.memref_slice %arg7[%dma_start3A_630, %dma_start3A_631] : memref<10112x128xf32, #tpu.memory_space<vmem_shared>> -> memref<10112x128xf32, #tpu.memory_space<vmem_shared>>
          tpu.enqueue_indirect_dma source(%dma_start3A_626 : memref<64x128xf32, #tpu.memory_space<vmem>>) target(%dma_start3A_632 : memref<10112x128xf32, #tpu.memory_space<vmem_shared>>) offsets(%dma_start3A_629 : memref<64xi32, #tpu.memory_space<vmem>>) semaphore(%run_scoped3A_622 : memref<!tpu.dma_semaphore, #tpu.memory_space<semaphore_mem>>) {add = true}
          %dma_wait3A_633 = arith.constant 0 : i32
          %dma_wait3A_634 = arith.constant 0 : i32
          %dma_wait3A_635 = tpu.memref_slice %arg8[%run_scoped3A_371, %dma_wait3A_633, %dma_wait3A_634] : memref<4x64x128xf32, #tpu.memory_space<vmem>> -> memref<1x64x128xf32, #tpu.memory_space<vmem>>
          %dma_wait3A_636 = tpu.memref_squeeze %dma_wait3A_635 : memref<1x64x128xf32, #tpu.memory_space<vmem>> -> memref<64x128xf32, #tpu.memory_space<vmem>>
          %dma_wait3A_637 = arith.constant 0 : i32
          %dma_wait3A_638 = tpu.memref_slice %arg10[%run_scoped3A_372, %dma_wait3A_637] : memref<4x64xi32, #tpu.memory_space<vmem>> -> memref<1x64xi32, #tpu.memory_space<vmem>>
          %dma_wait3A_639 = tpu.memref_squeeze %dma_wait3A_638 : memref<1x64xi32, #tpu.memory_space<vmem>> -> memref<64xi32, #tpu.memory_space<vmem>>
          %dma_wait3A_640 = arith.constant 0 : i32
          %dma_wait3A_641 = arith.constant 0 : i32
          %dma_wait3A_642 = tpu.memref_slice %arg7[%dma_wait3A_640, %dma_wait3A_641] : memref<10112x128xf32, #tpu.memory_space<vmem_shared>> -> memref<10112x128xf32, #tpu.memory_space<vmem_shared>>
          tpu.wait_indirect_dma semaphore(%run_scoped3A_622 : memref<!tpu.dma_semaphore, #tpu.memory_space<semaphore_mem>>) src(%dma_wait3A_636 : memref<64x128xf32, #tpu.memory_space<vmem>>) dst(%dma_wait3A_642 : memref<10112x128xf32, #tpu.memory_space<vmem_shared>>)
          tpu.yield
        }) : () -> ()
        %add3A_373 = arith.constant 4 : i32
        %add3A_374 = arith.addi %add3A_262, %add3A_373 : i32
        %lt3A_375 = arith.constant 160 : i32
        %lt3A_376 = arith.cmpi slt, %add3A_374, %lt3A_375 : i32
        %convert_element_type3A_377 = arith.extui %lt3A_376 : i1 to i32
        %cond3A_378 = arith.constant 0 : i32
        %cond3A_379 = arith.cmpi ne, %convert_element_type3A_377, %cond3A_378 : i32
        scf.if %cond3A_379 {
          %add3A_622 = arith.constant 4 : i32
          %add3A_623 = arith.addi %add3A_262, %add3A_622 : i32
          %jit3A_624 = arith.constant 2 : i32
          %div3A_625 = arith.divsi %add3A_623, %jit3A_624 : i32
          %sign3A_626 = arith.constant 0 : i32
          %sign3A_627 = arith.cmpi sgt, %add3A_623, %sign3A_626 : i32
          %sign3A_628 = arith.extui %sign3A_627 : i1 to i32
          %sign3A_629 = arith.constant 0 : i32
          %sign3A_630 = arith.cmpi slt, %add3A_623, %sign3A_629 : i32
          %sign3A_631 = arith.extui %sign3A_630 : i1 to i32
          %sign3A_632 = arith.subi %sign3A_628, %sign3A_631 : i32
          %sign3A_633 = arith.constant 0 : i32
          %sign3A_634 = arith.cmpi sgt, %jit3A_624, %sign3A_633 : i32
          %sign3A_635 = arith.extui %sign3A_634 : i1 to i32
          %sign3A_636 = arith.constant 0 : i32
          %sign3A_637 = arith.cmpi slt, %jit3A_624, %sign3A_636 : i32
          %sign3A_638 = arith.extui %sign3A_637 : i1 to i32
          %sign3A_639 = arith.subi %sign3A_635, %sign3A_638 : i32
          %ne3A_640 = arith.cmpi ne, %sign3A_632, %sign3A_639 : i32
          %rem3A_641 = arith.remsi %add3A_623, %jit3A_624 : i32
          %ne3A_642 = arith.constant 0 : i32
          %ne3A_643 = arith.cmpi ne, %rem3A_641, %ne3A_642 : i32
          %and3A_644 = arith.andi %ne3A_640, %ne3A_643 : i1
          %sub3A_645 = arith.constant 1 : i32
          %sub3A_646 = arith.subi %div3A_625, %sub3A_645 : i32
          %select_n3A_647 = arith.select %and3A_644, %sub3A_646, %div3A_625 : i32
          %jit3A_648 = arith.constant 2 : i32
          %eq3A_649 = arith.constant 0 : i32
          %eq3A_650 = arith.cmpi eq, %jit3A_648, %eq3A_649 : i32
          %jit3A_651 = arith.constant 1 : i32
          %select_n3A_652 = arith.select %eq3A_650, %jit3A_651, %jit3A_648 : i32
          %rem3A_653 = arith.remsi %add3A_623, %select_n3A_652 : i32
          %ne3A_654 = arith.constant 0 : i32
          %ne3A_655 = arith.cmpi ne, %rem3A_653, %ne3A_654 : i32
          %lt3A_656 = arith.constant 0 : i32
          %lt3A_657 = arith.cmpi slt, %rem3A_653, %lt3A_656 : i32
          %lt3A_658 = arith.constant 0 : i32
          %lt3A_659 = arith.cmpi slt, %select_n3A_652, %lt3A_658 : i32
          %ne3A_660 = arith.xori %lt3A_657, %lt3A_659 : i1
          %and3A_661 = arith.andi %ne3A_660, %ne3A_655 : i1
          %add3A_662 = arith.addi %rem3A_653, %select_n3A_652 : i32
          %select_n3A_663 = arith.select %and3A_661, %add3A_662, %rem3A_653 : i32
          %mul3A_664 = arith.constant 64 : i32
          %mul3A_665 = arith.muli %select_n3A_663, %mul3A_664 : i32
          %multiple_of3A_666 = tpu.assume_multiple %mul3A_665, 8 : i32
          %dma_start3A_667 = arith.constant 1 : i32
          %dma_start3A_668 = arith.constant 0 : i32
          %dma_start3A_669 = arith.constant 0 : i32
          %dma_start3A_670 = tpu.memref_slice %arg8[%dma_start3A_667, %dma_start3A_668, %dma_start3A_669] : memref<4x64x128xf32, #tpu.memory_space<vmem>> -> memref<1x64x128xf32, #tpu.memory_space<vmem>>
          %dma_start3A_671 = tpu.memref_squeeze %dma_start3A_670 : memref<1x64x128xf32, #tpu.memory_space<vmem>> -> memref<64x128xf32, #tpu.memory_space<vmem>>
          %dma_start3A_672 = tpu.memref_slice %arg9[%select_n3A_647, %multiple_of3A_666] : memref<80x128xi32, #tpu.memory_space<vmem>> -> memref<1x64xi32, #tpu.memory_space<vmem>>
          %dma_start3A_673 = tpu.memref_squeeze %dma_start3A_672 : memref<1x64xi32, #tpu.memory_space<vmem>> -> memref<64xi32, #tpu.memory_space<vmem>>
          %dma_start3A_674 = arith.constant 0 : i32
          %dma_start3A_675 = arith.constant 0 : i32
          %dma_start3A_676 = tpu.memref_slice %arg2[%dma_start3A_674, %dma_start3A_675] : memref<10000x128xf32, #tpu.memory_space<hbm>> -> memref<10000x128xf32, #tpu.memory_space<hbm>>
          tpu.enqueue_indirect_dma source(%dma_start3A_676 : memref<10000x128xf32, #tpu.memory_space<hbm>>) target(%dma_start3A_671 : memref<64x128xf32, #tpu.memory_space<vmem>>) offsets(%dma_start3A_673 : memref<64xi32, #tpu.memory_space<vmem>>) semaphore(%arg12 : memref<!tpu.dma_semaphore, #tpu.memory_space<semaphore_mem>>)
          %add3A_677 = arith.constant 4 : i32
          %add3A_678 = arith.addi %add3A_262, %add3A_677 : i32
          %jit3A_679 = arith.constant 2 : i32
          %div3A_680 = arith.divsi %add3A_678, %jit3A_679 : i32
          %sign3A_681 = arith.constant 0 : i32
          %sign3A_682 = arith.cmpi sgt, %add3A_678, %sign3A_681 : i32
          %sign3A_683 = arith.extui %sign3A_682 : i1 to i32
          %sign3A_684 = arith.constant 0 : i32
          %sign3A_685 = arith.cmpi slt, %add3A_678, %sign3A_684 : i32
          %sign3A_686 = arith.extui %sign3A_685 : i1 to i32
          %sign3A_687 = arith.subi %sign3A_683, %sign3A_686 : i32
          %sign3A_688 = arith.constant 0 : i32
          %sign3A_689 = arith.cmpi sgt, %jit3A_679, %sign3A_688 : i32
          %sign3A_690 = arith.extui %sign3A_689 : i1 to i32
          %sign3A_691 = arith.constant 0 : i32
          %sign3A_692 = arith.cmpi slt, %jit3A_679, %sign3A_691 : i32
          %sign3A_693 = arith.extui %sign3A_692 : i1 to i32
          %sign3A_694 = arith.subi %sign3A_690, %sign3A_693 : i32
          %ne3A_695 = arith.cmpi ne, %sign3A_687, %sign3A_694 : i32
          %rem3A_696 = arith.remsi %add3A_678, %jit3A_679 : i32
          %ne3A_697 = arith.constant 0 : i32
          %ne3A_698 = arith.cmpi ne, %rem3A_696, %ne3A_697 : i32
          %and3A_699 = arith.andi %ne3A_695, %ne3A_698 : i1
          %sub3A_700 = arith.constant 1 : i32
          %sub3A_701 = arith.subi %div3A_680, %sub3A_700 : i32
          %select_n3A_702 = arith.select %and3A_699, %sub3A_701, %div3A_680 : i32
          %add3A_703 = arith.addi %multiple_of3A_30, %select_n3A_702 : i32
          %jit3A_704 = arith.constant 2 : i32
          %eq3A_705 = arith.constant 0 : i32
          %eq3A_706 = arith.cmpi eq, %jit3A_704, %eq3A_705 : i32
          %jit3A_707 = arith.constant 1 : i32
          %select_n3A_708 = arith.select %eq3A_706, %jit3A_707, %jit3A_704 : i32
          %rem3A_709 = arith.remsi %add3A_678, %select_n3A_708 : i32
          %ne3A_710 = arith.constant 0 : i32
          %ne3A_711 = arith.cmpi ne, %rem3A_709, %ne3A_710 : i32
          %lt3A_712 = arith.constant 0 : i32
          %lt3A_713 = arith.cmpi slt, %rem3A_709, %lt3A_712 : i32
          %lt3A_714 = arith.constant 0 : i32
          %lt3A_715 = arith.cmpi slt, %select_n3A_708, %lt3A_714 : i32
          %ne3A_716 = arith.xori %lt3A_713, %lt3A_715 : i1
          %and3A_717 = arith.andi %ne3A_716, %ne3A_711 : i1
          %add3A_718 = arith.addi %rem3A_709, %select_n3A_708 : i32
          %select_n3A_719 = arith.select %and3A_717, %add3A_718, %rem3A_709 : i32
          %mul3A_720 = arith.constant 64 : i32
          %mul3A_721 = arith.muli %select_n3A_719, %mul3A_720 : i32
          %multiple_of3A_722 = tpu.assume_multiple %mul3A_721, 8 : i32
          %dma_start3A_723 = arith.constant 1 : i32
          %dma_start3A_724 = arith.constant 0 : i32
          %dma_start3A_725 = tpu.memref_slice %arg10[%dma_start3A_723, %dma_start3A_724] : memref<4x64xi32, #tpu.memory_space<vmem>> -> memref<1x64xi32, #tpu.memory_space<vmem>>
          %dma_start3A_726 = tpu.memref_squeeze %dma_start3A_725 : memref<1x64xi32, #tpu.memory_space<vmem>> -> memref<64xi32, #tpu.memory_space<vmem>>
          %dma_start3A_727 = tpu.memref_slice %arg4[%add3A_703, %multiple_of3A_722] : memref<2560x128xi32, #tpu.memory_space<hbm>> -> memref<1x64xi32, #tpu.memory_space<hbm>>
          %dma_start3A_728 = tpu.memref_squeeze %dma_start3A_727 : memref<1x64xi32, #tpu.memory_space<hbm>> -> memref<64xi32, #tpu.memory_space<hbm>>
          %dma_start3A_729 = arith.constant 0 : i32
          %dma_start3A_730 = tpu.memref_slice %arg10[%dma_start3A_723, %dma_start3A_729] : memref<4x64xi32, #tpu.memory_space<vmem>> -> memref<1x64xi32, #tpu.memory_space<vmem>>
          %dma_start3A_731 = tpu.memref_squeeze %dma_start3A_730 : memref<1x64xi32, #tpu.memory_space<vmem>> -> memref<64xi32, #tpu.memory_space<vmem>>
          %dma_start3A_732 = tpu.memref_slice %arg4[%add3A_703, %multiple_of3A_722] : memref<2560x128xi32, #tpu.memory_space<hbm>> -> memref<1x64xi32, #tpu.memory_space<hbm>>
          %dma_start3A_733 = tpu.memref_squeeze %dma_start3A_732 : memref<1x64xi32, #tpu.memory_space<hbm>> -> memref<64xi32, #tpu.memory_space<hbm>>
          tpu.enqueue_dma source(%dma_start3A_733 : memref<64xi32, #tpu.memory_space<hbm>>) target(%dma_start3A_731 : memref<64xi32, #tpu.memory_space<vmem>>) target_semaphore(%arg16 : memref<!tpu.dma_semaphore, #tpu.memory_space<semaphore_mem>>)
        } else {
        }
        %mul3A_380 = arith.constant 4 : i32
        %mul3A_381 = arith.muli %scan3A_146, %mul3A_380 : i32
        %add3A_382 = arith.constant 2 : i32
        %add3A_383 = arith.addi %mul3A_381, %add3A_382 : i32
        %jit3A_384 = arith.constant 2 : i32
        %div3A_385 = arith.divsi %add3A_383, %jit3A_384 : i32
        %sign3A_386 = arith.constant 0 : i32
        %sign3A_387 = arith.cmpi sgt, %add3A_383, %sign3A_386 : i32
        %sign3A_388 = arith.extui %sign3A_387 : i1 to i32
        %sign3A_389 = arith.constant 0 : i32
        %sign3A_390 = arith.cmpi slt, %add3A_383, %sign3A_389 : i32
        %sign3A_391 = arith.extui %sign3A_390 : i1 to i32
        %sign3A_392 = arith.subi %sign3A_388, %sign3A_391 : i32
        %sign3A_393 = arith.constant 0 : i32
        %sign3A_394 = arith.cmpi sgt, %jit3A_384, %sign3A_393 : i32
        %sign3A_395 = arith.extui %sign3A_394 : i1 to i32
        %sign3A_396 = arith.constant 0 : i32
        %sign3A_397 = arith.cmpi slt, %jit3A_384, %sign3A_396 : i32
        %sign3A_398 = arith.extui %sign3A_397 : i1 to i32
        %sign3A_399 = arith.subi %sign3A_395, %sign3A_398 : i32
        %ne3A_400 = arith.cmpi ne, %sign3A_392, %sign3A_399 : i32
        %rem3A_401 = arith.remsi %add3A_383, %jit3A_384 : i32
        %ne3A_402 = arith.constant 0 : i32
        %ne3A_403 = arith.cmpi ne, %rem3A_401, %ne3A_402 : i32
        %and3A_404 = arith.andi %ne3A_400, %ne3A_403 : i1
        %sub3A_405 = arith.constant 1 : i32
        %sub3A_406 = arith.subi %div3A_385, %sub3A_405 : i32
        %select_n3A_407 = arith.select %and3A_404, %sub3A_406, %div3A_385 : i32
        %jit3A_408 = arith.constant 2 : i32
        %eq3A_409 = arith.constant 0 : i32
        %eq3A_410 = arith.cmpi eq, %jit3A_408, %eq3A_409 : i32
        %jit3A_411 = arith.constant 1 : i32
        %select_n3A_412 = arith.select %eq3A_410, %jit3A_411, %jit3A_408 : i32
        %rem3A_413 = arith.remsi %add3A_383, %select_n3A_412 : i32
        %ne3A_414 = arith.constant 0 : i32
        %ne3A_415 = arith.cmpi ne, %rem3A_413, %ne3A_414 : i32
        %lt3A_416 = arith.constant 0 : i32
        %lt3A_417 = arith.cmpi slt, %rem3A_413, %lt3A_416 : i32
        %lt3A_418 = arith.constant 0 : i32
        %lt3A_419 = arith.cmpi slt, %select_n3A_412, %lt3A_418 : i32
        %ne3A_420 = arith.xori %lt3A_417, %lt3A_419 : i1
        %and3A_421 = arith.andi %ne3A_420, %ne3A_415 : i1
        %add3A_422 = arith.addi %rem3A_413, %select_n3A_412 : i32
        %select_n3A_423 = arith.select %and3A_421, %add3A_422, %rem3A_413 : i32
        %mul3A_424 = arith.constant 64 : i32
        %mul3A_425 = arith.muli %select_n3A_423, %mul3A_424 : i32
        %multiple_of3A_426 = tpu.assume_multiple %mul3A_425, 8 : i32
        %dma_wait3A_427 = arith.constant 2 : i32
        %dma_wait3A_428 = arith.constant 0 : i32
        %dma_wait3A_429 = arith.constant 0 : i32
        %dma_wait3A_430 = tpu.memref_slice %arg8[%dma_wait3A_427, %dma_wait3A_428, %dma_wait3A_429] : memref<4x64x128xf32, #tpu.memory_space<vmem>> -> memref<1x64x128xf32, #tpu.memory_space<vmem>>
        %dma_wait3A_431 = tpu.memref_squeeze %dma_wait3A_430 : memref<1x64x128xf32, #tpu.memory_space<vmem>> -> memref<64x128xf32, #tpu.memory_space<vmem>>
        %dma_wait3A_432 = tpu.memref_slice %arg9[%select_n3A_407, %multiple_of3A_426] : memref<80x128xi32, #tpu.memory_space<vmem>> -> memref<1x64xi32, #tpu.memory_space<vmem>>
        %dma_wait3A_433 = tpu.memref_squeeze %dma_wait3A_432 : memref<1x64xi32, #tpu.memory_space<vmem>> -> memref<64xi32, #tpu.memory_space<vmem>>
        %dma_wait3A_434 = arith.constant 0 : i32
        %dma_wait3A_435 = arith.constant 0 : i32
        %dma_wait3A_436 = tpu.memref_slice %arg2[%dma_wait3A_434, %dma_wait3A_435] : memref<10000x128xf32, #tpu.memory_space<hbm>> -> memref<10000x128xf32, #tpu.memory_space<hbm>>
        tpu.wait_indirect_dma semaphore(%arg13 : memref<!tpu.dma_semaphore, #tpu.memory_space<semaphore_mem>>) src(%dma_wait3A_436 : memref<10000x128xf32, #tpu.memory_space<hbm>>) dst(%dma_wait3A_431 : memref<64x128xf32, #tpu.memory_space<vmem>>)
        %jit3A_437 = arith.constant 2 : i32
        %div3A_438 = arith.divsi %add3A_383, %jit3A_437 : i32
        %sign3A_439 = arith.constant 0 : i32
        %sign3A_440 = arith.cmpi sgt, %add3A_383, %sign3A_439 : i32
        %sign3A_441 = arith.extui %sign3A_440 : i1 to i32
        %sign3A_442 = arith.constant 0 : i32
        %sign3A_443 = arith.cmpi slt, %add3A_383, %sign3A_442 : i32
        %sign3A_444 = arith.extui %sign3A_443 : i1 to i32
        %sign3A_445 = arith.subi %sign3A_441, %sign3A_444 : i32
        %sign3A_446 = arith.constant 0 : i32
        %sign3A_447 = arith.cmpi sgt, %jit3A_437, %sign3A_446 : i32
        %sign3A_448 = arith.extui %sign3A_447 : i1 to i32
        %sign3A_449 = arith.constant 0 : i32
        %sign3A_450 = arith.cmpi slt, %jit3A_437, %sign3A_449 : i32
        %sign3A_451 = arith.extui %sign3A_450 : i1 to i32
        %sign3A_452 = arith.subi %sign3A_448, %sign3A_451 : i32
        %ne3A_453 = arith.cmpi ne, %sign3A_445, %sign3A_452 : i32
        %rem3A_454 = arith.remsi %add3A_383, %jit3A_437 : i32
        %ne3A_455 = arith.constant 0 : i32
        %ne3A_456 = arith.cmpi ne, %rem3A_454, %ne3A_455 : i32
        %and3A_457 = arith.andi %ne3A_453, %ne3A_456 : i1
        %sub3A_458 = arith.constant 1 : i32
        %sub3A_459 = arith.subi %div3A_438, %sub3A_458 : i32
        %select_n3A_460 = arith.select %and3A_457, %sub3A_459, %div3A_438 : i32
        %add3A_461 = arith.addi %multiple_of3A_30, %select_n3A_460 : i32
        %jit3A_462 = arith.constant 2 : i32
        %eq3A_463 = arith.constant 0 : i32
        %eq3A_464 = arith.cmpi eq, %jit3A_462, %eq3A_463 : i32
        %jit3A_465 = arith.constant 1 : i32
        %select_n3A_466 = arith.select %eq3A_464, %jit3A_465, %jit3A_462 : i32
        %rem3A_467 = arith.remsi %add3A_383, %select_n3A_466 : i32
        %ne3A_468 = arith.constant 0 : i32
        %ne3A_469 = arith.cmpi ne, %rem3A_467, %ne3A_468 : i32
        %lt3A_470 = arith.constant 0 : i32
        %lt3A_471 = arith.cmpi slt, %rem3A_467, %lt3A_470 : i32
        %lt3A_472 = arith.constant 0 : i32
        %lt3A_473 = arith.cmpi slt, %select_n3A_466, %lt3A_472 : i32
        %ne3A_474 = arith.xori %lt3A_471, %lt3A_473 : i1
        %and3A_475 = arith.andi %ne3A_474, %ne3A_469 : i1
        %add3A_476 = arith.addi %rem3A_467, %select_n3A_466 : i32
        %select_n3A_477 = arith.select %and3A_475, %add3A_476, %rem3A_467 : i32
        %mul3A_478 = arith.constant 64 : i32
        %mul3A_479 = arith.muli %select_n3A_477, %mul3A_478 : i32
        %multiple_of3A_480 = tpu.assume_multiple %mul3A_479, 8 : i32
        %dma_wait3A_481 = arith.constant 2 : i32
        %dma_wait3A_482 = arith.constant 0 : i32
        %dma_wait3A_483 = tpu.memref_slice %arg10[%dma_wait3A_481, %dma_wait3A_482] : memref<4x64xi32, #tpu.memory_space<vmem>> -> memref<1x64xi32, #tpu.memory_space<vmem>>
        %dma_wait3A_484 = tpu.memref_squeeze %dma_wait3A_483 : memref<1x64xi32, #tpu.memory_space<vmem>> -> memref<64xi32, #tpu.memory_space<vmem>>
        %dma_wait3A_485 = tpu.memref_slice %arg4[%add3A_461, %multiple_of3A_480] : memref<2560x128xi32, #tpu.memory_space<hbm>> -> memref<1x64xi32, #tpu.memory_space<hbm>>
        %dma_wait3A_486 = tpu.memref_squeeze %dma_wait3A_485 : memref<1x64xi32, #tpu.memory_space<hbm>> -> memref<64xi32, #tpu.memory_space<hbm>>
        %dma_wait3A_487 = arith.constant 0 : i32
        %dma_wait3A_488 = tpu.memref_slice %arg10[%dma_wait3A_481, %dma_wait3A_487] : memref<4x64xi32, #tpu.memory_space<vmem>> -> memref<1x64xi32, #tpu.memory_space<vmem>>
        %dma_wait3A_489 = tpu.memref_squeeze %dma_wait3A_488 : memref<1x64xi32, #tpu.memory_space<vmem>> -> memref<64xi32, #tpu.memory_space<vmem>>
        %dma_wait3A_490 = tpu.memref_slice %arg4[%add3A_461, %multiple_of3A_480] : memref<2560x128xi32, #tpu.memory_space<hbm>> -> memref<1x64xi32, #tpu.memory_space<hbm>>
        %dma_wait3A_491 = tpu.memref_squeeze %dma_wait3A_490 : memref<1x64xi32, #tpu.memory_space<hbm>> -> memref<64xi32, #tpu.memory_space<hbm>>
        tpu.wait_dma2 semaphore(%arg17 : memref<!tpu.dma_semaphore, #tpu.memory_space<semaphore_mem>>) src(%dma_wait3A_491 : memref<64xi32, #tpu.memory_space<hbm>>) dst(%dma_wait3A_489 : memref<64xi32, #tpu.memory_space<vmem>>)
        %run_scoped3A_492 = arith.constant 2 : i32
        %run_scoped3A_493 = arith.constant 2 : i32
        "tpu.region"() ({
          %run_scoped3A_622 = tpu.sem_alloc : memref<!tpu.dma_semaphore, #tpu.memory_space<semaphore_mem>>
          %dma_start3A_623 = arith.constant 0 : i32
          %dma_start3A_624 = arith.constant 0 : i32
          %dma_start3A_625 = tpu.memref_slice %arg8[%run_scoped3A_492, %dma_start3A_623, %dma_start3A_624] : memref<4x64x128xf32, #tpu.memory_space<vmem>> -> memref<1x64x128xf32, #tpu.memory_space<vmem>>
          %dma_start3A_626 = tpu.memref_squeeze %dma_start3A_625 : memref<1x64x128xf32, #tpu.memory_space<vmem>> -> memref<64x128xf32, #tpu.memory_space<vmem>>
          %dma_start3A_627 = arith.constant 0 : i32
          %dma_start3A_628 = tpu.memref_slice %arg10[%run_scoped3A_493, %dma_start3A_627] : memref<4x64xi32, #tpu.memory_space<vmem>> -> memref<1x64xi32, #tpu.memory_space<vmem>>
          %dma_start3A_629 = tpu.memref_squeeze %dma_start3A_628 : memref<1x64xi32, #tpu.memory_space<vmem>> -> memref<64xi32, #tpu.memory_space<vmem>>
          %dma_start3A_630 = arith.constant 0 : i32
          %dma_start3A_631 = arith.constant 0 : i32
          %dma_start3A_632 = tpu.memref_slice %arg7[%dma_start3A_630, %dma_start3A_631] : memref<10112x128xf32, #tpu.memory_space<vmem_shared>> -> memref<10112x128xf32, #tpu.memory_space<vmem_shared>>
          tpu.enqueue_indirect_dma source(%dma_start3A_626 : memref<64x128xf32, #tpu.memory_space<vmem>>) target(%dma_start3A_632 : memref<10112x128xf32, #tpu.memory_space<vmem_shared>>) offsets(%dma_start3A_629 : memref<64xi32, #tpu.memory_space<vmem>>) semaphore(%run_scoped3A_622 : memref<!tpu.dma_semaphore, #tpu.memory_space<semaphore_mem>>) {add = true}
          %dma_wait3A_633 = arith.constant 0 : i32
          %dma_wait3A_634 = arith.constant 0 : i32
          %dma_wait3A_635 = tpu.memref_slice %arg8[%run_scoped3A_492, %dma_wait3A_633, %dma_wait3A_634] : memref<4x64x128xf32, #tpu.memory_space<vmem>> -> memref<1x64x128xf32, #tpu.memory_space<vmem>>
          %dma_wait3A_636 = tpu.memref_squeeze %dma_wait3A_635 : memref<1x64x128xf32, #tpu.memory_space<vmem>> -> memref<64x128xf32, #tpu.memory_space<vmem>>
          %dma_wait3A_637 = arith.constant 0 : i32
          %dma_wait3A_638 = tpu.memref_slice %arg10[%run_scoped3A_493, %dma_wait3A_637] : memref<4x64xi32, #tpu.memory_space<vmem>> -> memref<1x64xi32, #tpu.memory_space<vmem>>
          %dma_wait3A_639 = tpu.memref_squeeze %dma_wait3A_638 : memref<1x64xi32, #tpu.memory_space<vmem>> -> memref<64xi32, #tpu.memory_space<vmem>>
          %dma_wait3A_640 = arith.constant 0 : i32
          %dma_wait3A_641 = arith.constant 0 : i32
          %dma_wait3A_642 = tpu.memref_slice %arg7[%dma_wait3A_640, %dma_wait3A_641] : memref<10112x128xf32, #tpu.memory_space<vmem_shared>> -> memref<10112x128xf32, #tpu.memory_space<vmem_shared>>
          tpu.wait_indirect_dma semaphore(%run_scoped3A_622 : memref<!tpu.dma_semaphore, #tpu.memory_space<semaphore_mem>>) src(%dma_wait3A_636 : memref<64x128xf32, #tpu.memory_space<vmem>>) dst(%dma_wait3A_642 : memref<10112x128xf32, #tpu.memory_space<vmem_shared>>)
          tpu.yield
        }) : () -> ()
        %add3A_494 = arith.constant 4 : i32
        %add3A_495 = arith.addi %add3A_383, %add3A_494 : i32
        %lt3A_496 = arith.constant 160 : i32
        %lt3A_497 = arith.cmpi slt, %add3A_495, %lt3A_496 : i32
        %convert_element_type3A_498 = arith.extui %lt3A_497 : i1 to i32
        %cond3A_499 = arith.constant 0 : i32
        %cond3A_500 = arith.cmpi ne, %convert_element_type3A_498, %cond3A_499 : i32
        scf.if %cond3A_500 {
          %add3A_622 = arith.constant 4 : i32
          %add3A_623 = arith.addi %add3A_383, %add3A_622 : i32
          %jit3A_624 = arith.constant 2 : i32
          %div3A_625 = arith.divsi %add3A_623, %jit3A_624 : i32
          %sign3A_626 = arith.constant 0 : i32
          %sign3A_627 = arith.cmpi sgt, %add3A_623, %sign3A_626 : i32
          %sign3A_628 = arith.extui %sign3A_627 : i1 to i32
          %sign3A_629 = arith.constant 0 : i32
          %sign3A_630 = arith.cmpi slt, %add3A_623, %sign3A_629 : i32
          %sign3A_631 = arith.extui %sign3A_630 : i1 to i32
          %sign3A_632 = arith.subi %sign3A_628, %sign3A_631 : i32
          %sign3A_633 = arith.constant 0 : i32
          %sign3A_634 = arith.cmpi sgt, %jit3A_624, %sign3A_633 : i32
          %sign3A_635 = arith.extui %sign3A_634 : i1 to i32
          %sign3A_636 = arith.constant 0 : i32
          %sign3A_637 = arith.cmpi slt, %jit3A_624, %sign3A_636 : i32
          %sign3A_638 = arith.extui %sign3A_637 : i1 to i32
          %sign3A_639 = arith.subi %sign3A_635, %sign3A_638 : i32
          %ne3A_640 = arith.cmpi ne, %sign3A_632, %sign3A_639 : i32
          %rem3A_641 = arith.remsi %add3A_623, %jit3A_624 : i32
          %ne3A_642 = arith.constant 0 : i32
          %ne3A_643 = arith.cmpi ne, %rem3A_641, %ne3A_642 : i32
          %and3A_644 = arith.andi %ne3A_640, %ne3A_643 : i1
          %sub3A_645 = arith.constant 1 : i32
          %sub3A_646 = arith.subi %div3A_625, %sub3A_645 : i32
          %select_n3A_647 = arith.select %and3A_644, %sub3A_646, %div3A_625 : i32
          %jit3A_648 = arith.constant 2 : i32
          %eq3A_649 = arith.constant 0 : i32
          %eq3A_650 = arith.cmpi eq, %jit3A_648, %eq3A_649 : i32
          %jit3A_651 = arith.constant 1 : i32
          %select_n3A_652 = arith.select %eq3A_650, %jit3A_651, %jit3A_648 : i32
          %rem3A_653 = arith.remsi %add3A_623, %select_n3A_652 : i32
          %ne3A_654 = arith.constant 0 : i32
          %ne3A_655 = arith.cmpi ne, %rem3A_653, %ne3A_654 : i32
          %lt3A_656 = arith.constant 0 : i32
          %lt3A_657 = arith.cmpi slt, %rem3A_653, %lt3A_656 : i32
          %lt3A_658 = arith.constant 0 : i32
          %lt3A_659 = arith.cmpi slt, %select_n3A_652, %lt3A_658 : i32
          %ne3A_660 = arith.xori %lt3A_657, %lt3A_659 : i1
          %and3A_661 = arith.andi %ne3A_660, %ne3A_655 : i1
          %add3A_662 = arith.addi %rem3A_653, %select_n3A_652 : i32
          %select_n3A_663 = arith.select %and3A_661, %add3A_662, %rem3A_653 : i32
          %mul3A_664 = arith.constant 64 : i32
          %mul3A_665 = arith.muli %select_n3A_663, %mul3A_664 : i32
          %multiple_of3A_666 = tpu.assume_multiple %mul3A_665, 8 : i32
          %dma_start3A_667 = arith.constant 2 : i32
          %dma_start3A_668 = arith.constant 0 : i32
          %dma_start3A_669 = arith.constant 0 : i32
          %dma_start3A_670 = tpu.memref_slice %arg8[%dma_start3A_667, %dma_start3A_668, %dma_start3A_669] : memref<4x64x128xf32, #tpu.memory_space<vmem>> -> memref<1x64x128xf32, #tpu.memory_space<vmem>>
          %dma_start3A_671 = tpu.memref_squeeze %dma_start3A_670 : memref<1x64x128xf32, #tpu.memory_space<vmem>> -> memref<64x128xf32, #tpu.memory_space<vmem>>
          %dma_start3A_672 = tpu.memref_slice %arg9[%select_n3A_647, %multiple_of3A_666] : memref<80x128xi32, #tpu.memory_space<vmem>> -> memref<1x64xi32, #tpu.memory_space<vmem>>
          %dma_start3A_673 = tpu.memref_squeeze %dma_start3A_672 : memref<1x64xi32, #tpu.memory_space<vmem>> -> memref<64xi32, #tpu.memory_space<vmem>>
          %dma_start3A_674 = arith.constant 0 : i32
          %dma_start3A_675 = arith.constant 0 : i32
          %dma_start3A_676 = tpu.memref_slice %arg2[%dma_start3A_674, %dma_start3A_675] : memref<10000x128xf32, #tpu.memory_space<hbm>> -> memref<10000x128xf32, #tpu.memory_space<hbm>>
          tpu.enqueue_indirect_dma source(%dma_start3A_676 : memref<10000x128xf32, #tpu.memory_space<hbm>>) target(%dma_start3A_671 : memref<64x128xf32, #tpu.memory_space<vmem>>) offsets(%dma_start3A_673 : memref<64xi32, #tpu.memory_space<vmem>>) semaphore(%arg13 : memref<!tpu.dma_semaphore, #tpu.memory_space<semaphore_mem>>)
          %add3A_677 = arith.constant 4 : i32
          %add3A_678 = arith.addi %add3A_383, %add3A_677 : i32
          %jit3A_679 = arith.constant 2 : i32
          %div3A_680 = arith.divsi %add3A_678, %jit3A_679 : i32
          %sign3A_681 = arith.constant 0 : i32
          %sign3A_682 = arith.cmpi sgt, %add3A_678, %sign3A_681 : i32
          %sign3A_683 = arith.extui %sign3A_682 : i1 to i32
          %sign3A_684 = arith.constant 0 : i32
          %sign3A_685 = arith.cmpi slt, %add3A_678, %sign3A_684 : i32
          %sign3A_686 = arith.extui %sign3A_685 : i1 to i32
          %sign3A_687 = arith.subi %sign3A_683, %sign3A_686 : i32
          %sign3A_688 = arith.constant 0 : i32
          %sign3A_689 = arith.cmpi sgt, %jit3A_679, %sign3A_688 : i32
          %sign3A_690 = arith.extui %sign3A_689 : i1 to i32
          %sign3A_691 = arith.constant 0 : i32
          %sign3A_692 = arith.cmpi slt, %jit3A_679, %sign3A_691 : i32
          %sign3A_693 = arith.extui %sign3A_692 : i1 to i32
          %sign3A_694 = arith.subi %sign3A_690, %sign3A_693 : i32
          %ne3A_695 = arith.cmpi ne, %sign3A_687, %sign3A_694 : i32
          %rem3A_696 = arith.remsi %add3A_678, %jit3A_679 : i32
          %ne3A_697 = arith.constant 0 : i32
          %ne3A_698 = arith.cmpi ne, %rem3A_696, %ne3A_697 : i32
          %and3A_699 = arith.andi %ne3A_695, %ne3A_698 : i1
          %sub3A_700 = arith.constant 1 : i32
          %sub3A_701 = arith.subi %div3A_680, %sub3A_700 : i32
          %select_n3A_702 = arith.select %and3A_699, %sub3A_701, %div3A_680 : i32
          %add3A_703 = arith.addi %multiple_of3A_30, %select_n3A_702 : i32
          %jit3A_704 = arith.constant 2 : i32
          %eq3A_705 = arith.constant 0 : i32
          %eq3A_706 = arith.cmpi eq, %jit3A_704, %eq3A_705 : i32
          %jit3A_707 = arith.constant 1 : i32
          %select_n3A_708 = arith.select %eq3A_706, %jit3A_707, %jit3A_704 : i32
          %rem3A_709 = arith.remsi %add3A_678, %select_n3A_708 : i32
          %ne3A_710 = arith.constant 0 : i32
          %ne3A_711 = arith.cmpi ne, %rem3A_709, %ne3A_710 : i32
          %lt3A_712 = arith.constant 0 : i32
          %lt3A_713 = arith.cmpi slt, %rem3A_709, %lt3A_712 : i32
          %lt3A_714 = arith.constant 0 : i32
          %lt3A_715 = arith.cmpi slt, %select_n3A_708, %lt3A_714 : i32
          %ne3A_716 = arith.xori %lt3A_713, %lt3A_715 : i1
          %and3A_717 = arith.andi %ne3A_716, %ne3A_711 : i1
          %add3A_718 = arith.addi %rem3A_709, %select_n3A_708 : i32
          %select_n3A_719 = arith.select %and3A_717, %add3A_718, %rem3A_709 : i32
          %mul3A_720 = arith.constant 64 : i32
          %mul3A_721 = arith.muli %select_n3A_719, %mul3A_720 : i32
          %multiple_of3A_722 = tpu.assume_multiple %mul3A_721, 8 : i32
          %dma_start3A_723 = arith.constant 2 : i32
          %dma_start3A_724 = arith.constant 0 : i32
          %dma_start3A_725 = tpu.memref_slice %arg10[%dma_start3A_723, %dma_start3A_724] : memref<4x64xi32, #tpu.memory_space<vmem>> -> memref<1x64xi32, #tpu.memory_space<vmem>>
          %dma_start3A_726 = tpu.memref_squeeze %dma_start3A_725 : memref<1x64xi32, #tpu.memory_space<vmem>> -> memref<64xi32, #tpu.memory_space<vmem>>
          %dma_start3A_727 = tpu.memref_slice %arg4[%add3A_703, %multiple_of3A_722] : memref<2560x128xi32, #tpu.memory_space<hbm>> -> memref<1x64xi32, #tpu.memory_space<hbm>>
          %dma_start3A_728 = tpu.memref_squeeze %dma_start3A_727 : memref<1x64xi32, #tpu.memory_space<hbm>> -> memref<64xi32, #tpu.memory_space<hbm>>
          %dma_start3A_729 = arith.constant 0 : i32
          %dma_start3A_730 = tpu.memref_slice %arg10[%dma_start3A_723, %dma_start3A_729] : memref<4x64xi32, #tpu.memory_space<vmem>> -> memref<1x64xi32, #tpu.memory_space<vmem>>
          %dma_start3A_731 = tpu.memref_squeeze %dma_start3A_730 : memref<1x64xi32, #tpu.memory_space<vmem>> -> memref<64xi32, #tpu.memory_space<vmem>>
          %dma_start3A_732 = tpu.memref_slice %arg4[%add3A_703, %multiple_of3A_722] : memref<2560x128xi32, #tpu.memory_space<hbm>> -> memref<1x64xi32, #tpu.memory_space<hbm>>
          %dma_start3A_733 = tpu.memref_squeeze %dma_start3A_732 : memref<1x64xi32, #tpu.memory_space<hbm>> -> memref<64xi32, #tpu.memory_space<hbm>>
          tpu.enqueue_dma source(%dma_start3A_733 : memref<64xi32, #tpu.memory_space<hbm>>) target(%dma_start3A_731 : memref<64xi32, #tpu.memory_space<vmem>>) target_semaphore(%arg17 : memref<!tpu.dma_semaphore, #tpu.memory_space<semaphore_mem>>)
        } else {
        }
        %mul3A_501 = arith.constant 4 : i32
        %mul3A_502 = arith.muli %scan3A_146, %mul3A_501 : i32
        %add3A_503 = arith.constant 3 : i32
        %add3A_504 = arith.addi %mul3A_502, %add3A_503 : i32
        %jit3A_505 = arith.constant 2 : i32
        %div3A_506 = arith.divsi %add3A_504, %jit3A_505 : i32
        %sign3A_507 = arith.constant 0 : i32
        %sign3A_508 = arith.cmpi sgt, %add3A_504, %sign3A_507 : i32
        %sign3A_509 = arith.extui %sign3A_508 : i1 to i32
        %sign3A_510 = arith.constant 0 : i32
        %sign3A_511 = arith.cmpi slt, %add3A_504, %sign3A_510 : i32
        %sign3A_512 = arith.extui %sign3A_511 : i1 to i32
        %sign3A_513 = arith.subi %sign3A_509, %sign3A_512 : i32
        %sign3A_514 = arith.constant 0 : i32
        %sign3A_515 = arith.cmpi sgt, %jit3A_505, %sign3A_514 : i32
        %sign3A_516 = arith.extui %sign3A_515 : i1 to i32
        %sign3A_517 = arith.constant 0 : i32
        %sign3A_518 = arith.cmpi slt, %jit3A_505, %sign3A_517 : i32
        %sign3A_519 = arith.extui %sign3A_518 : i1 to i32
        %sign3A_520 = arith.subi %sign3A_516, %sign3A_519 : i32
        %ne3A_521 = arith.cmpi ne, %sign3A_513, %sign3A_520 : i32
        %rem3A_522 = arith.remsi %add3A_504, %jit3A_505 : i32
        %ne3A_523 = arith.constant 0 : i32
        %ne3A_524 = arith.cmpi ne, %rem3A_522, %ne3A_523 : i32
        %and3A_525 = arith.andi %ne3A_521, %ne3A_524 : i1
        %sub3A_526 = arith.constant 1 : i32
        %sub3A_527 = arith.subi %div3A_506, %sub3A_526 : i32
        %select_n3A_528 = arith.select %and3A_525, %sub3A_527, %div3A_506 : i32
        %jit3A_529 = arith.constant 2 : i32
        %eq3A_530 = arith.constant 0 : i32
        %eq3A_531 = arith.cmpi eq, %jit3A_529, %eq3A_530 : i32
        %jit3A_532 = arith.constant 1 : i32
        %select_n3A_533 = arith.select %eq3A_531, %jit3A_532, %jit3A_529 : i32
        %rem3A_534 = arith.remsi %add3A_504, %select_n3A_533 : i32
        %ne3A_535 = arith.constant 0 : i32
        %ne3A_536 = arith.cmpi ne, %rem3A_534, %ne3A_535 : i32
        %lt3A_537 = arith.constant 0 : i32
        %lt3A_538 = arith.cmpi slt, %rem3A_534, %lt3A_537 : i32
        %lt3A_539 = arith.constant 0 : i32
        %lt3A_540 = arith.cmpi slt, %select_n3A_533, %lt3A_539 : i32
        %ne3A_541 = arith.xori %lt3A_538, %lt3A_540 : i1
        %and3A_542 = arith.andi %ne3A_541, %ne3A_536 : i1
        %add3A_543 = arith.addi %rem3A_534, %select_n3A_533 : i32
        %select_n3A_544 = arith.select %and3A_542, %add3A_543, %rem3A_534 : i32
        %mul3A_545 = arith.constant 64 : i32
        %mul3A_546 = arith.muli %select_n3A_544, %mul3A_545 : i32
        %multiple_of3A_547 = tpu.assume_multiple %mul3A_546, 8 : i32
        %dma_wait3A_548 = arith.constant 3 : i32
        %dma_wait3A_549 = arith.constant 0 : i32
        %dma_wait3A_550 = arith.constant 0 : i32
        %dma_wait3A_551 = tpu.memref_slice %arg8[%dma_wait3A_548, %dma_wait3A_549, %dma_wait3A_550] : memref<4x64x128xf32, #tpu.memory_space<vmem>> -> memref<1x64x128xf32, #tpu.memory_space<vmem>>
        %dma_wait3A_552 = tpu.memref_squeeze %dma_wait3A_551 : memref<1x64x128xf32, #tpu.memory_space<vmem>> -> memref<64x128xf32, #tpu.memory_space<vmem>>
        %dma_wait3A_553 = tpu.memref_slice %arg9[%select_n3A_528, %multiple_of3A_547] : memref<80x128xi32, #tpu.memory_space<vmem>> -> memref<1x64xi32, #tpu.memory_space<vmem>>
        %dma_wait3A_554 = tpu.memref_squeeze %dma_wait3A_553 : memref<1x64xi32, #tpu.memory_space<vmem>> -> memref<64xi32, #tpu.memory_space<vmem>>
        %dma_wait3A_555 = arith.constant 0 : i32
        %dma_wait3A_556 = arith.constant 0 : i32
        %dma_wait3A_557 = tpu.memref_slice %arg2[%dma_wait3A_555, %dma_wait3A_556] : memref<10000x128xf32, #tpu.memory_space<hbm>> -> memref<10000x128xf32, #tpu.memory_space<hbm>>
        tpu.wait_indirect_dma semaphore(%arg14 : memref<!tpu.dma_semaphore, #tpu.memory_space<semaphore_mem>>) src(%dma_wait3A_557 : memref<10000x128xf32, #tpu.memory_space<hbm>>) dst(%dma_wait3A_552 : memref<64x128xf32, #tpu.memory_space<vmem>>)
        %jit3A_558 = arith.constant 2 : i32
        %div3A_559 = arith.divsi %add3A_504, %jit3A_558 : i32
        %sign3A_560 = arith.constant 0 : i32
        %sign3A_561 = arith.cmpi sgt, %add3A_504, %sign3A_560 : i32
        %sign3A_562 = arith.extui %sign3A_561 : i1 to i32
        %sign3A_563 = arith.constant 0 : i32
        %sign3A_564 = arith.cmpi slt, %add3A_504, %sign3A_563 : i32
        %sign3A_565 = arith.extui %sign3A_564 : i1 to i32
        %sign3A_566 = arith.subi %sign3A_562, %sign3A_565 : i32
        %sign3A_567 = arith.constant 0 : i32
        %sign3A_568 = arith.cmpi sgt, %jit3A_558, %sign3A_567 : i32
        %sign3A_569 = arith.extui %sign3A_568 : i1 to i32
        %sign3A_570 = arith.constant 0 : i32
        %sign3A_571 = arith.cmpi slt, %jit3A_558, %sign3A_570 : i32
        %sign3A_572 = arith.extui %sign3A_571 : i1 to i32
        %sign3A_573 = arith.subi %sign3A_569, %sign3A_572 : i32
        %ne3A_574 = arith.cmpi ne, %sign3A_566, %sign3A_573 : i32
        %rem3A_575 = arith.remsi %add3A_504, %jit3A_558 : i32
        %ne3A_576 = arith.constant 0 : i32
        %ne3A_577 = arith.cmpi ne, %rem3A_575, %ne3A_576 : i32
        %and3A_578 = arith.andi %ne3A_574, %ne3A_577 : i1
        %sub3A_579 = arith.constant 1 : i32
        %sub3A_580 = arith.subi %div3A_559, %sub3A_579 : i32
        %select_n3A_581 = arith.select %and3A_578, %sub3A_580, %div3A_559 : i32
        %add3A_582 = arith.addi %multiple_of3A_30, %select_n3A_581 : i32
        %jit3A_583 = arith.constant 2 : i32
        %eq3A_584 = arith.constant 0 : i32
        %eq3A_585 = arith.cmpi eq, %jit3A_583, %eq3A_584 : i32
        %jit3A_586 = arith.constant 1 : i32
        %select_n3A_587 = arith.select %eq3A_585, %jit3A_586, %jit3A_583 : i32
        %rem3A_588 = arith.remsi %add3A_504, %select_n3A_587 : i32
        %ne3A_589 = arith.constant 0 : i32
        %ne3A_590 = arith.cmpi ne, %rem3A_588, %ne3A_589 : i32
        %lt3A_591 = arith.constant 0 : i32
        %lt3A_592 = arith.cmpi slt, %rem3A_588, %lt3A_591 : i32
        %lt3A_593 = arith.constant 0 : i32
        %lt3A_594 = arith.cmpi slt, %select_n3A_587, %lt3A_593 : i32
        %ne3A_595 = arith.xori %lt3A_592, %lt3A_594 : i1
        %and3A_596 = arith.andi %ne3A_595, %ne3A_590 : i1
        %add3A_597 = arith.addi %rem3A_588, %select_n3A_587 : i32
        %select_n3A_598 = arith.select %and3A_596, %add3A_597, %rem3A_588 : i32
        %mul3A_599 = arith.constant 64 : i32
        %mul3A_600 = arith.muli %select_n3A_598, %mul3A_599 : i32
        %multiple_of3A_601 = tpu.assume_multiple %mul3A_600, 8 : i32
        %dma_wait3A_602 = arith.constant 3 : i32
        %dma_wait3A_603 = arith.constant 0 : i32
        %dma_wait3A_604 = tpu.memref_slice %arg10[%dma_wait3A_602, %dma_wait3A_603] : memref<4x64xi32, #tpu.memory_space<vmem>> -> memref<1x64xi32, #tpu.memory_space<vmem>>
        %dma_wait3A_605 = tpu.memref_squeeze %dma_wait3A_604 : memref<1x64xi32, #tpu.memory_space<vmem>> -> memref<64xi32, #tpu.memory_space<vmem>>
        %dma_wait3A_606 = tpu.memref_slice %arg4[%add3A_582, %multiple_of3A_601] : memref<2560x128xi32, #tpu.memory_space<hbm>> -> memref<1x64xi32, #tpu.memory_space<hbm>>
        %dma_wait3A_607 = tpu.memref_squeeze %dma_wait3A_606 : memref<1x64xi32, #tpu.memory_space<hbm>> -> memref<64xi32, #tpu.memory_space<hbm>>
        %dma_wait3A_608 = arith.constant 0 : i32
        %dma_wait3A_609 = tpu.memref_slice %arg10[%dma_wait3A_602, %dma_wait3A_608] : memref<4x64xi32, #tpu.memory_space<vmem>> -> memref<1x64xi32, #tpu.memory_space<vmem>>
        %dma_wait3A_610 = tpu.memref_squeeze %dma_wait3A_609 : memref<1x64xi32, #tpu.memory_space<vmem>> -> memref<64xi32, #tpu.memory_space<vmem>>
        %dma_wait3A_611 = tpu.memref_slice %arg4[%add3A_582, %multiple_of3A_601] : memref<2560x128xi32, #tpu.memory_space<hbm>> -> memref<1x64xi32, #tpu.memory_space<hbm>>
        %dma_wait3A_612 = tpu.memref_squeeze %dma_wait3A_611 : memref<1x64xi32, #tpu.memory_space<hbm>> -> memref<64xi32, #tpu.memory_space<hbm>>
        tpu.wait_dma2 semaphore(%arg18 : memref<!tpu.dma_semaphore, #tpu.memory_space<semaphore_mem>>) src(%dma_wait3A_612 : memref<64xi32, #tpu.memory_space<hbm>>) dst(%dma_wait3A_610 : memref<64xi32, #tpu.memory_space<vmem>>)
        %run_scoped3A_613 = arith.constant 3 : i32
        %run_scoped3A_614 = arith.constant 3 : i32
        "tpu.region"() ({
          %run_scoped3A_622 = tpu.sem_alloc : memref<!tpu.dma_semaphore, #tpu.memory_space<semaphore_mem>>
          %dma_start3A_623 = arith.constant 0 : i32
          %dma_start3A_624 = arith.constant 0 : i32
          %dma_start3A_625 = tpu.memref_slice %arg8[%run_scoped3A_613, %dma_start3A_623, %dma_start3A_624] : memref<4x64x128xf32, #tpu.memory_space<vmem>> -> memref<1x64x128xf32, #tpu.memory_space<vmem>>
          %dma_start3A_626 = tpu.memref_squeeze %dma_start3A_625 : memref<1x64x128xf32, #tpu.memory_space<vmem>> -> memref<64x128xf32, #tpu.memory_space<vmem>>
          %dma_start3A_627 = arith.constant 0 : i32
          %dma_start3A_628 = tpu.memref_slice %arg10[%run_scoped3A_614, %dma_start3A_627] : memref<4x64xi32, #tpu.memory_space<vmem>> -> memref<1x64xi32, #tpu.memory_space<vmem>>
          %dma_start3A_629 = tpu.memref_squeeze %dma_start3A_628 : memref<1x64xi32, #tpu.memory_space<vmem>> -> memref<64xi32, #tpu.memory_space<vmem>>
          %dma_start3A_630 = arith.constant 0 : i32
          %dma_start3A_631 = arith.constant 0 : i32
          %dma_start3A_632 = tpu.memref_slice %arg7[%dma_start3A_630, %dma_start3A_631] : memref<10112x128xf32, #tpu.memory_space<vmem_shared>> -> memref<10112x128xf32, #tpu.memory_space<vmem_shared>>
          tpu.enqueue_indirect_dma source(%dma_start3A_626 : memref<64x128xf32, #tpu.memory_space<vmem>>) target(%dma_start3A_632 : memref<10112x128xf32, #tpu.memory_space<vmem_shared>>) offsets(%dma_start3A_629 : memref<64xi32, #tpu.memory_space<vmem>>) semaphore(%run_scoped3A_622 : memref<!tpu.dma_semaphore, #tpu.memory_space<semaphore_mem>>) {add = true}
          %dma_wait3A_633 = arith.constant 0 : i32
          %dma_wait3A_634 = arith.constant 0 : i32
          %dma_wait3A_635 = tpu.memref_slice %arg8[%run_scoped3A_613, %dma_wait3A_633, %dma_wait3A_634] : memref<4x64x128xf32, #tpu.memory_space<vmem>> -> memref<1x64x128xf32, #tpu.memory_space<vmem>>
          %dma_wait3A_636 = tpu.memref_squeeze %dma_wait3A_635 : memref<1x64x128xf32, #tpu.memory_space<vmem>> -> memref<64x128xf32, #tpu.memory_space<vmem>>
          %dma_wait3A_637 = arith.constant 0 : i32
          %dma_wait3A_638 = tpu.memref_slice %arg10[%run_scoped3A_614, %dma_wait3A_637] : memref<4x64xi32, #tpu.memory_space<vmem>> -> memref<1x64xi32, #tpu.memory_space<vmem>>
          %dma_wait3A_639 = tpu.memref_squeeze %dma_wait3A_638 : memref<1x64xi32, #tpu.memory_space<vmem>> -> memref<64xi32, #tpu.memory_space<vmem>>
          %dma_wait3A_640 = arith.constant 0 : i32
          %dma_wait3A_641 = arith.constant 0 : i32
          %dma_wait3A_642 = tpu.memref_slice %arg7[%dma_wait3A_640, %dma_wait3A_641] : memref<10112x128xf32, #tpu.memory_space<vmem_shared>> -> memref<10112x128xf32, #tpu.memory_space<vmem_shared>>
          tpu.wait_indirect_dma semaphore(%run_scoped3A_622 : memref<!tpu.dma_semaphore, #tpu.memory_space<semaphore_mem>>) src(%dma_wait3A_636 : memref<64x128xf32, #tpu.memory_space<vmem>>) dst(%dma_wait3A_642 : memref<10112x128xf32, #tpu.memory_space<vmem_shared>>)
          tpu.yield
        }) : () -> ()
        %add3A_615 = arith.constant 4 : i32
        %add3A_616 = arith.addi %add3A_504, %add3A_615 : i32
        %lt3A_617 = arith.constant 160 : i32
        %lt3A_618 = arith.cmpi slt, %add3A_616, %lt3A_617 : i32
        %convert_element_type3A_619 = arith.extui %lt3A_618 : i1 to i32
        %cond3A_620 = arith.constant 0 : i32
        %cond3A_621 = arith.cmpi ne, %convert_element_type3A_619, %cond3A_620 : i32
        scf.if %cond3A_621 {
          %add3A_622 = arith.constant 4 : i32
          %add3A_623 = arith.addi %add3A_504, %add3A_622 : i32
          %jit3A_624 = arith.constant 2 : i32
          %div3A_625 = arith.divsi %add3A_623, %jit3A_624 : i32
          %sign3A_626 = arith.constant 0 : i32
          %sign3A_627 = arith.cmpi sgt, %add3A_623, %sign3A_626 : i32
          %sign3A_628 = arith.extui %sign3A_627 : i1 to i32
          %sign3A_629 = arith.constant 0 : i32
          %sign3A_630 = arith.cmpi slt, %add3A_623, %sign3A_629 : i32
          %sign3A_631 = arith.extui %sign3A_630 : i1 to i32
          %sign3A_632 = arith.subi %sign3A_628, %sign3A_631 : i32
          %sign3A_633 = arith.constant 0 : i32
          %sign3A_634 = arith.cmpi sgt, %jit3A_624, %sign3A_633 : i32
          %sign3A_635 = arith.extui %sign3A_634 : i1 to i32
          %sign3A_636 = arith.constant 0 : i32
          %sign3A_637 = arith.cmpi slt, %jit3A_624, %sign3A_636 : i32
          %sign3A_638 = arith.extui %sign3A_637 : i1 to i32
          %sign3A_639 = arith.subi %sign3A_635, %sign3A_638 : i32
          %ne3A_640 = arith.cmpi ne, %sign3A_632, %sign3A_639 : i32
          %rem3A_641 = arith.remsi %add3A_623, %jit3A_624 : i32
          %ne3A_642 = arith.constant 0 : i32
          %ne3A_643 = arith.cmpi ne, %rem3A_641, %ne3A_642 : i32
          %and3A_644 = arith.andi %ne3A_640, %ne3A_643 : i1
          %sub3A_645 = arith.constant 1 : i32
          %sub3A_646 = arith.subi %div3A_625, %sub3A_645 : i32
          %select_n3A_647 = arith.select %and3A_644, %sub3A_646, %div3A_625 : i32
          %jit3A_648 = arith.constant 2 : i32
          %eq3A_649 = arith.constant 0 : i32
          %eq3A_650 = arith.cmpi eq, %jit3A_648, %eq3A_649 : i32
          %jit3A_651 = arith.constant 1 : i32
          %select_n3A_652 = arith.select %eq3A_650, %jit3A_651, %jit3A_648 : i32
          %rem3A_653 = arith.remsi %add3A_623, %select_n3A_652 : i32
          %ne3A_654 = arith.constant 0 : i32
          %ne3A_655 = arith.cmpi ne, %rem3A_653, %ne3A_654 : i32
          %lt3A_656 = arith.constant 0 : i32
          %lt3A_657 = arith.cmpi slt, %rem3A_653, %lt3A_656 : i32
          %lt3A_658 = arith.constant 0 : i32
          %lt3A_659 = arith.cmpi slt, %select_n3A_652, %lt3A_658 : i32
          %ne3A_660 = arith.xori %lt3A_657, %lt3A_659 : i1
          %and3A_661 = arith.andi %ne3A_660, %ne3A_655 : i1
          %add3A_662 = arith.addi %rem3A_653, %select_n3A_652 : i32
          %select_n3A_663 = arith.select %and3A_661, %add3A_662, %rem3A_653 : i32
          %mul3A_664 = arith.constant 64 : i32
          %mul3A_665 = arith.muli %select_n3A_663, %mul3A_664 : i32
          %multiple_of3A_666 = tpu.assume_multiple %mul3A_665, 8 : i32
          %dma_start3A_667 = arith.constant 3 : i32
          %dma_start3A_668 = arith.constant 0 : i32
          %dma_start3A_669 = arith.constant 0 : i32
          %dma_start3A_670 = tpu.memref_slice %arg8[%dma_start3A_667, %dma_start3A_668, %dma_start3A_669] : memref<4x64x128xf32, #tpu.memory_space<vmem>> -> memref<1x64x128xf32, #tpu.memory_space<vmem>>
          %dma_start3A_671 = tpu.memref_squeeze %dma_start3A_670 : memref<1x64x128xf32, #tpu.memory_space<vmem>> -> memref<64x128xf32, #tpu.memory_space<vmem>>
          %dma_start3A_672 = tpu.memref_slice %arg9[%select_n3A_647, %multiple_of3A_666] : memref<80x128xi32, #tpu.memory_space<vmem>> -> memref<1x64xi32, #tpu.memory_space<vmem>>
          %dma_start3A_673 = tpu.memref_squeeze %dma_start3A_672 : memref<1x64xi32, #tpu.memory_space<vmem>> -> memref<64xi32, #tpu.memory_space<vmem>>
          %dma_start3A_674 = arith.constant 0 : i32
          %dma_start3A_675 = arith.constant 0 : i32
          %dma_start3A_676 = tpu.memref_slice %arg2[%dma_start3A_674, %dma_start3A_675] : memref<10000x128xf32, #tpu.memory_space<hbm>> -> memref<10000x128xf32, #tpu.memory_space<hbm>>
          tpu.enqueue_indirect_dma source(%dma_start3A_676 : memref<10000x128xf32, #tpu.memory_space<hbm>>) target(%dma_start3A_671 : memref<64x128xf32, #tpu.memory_space<vmem>>) offsets(%dma_start3A_673 : memref<64xi32, #tpu.memory_space<vmem>>) semaphore(%arg14 : memref<!tpu.dma_semaphore, #tpu.memory_space<semaphore_mem>>)
          %add3A_677 = arith.constant 4 : i32
          %add3A_678 = arith.addi %add3A_504, %add3A_677 : i32
          %jit3A_679 = arith.constant 2 : i32
          %div3A_680 = arith.divsi %add3A_678, %jit3A_679 : i32
          %sign3A_681 = arith.constant 0 : i32
          %sign3A_682 = arith.cmpi sgt, %add3A_678, %sign3A_681 : i32
          %sign3A_683 = arith.extui %sign3A_682 : i1 to i32
          %sign3A_684 = arith.constant 0 : i32
          %sign3A_685 = arith.cmpi slt, %add3A_678, %sign3A_684 : i32
          %sign3A_686 = arith.extui %sign3A_685 : i1 to i32
          %sign3A_687 = arith.subi %sign3A_683, %sign3A_686 : i32
          %sign3A_688 = arith.constant 0 : i32
          %sign3A_689 = arith.cmpi sgt, %jit3A_679, %sign3A_688 : i32
          %sign3A_690 = arith.extui %sign3A_689 : i1 to i32
          %sign3A_691 = arith.constant 0 : i32
          %sign3A_692 = arith.cmpi slt, %jit3A_679, %sign3A_691 : i32
          %sign3A_693 = arith.extui %sign3A_692 : i1 to i32
          %sign3A_694 = arith.subi %sign3A_690, %sign3A_693 : i32
          %ne3A_695 = arith.cmpi ne, %sign3A_687, %sign3A_694 : i32
          %rem3A_696 = arith.remsi %add3A_678, %jit3A_679 : i32
          %ne3A_697 = arith.constant 0 : i32
          %ne3A_698 = arith.cmpi ne, %rem3A_696, %ne3A_697 : i32
          %and3A_699 = arith.andi %ne3A_695, %ne3A_698 : i1
          %sub3A_700 = arith.constant 1 : i32
          %sub3A_701 = arith.subi %div3A_680, %sub3A_700 : i32
          %select_n3A_702 = arith.select %and3A_699, %sub3A_701, %div3A_680 : i32
          %add3A_703 = arith.addi %multiple_of3A_30, %select_n3A_702 : i32
          %jit3A_704 = arith.constant 2 : i32
          %eq3A_705 = arith.constant 0 : i32
          %eq3A_706 = arith.cmpi eq, %jit3A_704, %eq3A_705 : i32
          %jit3A_707 = arith.constant 1 : i32
          %select_n3A_708 = arith.select %eq3A_706, %jit3A_707, %jit3A_704 : i32
          %rem3A_709 = arith.remsi %add3A_678, %select_n3A_708 : i32
          %ne3A_710 = arith.constant 0 : i32
          %ne3A_711 = arith.cmpi ne, %rem3A_709, %ne3A_710 : i32
          %lt3A_712 = arith.constant 0 : i32
          %lt3A_713 = arith.cmpi slt, %rem3A_709, %lt3A_712 : i32
          %lt3A_714 = arith.constant 0 : i32
          %lt3A_715 = arith.cmpi slt, %select_n3A_708, %lt3A_714 : i32
          %ne3A_716 = arith.xori %lt3A_713, %lt3A_715 : i1
          %and3A_717 = arith.andi %ne3A_716, %ne3A_711 : i1
          %add3A_718 = arith.addi %rem3A_709, %select_n3A_708 : i32
          %select_n3A_719 = arith.select %and3A_717, %add3A_718, %rem3A_709 : i32
          %mul3A_720 = arith.constant 64 : i32
          %mul3A_721 = arith.muli %select_n3A_719, %mul3A_720 : i32
          %multiple_of3A_722 = tpu.assume_multiple %mul3A_721, 8 : i32
          %dma_start3A_723 = arith.constant 3 : i32
          %dma_start3A_724 = arith.constant 0 : i32
          %dma_start3A_725 = tpu.memref_slice %arg10[%dma_start3A_723, %dma_start3A_724] : memref<4x64xi32, #tpu.memory_space<vmem>> -> memref<1x64xi32, #tpu.memory_space<vmem>>
          %dma_start3A_726 = tpu.memref_squeeze %dma_start3A_725 : memref<1x64xi32, #tpu.memory_space<vmem>> -> memref<64xi32, #tpu.memory_space<vmem>>
          %dma_start3A_727 = tpu.memref_slice %arg4[%add3A_703, %multiple_of3A_722] : memref<2560x128xi32, #tpu.memory_space<hbm>> -> memref<1x64xi32, #tpu.memory_space<hbm>>
          %dma_start3A_728 = tpu.memref_squeeze %dma_start3A_727 : memref<1x64xi32, #tpu.memory_space<hbm>> -> memref<64xi32, #tpu.memory_space<hbm>>
          %dma_start3A_729 = arith.constant 0 : i32
          %dma_start3A_730 = tpu.memref_slice %arg10[%dma_start3A_723, %dma_start3A_729] : memref<4x64xi32, #tpu.memory_space<vmem>> -> memref<1x64xi32, #tpu.memory_space<vmem>>
          %dma_start3A_731 = tpu.memref_squeeze %dma_start3A_730 : memref<1x64xi32, #tpu.memory_space<vmem>> -> memref<64xi32, #tpu.memory_space<vmem>>
          %dma_start3A_732 = tpu.memref_slice %arg4[%add3A_703, %multiple_of3A_722] : memref<2560x128xi32, #tpu.memory_space<hbm>> -> memref<1x64xi32, #tpu.memory_space<hbm>>
          %dma_start3A_733 = tpu.memref_squeeze %dma_start3A_732 : memref<1x64xi32, #tpu.memory_space<hbm>> -> memref<64xi32, #tpu.memory_space<hbm>>
          tpu.enqueue_dma source(%dma_start3A_733 : memref<64xi32, #tpu.memory_space<hbm>>) target(%dma_start3A_731 : memref<64xi32, #tpu.memory_space<vmem>>) target_semaphore(%arg18 : memref<!tpu.dma_semaphore, #tpu.memory_space<semaphore_mem>>)
        } else {
        }
      }
      %scan3A_145 = arith.constant 40 : i32
    } else {
    }
    %eq3A_22 = arith.constant 1 : i32
    %eq3A_23 = arith.cmpi eq, %arg0, %eq3A_22 : i32
    %convert_element_type3A_24 = arith.extui %eq3A_23 : i1 to i32
    %cond3A_25 = arith.constant 0 : i32
    %cond3A_26 = arith.cmpi ne, %convert_element_type3A_24, %cond3A_25 : i32
    scf.if %cond3A_26 {
      %mul3A_28 = arith.constant 80 : i32
      %mul3A_29 = arith.muli %arg1, %mul3A_28 : i32
      %add3A = arith.constant 1280 : i32
      %add3A_30 = arith.addi %add3A, %mul3A_29 : i32
      %multiple_of3A_31 = tpu.assume_multiple %add3A_30, 8 : i32
      "tpu.region"() ({
        %run_scoped3A = tpu.sem_alloc : memref<!tpu.dma_semaphore, #tpu.memory_space<semaphore_mem>>
        %dma_start3A_148 = arith.constant 0 : i32
        %dma_start3A_149 = arith.constant 0 : i32
        %dma_start3A_150 = tpu.memref_slice %arg9[%dma_start3A_148, %dma_start3A_149] : memref<80x128xi32, #tpu.memory_space<vmem>> -> memref<80x128xi32, #tpu.memory_space<vmem>>
        %dma_start3A_151 = arith.constant 0 : i32
        %dma_start3A_152 = tpu.memref_slice %arg3[%multiple_of3A_31, %dma_start3A_151] : memref<2560x128xi32, #tpu.memory_space<hbm>> -> memref<80x128xi32, #tpu.memory_space<hbm>>
        %dma_start3A_153 = arith.constant 0 : i32
        %dma_start3A_154 = arith.constant 0 : i32
        %dma_start3A_155 = tpu.memref_slice %arg9[%dma_start3A_153, %dma_start3A_154] : memref<80x128xi32, #tpu.memory_space<vmem>> -> memref<80x128xi32, #tpu.memory_space<vmem>>
        %dma_start3A_156 = arith.constant 0 : i32
        %dma_start3A_157 = tpu.memref_slice %arg3[%multiple_of3A_31, %dma_start3A_156] : memref<2560x128xi32, #tpu.memory_space<hbm>> -> memref<80x128xi32, #tpu.memory_space<hbm>>
        tpu.enqueue_dma source(%dma_start3A_157 : memref<80x128xi32, #tpu.memory_space<hbm>>) target(%dma_start3A_155 : memref<80x128xi32, #tpu.memory_space<vmem>>) target_semaphore(%run_scoped3A : memref<!tpu.dma_semaphore, #tpu.memory_space<semaphore_mem>>)
        %dma_wait3A = arith.constant 0 : i32
        %dma_wait3A_158 = arith.constant 0 : i32
        %dma_wait3A_159 = tpu.memref_slice %arg9[%dma_wait3A, %dma_wait3A_158] : memref<80x128xi32, #tpu.memory_space<vmem>> -> memref<80x128xi32, #tpu.memory_space<vmem>>
        %dma_wait3A_160 = arith.constant 0 : i32
        %dma_wait3A_161 = tpu.memref_slice %arg3[%multiple_of3A_31, %dma_wait3A_160] : memref<2560x128xi32, #tpu.memory_space<hbm>> -> memref<80x128xi32, #tpu.memory_space<hbm>>
        %dma_wait3A_162 = arith.constant 0 : i32
        %dma_wait3A_163 = arith.constant 0 : i32
        %dma_wait3A_164 = tpu.memref_slice %arg9[%dma_wait3A_162, %dma_wait3A_163] : memref<80x128xi32, #tpu.memory_space<vmem>> -> memref<80x128xi32, #tpu.memory_space<vmem>>
        %dma_wait3A_165 = arith.constant 0 : i32
        %dma_wait3A_166 = tpu.memref_slice %arg3[%multiple_of3A_31, %dma_wait3A_165] : memref<2560x128xi32, #tpu.memory_space<hbm>> -> memref<80x128xi32, #tpu.memory_space<hbm>>
        tpu.wait_dma2 semaphore(%run_scoped3A : memref<!tpu.dma_semaphore, #tpu.memory_space<semaphore_mem>>) src(%dma_wait3A_166 : memref<80x128xi32, #tpu.memory_space<hbm>>) dst(%dma_wait3A_164 : memref<80x128xi32, #tpu.memory_space<vmem>>)
        tpu.yield
      }) : () -> ()
      %multiple_of3A_32 = arith.constant 0 : i32
      %multiple_of3A_33 = tpu.assume_multiple %multiple_of3A_32, 8 : i32
      %dma_start3A = arith.constant 0 : i32
      %dma_start3A_34 = arith.constant 0 : i32
      %dma_start3A_35 = arith.constant 0 : i32
      %dma_start3A_36 = arith.constant 0 : i32
      %dma_start3A_37 = tpu.memref_slice %arg8[%dma_start3A_34, %dma_start3A_35, %dma_start3A_36] : memref<4x64x128xf32, #tpu.memory_space<vmem>> -> memref<1x64x128xf32, #tpu.memory_space<vmem>>
      %dma_start3A_38 = tpu.memref_squeeze %dma_start3A_37 : memref<1x64x128xf32, #tpu.memory_space<vmem>> -> memref<64x128xf32, #tpu.memory_space<vmem>>
      %dma_start3A_39 = tpu.memref_slice %arg9[%dma_start3A, %multiple_of3A_33] : memref<80x128xi32, #tpu.memory_space<vmem>> -> memref<1x64xi32, #tpu.memory_space<vmem>>
      %dma_start3A_40 = tpu.memref_squeeze %dma_start3A_39 : memref<1x64xi32, #tpu.memory_space<vmem>> -> memref<64xi32, #tpu.memory_space<vmem>>
      %dma_start3A_41 = arith.constant 0 : i32
      %dma_start3A_42 = arith.constant 0 : i32
      %dma_start3A_43 = tpu.memref_slice %arg2[%dma_start3A_41, %dma_start3A_42] : memref<10000x128xf32, #tpu.memory_space<hbm>> -> memref<10000x128xf32, #tpu.memory_space<hbm>>
      tpu.enqueue_indirect_dma source(%dma_start3A_43 : memref<10000x128xf32, #tpu.memory_space<hbm>>) target(%dma_start3A_38 : memref<64x128xf32, #tpu.memory_space<vmem>>) offsets(%dma_start3A_40 : memref<64xi32, #tpu.memory_space<vmem>>) semaphore(%arg11 : memref<!tpu.dma_semaphore, #tpu.memory_space<semaphore_mem>>)
      %add3A_44 = arith.constant 0 : i32
      %add3A_45 = arith.addi %multiple_of3A_31, %add3A_44 : i32
      %multiple_of3A_46 = arith.constant 0 : i32
      %multiple_of3A_47 = tpu.assume_multiple %multiple_of3A_46, 8 : i32
      %dma_start3A_48 = arith.constant 0 : i32
      %dma_start3A_49 = arith.constant 0 : i32
      %dma_start3A_50 = tpu.memref_slice %arg10[%dma_start3A_48, %dma_start3A_49] : memref<4x64xi32, #tpu.memory_space<vmem>> -> memref<1x64xi32, #tpu.memory_space<vmem>>
      %dma_start3A_51 = tpu.memref_squeeze %dma_start3A_50 : memref<1x64xi32, #tpu.memory_space<vmem>> -> memref<64xi32, #tpu.memory_space<vmem>>
      %dma_start3A_52 = tpu.memref_slice %arg4[%add3A_45, %multiple_of3A_47] : memref<2560x128xi32, #tpu.memory_space<hbm>> -> memref<1x64xi32, #tpu.memory_space<hbm>>
      %dma_start3A_53 = tpu.memref_squeeze %dma_start3A_52 : memref<1x64xi32, #tpu.memory_space<hbm>> -> memref<64xi32, #tpu.memory_space<hbm>>
      %dma_start3A_54 = arith.constant 0 : i32
      %dma_start3A_55 = tpu.memref_slice %arg10[%dma_start3A_48, %dma_start3A_54] : memref<4x64xi32, #tpu.memory_space<vmem>> -> memref<1x64xi32, #tpu.memory_space<vmem>>
      %dma_start3A_56 = tpu.memref_squeeze %dma_start3A_55 : memref<1x64xi32, #tpu.memory_space<vmem>> -> memref<64xi32, #tpu.memory_space<vmem>>
      %dma_start3A_57 = tpu.memref_slice %arg4[%add3A_45, %multiple_of3A_47] : memref<2560x128xi32, #tpu.memory_space<hbm>> -> memref<1x64xi32, #tpu.memory_space<hbm>>
      %dma_start3A_58 = tpu.memref_squeeze %dma_start3A_57 : memref<1x64xi32, #tpu.memory_space<hbm>> -> memref<64xi32, #tpu.memory_space<hbm>>
      tpu.enqueue_dma source(%dma_start3A_58 : memref<64xi32, #tpu.memory_space<hbm>>) target(%dma_start3A_56 : memref<64xi32, #tpu.memory_space<vmem>>) target_semaphore(%arg15 : memref<!tpu.dma_semaphore, #tpu.memory_space<semaphore_mem>>)
      %multiple_of3A_59 = arith.constant 64 : i32
      %multiple_of3A_60 = tpu.assume_multiple %multiple_of3A_59, 8 : i32
      %dma_start3A_61 = arith.constant 0 : i32
      %dma_start3A_62 = arith.constant 1 : i32
      %dma_start3A_63 = arith.constant 0 : i32
      %dma_start3A_64 = arith.constant 0 : i32
      %dma_start3A_65 = tpu.memref_slice %arg8[%dma_start3A_62, %dma_start3A_63, %dma_start3A_64] : memref<4x64x128xf32, #tpu.memory_space<vmem>> -> memref<1x64x128xf32, #tpu.memory_space<vmem>>
      %dma_start3A_66 = tpu.memref_squeeze %dma_start3A_65 : memref<1x64x128xf32, #tpu.memory_space<vmem>> -> memref<64x128xf32, #tpu.memory_space<vmem>>
      %dma_start3A_67 = tpu.memref_slice %arg9[%dma_start3A_61, %multiple_of3A_60] : memref<80x128xi32, #tpu.memory_space<vmem>> -> memref<1x64xi32, #tpu.memory_space<vmem>>
      %dma_start3A_68 = tpu.memref_squeeze %dma_start3A_67 : memref<1x64xi32, #tpu.memory_space<vmem>> -> memref<64xi32, #tpu.memory_space<vmem>>
      %dma_start3A_69 = arith.constant 0 : i32
      %dma_start3A_70 = arith.constant 0 : i32
      %dma_start3A_71 = tpu.memref_slice %arg2[%dma_start3A_69, %dma_start3A_70] : memref<10000x128xf32, #tpu.memory_space<hbm>> -> memref<10000x128xf32, #tpu.memory_space<hbm>>
      tpu.enqueue_indirect_dma source(%dma_start3A_71 : memref<10000x128xf32, #tpu.memory_space<hbm>>) target(%dma_start3A_66 : memref<64x128xf32, #tpu.memory_space<vmem>>) offsets(%dma_start3A_68 : memref<64xi32, #tpu.memory_space<vmem>>) semaphore(%arg12 : memref<!tpu.dma_semaphore, #tpu.memory_space<semaphore_mem>>)
      %add3A_72 = arith.constant 0 : i32
      %add3A_73 = arith.addi %multiple_of3A_31, %add3A_72 : i32
      %multiple_of3A_74 = arith.constant 64 : i32
      %multiple_of3A_75 = tpu.assume_multiple %multiple_of3A_74, 8 : i32
      %dma_start3A_76 = arith.constant 1 : i32
      %dma_start3A_77 = arith.constant 0 : i32
      %dma_start3A_78 = tpu.memref_slice %arg10[%dma_start3A_76, %dma_start3A_77] : memref<4x64xi32, #tpu.memory_space<vmem>> -> memref<1x64xi32, #tpu.memory_space<vmem>>
      %dma_start3A_79 = tpu.memref_squeeze %dma_start3A_78 : memref<1x64xi32, #tpu.memory_space<vmem>> -> memref<64xi32, #tpu.memory_space<vmem>>
      %dma_start3A_80 = tpu.memref_slice %arg4[%add3A_73, %multiple_of3A_75] : memref<2560x128xi32, #tpu.memory_space<hbm>> -> memref<1x64xi32, #tpu.memory_space<hbm>>
      %dma_start3A_81 = tpu.memref_squeeze %dma_start3A_80 : memref<1x64xi32, #tpu.memory_space<hbm>> -> memref<64xi32, #tpu.memory_space<hbm>>
      %dma_start3A_82 = arith.constant 0 : i32
      %dma_start3A_83 = tpu.memref_slice %arg10[%dma_start3A_76, %dma_start3A_82] : memref<4x64xi32, #tpu.memory_space<vmem>> -> memref<1x64xi32, #tpu.memory_space<vmem>>
      %dma_start3A_84 = tpu.memref_squeeze %dma_start3A_83 : memref<1x64xi32, #tpu.memory_space<vmem>> -> memref<64xi32, #tpu.memory_space<vmem>>
      %dma_start3A_85 = tpu.memref_slice %arg4[%add3A_73, %multiple_of3A_75] : memref<2560x128xi32, #tpu.memory_space<hbm>> -> memref<1x64xi32, #tpu.memory_space<hbm>>
      %dma_start3A_86 = tpu.memref_squeeze %dma_start3A_85 : memref<1x64xi32, #tpu.memory_space<hbm>> -> memref<64xi32, #tpu.memory_space<hbm>>
      tpu.enqueue_dma source(%dma_start3A_86 : memref<64xi32, #tpu.memory_space<hbm>>) target(%dma_start3A_84 : memref<64xi32, #tpu.memory_space<vmem>>) target_semaphore(%arg16 : memref<!tpu.dma_semaphore, #tpu.memory_space<semaphore_mem>>)
      %multiple_of3A_87 = arith.constant 0 : i32
      %multiple_of3A_88 = tpu.assume_multiple %multiple_of3A_87, 8 : i32
      %dma_start3A_89 = arith.constant 1 : i32
      %dma_start3A_90 = arith.constant 2 : i32
      %dma_start3A_91 = arith.constant 0 : i32
      %dma_start3A_92 = arith.constant 0 : i32
      %dma_start3A_93 = tpu.memref_slice %arg8[%dma_start3A_90, %dma_start3A_91, %dma_start3A_92] : memref<4x64x128xf32, #tpu.memory_space<vmem>> -> memref<1x64x128xf32, #tpu.memory_space<vmem>>
      %dma_start3A_94 = tpu.memref_squeeze %dma_start3A_93 : memref<1x64x128xf32, #tpu.memory_space<vmem>> -> memref<64x128xf32, #tpu.memory_space<vmem>>
      %dma_start3A_95 = tpu.memref_slice %arg9[%dma_start3A_89, %multiple_of3A_88] : memref<80x128xi32, #tpu.memory_space<vmem>> -> memref<1x64xi32, #tpu.memory_space<vmem>>
      %dma_start3A_96 = tpu.memref_squeeze %dma_start3A_95 : memref<1x64xi32, #tpu.memory_space<vmem>> -> memref<64xi32, #tpu.memory_space<vmem>>
      %dma_start3A_97 = arith.constant 0 : i32
      %dma_start3A_98 = arith.constant 0 : i32
      %dma_start3A_99 = tpu.memref_slice %arg2[%dma_start3A_97, %dma_start3A_98] : memref<10000x128xf32, #tpu.memory_space<hbm>> -> memref<10000x128xf32, #tpu.memory_space<hbm>>
      tpu.enqueue_indirect_dma source(%dma_start3A_99 : memref<10000x128xf32, #tpu.memory_space<hbm>>) target(%dma_start3A_94 : memref<64x128xf32, #tpu.memory_space<vmem>>) offsets(%dma_start3A_96 : memref<64xi32, #tpu.memory_space<vmem>>) semaphore(%arg13 : memref<!tpu.dma_semaphore, #tpu.memory_space<semaphore_mem>>)
      %add3A_100 = arith.constant 1 : i32
      %add3A_101 = arith.addi %multiple_of3A_31, %add3A_100 : i32
      %multiple_of3A_102 = arith.constant 0 : i32
      %multiple_of3A_103 = tpu.assume_multiple %multiple_of3A_102, 8 : i32
      %dma_start3A_104 = arith.constant 2 : i32
      %dma_start3A_105 = arith.constant 0 : i32
      %dma_start3A_106 = tpu.memref_slice %arg10[%dma_start3A_104, %dma_start3A_105] : memref<4x64xi32, #tpu.memory_space<vmem>> -> memref<1x64xi32, #tpu.memory_space<vmem>>
      %dma_start3A_107 = tpu.memref_squeeze %dma_start3A_106 : memref<1x64xi32, #tpu.memory_space<vmem>> -> memref<64xi32, #tpu.memory_space<vmem>>
      %dma_start3A_108 = tpu.memref_slice %arg4[%add3A_101, %multiple_of3A_103] : memref<2560x128xi32, #tpu.memory_space<hbm>> -> memref<1x64xi32, #tpu.memory_space<hbm>>
      %dma_start3A_109 = tpu.memref_squeeze %dma_start3A_108 : memref<1x64xi32, #tpu.memory_space<hbm>> -> memref<64xi32, #tpu.memory_space<hbm>>
      %dma_start3A_110 = arith.constant 0 : i32
      %dma_start3A_111 = tpu.memref_slice %arg10[%dma_start3A_104, %dma_start3A_110] : memref<4x64xi32, #tpu.memory_space<vmem>> -> memref<1x64xi32, #tpu.memory_space<vmem>>
      %dma_start3A_112 = tpu.memref_squeeze %dma_start3A_111 : memref<1x64xi32, #tpu.memory_space<vmem>> -> memref<64xi32, #tpu.memory_space<vmem>>
      %dma_start3A_113 = tpu.memref_slice %arg4[%add3A_101, %multiple_of3A_103] : memref<2560x128xi32, #tpu.memory_space<hbm>> -> memref<1x64xi32, #tpu.memory_space<hbm>>
      %dma_start3A_114 = tpu.memref_squeeze %dma_start3A_113 : memref<1x64xi32, #tpu.memory_space<hbm>> -> memref<64xi32, #tpu.memory_space<hbm>>
      tpu.enqueue_dma source(%dma_start3A_114 : memref<64xi32, #tpu.memory_space<hbm>>) target(%dma_start3A_112 : memref<64xi32, #tpu.memory_space<vmem>>) target_semaphore(%arg17 : memref<!tpu.dma_semaphore, #tpu.memory_space<semaphore_mem>>)
      %multiple_of3A_115 = arith.constant 64 : i32
      %multiple_of3A_116 = tpu.assume_multiple %multiple_of3A_115, 8 : i32
      %dma_start3A_117 = arith.constant 1 : i32
      %dma_start3A_118 = arith.constant 3 : i32
      %dma_start3A_119 = arith.constant 0 : i32
      %dma_start3A_120 = arith.constant 0 : i32
      %dma_start3A_121 = tpu.memref_slice %arg8[%dma_start3A_118, %dma_start3A_119, %dma_start3A_120] : memref<4x64x128xf32, #tpu.memory_space<vmem>> -> memref<1x64x128xf32, #tpu.memory_space<vmem>>
      %dma_start3A_122 = tpu.memref_squeeze %dma_start3A_121 : memref<1x64x128xf32, #tpu.memory_space<vmem>> -> memref<64x128xf32, #tpu.memory_space<vmem>>
      %dma_start3A_123 = tpu.memref_slice %arg9[%dma_start3A_117, %multiple_of3A_116] : memref<80x128xi32, #tpu.memory_space<vmem>> -> memref<1x64xi32, #tpu.memory_space<vmem>>
      %dma_start3A_124 = tpu.memref_squeeze %dma_start3A_123 : memref<1x64xi32, #tpu.memory_space<vmem>> -> memref<64xi32, #tpu.memory_space<vmem>>
      %dma_start3A_125 = arith.constant 0 : i32
      %dma_start3A_126 = arith.constant 0 : i32
      %dma_start3A_127 = tpu.memref_slice %arg2[%dma_start3A_125, %dma_start3A_126] : memref<10000x128xf32, #tpu.memory_space<hbm>> -> memref<10000x128xf32, #tpu.memory_space<hbm>>
      tpu.enqueue_indirect_dma source(%dma_start3A_127 : memref<10000x128xf32, #tpu.memory_space<hbm>>) target(%dma_start3A_122 : memref<64x128xf32, #tpu.memory_space<vmem>>) offsets(%dma_start3A_124 : memref<64xi32, #tpu.memory_space<vmem>>) semaphore(%arg14 : memref<!tpu.dma_semaphore, #tpu.memory_space<semaphore_mem>>)
      %add3A_128 = arith.constant 1 : i32
      %add3A_129 = arith.addi %multiple_of3A_31, %add3A_128 : i32
      %multiple_of3A_130 = arith.constant 64 : i32
      %multiple_of3A_131 = tpu.assume_multiple %multiple_of3A_130, 8 : i32
      %dma_start3A_132 = arith.constant 3 : i32
      %dma_start3A_133 = arith.constant 0 : i32
      %dma_start3A_134 = tpu.memref_slice %arg10[%dma_start3A_132, %dma_start3A_133] : memref<4x64xi32, #tpu.memory_space<vmem>> -> memref<1x64xi32, #tpu.memory_space<vmem>>
      %dma_start3A_135 = tpu.memref_squeeze %dma_start3A_134 : memref<1x64xi32, #tpu.memory_space<vmem>> -> memref<64xi32, #tpu.memory_space<vmem>>
      %dma_start3A_136 = tpu.memref_slice %arg4[%add3A_129, %multiple_of3A_131] : memref<2560x128xi32, #tpu.memory_space<hbm>> -> memref<1x64xi32, #tpu.memory_space<hbm>>
      %dma_start3A_137 = tpu.memref_squeeze %dma_start3A_136 : memref<1x64xi32, #tpu.memory_space<hbm>> -> memref<64xi32, #tpu.memory_space<hbm>>
      %dma_start3A_138 = arith.constant 0 : i32
      %dma_start3A_139 = tpu.memref_slice %arg10[%dma_start3A_132, %dma_start3A_138] : memref<4x64xi32, #tpu.memory_space<vmem>> -> memref<1x64xi32, #tpu.memory_space<vmem>>
      %dma_start3A_140 = tpu.memref_squeeze %dma_start3A_139 : memref<1x64xi32, #tpu.memory_space<vmem>> -> memref<64xi32, #tpu.memory_space<vmem>>
      %dma_start3A_141 = tpu.memref_slice %arg4[%add3A_129, %multiple_of3A_131] : memref<2560x128xi32, #tpu.memory_space<hbm>> -> memref<1x64xi32, #tpu.memory_space<hbm>>
      %dma_start3A_142 = tpu.memref_squeeze %dma_start3A_141 : memref<1x64xi32, #tpu.memory_space<hbm>> -> memref<64xi32, #tpu.memory_space<hbm>>
      tpu.enqueue_dma source(%dma_start3A_142 : memref<64xi32, #tpu.memory_space<hbm>>) target(%dma_start3A_140 : memref<64xi32, #tpu.memory_space<vmem>>) target_semaphore(%arg18 : memref<!tpu.dma_semaphore, #tpu.memory_space<semaphore_mem>>)
      %scan3A = arith.constant 0 : i32
      %scan3A_143 = arith.constant 0 : i32
      %scan3A_144 = arith.constant 40 : i32
      %scan3A_145 = arith.addi %scan3A_143, %scan3A_144 : i32
      %scan3A_146 = arith.constant 1 : i32
      scf.for %scan3A_148 = %scan3A_143 to %scan3A_145 step %scan3A_146  : i32 {
        %mul3A_149 = arith.constant 4 : i32
        %mul3A_150 = arith.muli %scan3A_148, %mul3A_149 : i32
        %add3A_151 = arith.constant 0 : i32
        %add3A_152 = arith.addi %mul3A_150, %add3A_151 : i32
        %jit3A = arith.constant 2 : i32
        %div3A = arith.divsi %add3A_152, %jit3A : i32
        %sign3A = arith.constant 0 : i32
        %sign3A_153 = arith.cmpi sgt, %add3A_152, %sign3A : i32
        %sign3A_154 = arith.extui %sign3A_153 : i1 to i32
        %sign3A_155 = arith.constant 0 : i32
        %sign3A_156 = arith.cmpi slt, %add3A_152, %sign3A_155 : i32
        %sign3A_157 = arith.extui %sign3A_156 : i1 to i32
        %sign3A_158 = arith.subi %sign3A_154, %sign3A_157 : i32
        %sign3A_159 = arith.constant 0 : i32
        %sign3A_160 = arith.cmpi sgt, %jit3A, %sign3A_159 : i32
        %sign3A_161 = arith.extui %sign3A_160 : i1 to i32
        %sign3A_162 = arith.constant 0 : i32
        %sign3A_163 = arith.cmpi slt, %jit3A, %sign3A_162 : i32
        %sign3A_164 = arith.extui %sign3A_163 : i1 to i32
        %sign3A_165 = arith.subi %sign3A_161, %sign3A_164 : i32
        %ne3A = arith.cmpi ne, %sign3A_158, %sign3A_165 : i32
        %rem3A = arith.remsi %add3A_152, %jit3A : i32
        %ne3A_166 = arith.constant 0 : i32
        %ne3A_167 = arith.cmpi ne, %rem3A, %ne3A_166 : i32
        %and3A_168 = arith.andi %ne3A, %ne3A_167 : i1
        %sub3A = arith.constant 1 : i32
        %sub3A_169 = arith.subi %div3A, %sub3A : i32
        %select_n3A = arith.select %and3A_168, %sub3A_169, %div3A : i32
        %jit3A_170 = arith.constant 2 : i32
        %eq3A_171 = arith.constant 0 : i32
        %eq3A_172 = arith.cmpi eq, %jit3A_170, %eq3A_171 : i32
        %jit3A_173 = arith.constant 1 : i32
        %select_n3A_174 = arith.select %eq3A_172, %jit3A_173, %jit3A_170 : i32
        %rem3A_175 = arith.remsi %add3A_152, %select_n3A_174 : i32
        %ne3A_176 = arith.constant 0 : i32
        %ne3A_177 = arith.cmpi ne, %rem3A_175, %ne3A_176 : i32
        %lt3A_178 = arith.constant 0 : i32
        %lt3A_179 = arith.cmpi slt, %rem3A_175, %lt3A_178 : i32
        %lt3A_180 = arith.constant 0 : i32
        %lt3A_181 = arith.cmpi slt, %select_n3A_174, %lt3A_180 : i32
        %ne3A_182 = arith.xori %lt3A_179, %lt3A_181 : i1
        %and3A_183 = arith.andi %ne3A_182, %ne3A_177 : i1
        %add3A_184 = arith.addi %rem3A_175, %select_n3A_174 : i32
        %select_n3A_185 = arith.select %and3A_183, %add3A_184, %rem3A_175 : i32
        %mul3A_186 = arith.constant 64 : i32
        %mul3A_187 = arith.muli %select_n3A_185, %mul3A_186 : i32
        %multiple_of3A_188 = tpu.assume_multiple %mul3A_187, 8 : i32
        %dma_wait3A = arith.constant 0 : i32
        %dma_wait3A_189 = arith.constant 0 : i32
        %dma_wait3A_190 = arith.constant 0 : i32
        %dma_wait3A_191 = tpu.memref_slice %arg8[%dma_wait3A, %dma_wait3A_189, %dma_wait3A_190] : memref<4x64x128xf32, #tpu.memory_space<vmem>> -> memref<1x64x128xf32, #tpu.memory_space<vmem>>
        %dma_wait3A_192 = tpu.memref_squeeze %dma_wait3A_191 : memref<1x64x128xf32, #tpu.memory_space<vmem>> -> memref<64x128xf32, #tpu.memory_space<vmem>>
        %dma_wait3A_193 = tpu.memref_slice %arg9[%select_n3A, %multiple_of3A_188] : memref<80x128xi32, #tpu.memory_space<vmem>> -> memref<1x64xi32, #tpu.memory_space<vmem>>
        %dma_wait3A_194 = tpu.memref_squeeze %dma_wait3A_193 : memref<1x64xi32, #tpu.memory_space<vmem>> -> memref<64xi32, #tpu.memory_space<vmem>>
        %dma_wait3A_195 = arith.constant 0 : i32
        %dma_wait3A_196 = arith.constant 0 : i32
        %dma_wait3A_197 = tpu.memref_slice %arg2[%dma_wait3A_195, %dma_wait3A_196] : memref<10000x128xf32, #tpu.memory_space<hbm>> -> memref<10000x128xf32, #tpu.memory_space<hbm>>
        tpu.wait_indirect_dma semaphore(%arg11 : memref<!tpu.dma_semaphore, #tpu.memory_space<semaphore_mem>>) src(%dma_wait3A_197 : memref<10000x128xf32, #tpu.memory_space<hbm>>) dst(%dma_wait3A_192 : memref<64x128xf32, #tpu.memory_space<vmem>>)
        %jit3A_198 = arith.constant 2 : i32
        %div3A_199 = arith.divsi %add3A_152, %jit3A_198 : i32
        %sign3A_200 = arith.constant 0 : i32
        %sign3A_201 = arith.cmpi sgt, %add3A_152, %sign3A_200 : i32
        %sign3A_202 = arith.extui %sign3A_201 : i1 to i32
        %sign3A_203 = arith.constant 0 : i32
        %sign3A_204 = arith.cmpi slt, %add3A_152, %sign3A_203 : i32
        %sign3A_205 = arith.extui %sign3A_204 : i1 to i32
        %sign3A_206 = arith.subi %sign3A_202, %sign3A_205 : i32
        %sign3A_207 = arith.constant 0 : i32
        %sign3A_208 = arith.cmpi sgt, %jit3A_198, %sign3A_207 : i32
        %sign3A_209 = arith.extui %sign3A_208 : i1 to i32
        %sign3A_210 = arith.constant 0 : i32
        %sign3A_211 = arith.cmpi slt, %jit3A_198, %sign3A_210 : i32
        %sign3A_212 = arith.extui %sign3A_211 : i1 to i32
        %sign3A_213 = arith.subi %sign3A_209, %sign3A_212 : i32
        %ne3A_214 = arith.cmpi ne, %sign3A_206, %sign3A_213 : i32
        %rem3A_215 = arith.remsi %add3A_152, %jit3A_198 : i32
        %ne3A_216 = arith.constant 0 : i32
        %ne3A_217 = arith.cmpi ne, %rem3A_215, %ne3A_216 : i32
        %and3A_218 = arith.andi %ne3A_214, %ne3A_217 : i1
        %sub3A_219 = arith.constant 1 : i32
        %sub3A_220 = arith.subi %div3A_199, %sub3A_219 : i32
        %select_n3A_221 = arith.select %and3A_218, %sub3A_220, %div3A_199 : i32
        %add3A_222 = arith.addi %multiple_of3A_31, %select_n3A_221 : i32
        %jit3A_223 = arith.constant 2 : i32
        %eq3A_224 = arith.constant 0 : i32
        %eq3A_225 = arith.cmpi eq, %jit3A_223, %eq3A_224 : i32
        %jit3A_226 = arith.constant 1 : i32
        %select_n3A_227 = arith.select %eq3A_225, %jit3A_226, %jit3A_223 : i32
        %rem3A_228 = arith.remsi %add3A_152, %select_n3A_227 : i32
        %ne3A_229 = arith.constant 0 : i32
        %ne3A_230 = arith.cmpi ne, %rem3A_228, %ne3A_229 : i32
        %lt3A_231 = arith.constant 0 : i32
        %lt3A_232 = arith.cmpi slt, %rem3A_228, %lt3A_231 : i32
        %lt3A_233 = arith.constant 0 : i32
        %lt3A_234 = arith.cmpi slt, %select_n3A_227, %lt3A_233 : i32
        %ne3A_235 = arith.xori %lt3A_232, %lt3A_234 : i1
        %and3A_236 = arith.andi %ne3A_235, %ne3A_230 : i1
        %add3A_237 = arith.addi %rem3A_228, %select_n3A_227 : i32
        %select_n3A_238 = arith.select %and3A_236, %add3A_237, %rem3A_228 : i32
        %mul3A_239 = arith.constant 64 : i32
        %mul3A_240 = arith.muli %select_n3A_238, %mul3A_239 : i32
        %multiple_of3A_241 = tpu.assume_multiple %mul3A_240, 8 : i32
        %dma_wait3A_242 = arith.constant 0 : i32
        %dma_wait3A_243 = arith.constant 0 : i32
        %dma_wait3A_244 = tpu.memref_slice %arg10[%dma_wait3A_242, %dma_wait3A_243] : memref<4x64xi32, #tpu.memory_space<vmem>> -> memref<1x64xi32, #tpu.memory_space<vmem>>
        %dma_wait3A_245 = tpu.memref_squeeze %dma_wait3A_244 : memref<1x64xi32, #tpu.memory_space<vmem>> -> memref<64xi32, #tpu.memory_space<vmem>>
        %dma_wait3A_246 = tpu.memref_slice %arg4[%add3A_222, %multiple_of3A_241] : memref<2560x128xi32, #tpu.memory_space<hbm>> -> memref<1x64xi32, #tpu.memory_space<hbm>>
        %dma_wait3A_247 = tpu.memref_squeeze %dma_wait3A_246 : memref<1x64xi32, #tpu.memory_space<hbm>> -> memref<64xi32, #tpu.memory_space<hbm>>
        %dma_wait3A_248 = arith.constant 0 : i32
        %dma_wait3A_249 = tpu.memref_slice %arg10[%dma_wait3A_242, %dma_wait3A_248] : memref<4x64xi32, #tpu.memory_space<vmem>> -> memref<1x64xi32, #tpu.memory_space<vmem>>
        %dma_wait3A_250 = tpu.memref_squeeze %dma_wait3A_249 : memref<1x64xi32, #tpu.memory_space<vmem>> -> memref<64xi32, #tpu.memory_space<vmem>>
        %dma_wait3A_251 = tpu.memref_slice %arg4[%add3A_222, %multiple_of3A_241] : memref<2560x128xi32, #tpu.memory_space<hbm>> -> memref<1x64xi32, #tpu.memory_space<hbm>>
        %dma_wait3A_252 = tpu.memref_squeeze %dma_wait3A_251 : memref<1x64xi32, #tpu.memory_space<hbm>> -> memref<64xi32, #tpu.memory_space<hbm>>
        tpu.wait_dma2 semaphore(%arg15 : memref<!tpu.dma_semaphore, #tpu.memory_space<semaphore_mem>>) src(%dma_wait3A_252 : memref<64xi32, #tpu.memory_space<hbm>>) dst(%dma_wait3A_250 : memref<64xi32, #tpu.memory_space<vmem>>)
        %run_scoped3A = arith.constant 0 : i32
        %run_scoped3A_253 = arith.constant 0 : i32
        "tpu.region"() ({
          %run_scoped3A_624 = tpu.sem_alloc : memref<!tpu.dma_semaphore, #tpu.memory_space<semaphore_mem>>
          %dma_start3A_625 = arith.constant 0 : i32
          %dma_start3A_626 = arith.constant 0 : i32
          %dma_start3A_627 = tpu.memref_slice %arg8[%run_scoped3A, %dma_start3A_625, %dma_start3A_626] : memref<4x64x128xf32, #tpu.memory_space<vmem>> -> memref<1x64x128xf32, #tpu.memory_space<vmem>>
          %dma_start3A_628 = tpu.memref_squeeze %dma_start3A_627 : memref<1x64x128xf32, #tpu.memory_space<vmem>> -> memref<64x128xf32, #tpu.memory_space<vmem>>
          %dma_start3A_629 = arith.constant 0 : i32
          %dma_start3A_630 = tpu.memref_slice %arg10[%run_scoped3A_253, %dma_start3A_629] : memref<4x64xi32, #tpu.memory_space<vmem>> -> memref<1x64xi32, #tpu.memory_space<vmem>>
          %dma_start3A_631 = tpu.memref_squeeze %dma_start3A_630 : memref<1x64xi32, #tpu.memory_space<vmem>> -> memref<64xi32, #tpu.memory_space<vmem>>
          %dma_start3A_632 = arith.constant 0 : i32
          %dma_start3A_633 = arith.constant 0 : i32
          %dma_start3A_634 = tpu.memref_slice %arg7[%dma_start3A_632, %dma_start3A_633] : memref<10112x128xf32, #tpu.memory_space<vmem_shared>> -> memref<10112x128xf32, #tpu.memory_space<vmem_shared>>
          tpu.enqueue_indirect_dma source(%dma_start3A_628 : memref<64x128xf32, #tpu.memory_space<vmem>>) target(%dma_start3A_634 : memref<10112x128xf32, #tpu.memory_space<vmem_shared>>) offsets(%dma_start3A_631 : memref<64xi32, #tpu.memory_space<vmem>>) semaphore(%run_scoped3A_624 : memref<!tpu.dma_semaphore, #tpu.memory_space<semaphore_mem>>) {add = true}
          %dma_wait3A_635 = arith.constant 0 : i32
          %dma_wait3A_636 = arith.constant 0 : i32
          %dma_wait3A_637 = tpu.memref_slice %arg8[%run_scoped3A, %dma_wait3A_635, %dma_wait3A_636] : memref<4x64x128xf32, #tpu.memory_space<vmem>> -> memref<1x64x128xf32, #tpu.memory_space<vmem>>
          %dma_wait3A_638 = tpu.memref_squeeze %dma_wait3A_637 : memref<1x64x128xf32, #tpu.memory_space<vmem>> -> memref<64x128xf32, #tpu.memory_space<vmem>>
          %dma_wait3A_639 = arith.constant 0 : i32
          %dma_wait3A_640 = tpu.memref_slice %arg10[%run_scoped3A_253, %dma_wait3A_639] : memref<4x64xi32, #tpu.memory_space<vmem>> -> memref<1x64xi32, #tpu.memory_space<vmem>>
          %dma_wait3A_641 = tpu.memref_squeeze %dma_wait3A_640 : memref<1x64xi32, #tpu.memory_space<vmem>> -> memref<64xi32, #tpu.memory_space<vmem>>
          %dma_wait3A_642 = arith.constant 0 : i32
          %dma_wait3A_643 = arith.constant 0 : i32
          %dma_wait3A_644 = tpu.memref_slice %arg7[%dma_wait3A_642, %dma_wait3A_643] : memref<10112x128xf32, #tpu.memory_space<vmem_shared>> -> memref<10112x128xf32, #tpu.memory_space<vmem_shared>>
          tpu.wait_indirect_dma semaphore(%run_scoped3A_624 : memref<!tpu.dma_semaphore, #tpu.memory_space<semaphore_mem>>) src(%dma_wait3A_638 : memref<64x128xf32, #tpu.memory_space<vmem>>) dst(%dma_wait3A_644 : memref<10112x128xf32, #tpu.memory_space<vmem_shared>>)
          tpu.yield
        }) : () -> ()
        %add3A_254 = arith.constant 4 : i32
        %add3A_255 = arith.addi %add3A_152, %add3A_254 : i32
        %lt3A_256 = arith.constant 160 : i32
        %lt3A_257 = arith.cmpi slt, %add3A_255, %lt3A_256 : i32
        %convert_element_type3A_258 = arith.extui %lt3A_257 : i1 to i32
        %cond3A_259 = arith.constant 0 : i32
        %cond3A_260 = arith.cmpi ne, %convert_element_type3A_258, %cond3A_259 : i32
        scf.if %cond3A_260 {
          %add3A_624 = arith.constant 4 : i32
          %add3A_625 = arith.addi %add3A_152, %add3A_624 : i32
          %jit3A_626 = arith.constant 2 : i32
          %div3A_627 = arith.divsi %add3A_625, %jit3A_626 : i32
          %sign3A_628 = arith.constant 0 : i32
          %sign3A_629 = arith.cmpi sgt, %add3A_625, %sign3A_628 : i32
          %sign3A_630 = arith.extui %sign3A_629 : i1 to i32
          %sign3A_631 = arith.constant 0 : i32
          %sign3A_632 = arith.cmpi slt, %add3A_625, %sign3A_631 : i32
          %sign3A_633 = arith.extui %sign3A_632 : i1 to i32
          %sign3A_634 = arith.subi %sign3A_630, %sign3A_633 : i32
          %sign3A_635 = arith.constant 0 : i32
          %sign3A_636 = arith.cmpi sgt, %jit3A_626, %sign3A_635 : i32
          %sign3A_637 = arith.extui %sign3A_636 : i1 to i32
          %sign3A_638 = arith.constant 0 : i32
          %sign3A_639 = arith.cmpi slt, %jit3A_626, %sign3A_638 : i32
          %sign3A_640 = arith.extui %sign3A_639 : i1 to i32
          %sign3A_641 = arith.subi %sign3A_637, %sign3A_640 : i32
          %ne3A_642 = arith.cmpi ne, %sign3A_634, %sign3A_641 : i32
          %rem3A_643 = arith.remsi %add3A_625, %jit3A_626 : i32
          %ne3A_644 = arith.constant 0 : i32
          %ne3A_645 = arith.cmpi ne, %rem3A_643, %ne3A_644 : i32
          %and3A_646 = arith.andi %ne3A_642, %ne3A_645 : i1
          %sub3A_647 = arith.constant 1 : i32
          %sub3A_648 = arith.subi %div3A_627, %sub3A_647 : i32
          %select_n3A_649 = arith.select %and3A_646, %sub3A_648, %div3A_627 : i32
          %jit3A_650 = arith.constant 2 : i32
          %eq3A_651 = arith.constant 0 : i32
          %eq3A_652 = arith.cmpi eq, %jit3A_650, %eq3A_651 : i32
          %jit3A_653 = arith.constant 1 : i32
          %select_n3A_654 = arith.select %eq3A_652, %jit3A_653, %jit3A_650 : i32
          %rem3A_655 = arith.remsi %add3A_625, %select_n3A_654 : i32
          %ne3A_656 = arith.constant 0 : i32
          %ne3A_657 = arith.cmpi ne, %rem3A_655, %ne3A_656 : i32
          %lt3A_658 = arith.constant 0 : i32
          %lt3A_659 = arith.cmpi slt, %rem3A_655, %lt3A_658 : i32
          %lt3A_660 = arith.constant 0 : i32
          %lt3A_661 = arith.cmpi slt, %select_n3A_654, %lt3A_660 : i32
          %ne3A_662 = arith.xori %lt3A_659, %lt3A_661 : i1
          %and3A_663 = arith.andi %ne3A_662, %ne3A_657 : i1
          %add3A_664 = arith.addi %rem3A_655, %select_n3A_654 : i32
          %select_n3A_665 = arith.select %and3A_663, %add3A_664, %rem3A_655 : i32
          %mul3A_666 = arith.constant 64 : i32
          %mul3A_667 = arith.muli %select_n3A_665, %mul3A_666 : i32
          %multiple_of3A_668 = tpu.assume_multiple %mul3A_667, 8 : i32
          %dma_start3A_669 = arith.constant 0 : i32
          %dma_start3A_670 = arith.constant 0 : i32
          %dma_start3A_671 = arith.constant 0 : i32
          %dma_start3A_672 = tpu.memref_slice %arg8[%dma_start3A_669, %dma_start3A_670, %dma_start3A_671] : memref<4x64x128xf32, #tpu.memory_space<vmem>> -> memref<1x64x128xf32, #tpu.memory_space<vmem>>
          %dma_start3A_673 = tpu.memref_squeeze %dma_start3A_672 : memref<1x64x128xf32, #tpu.memory_space<vmem>> -> memref<64x128xf32, #tpu.memory_space<vmem>>
          %dma_start3A_674 = tpu.memref_slice %arg9[%select_n3A_649, %multiple_of3A_668] : memref<80x128xi32, #tpu.memory_space<vmem>> -> memref<1x64xi32, #tpu.memory_space<vmem>>
          %dma_start3A_675 = tpu.memref_squeeze %dma_start3A_674 : memref<1x64xi32, #tpu.memory_space<vmem>> -> memref<64xi32, #tpu.memory_space<vmem>>
          %dma_start3A_676 = arith.constant 0 : i32
          %dma_start3A_677 = arith.constant 0 : i32
          %dma_start3A_678 = tpu.memref_slice %arg2[%dma_start3A_676, %dma_start3A_677] : memref<10000x128xf32, #tpu.memory_space<hbm>> -> memref<10000x128xf32, #tpu.memory_space<hbm>>
          tpu.enqueue_indirect_dma source(%dma_start3A_678 : memref<10000x128xf32, #tpu.memory_space<hbm>>) target(%dma_start3A_673 : memref<64x128xf32, #tpu.memory_space<vmem>>) offsets(%dma_start3A_675 : memref<64xi32, #tpu.memory_space<vmem>>) semaphore(%arg11 : memref<!tpu.dma_semaphore, #tpu.memory_space<semaphore_mem>>)
          %add3A_679 = arith.constant 4 : i32
          %add3A_680 = arith.addi %add3A_152, %add3A_679 : i32
          %jit3A_681 = arith.constant 2 : i32
          %div3A_682 = arith.divsi %add3A_680, %jit3A_681 : i32
          %sign3A_683 = arith.constant 0 : i32
          %sign3A_684 = arith.cmpi sgt, %add3A_680, %sign3A_683 : i32
          %sign3A_685 = arith.extui %sign3A_684 : i1 to i32
          %sign3A_686 = arith.constant 0 : i32
          %sign3A_687 = arith.cmpi slt, %add3A_680, %sign3A_686 : i32
          %sign3A_688 = arith.extui %sign3A_687 : i1 to i32
          %sign3A_689 = arith.subi %sign3A_685, %sign3A_688 : i32
          %sign3A_690 = arith.constant 0 : i32
          %sign3A_691 = arith.cmpi sgt, %jit3A_681, %sign3A_690 : i32
          %sign3A_692 = arith.extui %sign3A_691 : i1 to i32
          %sign3A_693 = arith.constant 0 : i32
          %sign3A_694 = arith.cmpi slt, %jit3A_681, %sign3A_693 : i32
          %sign3A_695 = arith.extui %sign3A_694 : i1 to i32
          %sign3A_696 = arith.subi %sign3A_692, %sign3A_695 : i32
          %ne3A_697 = arith.cmpi ne, %sign3A_689, %sign3A_696 : i32
          %rem3A_698 = arith.remsi %add3A_680, %jit3A_681 : i32
          %ne3A_699 = arith.constant 0 : i32
          %ne3A_700 = arith.cmpi ne, %rem3A_698, %ne3A_699 : i32
          %and3A_701 = arith.andi %ne3A_697, %ne3A_700 : i1
          %sub3A_702 = arith.constant 1 : i32
          %sub3A_703 = arith.subi %div3A_682, %sub3A_702 : i32
          %select_n3A_704 = arith.select %and3A_701, %sub3A_703, %div3A_682 : i32
          %add3A_705 = arith.addi %multiple_of3A_31, %select_n3A_704 : i32
          %jit3A_706 = arith.constant 2 : i32
          %eq3A_707 = arith.constant 0 : i32
          %eq3A_708 = arith.cmpi eq, %jit3A_706, %eq3A_707 : i32
          %jit3A_709 = arith.constant 1 : i32
          %select_n3A_710 = arith.select %eq3A_708, %jit3A_709, %jit3A_706 : i32
          %rem3A_711 = arith.remsi %add3A_680, %select_n3A_710 : i32
          %ne3A_712 = arith.constant 0 : i32
          %ne3A_713 = arith.cmpi ne, %rem3A_711, %ne3A_712 : i32
          %lt3A_714 = arith.constant 0 : i32
          %lt3A_715 = arith.cmpi slt, %rem3A_711, %lt3A_714 : i32
          %lt3A_716 = arith.constant 0 : i32
          %lt3A_717 = arith.cmpi slt, %select_n3A_710, %lt3A_716 : i32
          %ne3A_718 = arith.xori %lt3A_715, %lt3A_717 : i1
          %and3A_719 = arith.andi %ne3A_718, %ne3A_713 : i1
          %add3A_720 = arith.addi %rem3A_711, %select_n3A_710 : i32
          %select_n3A_721 = arith.select %and3A_719, %add3A_720, %rem3A_711 : i32
          %mul3A_722 = arith.constant 64 : i32
          %mul3A_723 = arith.muli %select_n3A_721, %mul3A_722 : i32
          %multiple_of3A_724 = tpu.assume_multiple %mul3A_723, 8 : i32
          %dma_start3A_725 = arith.constant 0 : i32
          %dma_start3A_726 = arith.constant 0 : i32
          %dma_start3A_727 = tpu.memref_slice %arg10[%dma_start3A_725, %dma_start3A_726] : memref<4x64xi32, #tpu.memory_space<vmem>> -> memref<1x64xi32, #tpu.memory_space<vmem>>
          %dma_start3A_728 = tpu.memref_squeeze %dma_start3A_727 : memref<1x64xi32, #tpu.memory_space<vmem>> -> memref<64xi32, #tpu.memory_space<vmem>>
          %dma_start3A_729 = tpu.memref_slice %arg4[%add3A_705, %multiple_of3A_724] : memref<2560x128xi32, #tpu.memory_space<hbm>> -> memref<1x64xi32, #tpu.memory_space<hbm>>
          %dma_start3A_730 = tpu.memref_squeeze %dma_start3A_729 : memref<1x64xi32, #tpu.memory_space<hbm>> -> memref<64xi32, #tpu.memory_space<hbm>>
          %dma_start3A_731 = arith.constant 0 : i32
          %dma_start3A_732 = tpu.memref_slice %arg10[%dma_start3A_725, %dma_start3A_731] : memref<4x64xi32, #tpu.memory_space<vmem>> -> memref<1x64xi32, #tpu.memory_space<vmem>>
          %dma_start3A_733 = tpu.memref_squeeze %dma_start3A_732 : memref<1x64xi32, #tpu.memory_space<vmem>> -> memref<64xi32, #tpu.memory_space<vmem>>
          %dma_start3A_734 = tpu.memref_slice %arg4[%add3A_705, %multiple_of3A_724] : memref<2560x128xi32, #tpu.memory_space<hbm>> -> memref<1x64xi32, #tpu.memory_space<hbm>>
          %dma_start3A_735 = tpu.memref_squeeze %dma_start3A_734 : memref<1x64xi32, #tpu.memory_space<hbm>> -> memref<64xi32, #tpu.memory_space<hbm>>
          tpu.enqueue_dma source(%dma_start3A_735 : memref<64xi32, #tpu.memory_space<hbm>>) target(%dma_start3A_733 : memref<64xi32, #tpu.memory_space<vmem>>) target_semaphore(%arg15 : memref<!tpu.dma_semaphore, #tpu.memory_space<semaphore_mem>>)
        } else {
        }
        %mul3A_261 = arith.constant 4 : i32
        %mul3A_262 = arith.muli %scan3A_148, %mul3A_261 : i32
        %add3A_263 = arith.constant 1 : i32
        %add3A_264 = arith.addi %mul3A_262, %add3A_263 : i32
        %jit3A_265 = arith.constant 2 : i32
        %div3A_266 = arith.divsi %add3A_264, %jit3A_265 : i32
        %sign3A_267 = arith.constant 0 : i32
        %sign3A_268 = arith.cmpi sgt, %add3A_264, %sign3A_267 : i32
        %sign3A_269 = arith.extui %sign3A_268 : i1 to i32
        %sign3A_270 = arith.constant 0 : i32
        %sign3A_271 = arith.cmpi slt, %add3A_264, %sign3A_270 : i32
        %sign3A_272 = arith.extui %sign3A_271 : i1 to i32
        %sign3A_273 = arith.subi %sign3A_269, %sign3A_272 : i32
        %sign3A_274 = arith.constant 0 : i32
        %sign3A_275 = arith.cmpi sgt, %jit3A_265, %sign3A_274 : i32
        %sign3A_276 = arith.extui %sign3A_275 : i1 to i32
        %sign3A_277 = arith.constant 0 : i32
        %sign3A_278 = arith.cmpi slt, %jit3A_265, %sign3A_277 : i32
        %sign3A_279 = arith.extui %sign3A_278 : i1 to i32
        %sign3A_280 = arith.subi %sign3A_276, %sign3A_279 : i32
        %ne3A_281 = arith.cmpi ne, %sign3A_273, %sign3A_280 : i32
        %rem3A_282 = arith.remsi %add3A_264, %jit3A_265 : i32
        %ne3A_283 = arith.constant 0 : i32
        %ne3A_284 = arith.cmpi ne, %rem3A_282, %ne3A_283 : i32
        %and3A_285 = arith.andi %ne3A_281, %ne3A_284 : i1
        %sub3A_286 = arith.constant 1 : i32
        %sub3A_287 = arith.subi %div3A_266, %sub3A_286 : i32
        %select_n3A_288 = arith.select %and3A_285, %sub3A_287, %div3A_266 : i32
        %jit3A_289 = arith.constant 2 : i32
        %eq3A_290 = arith.constant 0 : i32
        %eq3A_291 = arith.cmpi eq, %jit3A_289, %eq3A_290 : i32
        %jit3A_292 = arith.constant 1 : i32
        %select_n3A_293 = arith.select %eq3A_291, %jit3A_292, %jit3A_289 : i32
        %rem3A_294 = arith.remsi %add3A_264, %select_n3A_293 : i32
        %ne3A_295 = arith.constant 0 : i32
        %ne3A_296 = arith.cmpi ne, %rem3A_294, %ne3A_295 : i32
        %lt3A_297 = arith.constant 0 : i32
        %lt3A_298 = arith.cmpi slt, %rem3A_294, %lt3A_297 : i32
        %lt3A_299 = arith.constant 0 : i32
        %lt3A_300 = arith.cmpi slt, %select_n3A_293, %lt3A_299 : i32
        %ne3A_301 = arith.xori %lt3A_298, %lt3A_300 : i1
        %and3A_302 = arith.andi %ne3A_301, %ne3A_296 : i1
        %add3A_303 = arith.addi %rem3A_294, %select_n3A_293 : i32
        %select_n3A_304 = arith.select %and3A_302, %add3A_303, %rem3A_294 : i32
        %mul3A_305 = arith.constant 64 : i32
        %mul3A_306 = arith.muli %select_n3A_304, %mul3A_305 : i32
        %multiple_of3A_307 = tpu.assume_multiple %mul3A_306, 8 : i32
        %dma_wait3A_308 = arith.constant 1 : i32
        %dma_wait3A_309 = arith.constant 0 : i32
        %dma_wait3A_310 = arith.constant 0 : i32
        %dma_wait3A_311 = tpu.memref_slice %arg8[%dma_wait3A_308, %dma_wait3A_309, %dma_wait3A_310] : memref<4x64x128xf32, #tpu.memory_space<vmem>> -> memref<1x64x128xf32, #tpu.memory_space<vmem>>
        %dma_wait3A_312 = tpu.memref_squeeze %dma_wait3A_311 : memref<1x64x128xf32, #tpu.memory_space<vmem>> -> memref<64x128xf32, #tpu.memory_space<vmem>>
        %dma_wait3A_313 = tpu.memref_slice %arg9[%select_n3A_288, %multiple_of3A_307] : memref<80x128xi32, #tpu.memory_space<vmem>> -> memref<1x64xi32, #tpu.memory_space<vmem>>
        %dma_wait3A_314 = tpu.memref_squeeze %dma_wait3A_313 : memref<1x64xi32, #tpu.memory_space<vmem>> -> memref<64xi32, #tpu.memory_space<vmem>>
        %dma_wait3A_315 = arith.constant 0 : i32
        %dma_wait3A_316 = arith.constant 0 : i32
        %dma_wait3A_317 = tpu.memref_slice %arg2[%dma_wait3A_315, %dma_wait3A_316] : memref<10000x128xf32, #tpu.memory_space<hbm>> -> memref<10000x128xf32, #tpu.memory_space<hbm>>
        tpu.wait_indirect_dma semaphore(%arg12 : memref<!tpu.dma_semaphore, #tpu.memory_space<semaphore_mem>>) src(%dma_wait3A_317 : memref<10000x128xf32, #tpu.memory_space<hbm>>) dst(%dma_wait3A_312 : memref<64x128xf32, #tpu.memory_space<vmem>>)
        %jit3A_318 = arith.constant 2 : i32
        %div3A_319 = arith.divsi %add3A_264, %jit3A_318 : i32
        %sign3A_320 = arith.constant 0 : i32
        %sign3A_321 = arith.cmpi sgt, %add3A_264, %sign3A_320 : i32
        %sign3A_322 = arith.extui %sign3A_321 : i1 to i32
        %sign3A_323 = arith.constant 0 : i32
        %sign3A_324 = arith.cmpi slt, %add3A_264, %sign3A_323 : i32
        %sign3A_325 = arith.extui %sign3A_324 : i1 to i32
        %sign3A_326 = arith.subi %sign3A_322, %sign3A_325 : i32
        %sign3A_327 = arith.constant 0 : i32
        %sign3A_328 = arith.cmpi sgt, %jit3A_318, %sign3A_327 : i32
        %sign3A_329 = arith.extui %sign3A_328 : i1 to i32
        %sign3A_330 = arith.constant 0 : i32
        %sign3A_331 = arith.cmpi slt, %jit3A_318, %sign3A_330 : i32
        %sign3A_332 = arith.extui %sign3A_331 : i1 to i32
        %sign3A_333 = arith.subi %sign3A_329, %sign3A_332 : i32
        %ne3A_334 = arith.cmpi ne, %sign3A_326, %sign3A_333 : i32
        %rem3A_335 = arith.remsi %add3A_264, %jit3A_318 : i32
        %ne3A_336 = arith.constant 0 : i32
        %ne3A_337 = arith.cmpi ne, %rem3A_335, %ne3A_336 : i32
        %and3A_338 = arith.andi %ne3A_334, %ne3A_337 : i1
        %sub3A_339 = arith.constant 1 : i32
        %sub3A_340 = arith.subi %div3A_319, %sub3A_339 : i32
        %select_n3A_341 = arith.select %and3A_338, %sub3A_340, %div3A_319 : i32
        %add3A_342 = arith.addi %multiple_of3A_31, %select_n3A_341 : i32
        %jit3A_343 = arith.constant 2 : i32
        %eq3A_344 = arith.constant 0 : i32
        %eq3A_345 = arith.cmpi eq, %jit3A_343, %eq3A_344 : i32
        %jit3A_346 = arith.constant 1 : i32
        %select_n3A_347 = arith.select %eq3A_345, %jit3A_346, %jit3A_343 : i32
        %rem3A_348 = arith.remsi %add3A_264, %select_n3A_347 : i32
        %ne3A_349 = arith.constant 0 : i32
        %ne3A_350 = arith.cmpi ne, %rem3A_348, %ne3A_349 : i32
        %lt3A_351 = arith.constant 0 : i32
        %lt3A_352 = arith.cmpi slt, %rem3A_348, %lt3A_351 : i32
        %lt3A_353 = arith.constant 0 : i32
        %lt3A_354 = arith.cmpi slt, %select_n3A_347, %lt3A_353 : i32
        %ne3A_355 = arith.xori %lt3A_352, %lt3A_354 : i1
        %and3A_356 = arith.andi %ne3A_355, %ne3A_350 : i1
        %add3A_357 = arith.addi %rem3A_348, %select_n3A_347 : i32
        %select_n3A_358 = arith.select %and3A_356, %add3A_357, %rem3A_348 : i32
        %mul3A_359 = arith.constant 64 : i32
        %mul3A_360 = arith.muli %select_n3A_358, %mul3A_359 : i32
        %multiple_of3A_361 = tpu.assume_multiple %mul3A_360, 8 : i32
        %dma_wait3A_362 = arith.constant 1 : i32
        %dma_wait3A_363 = arith.constant 0 : i32
        %dma_wait3A_364 = tpu.memref_slice %arg10[%dma_wait3A_362, %dma_wait3A_363] : memref<4x64xi32, #tpu.memory_space<vmem>> -> memref<1x64xi32, #tpu.memory_space<vmem>>
        %dma_wait3A_365 = tpu.memref_squeeze %dma_wait3A_364 : memref<1x64xi32, #tpu.memory_space<vmem>> -> memref<64xi32, #tpu.memory_space<vmem>>
        %dma_wait3A_366 = tpu.memref_slice %arg4[%add3A_342, %multiple_of3A_361] : memref<2560x128xi32, #tpu.memory_space<hbm>> -> memref<1x64xi32, #tpu.memory_space<hbm>>
        %dma_wait3A_367 = tpu.memref_squeeze %dma_wait3A_366 : memref<1x64xi32, #tpu.memory_space<hbm>> -> memref<64xi32, #tpu.memory_space<hbm>>
        %dma_wait3A_368 = arith.constant 0 : i32
        %dma_wait3A_369 = tpu.memref_slice %arg10[%dma_wait3A_362, %dma_wait3A_368] : memref<4x64xi32, #tpu.memory_space<vmem>> -> memref<1x64xi32, #tpu.memory_space<vmem>>
        %dma_wait3A_370 = tpu.memref_squeeze %dma_wait3A_369 : memref<1x64xi32, #tpu.memory_space<vmem>> -> memref<64xi32, #tpu.memory_space<vmem>>
        %dma_wait3A_371 = tpu.memref_slice %arg4[%add3A_342, %multiple_of3A_361] : memref<2560x128xi32, #tpu.memory_space<hbm>> -> memref<1x64xi32, #tpu.memory_space<hbm>>
        %dma_wait3A_372 = tpu.memref_squeeze %dma_wait3A_371 : memref<1x64xi32, #tpu.memory_space<hbm>> -> memref<64xi32, #tpu.memory_space<hbm>>
        tpu.wait_dma2 semaphore(%arg16 : memref<!tpu.dma_semaphore, #tpu.memory_space<semaphore_mem>>) src(%dma_wait3A_372 : memref<64xi32, #tpu.memory_space<hbm>>) dst(%dma_wait3A_370 : memref<64xi32, #tpu.memory_space<vmem>>)
        %run_scoped3A_373 = arith.constant 1 : i32
        %run_scoped3A_374 = arith.constant 1 : i32
        "tpu.region"() ({
          %run_scoped3A_624 = tpu.sem_alloc : memref<!tpu.dma_semaphore, #tpu.memory_space<semaphore_mem>>
          %dma_start3A_625 = arith.constant 0 : i32
          %dma_start3A_626 = arith.constant 0 : i32
          %dma_start3A_627 = tpu.memref_slice %arg8[%run_scoped3A_373, %dma_start3A_625, %dma_start3A_626] : memref<4x64x128xf32, #tpu.memory_space<vmem>> -> memref<1x64x128xf32, #tpu.memory_space<vmem>>
          %dma_start3A_628 = tpu.memref_squeeze %dma_start3A_627 : memref<1x64x128xf32, #tpu.memory_space<vmem>> -> memref<64x128xf32, #tpu.memory_space<vmem>>
          %dma_start3A_629 = arith.constant 0 : i32
          %dma_start3A_630 = tpu.memref_slice %arg10[%run_scoped3A_374, %dma_start3A_629] : memref<4x64xi32, #tpu.memory_space<vmem>> -> memref<1x64xi32, #tpu.memory_space<vmem>>
          %dma_start3A_631 = tpu.memref_squeeze %dma_start3A_630 : memref<1x64xi32, #tpu.memory_space<vmem>> -> memref<64xi32, #tpu.memory_space<vmem>>
          %dma_start3A_632 = arith.constant 0 : i32
          %dma_start3A_633 = arith.constant 0 : i32
          %dma_start3A_634 = tpu.memref_slice %arg7[%dma_start3A_632, %dma_start3A_633] : memref<10112x128xf32, #tpu.memory_space<vmem_shared>> -> memref<10112x128xf32, #tpu.memory_space<vmem_shared>>
          tpu.enqueue_indirect_dma source(%dma_start3A_628 : memref<64x128xf32, #tpu.memory_space<vmem>>) target(%dma_start3A_634 : memref<10112x128xf32, #tpu.memory_space<vmem_shared>>) offsets(%dma_start3A_631 : memref<64xi32, #tpu.memory_space<vmem>>) semaphore(%run_scoped3A_624 : memref<!tpu.dma_semaphore, #tpu.memory_space<semaphore_mem>>) {add = true}
          %dma_wait3A_635 = arith.constant 0 : i32
          %dma_wait3A_636 = arith.constant 0 : i32
          %dma_wait3A_637 = tpu.memref_slice %arg8[%run_scoped3A_373, %dma_wait3A_635, %dma_wait3A_636] : memref<4x64x128xf32, #tpu.memory_space<vmem>> -> memref<1x64x128xf32, #tpu.memory_space<vmem>>
          %dma_wait3A_638 = tpu.memref_squeeze %dma_wait3A_637 : memref<1x64x128xf32, #tpu.memory_space<vmem>> -> memref<64x128xf32, #tpu.memory_space<vmem>>
          %dma_wait3A_639 = arith.constant 0 : i32
          %dma_wait3A_640 = tpu.memref_slice %arg10[%run_scoped3A_374, %dma_wait3A_639] : memref<4x64xi32, #tpu.memory_space<vmem>> -> memref<1x64xi32, #tpu.memory_space<vmem>>
          %dma_wait3A_641 = tpu.memref_squeeze %dma_wait3A_640 : memref<1x64xi32, #tpu.memory_space<vmem>> -> memref<64xi32, #tpu.memory_space<vmem>>
          %dma_wait3A_642 = arith.constant 0 : i32
          %dma_wait3A_643 = arith.constant 0 : i32
          %dma_wait3A_644 = tpu.memref_slice %arg7[%dma_wait3A_642, %dma_wait3A_643] : memref<10112x128xf32, #tpu.memory_space<vmem_shared>> -> memref<10112x128xf32, #tpu.memory_space<vmem_shared>>
          tpu.wait_indirect_dma semaphore(%run_scoped3A_624 : memref<!tpu.dma_semaphore, #tpu.memory_space<semaphore_mem>>) src(%dma_wait3A_638 : memref<64x128xf32, #tpu.memory_space<vmem>>) dst(%dma_wait3A_644 : memref<10112x128xf32, #tpu.memory_space<vmem_shared>>)
          tpu.yield
        }) : () -> ()
        %add3A_375 = arith.constant 4 : i32
        %add3A_376 = arith.addi %add3A_264, %add3A_375 : i32
        %lt3A_377 = arith.constant 160 : i32
        %lt3A_378 = arith.cmpi slt, %add3A_376, %lt3A_377 : i32
        %convert_element_type3A_379 = arith.extui %lt3A_378 : i1 to i32
        %cond3A_380 = arith.constant 0 : i32
        %cond3A_381 = arith.cmpi ne, %convert_element_type3A_379, %cond3A_380 : i32
        scf.if %cond3A_381 {
          %add3A_624 = arith.constant 4 : i32
          %add3A_625 = arith.addi %add3A_264, %add3A_624 : i32
          %jit3A_626 = arith.constant 2 : i32
          %div3A_627 = arith.divsi %add3A_625, %jit3A_626 : i32
          %sign3A_628 = arith.constant 0 : i32
          %sign3A_629 = arith.cmpi sgt, %add3A_625, %sign3A_628 : i32
          %sign3A_630 = arith.extui %sign3A_629 : i1 to i32
          %sign3A_631 = arith.constant 0 : i32
          %sign3A_632 = arith.cmpi slt, %add3A_625, %sign3A_631 : i32
          %sign3A_633 = arith.extui %sign3A_632 : i1 to i32
          %sign3A_634 = arith.subi %sign3A_630, %sign3A_633 : i32
          %sign3A_635 = arith.constant 0 : i32
          %sign3A_636 = arith.cmpi sgt, %jit3A_626, %sign3A_635 : i32
          %sign3A_637 = arith.extui %sign3A_636 : i1 to i32
          %sign3A_638 = arith.constant 0 : i32
          %sign3A_639 = arith.cmpi slt, %jit3A_626, %sign3A_638 : i32
          %sign3A_640 = arith.extui %sign3A_639 : i1 to i32
          %sign3A_641 = arith.subi %sign3A_637, %sign3A_640 : i32
          %ne3A_642 = arith.cmpi ne, %sign3A_634, %sign3A_641 : i32
          %rem3A_643 = arith.remsi %add3A_625, %jit3A_626 : i32
          %ne3A_644 = arith.constant 0 : i32
          %ne3A_645 = arith.cmpi ne, %rem3A_643, %ne3A_644 : i32
          %and3A_646 = arith.andi %ne3A_642, %ne3A_645 : i1
          %sub3A_647 = arith.constant 1 : i32
          %sub3A_648 = arith.subi %div3A_627, %sub3A_647 : i32
          %select_n3A_649 = arith.select %and3A_646, %sub3A_648, %div3A_627 : i32
          %jit3A_650 = arith.constant 2 : i32
          %eq3A_651 = arith.constant 0 : i32
          %eq3A_652 = arith.cmpi eq, %jit3A_650, %eq3A_651 : i32
          %jit3A_653 = arith.constant 1 : i32
          %select_n3A_654 = arith.select %eq3A_652, %jit3A_653, %jit3A_650 : i32
          %rem3A_655 = arith.remsi %add3A_625, %select_n3A_654 : i32
          %ne3A_656 = arith.constant 0 : i32
          %ne3A_657 = arith.cmpi ne, %rem3A_655, %ne3A_656 : i32
          %lt3A_658 = arith.constant 0 : i32
          %lt3A_659 = arith.cmpi slt, %rem3A_655, %lt3A_658 : i32
          %lt3A_660 = arith.constant 0 : i32
          %lt3A_661 = arith.cmpi slt, %select_n3A_654, %lt3A_660 : i32
          %ne3A_662 = arith.xori %lt3A_659, %lt3A_661 : i1
          %and3A_663 = arith.andi %ne3A_662, %ne3A_657 : i1
          %add3A_664 = arith.addi %rem3A_655, %select_n3A_654 : i32
          %select_n3A_665 = arith.select %and3A_663, %add3A_664, %rem3A_655 : i32
          %mul3A_666 = arith.constant 64 : i32
          %mul3A_667 = arith.muli %select_n3A_665, %mul3A_666 : i32
          %multiple_of3A_668 = tpu.assume_multiple %mul3A_667, 8 : i32
          %dma_start3A_669 = arith.constant 1 : i32
          %dma_start3A_670 = arith.constant 0 : i32
          %dma_start3A_671 = arith.constant 0 : i32
          %dma_start3A_672 = tpu.memref_slice %arg8[%dma_start3A_669, %dma_start3A_670, %dma_start3A_671] : memref<4x64x128xf32, #tpu.memory_space<vmem>> -> memref<1x64x128xf32, #tpu.memory_space<vmem>>
          %dma_start3A_673 = tpu.memref_squeeze %dma_start3A_672 : memref<1x64x128xf32, #tpu.memory_space<vmem>> -> memref<64x128xf32, #tpu.memory_space<vmem>>
          %dma_start3A_674 = tpu.memref_slice %arg9[%select_n3A_649, %multiple_of3A_668] : memref<80x128xi32, #tpu.memory_space<vmem>> -> memref<1x64xi32, #tpu.memory_space<vmem>>
          %dma_start3A_675 = tpu.memref_squeeze %dma_start3A_674 : memref<1x64xi32, #tpu.memory_space<vmem>> -> memref<64xi32, #tpu.memory_space<vmem>>
          %dma_start3A_676 = arith.constant 0 : i32
          %dma_start3A_677 = arith.constant 0 : i32
          %dma_start3A_678 = tpu.memref_slice %arg2[%dma_start3A_676, %dma_start3A_677] : memref<10000x128xf32, #tpu.memory_space<hbm>> -> memref<10000x128xf32, #tpu.memory_space<hbm>>
          tpu.enqueue_indirect_dma source(%dma_start3A_678 : memref<10000x128xf32, #tpu.memory_space<hbm>>) target(%dma_start3A_673 : memref<64x128xf32, #tpu.memory_space<vmem>>) offsets(%dma_start3A_675 : memref<64xi32, #tpu.memory_space<vmem>>) semaphore(%arg12 : memref<!tpu.dma_semaphore, #tpu.memory_space<semaphore_mem>>)
          %add3A_679 = arith.constant 4 : i32
          %add3A_680 = arith.addi %add3A_264, %add3A_679 : i32
          %jit3A_681 = arith.constant 2 : i32
          %div3A_682 = arith.divsi %add3A_680, %jit3A_681 : i32
          %sign3A_683 = arith.constant 0 : i32
          %sign3A_684 = arith.cmpi sgt, %add3A_680, %sign3A_683 : i32
          %sign3A_685 = arith.extui %sign3A_684 : i1 to i32
          %sign3A_686 = arith.constant 0 : i32
          %sign3A_687 = arith.cmpi slt, %add3A_680, %sign3A_686 : i32
          %sign3A_688 = arith.extui %sign3A_687 : i1 to i32
          %sign3A_689 = arith.subi %sign3A_685, %sign3A_688 : i32
          %sign3A_690 = arith.constant 0 : i32
          %sign3A_691 = arith.cmpi sgt, %jit3A_681, %sign3A_690 : i32
          %sign3A_692 = arith.extui %sign3A_691 : i1 to i32
          %sign3A_693 = arith.constant 0 : i32
          %sign3A_694 = arith.cmpi slt, %jit3A_681, %sign3A_693 : i32
          %sign3A_695 = arith.extui %sign3A_694 : i1 to i32
          %sign3A_696 = arith.subi %sign3A_692, %sign3A_695 : i32
          %ne3A_697 = arith.cmpi ne, %sign3A_689, %sign3A_696 : i32
          %rem3A_698 = arith.remsi %add3A_680, %jit3A_681 : i32
          %ne3A_699 = arith.constant 0 : i32
          %ne3A_700 = arith.cmpi ne, %rem3A_698, %ne3A_699 : i32
          %and3A_701 = arith.andi %ne3A_697, %ne3A_700 : i1
          %sub3A_702 = arith.constant 1 : i32
          %sub3A_703 = arith.subi %div3A_682, %sub3A_702 : i32
          %select_n3A_704 = arith.select %and3A_701, %sub3A_703, %div3A_682 : i32
          %add3A_705 = arith.addi %multiple_of3A_31, %select_n3A_704 : i32
          %jit3A_706 = arith.constant 2 : i32
          %eq3A_707 = arith.constant 0 : i32
          %eq3A_708 = arith.cmpi eq, %jit3A_706, %eq3A_707 : i32
          %jit3A_709 = arith.constant 1 : i32
          %select_n3A_710 = arith.select %eq3A_708, %jit3A_709, %jit3A_706 : i32
          %rem3A_711 = arith.remsi %add3A_680, %select_n3A_710 : i32
          %ne3A_712 = arith.constant 0 : i32
          %ne3A_713 = arith.cmpi ne, %rem3A_711, %ne3A_712 : i32
          %lt3A_714 = arith.constant 0 : i32
          %lt3A_715 = arith.cmpi slt, %rem3A_711, %lt3A_714 : i32
          %lt3A_716 = arith.constant 0 : i32
          %lt3A_717 = arith.cmpi slt, %select_n3A_710, %lt3A_716 : i32
          %ne3A_718 = arith.xori %lt3A_715, %lt3A_717 : i1
          %and3A_719 = arith.andi %ne3A_718, %ne3A_713 : i1
          %add3A_720 = arith.addi %rem3A_711, %select_n3A_710 : i32
          %select_n3A_721 = arith.select %and3A_719, %add3A_720, %rem3A_711 : i32
          %mul3A_722 = arith.constant 64 : i32
          %mul3A_723 = arith.muli %select_n3A_721, %mul3A_722 : i32
          %multiple_of3A_724 = tpu.assume_multiple %mul3A_723, 8 : i32
          %dma_start3A_725 = arith.constant 1 : i32
          %dma_start3A_726 = arith.constant 0 : i32
          %dma_start3A_727 = tpu.memref_slice %arg10[%dma_start3A_725, %dma_start3A_726] : memref<4x64xi32, #tpu.memory_space<vmem>> -> memref<1x64xi32, #tpu.memory_space<vmem>>
          %dma_start3A_728 = tpu.memref_squeeze %dma_start3A_727 : memref<1x64xi32, #tpu.memory_space<vmem>> -> memref<64xi32, #tpu.memory_space<vmem>>
          %dma_start3A_729 = tpu.memref_slice %arg4[%add3A_705, %multiple_of3A_724] : memref<2560x128xi32, #tpu.memory_space<hbm>> -> memref<1x64xi32, #tpu.memory_space<hbm>>
          %dma_start3A_730 = tpu.memref_squeeze %dma_start3A_729 : memref<1x64xi32, #tpu.memory_space<hbm>> -> memref<64xi32, #tpu.memory_space<hbm>>
          %dma_start3A_731 = arith.constant 0 : i32
          %dma_start3A_732 = tpu.memref_slice %arg10[%dma_start3A_725, %dma_start3A_731] : memref<4x64xi32, #tpu.memory_space<vmem>> -> memref<1x64xi32, #tpu.memory_space<vmem>>
          %dma_start3A_733 = tpu.memref_squeeze %dma_start3A_732 : memref<1x64xi32, #tpu.memory_space<vmem>> -> memref<64xi32, #tpu.memory_space<vmem>>
          %dma_start3A_734 = tpu.memref_slice %arg4[%add3A_705, %multiple_of3A_724] : memref<2560x128xi32, #tpu.memory_space<hbm>> -> memref<1x64xi32, #tpu.memory_space<hbm>>
          %dma_start3A_735 = tpu.memref_squeeze %dma_start3A_734 : memref<1x64xi32, #tpu.memory_space<hbm>> -> memref<64xi32, #tpu.memory_space<hbm>>
          tpu.enqueue_dma source(%dma_start3A_735 : memref<64xi32, #tpu.memory_space<hbm>>) target(%dma_start3A_733 : memref<64xi32, #tpu.memory_space<vmem>>) target_semaphore(%arg16 : memref<!tpu.dma_semaphore, #tpu.memory_space<semaphore_mem>>)
        } else {
        }
        %mul3A_382 = arith.constant 4 : i32
        %mul3A_383 = arith.muli %scan3A_148, %mul3A_382 : i32
        %add3A_384 = arith.constant 2 : i32
        %add3A_385 = arith.addi %mul3A_383, %add3A_384 : i32
        %jit3A_386 = arith.constant 2 : i32
        %div3A_387 = arith.divsi %add3A_385, %jit3A_386 : i32
        %sign3A_388 = arith.constant 0 : i32
        %sign3A_389 = arith.cmpi sgt, %add3A_385, %sign3A_388 : i32
        %sign3A_390 = arith.extui %sign3A_389 : i1 to i32
        %sign3A_391 = arith.constant 0 : i32
        %sign3A_392 = arith.cmpi slt, %add3A_385, %sign3A_391 : i32
        %sign3A_393 = arith.extui %sign3A_392 : i1 to i32
        %sign3A_394 = arith.subi %sign3A_390, %sign3A_393 : i32
        %sign3A_395 = arith.constant 0 : i32
        %sign3A_396 = arith.cmpi sgt, %jit3A_386, %sign3A_395 : i32
        %sign3A_397 = arith.extui %sign3A_396 : i1 to i32
        %sign3A_398 = arith.constant 0 : i32
        %sign3A_399 = arith.cmpi slt, %jit3A_386, %sign3A_398 : i32
        %sign3A_400 = arith.extui %sign3A_399 : i1 to i32
        %sign3A_401 = arith.subi %sign3A_397, %sign3A_400 : i32
        %ne3A_402 = arith.cmpi ne, %sign3A_394, %sign3A_401 : i32
        %rem3A_403 = arith.remsi %add3A_385, %jit3A_386 : i32
        %ne3A_404 = arith.constant 0 : i32
        %ne3A_405 = arith.cmpi ne, %rem3A_403, %ne3A_404 : i32
        %and3A_406 = arith.andi %ne3A_402, %ne3A_405 : i1
        %sub3A_407 = arith.constant 1 : i32
        %sub3A_408 = arith.subi %div3A_387, %sub3A_407 : i32
        %select_n3A_409 = arith.select %and3A_406, %sub3A_408, %div3A_387 : i32
        %jit3A_410 = arith.constant 2 : i32
        %eq3A_411 = arith.constant 0 : i32
        %eq3A_412 = arith.cmpi eq, %jit3A_410, %eq3A_411 : i32
        %jit3A_413 = arith.constant 1 : i32
        %select_n3A_414 = arith.select %eq3A_412, %jit3A_413, %jit3A_410 : i32
        %rem3A_415 = arith.remsi %add3A_385, %select_n3A_414 : i32
        %ne3A_416 = arith.constant 0 : i32
        %ne3A_417 = arith.cmpi ne, %rem3A_415, %ne3A_416 : i32
        %lt3A_418 = arith.constant 0 : i32
        %lt3A_419 = arith.cmpi slt, %rem3A_415, %lt3A_418 : i32
        %lt3A_420 = arith.constant 0 : i32
        %lt3A_421 = arith.cmpi slt, %select_n3A_414, %lt3A_420 : i32
        %ne3A_422 = arith.xori %lt3A_419, %lt3A_421 : i1
        %and3A_423 = arith.andi %ne3A_422, %ne3A_417 : i1
        %add3A_424 = arith.addi %rem3A_415, %select_n3A_414 : i32
        %select_n3A_425 = arith.select %and3A_423, %add3A_424, %rem3A_415 : i32
        %mul3A_426 = arith.constant 64 : i32
        %mul3A_427 = arith.muli %select_n3A_425, %mul3A_426 : i32
        %multiple_of3A_428 = tpu.assume_multiple %mul3A_427, 8 : i32
        %dma_wait3A_429 = arith.constant 2 : i32
        %dma_wait3A_430 = arith.constant 0 : i32
        %dma_wait3A_431 = arith.constant 0 : i32
        %dma_wait3A_432 = tpu.memref_slice %arg8[%dma_wait3A_429, %dma_wait3A_430, %dma_wait3A_431] : memref<4x64x128xf32, #tpu.memory_space<vmem>> -> memref<1x64x128xf32, #tpu.memory_space<vmem>>
        %dma_wait3A_433 = tpu.memref_squeeze %dma_wait3A_432 : memref<1x64x128xf32, #tpu.memory_space<vmem>> -> memref<64x128xf32, #tpu.memory_space<vmem>>
        %dma_wait3A_434 = tpu.memref_slice %arg9[%select_n3A_409, %multiple_of3A_428] : memref<80x128xi32, #tpu.memory_space<vmem>> -> memref<1x64xi32, #tpu.memory_space<vmem>>
        %dma_wait3A_435 = tpu.memref_squeeze %dma_wait3A_434 : memref<1x64xi32, #tpu.memory_space<vmem>> -> memref<64xi32, #tpu.memory_space<vmem>>
        %dma_wait3A_436 = arith.constant 0 : i32
        %dma_wait3A_437 = arith.constant 0 : i32
        %dma_wait3A_438 = tpu.memref_slice %arg2[%dma_wait3A_436, %dma_wait3A_437] : memref<10000x128xf32, #tpu.memory_space<hbm>> -> memref<10000x128xf32, #tpu.memory_space<hbm>>
        tpu.wait_indirect_dma semaphore(%arg13 : memref<!tpu.dma_semaphore, #tpu.memory_space<semaphore_mem>>) src(%dma_wait3A_438 : memref<10000x128xf32, #tpu.memory_space<hbm>>) dst(%dma_wait3A_433 : memref<64x128xf32, #tpu.memory_space<vmem>>)
        %jit3A_439 = arith.constant 2 : i32
        %div3A_440 = arith.divsi %add3A_385, %jit3A_439 : i32
        %sign3A_441 = arith.constant 0 : i32
        %sign3A_442 = arith.cmpi sgt, %add3A_385, %sign3A_441 : i32
        %sign3A_443 = arith.extui %sign3A_442 : i1 to i32
        %sign3A_444 = arith.constant 0 : i32
        %sign3A_445 = arith.cmpi slt, %add3A_385, %sign3A_444 : i32
        %sign3A_446 = arith.extui %sign3A_445 : i1 to i32
        %sign3A_447 = arith.subi %sign3A_443, %sign3A_446 : i32
        %sign3A_448 = arith.constant 0 : i32
        %sign3A_449 = arith.cmpi sgt, %jit3A_439, %sign3A_448 : i32
        %sign3A_450 = arith.extui %sign3A_449 : i1 to i32
        %sign3A_451 = arith.constant 0 : i32
        %sign3A_452 = arith.cmpi slt, %jit3A_439, %sign3A_451 : i32
        %sign3A_453 = arith.extui %sign3A_452 : i1 to i32
        %sign3A_454 = arith.subi %sign3A_450, %sign3A_453 : i32
        %ne3A_455 = arith.cmpi ne, %sign3A_447, %sign3A_454 : i32
        %rem3A_456 = arith.remsi %add3A_385, %jit3A_439 : i32
        %ne3A_457 = arith.constant 0 : i32
        %ne3A_458 = arith.cmpi ne, %rem3A_456, %ne3A_457 : i32
        %and3A_459 = arith.andi %ne3A_455, %ne3A_458 : i1
        %sub3A_460 = arith.constant 1 : i32
        %sub3A_461 = arith.subi %div3A_440, %sub3A_460 : i32
        %select_n3A_462 = arith.select %and3A_459, %sub3A_461, %div3A_440 : i32
        %add3A_463 = arith.addi %multiple_of3A_31, %select_n3A_462 : i32
        %jit3A_464 = arith.constant 2 : i32
        %eq3A_465 = arith.constant 0 : i32
        %eq3A_466 = arith.cmpi eq, %jit3A_464, %eq3A_465 : i32
        %jit3A_467 = arith.constant 1 : i32
        %select_n3A_468 = arith.select %eq3A_466, %jit3A_467, %jit3A_464 : i32
        %rem3A_469 = arith.remsi %add3A_385, %select_n3A_468 : i32
        %ne3A_470 = arith.constant 0 : i32
        %ne3A_471 = arith.cmpi ne, %rem3A_469, %ne3A_470 : i32
        %lt3A_472 = arith.constant 0 : i32
        %lt3A_473 = arith.cmpi slt, %rem3A_469, %lt3A_472 : i32
        %lt3A_474 = arith.constant 0 : i32
        %lt3A_475 = arith.cmpi slt, %select_n3A_468, %lt3A_474 : i32
        %ne3A_476 = arith.xori %lt3A_473, %lt3A_475 : i1
        %and3A_477 = arith.andi %ne3A_476, %ne3A_471 : i1
        %add3A_478 = arith.addi %rem3A_469, %select_n3A_468 : i32
        %select_n3A_479 = arith.select %and3A_477, %add3A_478, %rem3A_469 : i32
        %mul3A_480 = arith.constant 64 : i32
        %mul3A_481 = arith.muli %select_n3A_479, %mul3A_480 : i32
        %multiple_of3A_482 = tpu.assume_multiple %mul3A_481, 8 : i32
        %dma_wait3A_483 = arith.constant 2 : i32
        %dma_wait3A_484 = arith.constant 0 : i32
        %dma_wait3A_485 = tpu.memref_slice %arg10[%dma_wait3A_483, %dma_wait3A_484] : memref<4x64xi32, #tpu.memory_space<vmem>> -> memref<1x64xi32, #tpu.memory_space<vmem>>
        %dma_wait3A_486 = tpu.memref_squeeze %dma_wait3A_485 : memref<1x64xi32, #tpu.memory_space<vmem>> -> memref<64xi32, #tpu.memory_space<vmem>>
        %dma_wait3A_487 = tpu.memref_slice %arg4[%add3A_463, %multiple_of3A_482] : memref<2560x128xi32, #tpu.memory_space<hbm>> -> memref<1x64xi32, #tpu.memory_space<hbm>>
        %dma_wait3A_488 = tpu.memref_squeeze %dma_wait3A_487 : memref<1x64xi32, #tpu.memory_space<hbm>> -> memref<64xi32, #tpu.memory_space<hbm>>
        %dma_wait3A_489 = arith.constant 0 : i32
        %dma_wait3A_490 = tpu.memref_slice %arg10[%dma_wait3A_483, %dma_wait3A_489] : memref<4x64xi32, #tpu.memory_space<vmem>> -> memref<1x64xi32, #tpu.memory_space<vmem>>
        %dma_wait3A_491 = tpu.memref_squeeze %dma_wait3A_490 : memref<1x64xi32, #tpu.memory_space<vmem>> -> memref<64xi32, #tpu.memory_space<vmem>>
        %dma_wait3A_492 = tpu.memref_slice %arg4[%add3A_463, %multiple_of3A_482] : memref<2560x128xi32, #tpu.memory_space<hbm>> -> memref<1x64xi32, #tpu.memory_space<hbm>>
        %dma_wait3A_493 = tpu.memref_squeeze %dma_wait3A_492 : memref<1x64xi32, #tpu.memory_space<hbm>> -> memref<64xi32, #tpu.memory_space<hbm>>
        tpu.wait_dma2 semaphore(%arg17 : memref<!tpu.dma_semaphore, #tpu.memory_space<semaphore_mem>>) src(%dma_wait3A_493 : memref<64xi32, #tpu.memory_space<hbm>>) dst(%dma_wait3A_491 : memref<64xi32, #tpu.memory_space<vmem>>)
        %run_scoped3A_494 = arith.constant 2 : i32
        %run_scoped3A_495 = arith.constant 2 : i32
        "tpu.region"() ({
          %run_scoped3A_624 = tpu.sem_alloc : memref<!tpu.dma_semaphore, #tpu.memory_space<semaphore_mem>>
          %dma_start3A_625 = arith.constant 0 : i32
          %dma_start3A_626 = arith.constant 0 : i32
          %dma_start3A_627 = tpu.memref_slice %arg8[%run_scoped3A_494, %dma_start3A_625, %dma_start3A_626] : memref<4x64x128xf32, #tpu.memory_space<vmem>> -> memref<1x64x128xf32, #tpu.memory_space<vmem>>
          %dma_start3A_628 = tpu.memref_squeeze %dma_start3A_627 : memref<1x64x128xf32, #tpu.memory_space<vmem>> -> memref<64x128xf32, #tpu.memory_space<vmem>>
          %dma_start3A_629 = arith.constant 0 : i32
          %dma_start3A_630 = tpu.memref_slice %arg10[%run_scoped3A_495, %dma_start3A_629] : memref<4x64xi32, #tpu.memory_space<vmem>> -> memref<1x64xi32, #tpu.memory_space<vmem>>
          %dma_start3A_631 = tpu.memref_squeeze %dma_start3A_630 : memref<1x64xi32, #tpu.memory_space<vmem>> -> memref<64xi32, #tpu.memory_space<vmem>>
          %dma_start3A_632 = arith.constant 0 : i32
          %dma_start3A_633 = arith.constant 0 : i32
          %dma_start3A_634 = tpu.memref_slice %arg7[%dma_start3A_632, %dma_start3A_633] : memref<10112x128xf32, #tpu.memory_space<vmem_shared>> -> memref<10112x128xf32, #tpu.memory_space<vmem_shared>>
          tpu.enqueue_indirect_dma source(%dma_start3A_628 : memref<64x128xf32, #tpu.memory_space<vmem>>) target(%dma_start3A_634 : memref<10112x128xf32, #tpu.memory_space<vmem_shared>>) offsets(%dma_start3A_631 : memref<64xi32, #tpu.memory_space<vmem>>) semaphore(%run_scoped3A_624 : memref<!tpu.dma_semaphore, #tpu.memory_space<semaphore_mem>>) {add = true}
          %dma_wait3A_635 = arith.constant 0 : i32
          %dma_wait3A_636 = arith.constant 0 : i32
          %dma_wait3A_637 = tpu.memref_slice %arg8[%run_scoped3A_494, %dma_wait3A_635, %dma_wait3A_636] : memref<4x64x128xf32, #tpu.memory_space<vmem>> -> memref<1x64x128xf32, #tpu.memory_space<vmem>>
          %dma_wait3A_638 = tpu.memref_squeeze %dma_wait3A_637 : memref<1x64x128xf32, #tpu.memory_space<vmem>> -> memref<64x128xf32, #tpu.memory_space<vmem>>
          %dma_wait3A_639 = arith.constant 0 : i32
          %dma_wait3A_640 = tpu.memref_slice %arg10[%run_scoped3A_495, %dma_wait3A_639] : memref<4x64xi32, #tpu.memory_space<vmem>> -> memref<1x64xi32, #tpu.memory_space<vmem>>
          %dma_wait3A_641 = tpu.memref_squeeze %dma_wait3A_640 : memref<1x64xi32, #tpu.memory_space<vmem>> -> memref<64xi32, #tpu.memory_space<vmem>>
          %dma_wait3A_642 = arith.constant 0 : i32
          %dma_wait3A_643 = arith.constant 0 : i32
          %dma_wait3A_644 = tpu.memref_slice %arg7[%dma_wait3A_642, %dma_wait3A_643] : memref<10112x128xf32, #tpu.memory_space<vmem_shared>> -> memref<10112x128xf32, #tpu.memory_space<vmem_shared>>
          tpu.wait_indirect_dma semaphore(%run_scoped3A_624 : memref<!tpu.dma_semaphore, #tpu.memory_space<semaphore_mem>>) src(%dma_wait3A_638 : memref<64x128xf32, #tpu.memory_space<vmem>>) dst(%dma_wait3A_644 : memref<10112x128xf32, #tpu.memory_space<vmem_shared>>)
          tpu.yield
        }) : () -> ()
        %add3A_496 = arith.constant 4 : i32
        %add3A_497 = arith.addi %add3A_385, %add3A_496 : i32
        %lt3A_498 = arith.constant 160 : i32
        %lt3A_499 = arith.cmpi slt, %add3A_497, %lt3A_498 : i32
        %convert_element_type3A_500 = arith.extui %lt3A_499 : i1 to i32
        %cond3A_501 = arith.constant 0 : i32
        %cond3A_502 = arith.cmpi ne, %convert_element_type3A_500, %cond3A_501 : i32
        scf.if %cond3A_502 {
          %add3A_624 = arith.constant 4 : i32
          %add3A_625 = arith.addi %add3A_385, %add3A_624 : i32
          %jit3A_626 = arith.constant 2 : i32
          %div3A_627 = arith.divsi %add3A_625, %jit3A_626 : i32
          %sign3A_628 = arith.constant 0 : i32
          %sign3A_629 = arith.cmpi sgt, %add3A_625, %sign3A_628 : i32
          %sign3A_630 = arith.extui %sign3A_629 : i1 to i32
          %sign3A_631 = arith.constant 0 : i32
          %sign3A_632 = arith.cmpi slt, %add3A_625, %sign3A_631 : i32
          %sign3A_633 = arith.extui %sign3A_632 : i1 to i32
          %sign3A_634 = arith.subi %sign3A_630, %sign3A_633 : i32
          %sign3A_635 = arith.constant 0 : i32
          %sign3A_636 = arith.cmpi sgt, %jit3A_626, %sign3A_635 : i32
          %sign3A_637 = arith.extui %sign3A_636 : i1 to i32
          %sign3A_638 = arith.constant 0 : i32
          %sign3A_639 = arith.cmpi slt, %jit3A_626, %sign3A_638 : i32
          %sign3A_640 = arith.extui %sign3A_639 : i1 to i32
          %sign3A_641 = arith.subi %sign3A_637, %sign3A_640 : i32
          %ne3A_642 = arith.cmpi ne, %sign3A_634, %sign3A_641 : i32
          %rem3A_643 = arith.remsi %add3A_625, %jit3A_626 : i32
          %ne3A_644 = arith.constant 0 : i32
          %ne3A_645 = arith.cmpi ne, %rem3A_643, %ne3A_644 : i32
          %and3A_646 = arith.andi %ne3A_642, %ne3A_645 : i1
          %sub3A_647 = arith.constant 1 : i32
          %sub3A_648 = arith.subi %div3A_627, %sub3A_647 : i32
          %select_n3A_649 = arith.select %and3A_646, %sub3A_648, %div3A_627 : i32
          %jit3A_650 = arith.constant 2 : i32
          %eq3A_651 = arith.constant 0 : i32
          %eq3A_652 = arith.cmpi eq, %jit3A_650, %eq3A_651 : i32
          %jit3A_653 = arith.constant 1 : i32
          %select_n3A_654 = arith.select %eq3A_652, %jit3A_653, %jit3A_650 : i32
          %rem3A_655 = arith.remsi %add3A_625, %select_n3A_654 : i32
          %ne3A_656 = arith.constant 0 : i32
          %ne3A_657 = arith.cmpi ne, %rem3A_655, %ne3A_656 : i32
          %lt3A_658 = arith.constant 0 : i32
          %lt3A_659 = arith.cmpi slt, %rem3A_655, %lt3A_658 : i32
          %lt3A_660 = arith.constant 0 : i32
          %lt3A_661 = arith.cmpi slt, %select_n3A_654, %lt3A_660 : i32
          %ne3A_662 = arith.xori %lt3A_659, %lt3A_661 : i1
          %and3A_663 = arith.andi %ne3A_662, %ne3A_657 : i1
          %add3A_664 = arith.addi %rem3A_655, %select_n3A_654 : i32
          %select_n3A_665 = arith.select %and3A_663, %add3A_664, %rem3A_655 : i32
          %mul3A_666 = arith.constant 64 : i32
          %mul3A_667 = arith.muli %select_n3A_665, %mul3A_666 : i32
          %multiple_of3A_668 = tpu.assume_multiple %mul3A_667, 8 : i32
          %dma_start3A_669 = arith.constant 2 : i32
          %dma_start3A_670 = arith.constant 0 : i32
          %dma_start3A_671 = arith.constant 0 : i32
          %dma_start3A_672 = tpu.memref_slice %arg8[%dma_start3A_669, %dma_start3A_670, %dma_start3A_671] : memref<4x64x128xf32, #tpu.memory_space<vmem>> -> memref<1x64x128xf32, #tpu.memory_space<vmem>>
          %dma_start3A_673 = tpu.memref_squeeze %dma_start3A_672 : memref<1x64x128xf32, #tpu.memory_space<vmem>> -> memref<64x128xf32, #tpu.memory_space<vmem>>
          %dma_start3A_674 = tpu.memref_slice %arg9[%select_n3A_649, %multiple_of3A_668] : memref<80x128xi32, #tpu.memory_space<vmem>> -> memref<1x64xi32, #tpu.memory_space<vmem>>
          %dma_start3A_675 = tpu.memref_squeeze %dma_start3A_674 : memref<1x64xi32, #tpu.memory_space<vmem>> -> memref<64xi32, #tpu.memory_space<vmem>>
          %dma_start3A_676 = arith.constant 0 : i32
          %dma_start3A_677 = arith.constant 0 : i32
          %dma_start3A_678 = tpu.memref_slice %arg2[%dma_start3A_676, %dma_start3A_677] : memref<10000x128xf32, #tpu.memory_space<hbm>> -> memref<10000x128xf32, #tpu.memory_space<hbm>>
          tpu.enqueue_indirect_dma source(%dma_start3A_678 : memref<10000x128xf32, #tpu.memory_space<hbm>>) target(%dma_start3A_673 : memref<64x128xf32, #tpu.memory_space<vmem>>) offsets(%dma_start3A_675 : memref<64xi32, #tpu.memory_space<vmem>>) semaphore(%arg13 : memref<!tpu.dma_semaphore, #tpu.memory_space<semaphore_mem>>)
          %add3A_679 = arith.constant 4 : i32
          %add3A_680 = arith.addi %add3A_385, %add3A_679 : i32
          %jit3A_681 = arith.constant 2 : i32
          %div3A_682 = arith.divsi %add3A_680, %jit3A_681 : i32
          %sign3A_683 = arith.constant 0 : i32
          %sign3A_684 = arith.cmpi sgt, %add3A_680, %sign3A_683 : i32
          %sign3A_685 = arith.extui %sign3A_684 : i1 to i32
          %sign3A_686 = arith.constant 0 : i32
          %sign3A_687 = arith.cmpi slt, %add3A_680, %sign3A_686 : i32
          %sign3A_688 = arith.extui %sign3A_687 : i1 to i32
          %sign3A_689 = arith.subi %sign3A_685, %sign3A_688 : i32
          %sign3A_690 = arith.constant 0 : i32
          %sign3A_691 = arith.cmpi sgt, %jit3A_681, %sign3A_690 : i32
          %sign3A_692 = arith.extui %sign3A_691 : i1 to i32
          %sign3A_693 = arith.constant 0 : i32
          %sign3A_694 = arith.cmpi slt, %jit3A_681, %sign3A_693 : i32
          %sign3A_695 = arith.extui %sign3A_694 : i1 to i32
          %sign3A_696 = arith.subi %sign3A_692, %sign3A_695 : i32
          %ne3A_697 = arith.cmpi ne, %sign3A_689, %sign3A_696 : i32
          %rem3A_698 = arith.remsi %add3A_680, %jit3A_681 : i32
          %ne3A_699 = arith.constant 0 : i32
          %ne3A_700 = arith.cmpi ne, %rem3A_698, %ne3A_699 : i32
          %and3A_701 = arith.andi %ne3A_697, %ne3A_700 : i1
          %sub3A_702 = arith.constant 1 : i32
          %sub3A_703 = arith.subi %div3A_682, %sub3A_702 : i32
          %select_n3A_704 = arith.select %and3A_701, %sub3A_703, %div3A_682 : i32
          %add3A_705 = arith.addi %multiple_of3A_31, %select_n3A_704 : i32
          %jit3A_706 = arith.constant 2 : i32
          %eq3A_707 = arith.constant 0 : i32
          %eq3A_708 = arith.cmpi eq, %jit3A_706, %eq3A_707 : i32
          %jit3A_709 = arith.constant 1 : i32
          %select_n3A_710 = arith.select %eq3A_708, %jit3A_709, %jit3A_706 : i32
          %rem3A_711 = arith.remsi %add3A_680, %select_n3A_710 : i32
          %ne3A_712 = arith.constant 0 : i32
          %ne3A_713 = arith.cmpi ne, %rem3A_711, %ne3A_712 : i32
          %lt3A_714 = arith.constant 0 : i32
          %lt3A_715 = arith.cmpi slt, %rem3A_711, %lt3A_714 : i32
          %lt3A_716 = arith.constant 0 : i32
          %lt3A_717 = arith.cmpi slt, %select_n3A_710, %lt3A_716 : i32
          %ne3A_718 = arith.xori %lt3A_715, %lt3A_717 : i1
          %and3A_719 = arith.andi %ne3A_718, %ne3A_713 : i1
          %add3A_720 = arith.addi %rem3A_711, %select_n3A_710 : i32
          %select_n3A_721 = arith.select %and3A_719, %add3A_720, %rem3A_711 : i32
          %mul3A_722 = arith.constant 64 : i32
          %mul3A_723 = arith.muli %select_n3A_721, %mul3A_722 : i32
          %multiple_of3A_724 = tpu.assume_multiple %mul3A_723, 8 : i32
          %dma_start3A_725 = arith.constant 2 : i32
          %dma_start3A_726 = arith.constant 0 : i32
          %dma_start3A_727 = tpu.memref_slice %arg10[%dma_start3A_725, %dma_start3A_726] : memref<4x64xi32, #tpu.memory_space<vmem>> -> memref<1x64xi32, #tpu.memory_space<vmem>>
          %dma_start3A_728 = tpu.memref_squeeze %dma_start3A_727 : memref<1x64xi32, #tpu.memory_space<vmem>> -> memref<64xi32, #tpu.memory_space<vmem>>
          %dma_start3A_729 = tpu.memref_slice %arg4[%add3A_705, %multiple_of3A_724] : memref<2560x128xi32, #tpu.memory_space<hbm>> -> memref<1x64xi32, #tpu.memory_space<hbm>>
          %dma_start3A_730 = tpu.memref_squeeze %dma_start3A_729 : memref<1x64xi32, #tpu.memory_space<hbm>> -> memref<64xi32, #tpu.memory_space<hbm>>
          %dma_start3A_731 = arith.constant 0 : i32
          %dma_start3A_732 = tpu.memref_slice %arg10[%dma_start3A_725, %dma_start3A_731] : memref<4x64xi32, #tpu.memory_space<vmem>> -> memref<1x64xi32, #tpu.memory_space<vmem>>
          %dma_start3A_733 = tpu.memref_squeeze %dma_start3A_732 : memref<1x64xi32, #tpu.memory_space<vmem>> -> memref<64xi32, #tpu.memory_space<vmem>>
          %dma_start3A_734 = tpu.memref_slice %arg4[%add3A_705, %multiple_of3A_724] : memref<2560x128xi32, #tpu.memory_space<hbm>> -> memref<1x64xi32, #tpu.memory_space<hbm>>
          %dma_start3A_735 = tpu.memref_squeeze %dma_start3A_734 : memref<1x64xi32, #tpu.memory_space<hbm>> -> memref<64xi32, #tpu.memory_space<hbm>>
          tpu.enqueue_dma source(%dma_start3A_735 : memref<64xi32, #tpu.memory_space<hbm>>) target(%dma_start3A_733 : memref<64xi32, #tpu.memory_space<vmem>>) target_semaphore(%arg17 : memref<!tpu.dma_semaphore, #tpu.memory_space<semaphore_mem>>)
        } else {
        }
        %mul3A_503 = arith.constant 4 : i32
        %mul3A_504 = arith.muli %scan3A_148, %mul3A_503 : i32
        %add3A_505 = arith.constant 3 : i32
        %add3A_506 = arith.addi %mul3A_504, %add3A_505 : i32
        %jit3A_507 = arith.constant 2 : i32
        %div3A_508 = arith.divsi %add3A_506, %jit3A_507 : i32
        %sign3A_509 = arith.constant 0 : i32
        %sign3A_510 = arith.cmpi sgt, %add3A_506, %sign3A_509 : i32
        %sign3A_511 = arith.extui %sign3A_510 : i1 to i32
        %sign3A_512 = arith.constant 0 : i32
        %sign3A_513 = arith.cmpi slt, %add3A_506, %sign3A_512 : i32
        %sign3A_514 = arith.extui %sign3A_513 : i1 to i32
        %sign3A_515 = arith.subi %sign3A_511, %sign3A_514 : i32
        %sign3A_516 = arith.constant 0 : i32
        %sign3A_517 = arith.cmpi sgt, %jit3A_507, %sign3A_516 : i32
        %sign3A_518 = arith.extui %sign3A_517 : i1 to i32
        %sign3A_519 = arith.constant 0 : i32
        %sign3A_520 = arith.cmpi slt, %jit3A_507, %sign3A_519 : i32
        %sign3A_521 = arith.extui %sign3A_520 : i1 to i32
        %sign3A_522 = arith.subi %sign3A_518, %sign3A_521 : i32
        %ne3A_523 = arith.cmpi ne, %sign3A_515, %sign3A_522 : i32
        %rem3A_524 = arith.remsi %add3A_506, %jit3A_507 : i32
        %ne3A_525 = arith.constant 0 : i32
        %ne3A_526 = arith.cmpi ne, %rem3A_524, %ne3A_525 : i32
        %and3A_527 = arith.andi %ne3A_523, %ne3A_526 : i1
        %sub3A_528 = arith.constant 1 : i32
        %sub3A_529 = arith.subi %div3A_508, %sub3A_528 : i32
        %select_n3A_530 = arith.select %and3A_527, %sub3A_529, %div3A_508 : i32
        %jit3A_531 = arith.constant 2 : i32
        %eq3A_532 = arith.constant 0 : i32
        %eq3A_533 = arith.cmpi eq, %jit3A_531, %eq3A_532 : i32
        %jit3A_534 = arith.constant 1 : i32
        %select_n3A_535 = arith.select %eq3A_533, %jit3A_534, %jit3A_531 : i32
        %rem3A_536 = arith.remsi %add3A_506, %select_n3A_535 : i32
        %ne3A_537 = arith.constant 0 : i32
        %ne3A_538 = arith.cmpi ne, %rem3A_536, %ne3A_537 : i32
        %lt3A_539 = arith.constant 0 : i32
        %lt3A_540 = arith.cmpi slt, %rem3A_536, %lt3A_539 : i32
        %lt3A_541 = arith.constant 0 : i32
        %lt3A_542 = arith.cmpi slt, %select_n3A_535, %lt3A_541 : i32
        %ne3A_543 = arith.xori %lt3A_540, %lt3A_542 : i1
        %and3A_544 = arith.andi %ne3A_543, %ne3A_538 : i1
        %add3A_545 = arith.addi %rem3A_536, %select_n3A_535 : i32
        %select_n3A_546 = arith.select %and3A_544, %add3A_545, %rem3A_536 : i32
        %mul3A_547 = arith.constant 64 : i32
        %mul3A_548 = arith.muli %select_n3A_546, %mul3A_547 : i32
        %multiple_of3A_549 = tpu.assume_multiple %mul3A_548, 8 : i32
        %dma_wait3A_550 = arith.constant 3 : i32
        %dma_wait3A_551 = arith.constant 0 : i32
        %dma_wait3A_552 = arith.constant 0 : i32
        %dma_wait3A_553 = tpu.memref_slice %arg8[%dma_wait3A_550, %dma_wait3A_551, %dma_wait3A_552] : memref<4x64x128xf32, #tpu.memory_space<vmem>> -> memref<1x64x128xf32, #tpu.memory_space<vmem>>
        %dma_wait3A_554 = tpu.memref_squeeze %dma_wait3A_553 : memref<1x64x128xf32, #tpu.memory_space<vmem>> -> memref<64x128xf32, #tpu.memory_space<vmem>>
        %dma_wait3A_555 = tpu.memref_slice %arg9[%select_n3A_530, %multiple_of3A_549] : memref<80x128xi32, #tpu.memory_space<vmem>> -> memref<1x64xi32, #tpu.memory_space<vmem>>
        %dma_wait3A_556 = tpu.memref_squeeze %dma_wait3A_555 : memref<1x64xi32, #tpu.memory_space<vmem>> -> memref<64xi32, #tpu.memory_space<vmem>>
        %dma_wait3A_557 = arith.constant 0 : i32
        %dma_wait3A_558 = arith.constant 0 : i32
        %dma_wait3A_559 = tpu.memref_slice %arg2[%dma_wait3A_557, %dma_wait3A_558] : memref<10000x128xf32, #tpu.memory_space<hbm>> -> memref<10000x128xf32, #tpu.memory_space<hbm>>
        tpu.wait_indirect_dma semaphore(%arg14 : memref<!tpu.dma_semaphore, #tpu.memory_space<semaphore_mem>>) src(%dma_wait3A_559 : memref<10000x128xf32, #tpu.memory_space<hbm>>) dst(%dma_wait3A_554 : memref<64x128xf32, #tpu.memory_space<vmem>>)
        %jit3A_560 = arith.constant 2 : i32
        %div3A_561 = arith.divsi %add3A_506, %jit3A_560 : i32
        %sign3A_562 = arith.constant 0 : i32
        %sign3A_563 = arith.cmpi sgt, %add3A_506, %sign3A_562 : i32
        %sign3A_564 = arith.extui %sign3A_563 : i1 to i32
        %sign3A_565 = arith.constant 0 : i32
        %sign3A_566 = arith.cmpi slt, %add3A_506, %sign3A_565 : i32
        %sign3A_567 = arith.extui %sign3A_566 : i1 to i32
        %sign3A_568 = arith.subi %sign3A_564, %sign3A_567 : i32
        %sign3A_569 = arith.constant 0 : i32
        %sign3A_570 = arith.cmpi sgt, %jit3A_560, %sign3A_569 : i32
        %sign3A_571 = arith.extui %sign3A_570 : i1 to i32
        %sign3A_572 = arith.constant 0 : i32
        %sign3A_573 = arith.cmpi slt, %jit3A_560, %sign3A_572 : i32
        %sign3A_574 = arith.extui %sign3A_573 : i1 to i32
        %sign3A_575 = arith.subi %sign3A_571, %sign3A_574 : i32
        %ne3A_576 = arith.cmpi ne, %sign3A_568, %sign3A_575 : i32
        %rem3A_577 = arith.remsi %add3A_506, %jit3A_560 : i32
        %ne3A_578 = arith.constant 0 : i32
        %ne3A_579 = arith.cmpi ne, %rem3A_577, %ne3A_578 : i32
        %and3A_580 = arith.andi %ne3A_576, %ne3A_579 : i1
        %sub3A_581 = arith.constant 1 : i32
        %sub3A_582 = arith.subi %div3A_561, %sub3A_581 : i32
        %select_n3A_583 = arith.select %and3A_580, %sub3A_582, %div3A_561 : i32
        %add3A_584 = arith.addi %multiple_of3A_31, %select_n3A_583 : i32
        %jit3A_585 = arith.constant 2 : i32
        %eq3A_586 = arith.constant 0 : i32
        %eq3A_587 = arith.cmpi eq, %jit3A_585, %eq3A_586 : i32
        %jit3A_588 = arith.constant 1 : i32
        %select_n3A_589 = arith.select %eq3A_587, %jit3A_588, %jit3A_585 : i32
        %rem3A_590 = arith.remsi %add3A_506, %select_n3A_589 : i32
        %ne3A_591 = arith.constant 0 : i32
        %ne3A_592 = arith.cmpi ne, %rem3A_590, %ne3A_591 : i32
        %lt3A_593 = arith.constant 0 : i32
        %lt3A_594 = arith.cmpi slt, %rem3A_590, %lt3A_593 : i32
        %lt3A_595 = arith.constant 0 : i32
        %lt3A_596 = arith.cmpi slt, %select_n3A_589, %lt3A_595 : i32
        %ne3A_597 = arith.xori %lt3A_594, %lt3A_596 : i1
        %and3A_598 = arith.andi %ne3A_597, %ne3A_592 : i1
        %add3A_599 = arith.addi %rem3A_590, %select_n3A_589 : i32
        %select_n3A_600 = arith.select %and3A_598, %add3A_599, %rem3A_590 : i32
        %mul3A_601 = arith.constant 64 : i32
        %mul3A_602 = arith.muli %select_n3A_600, %mul3A_601 : i32
        %multiple_of3A_603 = tpu.assume_multiple %mul3A_602, 8 : i32
        %dma_wait3A_604 = arith.constant 3 : i32
        %dma_wait3A_605 = arith.constant 0 : i32
        %dma_wait3A_606 = tpu.memref_slice %arg10[%dma_wait3A_604, %dma_wait3A_605] : memref<4x64xi32, #tpu.memory_space<vmem>> -> memref<1x64xi32, #tpu.memory_space<vmem>>
        %dma_wait3A_607 = tpu.memref_squeeze %dma_wait3A_606 : memref<1x64xi32, #tpu.memory_space<vmem>> -> memref<64xi32, #tpu.memory_space<vmem>>
        %dma_wait3A_608 = tpu.memref_slice %arg4[%add3A_584, %multiple_of3A_603] : memref<2560x128xi32, #tpu.memory_space<hbm>> -> memref<1x64xi32, #tpu.memory_space<hbm>>
        %dma_wait3A_609 = tpu.memref_squeeze %dma_wait3A_608 : memref<1x64xi32, #tpu.memory_space<hbm>> -> memref<64xi32, #tpu.memory_space<hbm>>
        %dma_wait3A_610 = arith.constant 0 : i32
        %dma_wait3A_611 = tpu.memref_slice %arg10[%dma_wait3A_604, %dma_wait3A_610] : memref<4x64xi32, #tpu.memory_space<vmem>> -> memref<1x64xi32, #tpu.memory_space<vmem>>
        %dma_wait3A_612 = tpu.memref_squeeze %dma_wait3A_611 : memref<1x64xi32, #tpu.memory_space<vmem>> -> memref<64xi32, #tpu.memory_space<vmem>>
        %dma_wait3A_613 = tpu.memref_slice %arg4[%add3A_584, %multiple_of3A_603] : memref<2560x128xi32, #tpu.memory_space<hbm>> -> memref<1x64xi32, #tpu.memory_space<hbm>>
        %dma_wait3A_614 = tpu.memref_squeeze %dma_wait3A_613 : memref<1x64xi32, #tpu.memory_space<hbm>> -> memref<64xi32, #tpu.memory_space<hbm>>
        tpu.wait_dma2 semaphore(%arg18 : memref<!tpu.dma_semaphore, #tpu.memory_space<semaphore_mem>>) src(%dma_wait3A_614 : memref<64xi32, #tpu.memory_space<hbm>>) dst(%dma_wait3A_612 : memref<64xi32, #tpu.memory_space<vmem>>)
        %run_scoped3A_615 = arith.constant 3 : i32
        %run_scoped3A_616 = arith.constant 3 : i32
        "tpu.region"() ({
          %run_scoped3A_624 = tpu.sem_alloc : memref<!tpu.dma_semaphore, #tpu.memory_space<semaphore_mem>>
          %dma_start3A_625 = arith.constant 0 : i32
          %dma_start3A_626 = arith.constant 0 : i32
          %dma_start3A_627 = tpu.memref_slice %arg8[%run_scoped3A_615, %dma_start3A_625, %dma_start3A_626] : memref<4x64x128xf32, #tpu.memory_space<vmem>> -> memref<1x64x128xf32, #tpu.memory_space<vmem>>
          %dma_start3A_628 = tpu.memref_squeeze %dma_start3A_627 : memref<1x64x128xf32, #tpu.memory_space<vmem>> -> memref<64x128xf32, #tpu.memory_space<vmem>>
          %dma_start3A_629 = arith.constant 0 : i32
          %dma_start3A_630 = tpu.memref_slice %arg10[%run_scoped3A_616, %dma_start3A_629] : memref<4x64xi32, #tpu.memory_space<vmem>> -> memref<1x64xi32, #tpu.memory_space<vmem>>
          %dma_start3A_631 = tpu.memref_squeeze %dma_start3A_630 : memref<1x64xi32, #tpu.memory_space<vmem>> -> memref<64xi32, #tpu.memory_space<vmem>>
          %dma_start3A_632 = arith.constant 0 : i32
          %dma_start3A_633 = arith.constant 0 : i32
          %dma_start3A_634 = tpu.memref_slice %arg7[%dma_start3A_632, %dma_start3A_633] : memref<10112x128xf32, #tpu.memory_space<vmem_shared>> -> memref<10112x128xf32, #tpu.memory_space<vmem_shared>>
          tpu.enqueue_indirect_dma source(%dma_start3A_628 : memref<64x128xf32, #tpu.memory_space<vmem>>) target(%dma_start3A_634 : memref<10112x128xf32, #tpu.memory_space<vmem_shared>>) offsets(%dma_start3A_631 : memref<64xi32, #tpu.memory_space<vmem>>) semaphore(%run_scoped3A_624 : memref<!tpu.dma_semaphore, #tpu.memory_space<semaphore_mem>>) {add = true}
          %dma_wait3A_635 = arith.constant 0 : i32
          %dma_wait3A_636 = arith.constant 0 : i32
          %dma_wait3A_637 = tpu.memref_slice %arg8[%run_scoped3A_615, %dma_wait3A_635, %dma_wait3A_636] : memref<4x64x128xf32, #tpu.memory_space<vmem>> -> memref<1x64x128xf32, #tpu.memory_space<vmem>>
          %dma_wait3A_638 = tpu.memref_squeeze %dma_wait3A_637 : memref<1x64x128xf32, #tpu.memory_space<vmem>> -> memref<64x128xf32, #tpu.memory_space<vmem>>
          %dma_wait3A_639 = arith.constant 0 : i32
          %dma_wait3A_640 = tpu.memref_slice %arg10[%run_scoped3A_616, %dma_wait3A_639] : memref<4x64xi32, #tpu.memory_space<vmem>> -> memref<1x64xi32, #tpu.memory_space<vmem>>
          %dma_wait3A_641 = tpu.memref_squeeze %dma_wait3A_640 : memref<1x64xi32, #tpu.memory_space<vmem>> -> memref<64xi32, #tpu.memory_space<vmem>>
          %dma_wait3A_642 = arith.constant 0 : i32
          %dma_wait3A_643 = arith.constant 0 : i32
          %dma_wait3A_644 = tpu.memref_slice %arg7[%dma_wait3A_642, %dma_wait3A_643] : memref<10112x128xf32, #tpu.memory_space<vmem_shared>> -> memref<10112x128xf32, #tpu.memory_space<vmem_shared>>
          tpu.wait_indirect_dma semaphore(%run_scoped3A_624 : memref<!tpu.dma_semaphore, #tpu.memory_space<semaphore_mem>>) src(%dma_wait3A_638 : memref<64x128xf32, #tpu.memory_space<vmem>>) dst(%dma_wait3A_644 : memref<10112x128xf32, #tpu.memory_space<vmem_shared>>)
          tpu.yield
        }) : () -> ()
        %add3A_617 = arith.constant 4 : i32
        %add3A_618 = arith.addi %add3A_506, %add3A_617 : i32
        %lt3A_619 = arith.constant 160 : i32
        %lt3A_620 = arith.cmpi slt, %add3A_618, %lt3A_619 : i32
        %convert_element_type3A_621 = arith.extui %lt3A_620 : i1 to i32
        %cond3A_622 = arith.constant 0 : i32
        %cond3A_623 = arith.cmpi ne, %convert_element_type3A_621, %cond3A_622 : i32
        scf.if %cond3A_623 {
          %add3A_624 = arith.constant 4 : i32
          %add3A_625 = arith.addi %add3A_506, %add3A_624 : i32
          %jit3A_626 = arith.constant 2 : i32
          %div3A_627 = arith.divsi %add3A_625, %jit3A_626 : i32
          %sign3A_628 = arith.constant 0 : i32
          %sign3A_629 = arith.cmpi sgt, %add3A_625, %sign3A_628 : i32
          %sign3A_630 = arith.extui %sign3A_629 : i1 to i32
          %sign3A_631 = arith.constant 0 : i32
          %sign3A_632 = arith.cmpi slt, %add3A_625, %sign3A_631 : i32
          %sign3A_633 = arith.extui %sign3A_632 : i1 to i32
          %sign3A_634 = arith.subi %sign3A_630, %sign3A_633 : i32
          %sign3A_635 = arith.constant 0 : i32
          %sign3A_636 = arith.cmpi sgt, %jit3A_626, %sign3A_635 : i32
          %sign3A_637 = arith.extui %sign3A_636 : i1 to i32
          %sign3A_638 = arith.constant 0 : i32
          %sign3A_639 = arith.cmpi slt, %jit3A_626, %sign3A_638 : i32
          %sign3A_640 = arith.extui %sign3A_639 : i1 to i32
          %sign3A_641 = arith.subi %sign3A_637, %sign3A_640 : i32
          %ne3A_642 = arith.cmpi ne, %sign3A_634, %sign3A_641 : i32
          %rem3A_643 = arith.remsi %add3A_625, %jit3A_626 : i32
          %ne3A_644 = arith.constant 0 : i32
          %ne3A_645 = arith.cmpi ne, %rem3A_643, %ne3A_644 : i32
          %and3A_646 = arith.andi %ne3A_642, %ne3A_645 : i1
          %sub3A_647 = arith.constant 1 : i32
          %sub3A_648 = arith.subi %div3A_627, %sub3A_647 : i32
          %select_n3A_649 = arith.select %and3A_646, %sub3A_648, %div3A_627 : i32
          %jit3A_650 = arith.constant 2 : i32
          %eq3A_651 = arith.constant 0 : i32
          %eq3A_652 = arith.cmpi eq, %jit3A_650, %eq3A_651 : i32
          %jit3A_653 = arith.constant 1 : i32
          %select_n3A_654 = arith.select %eq3A_652, %jit3A_653, %jit3A_650 : i32
          %rem3A_655 = arith.remsi %add3A_625, %select_n3A_654 : i32
          %ne3A_656 = arith.constant 0 : i32
          %ne3A_657 = arith.cmpi ne, %rem3A_655, %ne3A_656 : i32
          %lt3A_658 = arith.constant 0 : i32
          %lt3A_659 = arith.cmpi slt, %rem3A_655, %lt3A_658 : i32
          %lt3A_660 = arith.constant 0 : i32
          %lt3A_661 = arith.cmpi slt, %select_n3A_654, %lt3A_660 : i32
          %ne3A_662 = arith.xori %lt3A_659, %lt3A_661 : i1
          %and3A_663 = arith.andi %ne3A_662, %ne3A_657 : i1
          %add3A_664 = arith.addi %rem3A_655, %select_n3A_654 : i32
          %select_n3A_665 = arith.select %and3A_663, %add3A_664, %rem3A_655 : i32
          %mul3A_666 = arith.constant 64 : i32
          %mul3A_667 = arith.muli %select_n3A_665, %mul3A_666 : i32
          %multiple_of3A_668 = tpu.assume_multiple %mul3A_667, 8 : i32
          %dma_start3A_669 = arith.constant 3 : i32
          %dma_start3A_670 = arith.constant 0 : i32
          %dma_start3A_671 = arith.constant 0 : i32
          %dma_start3A_672 = tpu.memref_slice %arg8[%dma_start3A_669, %dma_start3A_670, %dma_start3A_671] : memref<4x64x128xf32, #tpu.memory_space<vmem>> -> memref<1x64x128xf32, #tpu.memory_space<vmem>>
          %dma_start3A_673 = tpu.memref_squeeze %dma_start3A_672 : memref<1x64x128xf32, #tpu.memory_space<vmem>> -> memref<64x128xf32, #tpu.memory_space<vmem>>
          %dma_start3A_674 = tpu.memref_slice %arg9[%select_n3A_649, %multiple_of3A_668] : memref<80x128xi32, #tpu.memory_space<vmem>> -> memref<1x64xi32, #tpu.memory_space<vmem>>
          %dma_start3A_675 = tpu.memref_squeeze %dma_start3A_674 : memref<1x64xi32, #tpu.memory_space<vmem>> -> memref<64xi32, #tpu.memory_space<vmem>>
          %dma_start3A_676 = arith.constant 0 : i32
          %dma_start3A_677 = arith.constant 0 : i32
          %dma_start3A_678 = tpu.memref_slice %arg2[%dma_start3A_676, %dma_start3A_677] : memref<10000x128xf32, #tpu.memory_space<hbm>> -> memref<10000x128xf32, #tpu.memory_space<hbm>>
          tpu.enqueue_indirect_dma source(%dma_start3A_678 : memref<10000x128xf32, #tpu.memory_space<hbm>>) target(%dma_start3A_673 : memref<64x128xf32, #tpu.memory_space<vmem>>) offsets(%dma_start3A_675 : memref<64xi32, #tpu.memory_space<vmem>>) semaphore(%arg14 : memref<!tpu.dma_semaphore, #tpu.memory_space<semaphore_mem>>)
          %add3A_679 = arith.constant 4 : i32
          %add3A_680 = arith.addi %add3A_506, %add3A_679 : i32
          %jit3A_681 = arith.constant 2 : i32
          %div3A_682 = arith.divsi %add3A_680, %jit3A_681 : i32
          %sign3A_683 = arith.constant 0 : i32
          %sign3A_684 = arith.cmpi sgt, %add3A_680, %sign3A_683 : i32
          %sign3A_685 = arith.extui %sign3A_684 : i1 to i32
          %sign3A_686 = arith.constant 0 : i32
          %sign3A_687 = arith.cmpi slt, %add3A_680, %sign3A_686 : i32
          %sign3A_688 = arith.extui %sign3A_687 : i1 to i32
          %sign3A_689 = arith.subi %sign3A_685, %sign3A_688 : i32
          %sign3A_690 = arith.constant 0 : i32
          %sign3A_691 = arith.cmpi sgt, %jit3A_681, %sign3A_690 : i32
          %sign3A_692 = arith.extui %sign3A_691 : i1 to i32
          %sign3A_693 = arith.constant 0 : i32
          %sign3A_694 = arith.cmpi slt, %jit3A_681, %sign3A_693 : i32
          %sign3A_695 = arith.extui %sign3A_694 : i1 to i32
          %sign3A_696 = arith.subi %sign3A_692, %sign3A_695 : i32
          %ne3A_697 = arith.cmpi ne, %sign3A_689, %sign3A_696 : i32
          %rem3A_698 = arith.remsi %add3A_680, %jit3A_681 : i32
          %ne3A_699 = arith.constant 0 : i32
          %ne3A_700 = arith.cmpi ne, %rem3A_698, %ne3A_699 : i32
          %and3A_701 = arith.andi %ne3A_697, %ne3A_700 : i1
          %sub3A_702 = arith.constant 1 : i32
          %sub3A_703 = arith.subi %div3A_682, %sub3A_702 : i32
          %select_n3A_704 = arith.select %and3A_701, %sub3A_703, %div3A_682 : i32
          %add3A_705 = arith.addi %multiple_of3A_31, %select_n3A_704 : i32
          %jit3A_706 = arith.constant 2 : i32
          %eq3A_707 = arith.constant 0 : i32
          %eq3A_708 = arith.cmpi eq, %jit3A_706, %eq3A_707 : i32
          %jit3A_709 = arith.constant 1 : i32
          %select_n3A_710 = arith.select %eq3A_708, %jit3A_709, %jit3A_706 : i32
          %rem3A_711 = arith.remsi %add3A_680, %select_n3A_710 : i32
          %ne3A_712 = arith.constant 0 : i32
          %ne3A_713 = arith.cmpi ne, %rem3A_711, %ne3A_712 : i32
          %lt3A_714 = arith.constant 0 : i32
          %lt3A_715 = arith.cmpi slt, %rem3A_711, %lt3A_714 : i32
          %lt3A_716 = arith.constant 0 : i32
          %lt3A_717 = arith.cmpi slt, %select_n3A_710, %lt3A_716 : i32
          %ne3A_718 = arith.xori %lt3A_715, %lt3A_717 : i1
          %and3A_719 = arith.andi %ne3A_718, %ne3A_713 : i1
          %add3A_720 = arith.addi %rem3A_711, %select_n3A_710 : i32
          %select_n3A_721 = arith.select %and3A_719, %add3A_720, %rem3A_711 : i32
          %mul3A_722 = arith.constant 64 : i32
          %mul3A_723 = arith.muli %select_n3A_721, %mul3A_722 : i32
          %multiple_of3A_724 = tpu.assume_multiple %mul3A_723, 8 : i32
          %dma_start3A_725 = arith.constant 3 : i32
          %dma_start3A_726 = arith.constant 0 : i32
          %dma_start3A_727 = tpu.memref_slice %arg10[%dma_start3A_725, %dma_start3A_726] : memref<4x64xi32, #tpu.memory_space<vmem>> -> memref<1x64xi32, #tpu.memory_space<vmem>>
          %dma_start3A_728 = tpu.memref_squeeze %dma_start3A_727 : memref<1x64xi32, #tpu.memory_space<vmem>> -> memref<64xi32, #tpu.memory_space<vmem>>
          %dma_start3A_729 = tpu.memref_slice %arg4[%add3A_705, %multiple_of3A_724] : memref<2560x128xi32, #tpu.memory_space<hbm>> -> memref<1x64xi32, #tpu.memory_space<hbm>>
          %dma_start3A_730 = tpu.memref_squeeze %dma_start3A_729 : memref<1x64xi32, #tpu.memory_space<hbm>> -> memref<64xi32, #tpu.memory_space<hbm>>
          %dma_start3A_731 = arith.constant 0 : i32
          %dma_start3A_732 = tpu.memref_slice %arg10[%dma_start3A_725, %dma_start3A_731] : memref<4x64xi32, #tpu.memory_space<vmem>> -> memref<1x64xi32, #tpu.memory_space<vmem>>
          %dma_start3A_733 = tpu.memref_squeeze %dma_start3A_732 : memref<1x64xi32, #tpu.memory_space<vmem>> -> memref<64xi32, #tpu.memory_space<vmem>>
          %dma_start3A_734 = tpu.memref_slice %arg4[%add3A_705, %multiple_of3A_724] : memref<2560x128xi32, #tpu.memory_space<hbm>> -> memref<1x64xi32, #tpu.memory_space<hbm>>
          %dma_start3A_735 = tpu.memref_squeeze %dma_start3A_734 : memref<1x64xi32, #tpu.memory_space<hbm>> -> memref<64xi32, #tpu.memory_space<hbm>>
          tpu.enqueue_dma source(%dma_start3A_735 : memref<64xi32, #tpu.memory_space<hbm>>) target(%dma_start3A_733 : memref<64xi32, #tpu.memory_space<vmem>>) target_semaphore(%arg18 : memref<!tpu.dma_semaphore, #tpu.memory_space<semaphore_mem>>)
        } else {
        }
      }
      %scan3A_147 = arith.constant 40 : i32
    } else {
    }
    "tpu.trace_stop"() : () -> ()
    "tpu.trace_start"() <{level = 10 : i32, message = "drain"}> : () -> ()
    %barrier3A_27 = arith.constant 0 : index
    tpu.barrier barrier_id(%barrier3A_27)
    "tpu.region"() ({
      %run_scoped3A = tpu.sem_alloc : memref<!tpu.dma_semaphore, #tpu.memory_space<semaphore_mem>>
      %dma_start3A = arith.constant 0 : i32
      %dma_start3A_28 = tpu.memref_slice %arg6[%arg0, %multiple_of3A, %dma_start3A] : memref<2x10112x128xf32, #tpu.memory_space<hbm>> -> memref<1x632x128xf32, #tpu.memory_space<hbm>>
      %dma_start3A_29 = tpu.memref_squeeze %dma_start3A_28 : memref<1x632x128xf32, #tpu.memory_space<hbm>> -> memref<632x128xf32, #tpu.memory_space<hbm>>
      %dma_start3A_30 = arith.constant 0 : i32
      %dma_start3A_31 = tpu.memref_slice %arg7[%multiple_of3A, %dma_start3A_30] : memref<10112x128xf32, #tpu.memory_space<vmem_shared>> -> memref<632x128xf32, #tpu.memory_space<vmem_shared>>
      tpu.enqueue_dma source(%dma_start3A_31 : memref<632x128xf32, #tpu.memory_space<vmem_shared>>) target(%dma_start3A_29 : memref<632x128xf32, #tpu.memory_space<hbm>>) target_semaphore(%run_scoped3A : memref<!tpu.dma_semaphore, #tpu.memory_space<semaphore_mem>>)
      %dma_wait3A = arith.constant 0 : i32
      %dma_wait3A_32 = tpu.memref_slice %arg6[%arg0, %multiple_of3A, %dma_wait3A] : memref<2x10112x128xf32, #tpu.memory_space<hbm>> -> memref<1x632x128xf32, #tpu.memory_space<hbm>>
      %dma_wait3A_33 = tpu.memref_squeeze %dma_wait3A_32 : memref<1x632x128xf32, #tpu.memory_space<hbm>> -> memref<632x128xf32, #tpu.memory_space<hbm>>
      %dma_wait3A_34 = arith.constant 0 : i32
      %dma_wait3A_35 = tpu.memref_slice %arg7[%multiple_of3A, %dma_wait3A_34] : memref<10112x128xf32, #tpu.memory_space<vmem_shared>> -> memref<632x128xf32, #tpu.memory_space<vmem_shared>>
      tpu.wait_dma2 semaphore(%run_scoped3A : memref<!tpu.dma_semaphore, #tpu.memory_space<semaphore_mem>>) src(%dma_wait3A_35 : memref<632x128xf32, #tpu.memory_space<vmem_shared>>) dst(%dma_wait3A_33 : memref<632x128xf32, #tpu.memory_space<hbm>>)
      tpu.yield
    }) : () -> ()
    "tpu.trace_stop"() : () -> ()
    return
  }
}

#map = affine_map<(d0, d1) -> (0, 0)>
#map1 = affine_map<(d0, d1) -> (0, 0, 0)>
module attributes {stable_mosaic.version = 14 : i64} {
  func.func @_sc_scatter_body(%arg0: i32, %arg1: i32, %arg2: memref<10000x128xf32, #tpu.memory_space<hbm>>, %arg3: memref<2560x128xi32, #tpu.memory_space<hbm>>, %arg4: memref<2560x128xi32, #tpu.memory_space<hbm>>, %arg5: memref<10112x128xf32, #tpu.memory_space<hbm>>, %arg6: memref<2x10112x128xf32, #tpu.memory_space<hbm>>, %arg7: memref<10112x128xf32, #tpu.memory_space<vmem_shared>>, %arg8: memref<4x64x128xf32, #tpu.memory_space<vmem>>, %arg9: memref<80x128xi32, #tpu.memory_space<vmem>>, %arg10: memref<4x64xi32, #tpu.memory_space<vmem>>, %arg11: memref<!tpu.dma_semaphore, #tpu.memory_space<semaphore_mem>>, %arg12: memref<!tpu.dma_semaphore, #tpu.memory_space<semaphore_mem>>, %arg13: memref<!tpu.dma_semaphore, #tpu.memory_space<semaphore_mem>>, %arg14: memref<!tpu.dma_semaphore, #tpu.memory_space<semaphore_mem>>, %arg15: memref<!tpu.dma_semaphore, #tpu.memory_space<semaphore_mem>>, %arg16: memref<!tpu.dma_semaphore, #tpu.memory_space<semaphore_mem>>, %arg17: memref<!tpu.dma_semaphore, #tpu.memory_space<semaphore_mem>>, %arg18: memref<!tpu.dma_semaphore, #tpu.memory_space<semaphore_mem>>) attributes {dimension_semantics = [#tpu.dimension_semantics<core_parallel>, #tpu.dimension_semantics<subcore_parallel>], iteration_bounds = array<i64: 2, 16>, scalar_prefetch = 0 : i64, scratch_operands = 12 : i64, tpu.core_type = #tpu.core_type<sc_vector_subcore>, window_params = [{transform_indices = #map}, {transform_indices = #map}, {transform_indices = #map}, {transform_indices = #map}, {transform_indices = #map1}]} {
    %mul3A = arith.constant 632 : i32
    %mul3A_0 = arith.muli %arg1, %mul3A : i32
    %multiple_of3A = tpu.assume_multiple %mul3A_0, 8 : i32
    %eq3A = arith.constant 0 : i32
    "tpu.trace_start"() <{level = 10 : i32, message = "acc_init"}> : () -> ()
    %eq3A_1 = arith.cmpi eq, %arg0, %eq3A : i32
    %lt3A = arith.constant 15 : i32
    %lt3A_2 = arith.cmpi slt, %arg1, %lt3A : i32
    %and3A = arith.andi %eq3A_1, %lt3A_2 : i1
    %convert_element_type3A = arith.extui %and3A : i1 to i32
    %cond3A = arith.constant 0 : i32
    %cond3A_3 = arith.cmpi ne, %convert_element_type3A, %cond3A : i32
    scf.if %cond3A_3 {
      "tpu.region"() ({
        %run_scoped3A = tpu.sem_alloc : memref<!tpu.dma_semaphore, #tpu.memory_space<semaphore_mem>>
        %dma_start3A = arith.constant 0 : i32
        %dma_start3A_28 = tpu.memref_slice %arg7[%multiple_of3A, %dma_start3A] : memref<10112x128xf32, #tpu.memory_space<vmem_shared>> -> memref<632x128xf32, #tpu.memory_space<vmem_shared>>
        %dma_start3A_29 = arith.constant 0 : i32
        %dma_start3A_30 = tpu.memref_slice %arg2[%multiple_of3A, %dma_start3A_29] : memref<10000x128xf32, #tpu.memory_space<hbm>> -> memref<632x128xf32, #tpu.memory_space<hbm>>
        tpu.enqueue_dma source(%dma_start3A_30 : memref<632x128xf32, #tpu.memory_space<hbm>>) target(%dma_start3A_28 : memref<632x128xf32, #tpu.memory_space<vmem_shared>>) target_semaphore(%run_scoped3A : memref<!tpu.dma_semaphore, #tpu.memory_space<semaphore_mem>>)
        %dma_wait3A = arith.constant 0 : i32
        %dma_wait3A_31 = tpu.memref_slice %arg7[%multiple_of3A, %dma_wait3A] : memref<10112x128xf32, #tpu.memory_space<vmem_shared>> -> memref<632x128xf32, #tpu.memory_space<vmem_shared>>
        %dma_wait3A_32 = arith.constant 0 : i32
        %dma_wait3A_33 = tpu.memref_slice %arg2[%multiple_of3A, %dma_wait3A_32] : memref<10000x128xf32, #tpu.memory_space<hbm>> -> memref<632x128xf32, #tpu.memory_space<hbm>>
        tpu.wait_dma2 semaphore(%run_scoped3A : memref<!tpu.dma_semaphore, #tpu.memory_space<semaphore_mem>>) src(%dma_wait3A_33 : memref<632x128xf32, #tpu.memory_space<hbm>>) dst(%dma_wait3A_31 : memref<632x128xf32, #tpu.memory_space<vmem_shared>>)
        tpu.yield
      }) : () -> ()
    } else {
    }
    %eq3A_4 = arith.constant 0 : i32
    %eq3A_5 = arith.cmpi eq, %arg0, %eq3A_4 : i32
    %eq3A_6 = arith.constant 15 : i32
    %eq3A_7 = arith.cmpi eq, %arg1, %eq3A_6 : i32
    %and3A_8 = arith.andi %eq3A_5, %eq3A_7 : i1
    %convert_element_type3A_9 = arith.extui %and3A_8 : i1 to i32
    %cond3A_10 = arith.constant 0 : i32
    %cond3A_11 = arith.cmpi ne, %convert_element_type3A_9, %cond3A_10 : i32
    scf.if %cond3A_11 {
      "tpu.region"() ({
        %run_scoped3A = tpu.sem_alloc : memref<!tpu.dma_semaphore, #tpu.memory_space<semaphore_mem>>
        %dma_start3A = arith.constant 0 : i32
        %dma_start3A_28 = tpu.memref_slice %arg7[%multiple_of3A, %dma_start3A] : memref<10112x128xf32, #tpu.memory_space<vmem_shared>> -> memref<520x128xf32, #tpu.memory_space<vmem_shared>>
        %dma_start3A_29 = arith.constant 0 : i32
        %dma_start3A_30 = tpu.memref_slice %arg2[%multiple_of3A, %dma_start3A_29] : memref<10000x128xf32, #tpu.memory_space<hbm>> -> memref<520x128xf32, #tpu.memory_space<hbm>>
        tpu.enqueue_dma source(%dma_start3A_30 : memref<520x128xf32, #tpu.memory_space<hbm>>) target(%dma_start3A_28 : memref<520x128xf32, #tpu.memory_space<vmem_shared>>) target_semaphore(%run_scoped3A : memref<!tpu.dma_semaphore, #tpu.memory_space<semaphore_mem>>)
        %dma_wait3A = arith.constant 0 : i32
        %dma_wait3A_31 = tpu.memref_slice %arg7[%multiple_of3A, %dma_wait3A] : memref<10112x128xf32, #tpu.memory_space<vmem_shared>> -> memref<520x128xf32, #tpu.memory_space<vmem_shared>>
        %dma_wait3A_32 = arith.constant 0 : i32
        %dma_wait3A_33 = tpu.memref_slice %arg2[%multiple_of3A, %dma_wait3A_32] : memref<10000x128xf32, #tpu.memory_space<hbm>> -> memref<520x128xf32, #tpu.memory_space<hbm>>
        tpu.wait_dma2 semaphore(%run_scoped3A : memref<!tpu.dma_semaphore, #tpu.memory_space<semaphore_mem>>) src(%dma_wait3A_33 : memref<520x128xf32, #tpu.memory_space<hbm>>) dst(%dma_wait3A_31 : memref<520x128xf32, #tpu.memory_space<vmem_shared>>)
        tpu.yield
      }) : () -> ()
      "tpu.region"() ({
        %run_scoped3A = tpu.sem_alloc : memref<!tpu.dma_semaphore, #tpu.memory_space<semaphore_mem>>
        %dma_start3A = arith.constant 10000 : i32
        %dma_start3A_28 = arith.constant 0 : i32
        %dma_start3A_29 = tpu.memref_slice %arg7[%dma_start3A, %dma_start3A_28] : memref<10112x128xf32, #tpu.memory_space<vmem_shared>> -> memref<112x128xf32, #tpu.memory_space<vmem_shared>>
        %dma_start3A_30 = arith.constant 10000 : i32
        %dma_start3A_31 = arith.constant 0 : i32
        %dma_start3A_32 = tpu.memref_slice %arg5[%dma_start3A_30, %dma_start3A_31] : memref<10112x128xf32, #tpu.memory_space<hbm>> -> memref<112x128xf32, #tpu.memory_space<hbm>>
        tpu.enqueue_dma source(%dma_start3A_32 : memref<112x128xf32, #tpu.memory_space<hbm>>) target(%dma_start3A_29 : memref<112x128xf32, #tpu.memory_space<vmem_shared>>) target_semaphore(%run_scoped3A : memref<!tpu.dma_semaphore, #tpu.memory_space<semaphore_mem>>)
        %dma_wait3A = arith.constant 10000 : i32
        %dma_wait3A_33 = arith.constant 0 : i32
        %dma_wait3A_34 = tpu.memref_slice %arg7[%dma_wait3A, %dma_wait3A_33] : memref<10112x128xf32, #tpu.memory_space<vmem_shared>> -> memref<112x128xf32, #tpu.memory_space<vmem_shared>>
        %dma_wait3A_35 = arith.constant 10000 : i32
        %dma_wait3A_36 = arith.constant 0 : i32
        %dma_wait3A_37 = tpu.memref_slice %arg5[%dma_wait3A_35, %dma_wait3A_36] : memref<10112x128xf32, #tpu.memory_space<hbm>> -> memref<112x128xf32, #tpu.memory_space<hbm>>
        tpu.wait_dma2 semaphore(%run_scoped3A : memref<!tpu.dma_semaphore, #tpu.memory_space<semaphore_mem>>) src(%dma_wait3A_37 : memref<112x128xf32, #tpu.memory_space<hbm>>) dst(%dma_wait3A_34 : memref<112x128xf32, #tpu.memory_space<vmem_shared>>)
        tpu.yield
      }) : () -> ()
    } else {
    }
    %eq3A_12 = arith.constant 1 : i32
    %eq3A_13 = arith.cmpi eq, %arg0, %eq3A_12 : i32
    %convert_element_type3A_14 = arith.extui %eq3A_13 : i1 to i32
    %cond3A_15 = arith.constant 0 : i32
    %cond3A_16 = arith.cmpi ne, %convert_element_type3A_14, %cond3A_15 : i32
    scf.if %cond3A_16 {
      "tpu.region"() ({
        %run_scoped3A = tpu.sem_alloc : memref<!tpu.dma_semaphore, #tpu.memory_space<semaphore_mem>>
        %dma_start3A = arith.constant 0 : i32
        %dma_start3A_28 = tpu.memref_slice %arg7[%multiple_of3A, %dma_start3A] : memref<10112x128xf32, #tpu.memory_space<vmem_shared>> -> memref<632x128xf32, #tpu.memory_space<vmem_shared>>
        %dma_start3A_29 = arith.constant 0 : i32
        %dma_start3A_30 = tpu.memref_slice %arg5[%multiple_of3A, %dma_start3A_29] : memref<10112x128xf32, #tpu.memory_space<hbm>> -> memref<632x128xf32, #tpu.memory_space<hbm>>
        tpu.enqueue_dma source(%dma_start3A_30 : memref<632x128xf32, #tpu.memory_space<hbm>>) target(%dma_start3A_28 : memref<632x128xf32, #tpu.memory_space<vmem_shared>>) target_semaphore(%run_scoped3A : memref<!tpu.dma_semaphore, #tpu.memory_space<semaphore_mem>>)
        %dma_wait3A = arith.constant 0 : i32
        %dma_wait3A_31 = tpu.memref_slice %arg7[%multiple_of3A, %dma_wait3A] : memref<10112x128xf32, #tpu.memory_space<vmem_shared>> -> memref<632x128xf32, #tpu.memory_space<vmem_shared>>
        %dma_wait3A_32 = arith.constant 0 : i32
        %dma_wait3A_33 = tpu.memref_slice %arg5[%multiple_of3A, %dma_wait3A_32] : memref<10112x128xf32, #tpu.memory_space<hbm>> -> memref<632x128xf32, #tpu.memory_space<hbm>>
        tpu.wait_dma2 semaphore(%run_scoped3A : memref<!tpu.dma_semaphore, #tpu.memory_space<semaphore_mem>>) src(%dma_wait3A_33 : memref<632x128xf32, #tpu.memory_space<hbm>>) dst(%dma_wait3A_31 : memref<632x128xf32, #tpu.memory_space<vmem_shared>>)
        tpu.yield
      }) : () -> ()
    } else {
    }
    %barrier3A = arith.constant 0 : index
    tpu.barrier barrier_id(%barrier3A)
    %eq3A_17 = arith.constant 0 : i32
    "tpu.trace_stop"() : () -> ()
    "tpu.trace_start"() <{level = 10 : i32, message = "edges"}> : () -> ()
    %eq3A_18 = arith.cmpi eq, %arg0, %eq3A_17 : i32
    %convert_element_type3A_19 = arith.extui %eq3A_18 : i1 to i32
    %cond3A_20 = arith.constant 0 : i32
    %cond3A_21 = arith.cmpi ne, %convert_element_type3A_19, %cond3A_20 : i32
    scf.if %cond3A_21 {
      %mul3A_28 = arith.constant 80 : i32
      %mul3A_29 = arith.muli %arg1, %mul3A_28 : i32
      %multiple_of3A_30 = tpu.assume_multiple %mul3A_29, 8 : i32
      "tpu.region"() ({
        %run_scoped3A = tpu.sem_alloc : memref<!tpu.dma_semaphore, #tpu.memory_space<semaphore_mem>>
        %dma_start3A_146 = arith.constant 0 : i32
        %dma_start3A_147 = arith.constant 0 : i32
        %dma_start3A_148 = tpu.memref_slice %arg9[%dma_start3A_146, %dma_start3A_147] : memref<80x128xi32, #tpu.memory_space<vmem>> -> memref<80x128xi32, #tpu.memory_space<vmem>>
        %dma_start3A_149 = arith.constant 0 : i32
        %dma_start3A_150 = tpu.memref_slice %arg3[%multiple_of3A_30, %dma_start3A_149] : memref<2560x128xi32, #tpu.memory_space<hbm>> -> memref<80x128xi32, #tpu.memory_space<hbm>>
        %dma_start3A_151 = arith.constant 0 : i32
        %dma_start3A_152 = arith.constant 0 : i32
        %dma_start3A_153 = tpu.memref_slice %arg9[%dma_start3A_151, %dma_start3A_152] : memref<80x128xi32, #tpu.memory_space<vmem>> -> memref<80x128xi32, #tpu.memory_space<vmem>>
        %dma_start3A_154 = arith.constant 0 : i32
        %dma_start3A_155 = tpu.memref_slice %arg3[%multiple_of3A_30, %dma_start3A_154] : memref<2560x128xi32, #tpu.memory_space<hbm>> -> memref<80x128xi32, #tpu.memory_space<hbm>>
        tpu.enqueue_dma source(%dma_start3A_155 : memref<80x128xi32, #tpu.memory_space<hbm>>) target(%dma_start3A_153 : memref<80x128xi32, #tpu.memory_space<vmem>>) target_semaphore(%run_scoped3A : memref<!tpu.dma_semaphore, #tpu.memory_space<semaphore_mem>>)
        %dma_wait3A = arith.constant 0 : i32
        %dma_wait3A_156 = arith.constant 0 : i32
        %dma_wait3A_157 = tpu.memref_slice %arg9[%dma_wait3A, %dma_wait3A_156] : memref<80x128xi32, #tpu.memory_space<vmem>> -> memref<80x128xi32, #tpu.memory_space<vmem>>
        %dma_wait3A_158 = arith.constant 0 : i32
        %dma_wait3A_159 = tpu.memref_slice %arg3[%multiple_of3A_30, %dma_wait3A_158] : memref<2560x128xi32, #tpu.memory_space<hbm>> -> memref<80x128xi32, #tpu.memory_space<hbm>>
        %dma_wait3A_160 = arith.constant 0 : i32
        %dma_wait3A_161 = arith.constant 0 : i32
        %dma_wait3A_162 = tpu.memref_slice %arg9[%dma_wait3A_160, %dma_wait3A_161] : memref<80x128xi32, #tpu.memory_space<vmem>> -> memref<80x128xi32, #tpu.memory_space<vmem>>
        %dma_wait3A_163 = arith.constant 0 : i32
        %dma_wait3A_164 = tpu.memref_slice %arg3[%multiple_of3A_30, %dma_wait3A_163] : memref<2560x128xi32, #tpu.memory_space<hbm>> -> memref<80x128xi32, #tpu.memory_space<hbm>>
        tpu.wait_dma2 semaphore(%run_scoped3A : memref<!tpu.dma_semaphore, #tpu.memory_space<semaphore_mem>>) src(%dma_wait3A_164 : memref<80x128xi32, #tpu.memory_space<hbm>>) dst(%dma_wait3A_162 : memref<80x128xi32, #tpu.memory_space<vmem>>)
        tpu.yield
      }) : () -> ()
      %multiple_of3A_31 = arith.constant 0 : i32
      %multiple_of3A_32 = tpu.assume_multiple %multiple_of3A_31, 8 : i32
      %dma_start3A = arith.constant 0 : i32
      %dma_start3A_33 = arith.constant 0 : i32
      %dma_start3A_34 = arith.constant 0 : i32
      %dma_start3A_35 = arith.constant 0 : i32
      %dma_start3A_36 = tpu.memref_slice %arg8[%dma_start3A_33, %dma_start3A_34, %dma_start3A_35] : memref<4x64x128xf32, #tpu.memory_space<vmem>> -> memref<1x64x128xf32, #tpu.memory_space<vmem>>
      %dma_start3A_37 = tpu.memref_squeeze %dma_start3A_36 : memref<1x64x128xf32, #tpu.memory_space<vmem>> -> memref<64x128xf32, #tpu.memory_space<vmem>>
      %dma_start3A_38 = tpu.memref_slice %arg9[%dma_start3A, %multiple_of3A_32] : memref<80x128xi32, #tpu.memory_space<vmem>> -> memref<1x64xi32, #tpu.memory_space<vmem>>
      %dma_start3A_39 = tpu.memref_squeeze %dma_start3A_38 : memref<1x64xi32, #tpu.memory_space<vmem>> -> memref<64xi32, #tpu.memory_space<vmem>>
      %dma_start3A_40 = arith.constant 0 : i32
      %dma_start3A_41 = arith.constant 0 : i32
      %dma_start3A_42 = tpu.memref_slice %arg2[%dma_start3A_40, %dma_start3A_41] : memref<10000x128xf32, #tpu.memory_space<hbm>> -> memref<10000x128xf32, #tpu.memory_space<hbm>>
      tpu.enqueue_indirect_dma source(%dma_start3A_42 : memref<10000x128xf32, #tpu.memory_space<hbm>>) target(%dma_start3A_37 : memref<64x128xf32, #tpu.memory_space<vmem>>) offsets(%dma_start3A_39 : memref<64xi32, #tpu.memory_space<vmem>>) semaphore(%arg11 : memref<!tpu.dma_semaphore, #tpu.memory_space<semaphore_mem>>)
      %add3A = arith.constant 0 : i32
      %add3A_43 = arith.addi %multiple_of3A_30, %add3A : i32
      %multiple_of3A_44 = arith.constant 0 : i32
      %multiple_of3A_45 = tpu.assume_multiple %multiple_of3A_44, 8 : i32
      %dma_start3A_46 = arith.constant 0 : i32
      %dma_start3A_47 = arith.constant 0 : i32
      %dma_start3A_48 = tpu.memref_slice %arg10[%dma_start3A_46, %dma_start3A_47] : memref<4x64xi32, #tpu.memory_space<vmem>> -> memref<1x64xi32, #tpu.memory_space<vmem>>
      %dma_start3A_49 = tpu.memref_squeeze %dma_start3A_48 : memref<1x64xi32, #tpu.memory_space<vmem>> -> memref<64xi32, #tpu.memory_space<vmem>>
      %dma_start3A_50 = tpu.memref_slice %arg4[%add3A_43, %multiple_of3A_45] : memref<2560x128xi32, #tpu.memory_space<hbm>> -> memref<1x64xi32, #tpu.memory_space<hbm>>
      %dma_start3A_51 = tpu.memref_squeeze %dma_start3A_50 : memref<1x64xi32, #tpu.memory_space<hbm>> -> memref<64xi32, #tpu.memory_space<hbm>>
      %dma_start3A_52 = arith.constant 0 : i32
      %dma_start3A_53 = tpu.memref_slice %arg10[%dma_start3A_46, %dma_start3A_52] : memref<4x64xi32, #tpu.memory_space<vmem>> -> memref<1x64xi32, #tpu.memory_space<vmem>>
      %dma_start3A_54 = tpu.memref_squeeze %dma_start3A_53 : memref<1x64xi32, #tpu.memory_space<vmem>> -> memref<64xi32, #tpu.memory_space<vmem>>
      %dma_start3A_55 = tpu.memref_slice %arg4[%add3A_43, %multiple_of3A_45] : memref<2560x128xi32, #tpu.memory_space<hbm>> -> memref<1x64xi32, #tpu.memory_space<hbm>>
      %dma_start3A_56 = tpu.memref_squeeze %dma_start3A_55 : memref<1x64xi32, #tpu.memory_space<hbm>> -> memref<64xi32, #tpu.memory_space<hbm>>
      tpu.enqueue_dma source(%dma_start3A_56 : memref<64xi32, #tpu.memory_space<hbm>>) target(%dma_start3A_54 : memref<64xi32, #tpu.memory_space<vmem>>) target_semaphore(%arg15 : memref<!tpu.dma_semaphore, #tpu.memory_space<semaphore_mem>>)
      %multiple_of3A_57 = arith.constant 64 : i32
      %multiple_of3A_58 = tpu.assume_multiple %multiple_of3A_57, 8 : i32
      %dma_start3A_59 = arith.constant 0 : i32
      %dma_start3A_60 = arith.constant 1 : i32
      %dma_start3A_61 = arith.constant 0 : i32
      %dma_start3A_62 = arith.constant 0 : i32
      %dma_start3A_63 = tpu.memref_slice %arg8[%dma_start3A_60, %dma_start3A_61, %dma_start3A_62] : memref<4x64x128xf32, #tpu.memory_space<vmem>> -> memref<1x64x128xf32, #tpu.memory_space<vmem>>
      %dma_start3A_64 = tpu.memref_squeeze %dma_start3A_63 : memref<1x64x128xf32, #tpu.memory_space<vmem>> -> memref<64x128xf32, #tpu.memory_space<vmem>>
      %dma_start3A_65 = tpu.memref_slice %arg9[%dma_start3A_59, %multiple_of3A_58] : memref<80x128xi32, #tpu.memory_space<vmem>> -> memref<1x64xi32, #tpu.memory_space<vmem>>
      %dma_start3A_66 = tpu.memref_squeeze %dma_start3A_65 : memref<1x64xi32, #tpu.memory_space<vmem>> -> memref<64xi32, #tpu.memory_space<vmem>>
      %dma_start3A_67 = arith.constant 0 : i32
      %dma_start3A_68 = arith.constant 0 : i32
      %dma_start3A_69 = tpu.memref_slice %arg2[%dma_start3A_67, %dma_start3A_68] : memref<10000x128xf32, #tpu.memory_space<hbm>> -> memref<10000x128xf32, #tpu.memory_space<hbm>>
      tpu.enqueue_indirect_dma source(%dma_start3A_69 : memref<10000x128xf32, #tpu.memory_space<hbm>>) target(%dma_start3A_64 : memref<64x128xf32, #tpu.memory_space<vmem>>) offsets(%dma_start3A_66 : memref<64xi32, #tpu.memory_space<vmem>>) semaphore(%arg12 : memref<!tpu.dma_semaphore, #tpu.memory_space<semaphore_mem>>)
      %add3A_70 = arith.constant 0 : i32
      %add3A_71 = arith.addi %multiple_of3A_30, %add3A_70 : i32
      %multiple_of3A_72 = arith.constant 64 : i32
      %multiple_of3A_73 = tpu.assume_multiple %multiple_of3A_72, 8 : i32
      %dma_start3A_74 = arith.constant 1 : i32
      %dma_start3A_75 = arith.constant 0 : i32
      %dma_start3A_76 = tpu.memref_slice %arg10[%dma_start3A_74, %dma_start3A_75] : memref<4x64xi32, #tpu.memory_space<vmem>> -> memref<1x64xi32, #tpu.memory_space<vmem>>
      %dma_start3A_77 = tpu.memref_squeeze %dma_start3A_76 : memref<1x64xi32, #tpu.memory_space<vmem>> -> memref<64xi32, #tpu.memory_space<vmem>>
      %dma_start3A_78 = tpu.memref_slice %arg4[%add3A_71, %multiple_of3A_73] : memref<2560x128xi32, #tpu.memory_space<hbm>> -> memref<1x64xi32, #tpu.memory_space<hbm>>
      %dma_start3A_79 = tpu.memref_squeeze %dma_start3A_78 : memref<1x64xi32, #tpu.memory_space<hbm>> -> memref<64xi32, #tpu.memory_space<hbm>>
      %dma_start3A_80 = arith.constant 0 : i32
      %dma_start3A_81 = tpu.memref_slice %arg10[%dma_start3A_74, %dma_start3A_80] : memref<4x64xi32, #tpu.memory_space<vmem>> -> memref<1x64xi32, #tpu.memory_space<vmem>>
      %dma_start3A_82 = tpu.memref_squeeze %dma_start3A_81 : memref<1x64xi32, #tpu.memory_space<vmem>> -> memref<64xi32, #tpu.memory_space<vmem>>
      %dma_start3A_83 = tpu.memref_slice %arg4[%add3A_71, %multiple_of3A_73] : memref<2560x128xi32, #tpu.memory_space<hbm>> -> memref<1x64xi32, #tpu.memory_space<hbm>>
      %dma_start3A_84 = tpu.memref_squeeze %dma_start3A_83 : memref<1x64xi32, #tpu.memory_space<hbm>> -> memref<64xi32, #tpu.memory_space<hbm>>
      tpu.enqueue_dma source(%dma_start3A_84 : memref<64xi32, #tpu.memory_space<hbm>>) target(%dma_start3A_82 : memref<64xi32, #tpu.memory_space<vmem>>) target_semaphore(%arg16 : memref<!tpu.dma_semaphore, #tpu.memory_space<semaphore_mem>>)
      %multiple_of3A_85 = arith.constant 0 : i32
      %multiple_of3A_86 = tpu.assume_multiple %multiple_of3A_85, 8 : i32
      %dma_start3A_87 = arith.constant 1 : i32
      %dma_start3A_88 = arith.constant 2 : i32
      %dma_start3A_89 = arith.constant 0 : i32
      %dma_start3A_90 = arith.constant 0 : i32
      %dma_start3A_91 = tpu.memref_slice %arg8[%dma_start3A_88, %dma_start3A_89, %dma_start3A_90] : memref<4x64x128xf32, #tpu.memory_space<vmem>> -> memref<1x64x128xf32, #tpu.memory_space<vmem>>
      %dma_start3A_92 = tpu.memref_squeeze %dma_start3A_91 : memref<1x64x128xf32, #tpu.memory_space<vmem>> -> memref<64x128xf32, #tpu.memory_space<vmem>>
      %dma_start3A_93 = tpu.memref_slice %arg9[%dma_start3A_87, %multiple_of3A_86] : memref<80x128xi32, #tpu.memory_space<vmem>> -> memref<1x64xi32, #tpu.memory_space<vmem>>
      %dma_start3A_94 = tpu.memref_squeeze %dma_start3A_93 : memref<1x64xi32, #tpu.memory_space<vmem>> -> memref<64xi32, #tpu.memory_space<vmem>>
      %dma_start3A_95 = arith.constant 0 : i32
      %dma_start3A_96 = arith.constant 0 : i32
      %dma_start3A_97 = tpu.memref_slice %arg2[%dma_start3A_95, %dma_start3A_96] : memref<10000x128xf32, #tpu.memory_space<hbm>> -> memref<10000x128xf32, #tpu.memory_space<hbm>>
      tpu.enqueue_indirect_dma source(%dma_start3A_97 : memref<10000x128xf32, #tpu.memory_space<hbm>>) target(%dma_start3A_92 : memref<64x128xf32, #tpu.memory_space<vmem>>) offsets(%dma_start3A_94 : memref<64xi32, #tpu.memory_space<vmem>>) semaphore(%arg13 : memref<!tpu.dma_semaphore, #tpu.memory_space<semaphore_mem>>)
      %add3A_98 = arith.constant 1 : i32
      %add3A_99 = arith.addi %multiple_of3A_30, %add3A_98 : i32
      %multiple_of3A_100 = arith.constant 0 : i32
      %multiple_of3A_101 = tpu.assume_multiple %multiple_of3A_100, 8 : i32
      %dma_start3A_102 = arith.constant 2 : i32
      %dma_start3A_103 = arith.constant 0 : i32
      %dma_start3A_104 = tpu.memref_slice %arg10[%dma_start3A_102, %dma_start3A_103] : memref<4x64xi32, #tpu.memory_space<vmem>> -> memref<1x64xi32, #tpu.memory_space<vmem>>
      %dma_start3A_105 = tpu.memref_squeeze %dma_start3A_104 : memref<1x64xi32, #tpu.memory_space<vmem>> -> memref<64xi32, #tpu.memory_space<vmem>>
      %dma_start3A_106 = tpu.memref_slice %arg4[%add3A_99, %multiple_of3A_101] : memref<2560x128xi32, #tpu.memory_space<hbm>> -> memref<1x64xi32, #tpu.memory_space<hbm>>
      %dma_start3A_107 = tpu.memref_squeeze %dma_start3A_106 : memref<1x64xi32, #tpu.memory_space<hbm>> -> memref<64xi32, #tpu.memory_space<hbm>>
      %dma_start3A_108 = arith.constant 0 : i32
      %dma_start3A_109 = tpu.memref_slice %arg10[%dma_start3A_102, %dma_start3A_108] : memref<4x64xi32, #tpu.memory_space<vmem>> -> memref<1x64xi32, #tpu.memory_space<vmem>>
      %dma_start3A_110 = tpu.memref_squeeze %dma_start3A_109 : memref<1x64xi32, #tpu.memory_space<vmem>> -> memref<64xi32, #tpu.memory_space<vmem>>
      %dma_start3A_111 = tpu.memref_slice %arg4[%add3A_99, %multiple_of3A_101] : memref<2560x128xi32, #tpu.memory_space<hbm>> -> memref<1x64xi32, #tpu.memory_space<hbm>>
      %dma_start3A_112 = tpu.memref_squeeze %dma_start3A_111 : memref<1x64xi32, #tpu.memory_space<hbm>> -> memref<64xi32, #tpu.memory_space<hbm>>
      tpu.enqueue_dma source(%dma_start3A_112 : memref<64xi32, #tpu.memory_space<hbm>>) target(%dma_start3A_110 : memref<64xi32, #tpu.memory_space<vmem>>) target_semaphore(%arg17 : memref<!tpu.dma_semaphore, #tpu.memory_space<semaphore_mem>>)
      %multiple_of3A_113 = arith.constant 64 : i32
      %multiple_of3A_114 = tpu.assume_multiple %multiple_of3A_113, 8 : i32
      %dma_start3A_115 = arith.constant 1 : i32
      %dma_start3A_116 = arith.constant 3 : i32
      %dma_start3A_117 = arith.constant 0 : i32
      %dma_start3A_118 = arith.constant 0 : i32
      %dma_start3A_119 = tpu.memref_slice %arg8[%dma_start3A_116, %dma_start3A_117, %dma_start3A_118] : memref<4x64x128xf32, #tpu.memory_space<vmem>> -> memref<1x64x128xf32, #tpu.memory_space<vmem>>
      %dma_start3A_120 = tpu.memref_squeeze %dma_start3A_119 : memref<1x64x128xf32, #tpu.memory_space<vmem>> -> memref<64x128xf32, #tpu.memory_space<vmem>>
      %dma_start3A_121 = tpu.memref_slice %arg9[%dma_start3A_115, %multiple_of3A_114] : memref<80x128xi32, #tpu.memory_space<vmem>> -> memref<1x64xi32, #tpu.memory_space<vmem>>
      %dma_start3A_122 = tpu.memref_squeeze %dma_start3A_121 : memref<1x64xi32, #tpu.memory_space<vmem>> -> memref<64xi32, #tpu.memory_space<vmem>>
      %dma_start3A_123 = arith.constant 0 : i32
      %dma_start3A_124 = arith.constant 0 : i32
      %dma_start3A_125 = tpu.memref_slice %arg2[%dma_start3A_123, %dma_start3A_124] : memref<10000x128xf32, #tpu.memory_space<hbm>> -> memref<10000x128xf32, #tpu.memory_space<hbm>>
      tpu.enqueue_indirect_dma source(%dma_start3A_125 : memref<10000x128xf32, #tpu.memory_space<hbm>>) target(%dma_start3A_120 : memref<64x128xf32, #tpu.memory_space<vmem>>) offsets(%dma_start3A_122 : memref<64xi32, #tpu.memory_space<vmem>>) semaphore(%arg14 : memref<!tpu.dma_semaphore, #tpu.memory_space<semaphore_mem>>)
      %add3A_126 = arith.constant 1 : i32
      %add3A_127 = arith.addi %multiple_of3A_30, %add3A_126 : i32
      %multiple_of3A_128 = arith.constant 64 : i32
      %multiple_of3A_129 = tpu.assume_multiple %multiple_of3A_128, 8 : i32
      %dma_start3A_130 = arith.constant 3 : i32
      %dma_start3A_131 = arith.constant 0 : i32
      %dma_start3A_132 = tpu.memref_slice %arg10[%dma_start3A_130, %dma_start3A_131] : memref<4x64xi32, #tpu.memory_space<vmem>> -> memref<1x64xi32, #tpu.memory_space<vmem>>
      %dma_start3A_133 = tpu.memref_squeeze %dma_start3A_132 : memref<1x64xi32, #tpu.memory_space<vmem>> -> memref<64xi32, #tpu.memory_space<vmem>>
      %dma_start3A_134 = tpu.memref_slice %arg4[%add3A_127, %multiple_of3A_129] : memref<2560x128xi32, #tpu.memory_space<hbm>> -> memref<1x64xi32, #tpu.memory_space<hbm>>
      %dma_start3A_135 = tpu.memref_squeeze %dma_start3A_134 : memref<1x64xi32, #tpu.memory_space<hbm>> -> memref<64xi32, #tpu.memory_space<hbm>>
      %dma_start3A_136 = arith.constant 0 : i32
      %dma_start3A_137 = tpu.memref_slice %arg10[%dma_start3A_130, %dma_start3A_136] : memref<4x64xi32, #tpu.memory_space<vmem>> -> memref<1x64xi32, #tpu.memory_space<vmem>>
      %dma_start3A_138 = tpu.memref_squeeze %dma_start3A_137 : memref<1x64xi32, #tpu.memory_space<vmem>> -> memref<64xi32, #tpu.memory_space<vmem>>
      %dma_start3A_139 = tpu.memref_slice %arg4[%add3A_127, %multiple_of3A_129] : memref<2560x128xi32, #tpu.memory_space<hbm>> -> memref<1x64xi32, #tpu.memory_space<hbm>>
      %dma_start3A_140 = tpu.memref_squeeze %dma_start3A_139 : memref<1x64xi32, #tpu.memory_space<hbm>> -> memref<64xi32, #tpu.memory_space<hbm>>
      tpu.enqueue_dma source(%dma_start3A_140 : memref<64xi32, #tpu.memory_space<hbm>>) target(%dma_start3A_138 : memref<64xi32, #tpu.memory_space<vmem>>) target_semaphore(%arg18 : memref<!tpu.dma_semaphore, #tpu.memory_space<semaphore_mem>>)
      %scan3A = arith.constant 0 : i32
      %scan3A_141 = arith.constant 0 : i32
      %scan3A_142 = arith.constant 40 : i32
      %scan3A_143 = arith.addi %scan3A_141, %scan3A_142 : i32
      %scan3A_144 = arith.constant 1 : i32
      scf.for %scan3A_146 = %scan3A_141 to %scan3A_143 step %scan3A_144  : i32 {
        %mul3A_147 = arith.constant 4 : i32
        %mul3A_148 = arith.muli %scan3A_146, %mul3A_147 : i32
        %add3A_149 = arith.constant 0 : i32
        %add3A_150 = arith.addi %mul3A_148, %add3A_149 : i32
        %jit3A = arith.constant 2 : i32
        %div3A = arith.divsi %add3A_150, %jit3A : i32
        %sign3A = arith.constant 0 : i32
        %sign3A_151 = arith.cmpi sgt, %add3A_150, %sign3A : i32
        %sign3A_152 = arith.extui %sign3A_151 : i1 to i32
        %sign3A_153 = arith.constant 0 : i32
        %sign3A_154 = arith.cmpi slt, %add3A_150, %sign3A_153 : i32
        %sign3A_155 = arith.extui %sign3A_154 : i1 to i32
        %sign3A_156 = arith.subi %sign3A_152, %sign3A_155 : i32
        %sign3A_157 = arith.constant 0 : i32
        %sign3A_158 = arith.cmpi sgt, %jit3A, %sign3A_157 : i32
        %sign3A_159 = arith.extui %sign3A_158 : i1 to i32
        %sign3A_160 = arith.constant 0 : i32
        %sign3A_161 = arith.cmpi slt, %jit3A, %sign3A_160 : i32
        %sign3A_162 = arith.extui %sign3A_161 : i1 to i32
        %sign3A_163 = arith.subi %sign3A_159, %sign3A_162 : i32
        %ne3A = arith.cmpi ne, %sign3A_156, %sign3A_163 : i32
        %rem3A = arith.remsi %add3A_150, %jit3A : i32
        %ne3A_164 = arith.constant 0 : i32
        %ne3A_165 = arith.cmpi ne, %rem3A, %ne3A_164 : i32
        %and3A_166 = arith.andi %ne3A, %ne3A_165 : i1
        %sub3A = arith.constant 1 : i32
        %sub3A_167 = arith.subi %div3A, %sub3A : i32
        %select_n3A = arith.select %and3A_166, %sub3A_167, %div3A : i32
        %jit3A_168 = arith.constant 2 : i32
        %eq3A_169 = arith.constant 0 : i32
        %eq3A_170 = arith.cmpi eq, %jit3A_168, %eq3A_169 : i32
        %jit3A_171 = arith.constant 1 : i32
        %select_n3A_172 = arith.select %eq3A_170, %jit3A_171, %jit3A_168 : i32
        %rem3A_173 = arith.remsi %add3A_150, %select_n3A_172 : i32
        %ne3A_174 = arith.constant 0 : i32
        %ne3A_175 = arith.cmpi ne, %rem3A_173, %ne3A_174 : i32
        %lt3A_176 = arith.constant 0 : i32
        %lt3A_177 = arith.cmpi slt, %rem3A_173, %lt3A_176 : i32
        %lt3A_178 = arith.constant 0 : i32
        %lt3A_179 = arith.cmpi slt, %select_n3A_172, %lt3A_178 : i32
        %ne3A_180 = arith.xori %lt3A_177, %lt3A_179 : i1
        %and3A_181 = arith.andi %ne3A_180, %ne3A_175 : i1
        %add3A_182 = arith.addi %rem3A_173, %select_n3A_172 : i32
        %select_n3A_183 = arith.select %and3A_181, %add3A_182, %rem3A_173 : i32
        %mul3A_184 = arith.constant 64 : i32
        %mul3A_185 = arith.muli %select_n3A_183, %mul3A_184 : i32
        %multiple_of3A_186 = tpu.assume_multiple %mul3A_185, 8 : i32
        %dma_wait3A = arith.constant 0 : i32
        %dma_wait3A_187 = arith.constant 0 : i32
        %dma_wait3A_188 = arith.constant 0 : i32
        %dma_wait3A_189 = tpu.memref_slice %arg8[%dma_wait3A, %dma_wait3A_187, %dma_wait3A_188] : memref<4x64x128xf32, #tpu.memory_space<vmem>> -> memref<1x64x128xf32, #tpu.memory_space<vmem>>
        %dma_wait3A_190 = tpu.memref_squeeze %dma_wait3A_189 : memref<1x64x128xf32, #tpu.memory_space<vmem>> -> memref<64x128xf32, #tpu.memory_space<vmem>>
        %dma_wait3A_191 = tpu.memref_slice %arg9[%select_n3A, %multiple_of3A_186] : memref<80x128xi32, #tpu.memory_space<vmem>> -> memref<1x64xi32, #tpu.memory_space<vmem>>
        %dma_wait3A_192 = tpu.memref_squeeze %dma_wait3A_191 : memref<1x64xi32, #tpu.memory_space<vmem>> -> memref<64xi32, #tpu.memory_space<vmem>>
        %dma_wait3A_193 = arith.constant 0 : i32
        %dma_wait3A_194 = arith.constant 0 : i32
        %dma_wait3A_195 = tpu.memref_slice %arg2[%dma_wait3A_193, %dma_wait3A_194] : memref<10000x128xf32, #tpu.memory_space<hbm>> -> memref<10000x128xf32, #tpu.memory_space<hbm>>
        tpu.wait_indirect_dma semaphore(%arg11 : memref<!tpu.dma_semaphore, #tpu.memory_space<semaphore_mem>>) src(%dma_wait3A_195 : memref<10000x128xf32, #tpu.memory_space<hbm>>) dst(%dma_wait3A_190 : memref<64x128xf32, #tpu.memory_space<vmem>>)
        %jit3A_196 = arith.constant 2 : i32
        %div3A_197 = arith.divsi %add3A_150, %jit3A_196 : i32
        %sign3A_198 = arith.constant 0 : i32
        %sign3A_199 = arith.cmpi sgt, %add3A_150, %sign3A_198 : i32
        %sign3A_200 = arith.extui %sign3A_199 : i1 to i32
        %sign3A_201 = arith.constant 0 : i32
        %sign3A_202 = arith.cmpi slt, %add3A_150, %sign3A_201 : i32
        %sign3A_203 = arith.extui %sign3A_202 : i1 to i32
        %sign3A_204 = arith.subi %sign3A_200, %sign3A_203 : i32
        %sign3A_205 = arith.constant 0 : i32
        %sign3A_206 = arith.cmpi sgt, %jit3A_196, %sign3A_205 : i32
        %sign3A_207 = arith.extui %sign3A_206 : i1 to i32
        %sign3A_208 = arith.constant 0 : i32
        %sign3A_209 = arith.cmpi slt, %jit3A_196, %sign3A_208 : i32
        %sign3A_210 = arith.extui %sign3A_209 : i1 to i32
        %sign3A_211 = arith.subi %sign3A_207, %sign3A_210 : i32
        %ne3A_212 = arith.cmpi ne, %sign3A_204, %sign3A_211 : i32
        %rem3A_213 = arith.remsi %add3A_150, %jit3A_196 : i32
        %ne3A_214 = arith.constant 0 : i32
        %ne3A_215 = arith.cmpi ne, %rem3A_213, %ne3A_214 : i32
        %and3A_216 = arith.andi %ne3A_212, %ne3A_215 : i1
        %sub3A_217 = arith.constant 1 : i32
        %sub3A_218 = arith.subi %div3A_197, %sub3A_217 : i32
        %select_n3A_219 = arith.select %and3A_216, %sub3A_218, %div3A_197 : i32
        %add3A_220 = arith.addi %multiple_of3A_30, %select_n3A_219 : i32
        %jit3A_221 = arith.constant 2 : i32
        %eq3A_222 = arith.constant 0 : i32
        %eq3A_223 = arith.cmpi eq, %jit3A_221, %eq3A_222 : i32
        %jit3A_224 = arith.constant 1 : i32
        %select_n3A_225 = arith.select %eq3A_223, %jit3A_224, %jit3A_221 : i32
        %rem3A_226 = arith.remsi %add3A_150, %select_n3A_225 : i32
        %ne3A_227 = arith.constant 0 : i32
        %ne3A_228 = arith.cmpi ne, %rem3A_226, %ne3A_227 : i32
        %lt3A_229 = arith.constant 0 : i32
        %lt3A_230 = arith.cmpi slt, %rem3A_226, %lt3A_229 : i32
        %lt3A_231 = arith.constant 0 : i32
        %lt3A_232 = arith.cmpi slt, %select_n3A_225, %lt3A_231 : i32
        %ne3A_233 = arith.xori %lt3A_230, %lt3A_232 : i1
        %and3A_234 = arith.andi %ne3A_233, %ne3A_228 : i1
        %add3A_235 = arith.addi %rem3A_226, %select_n3A_225 : i32
        %select_n3A_236 = arith.select %and3A_234, %add3A_235, %rem3A_226 : i32
        %mul3A_237 = arith.constant 64 : i32
        %mul3A_238 = arith.muli %select_n3A_236, %mul3A_237 : i32
        %multiple_of3A_239 = tpu.assume_multiple %mul3A_238, 8 : i32
        %dma_wait3A_240 = arith.constant 0 : i32
        %dma_wait3A_241 = arith.constant 0 : i32
        %dma_wait3A_242 = tpu.memref_slice %arg10[%dma_wait3A_240, %dma_wait3A_241] : memref<4x64xi32, #tpu.memory_space<vmem>> -> memref<1x64xi32, #tpu.memory_space<vmem>>
        %dma_wait3A_243 = tpu.memref_squeeze %dma_wait3A_242 : memref<1x64xi32, #tpu.memory_space<vmem>> -> memref<64xi32, #tpu.memory_space<vmem>>
        %dma_wait3A_244 = tpu.memref_slice %arg4[%add3A_220, %multiple_of3A_239] : memref<2560x128xi32, #tpu.memory_space<hbm>> -> memref<1x64xi32, #tpu.memory_space<hbm>>
        %dma_wait3A_245 = tpu.memref_squeeze %dma_wait3A_244 : memref<1x64xi32, #tpu.memory_space<hbm>> -> memref<64xi32, #tpu.memory_space<hbm>>
        %dma_wait3A_246 = arith.constant 0 : i32
        %dma_wait3A_247 = tpu.memref_slice %arg10[%dma_wait3A_240, %dma_wait3A_246] : memref<4x64xi32, #tpu.memory_space<vmem>> -> memref<1x64xi32, #tpu.memory_space<vmem>>
        %dma_wait3A_248 = tpu.memref_squeeze %dma_wait3A_247 : memref<1x64xi32, #tpu.memory_space<vmem>> -> memref<64xi32, #tpu.memory_space<vmem>>
        %dma_wait3A_249 = tpu.memref_slice %arg4[%add3A_220, %multiple_of3A_239] : memref<2560x128xi32, #tpu.memory_space<hbm>> -> memref<1x64xi32, #tpu.memory_space<hbm>>
        %dma_wait3A_250 = tpu.memref_squeeze %dma_wait3A_249 : memref<1x64xi32, #tpu.memory_space<hbm>> -> memref<64xi32, #tpu.memory_space<hbm>>
        tpu.wait_dma2 semaphore(%arg15 : memref<!tpu.dma_semaphore, #tpu.memory_space<semaphore_mem>>) src(%dma_wait3A_250 : memref<64xi32, #tpu.memory_space<hbm>>) dst(%dma_wait3A_248 : memref<64xi32, #tpu.memory_space<vmem>>)
        %run_scoped3A = arith.constant 0 : i32
        %run_scoped3A_251 = arith.constant 0 : i32
        "tpu.region"() ({
          %run_scoped3A_622 = tpu.sem_alloc : memref<!tpu.dma_semaphore, #tpu.memory_space<semaphore_mem>>
          %dma_start3A_623 = arith.constant 0 : i32
          %dma_start3A_624 = arith.constant 0 : i32
          %dma_start3A_625 = tpu.memref_slice %arg8[%run_scoped3A, %dma_start3A_623, %dma_start3A_624] : memref<4x64x128xf32, #tpu.memory_space<vmem>> -> memref<1x64x128xf32, #tpu.memory_space<vmem>>
          %dma_start3A_626 = tpu.memref_squeeze %dma_start3A_625 : memref<1x64x128xf32, #tpu.memory_space<vmem>> -> memref<64x128xf32, #tpu.memory_space<vmem>>
          %dma_start3A_627 = arith.constant 0 : i32
          %dma_start3A_628 = tpu.memref_slice %arg10[%run_scoped3A_251, %dma_start3A_627] : memref<4x64xi32, #tpu.memory_space<vmem>> -> memref<1x64xi32, #tpu.memory_space<vmem>>
          %dma_start3A_629 = tpu.memref_squeeze %dma_start3A_628 : memref<1x64xi32, #tpu.memory_space<vmem>> -> memref<64xi32, #tpu.memory_space<vmem>>
          %dma_start3A_630 = arith.constant 0 : i32
          %dma_start3A_631 = arith.constant 0 : i32
          %dma_start3A_632 = tpu.memref_slice %arg7[%dma_start3A_630, %dma_start3A_631] : memref<10112x128xf32, #tpu.memory_space<vmem_shared>> -> memref<10112x128xf32, #tpu.memory_space<vmem_shared>>
          tpu.enqueue_indirect_dma source(%dma_start3A_626 : memref<64x128xf32, #tpu.memory_space<vmem>>) target(%dma_start3A_632 : memref<10112x128xf32, #tpu.memory_space<vmem_shared>>) offsets(%dma_start3A_629 : memref<64xi32, #tpu.memory_space<vmem>>) semaphore(%run_scoped3A_622 : memref<!tpu.dma_semaphore, #tpu.memory_space<semaphore_mem>>) {add = true}
          %dma_wait3A_633 = arith.constant 0 : i32
          %dma_wait3A_634 = arith.constant 0 : i32
          %dma_wait3A_635 = tpu.memref_slice %arg8[%run_scoped3A, %dma_wait3A_633, %dma_wait3A_634] : memref<4x64x128xf32, #tpu.memory_space<vmem>> -> memref<1x64x128xf32, #tpu.memory_space<vmem>>
          %dma_wait3A_636 = tpu.memref_squeeze %dma_wait3A_635 : memref<1x64x128xf32, #tpu.memory_space<vmem>> -> memref<64x128xf32, #tpu.memory_space<vmem>>
          %dma_wait3A_637 = arith.constant 0 : i32
          %dma_wait3A_638 = tpu.memref_slice %arg10[%run_scoped3A_251, %dma_wait3A_637] : memref<4x64xi32, #tpu.memory_space<vmem>> -> memref<1x64xi32, #tpu.memory_space<vmem>>
          %dma_wait3A_639 = tpu.memref_squeeze %dma_wait3A_638 : memref<1x64xi32, #tpu.memory_space<vmem>> -> memref<64xi32, #tpu.memory_space<vmem>>
          %dma_wait3A_640 = arith.constant 0 : i32
          %dma_wait3A_641 = arith.constant 0 : i32
          %dma_wait3A_642 = tpu.memref_slice %arg7[%dma_wait3A_640, %dma_wait3A_641] : memref<10112x128xf32, #tpu.memory_space<vmem_shared>> -> memref<10112x128xf32, #tpu.memory_space<vmem_shared>>
          tpu.wait_indirect_dma semaphore(%run_scoped3A_622 : memref<!tpu.dma_semaphore, #tpu.memory_space<semaphore_mem>>) src(%dma_wait3A_636 : memref<64x128xf32, #tpu.memory_space<vmem>>) dst(%dma_wait3A_642 : memref<10112x128xf32, #tpu.memory_space<vmem_shared>>)
          tpu.yield
        }) : () -> ()
        %add3A_252 = arith.constant 4 : i32
        %add3A_253 = arith.addi %add3A_150, %add3A_252 : i32
        %lt3A_254 = arith.constant 160 : i32
        %lt3A_255 = arith.cmpi slt, %add3A_253, %lt3A_254 : i32
        %convert_element_type3A_256 = arith.extui %lt3A_255 : i1 to i32
        %cond3A_257 = arith.constant 0 : i32
        %cond3A_258 = arith.cmpi ne, %convert_element_type3A_256, %cond3A_257 : i32
        scf.if %cond3A_258 {
          %add3A_622 = arith.constant 4 : i32
          %add3A_623 = arith.addi %add3A_150, %add3A_622 : i32
          %jit3A_624 = arith.constant 2 : i32
          %div3A_625 = arith.divsi %add3A_623, %jit3A_624 : i32
          %sign3A_626 = arith.constant 0 : i32
          %sign3A_627 = arith.cmpi sgt, %add3A_623, %sign3A_626 : i32
          %sign3A_628 = arith.extui %sign3A_627 : i1 to i32
          %sign3A_629 = arith.constant 0 : i32
          %sign3A_630 = arith.cmpi slt, %add3A_623, %sign3A_629 : i32
          %sign3A_631 = arith.extui %sign3A_630 : i1 to i32
          %sign3A_632 = arith.subi %sign3A_628, %sign3A_631 : i32
          %sign3A_633 = arith.constant 0 : i32
          %sign3A_634 = arith.cmpi sgt, %jit3A_624, %sign3A_633 : i32
          %sign3A_635 = arith.extui %sign3A_634 : i1 to i32
          %sign3A_636 = arith.constant 0 : i32
          %sign3A_637 = arith.cmpi slt, %jit3A_624, %sign3A_636 : i32
          %sign3A_638 = arith.extui %sign3A_637 : i1 to i32
          %sign3A_639 = arith.subi %sign3A_635, %sign3A_638 : i32
          %ne3A_640 = arith.cmpi ne, %sign3A_632, %sign3A_639 : i32
          %rem3A_641 = arith.remsi %add3A_623, %jit3A_624 : i32
          %ne3A_642 = arith.constant 0 : i32
          %ne3A_643 = arith.cmpi ne, %rem3A_641, %ne3A_642 : i32
          %and3A_644 = arith.andi %ne3A_640, %ne3A_643 : i1
          %sub3A_645 = arith.constant 1 : i32
          %sub3A_646 = arith.subi %div3A_625, %sub3A_645 : i32
          %select_n3A_647 = arith.select %and3A_644, %sub3A_646, %div3A_625 : i32
          %jit3A_648 = arith.constant 2 : i32
          %eq3A_649 = arith.constant 0 : i32
          %eq3A_650 = arith.cmpi eq, %jit3A_648, %eq3A_649 : i32
          %jit3A_651 = arith.constant 1 : i32
          %select_n3A_652 = arith.select %eq3A_650, %jit3A_651, %jit3A_648 : i32
          %rem3A_653 = arith.remsi %add3A_623, %select_n3A_652 : i32
          %ne3A_654 = arith.constant 0 : i32
          %ne3A_655 = arith.cmpi ne, %rem3A_653, %ne3A_654 : i32
          %lt3A_656 = arith.constant 0 : i32
          %lt3A_657 = arith.cmpi slt, %rem3A_653, %lt3A_656 : i32
          %lt3A_658 = arith.constant 0 : i32
          %lt3A_659 = arith.cmpi slt, %select_n3A_652, %lt3A_658 : i32
          %ne3A_660 = arith.xori %lt3A_657, %lt3A_659 : i1
          %and3A_661 = arith.andi %ne3A_660, %ne3A_655 : i1
          %add3A_662 = arith.addi %rem3A_653, %select_n3A_652 : i32
          %select_n3A_663 = arith.select %and3A_661, %add3A_662, %rem3A_653 : i32
          %mul3A_664 = arith.constant 64 : i32
          %mul3A_665 = arith.muli %select_n3A_663, %mul3A_664 : i32
          %multiple_of3A_666 = tpu.assume_multiple %mul3A_665, 8 : i32
          %dma_start3A_667 = arith.constant 0 : i32
          %dma_start3A_668 = arith.constant 0 : i32
          %dma_start3A_669 = arith.constant 0 : i32
          %dma_start3A_670 = tpu.memref_slice %arg8[%dma_start3A_667, %dma_start3A_668, %dma_start3A_669] : memref<4x64x128xf32, #tpu.memory_space<vmem>> -> memref<1x64x128xf32, #tpu.memory_space<vmem>>
          %dma_start3A_671 = tpu.memref_squeeze %dma_start3A_670 : memref<1x64x128xf32, #tpu.memory_space<vmem>> -> memref<64x128xf32, #tpu.memory_space<vmem>>
          %dma_start3A_672 = tpu.memref_slice %arg9[%select_n3A_647, %multiple_of3A_666] : memref<80x128xi32, #tpu.memory_space<vmem>> -> memref<1x64xi32, #tpu.memory_space<vmem>>
          %dma_start3A_673 = tpu.memref_squeeze %dma_start3A_672 : memref<1x64xi32, #tpu.memory_space<vmem>> -> memref<64xi32, #tpu.memory_space<vmem>>
          %dma_start3A_674 = arith.constant 0 : i32
          %dma_start3A_675 = arith.constant 0 : i32
          %dma_start3A_676 = tpu.memref_slice %arg2[%dma_start3A_674, %dma_start3A_675] : memref<10000x128xf32, #tpu.memory_space<hbm>> -> memref<10000x128xf32, #tpu.memory_space<hbm>>
          tpu.enqueue_indirect_dma source(%dma_start3A_676 : memref<10000x128xf32, #tpu.memory_space<hbm>>) target(%dma_start3A_671 : memref<64x128xf32, #tpu.memory_space<vmem>>) offsets(%dma_start3A_673 : memref<64xi32, #tpu.memory_space<vmem>>) semaphore(%arg11 : memref<!tpu.dma_semaphore, #tpu.memory_space<semaphore_mem>>)
          %add3A_677 = arith.constant 4 : i32
          %add3A_678 = arith.addi %add3A_150, %add3A_677 : i32
          %jit3A_679 = arith.constant 2 : i32
          %div3A_680 = arith.divsi %add3A_678, %jit3A_679 : i32
          %sign3A_681 = arith.constant 0 : i32
          %sign3A_682 = arith.cmpi sgt, %add3A_678, %sign3A_681 : i32
          %sign3A_683 = arith.extui %sign3A_682 : i1 to i32
          %sign3A_684 = arith.constant 0 : i32
          %sign3A_685 = arith.cmpi slt, %add3A_678, %sign3A_684 : i32
          %sign3A_686 = arith.extui %sign3A_685 : i1 to i32
          %sign3A_687 = arith.subi %sign3A_683, %sign3A_686 : i32
          %sign3A_688 = arith.constant 0 : i32
          %sign3A_689 = arith.cmpi sgt, %jit3A_679, %sign3A_688 : i32
          %sign3A_690 = arith.extui %sign3A_689 : i1 to i32
          %sign3A_691 = arith.constant 0 : i32
          %sign3A_692 = arith.cmpi slt, %jit3A_679, %sign3A_691 : i32
          %sign3A_693 = arith.extui %sign3A_692 : i1 to i32
          %sign3A_694 = arith.subi %sign3A_690, %sign3A_693 : i32
          %ne3A_695 = arith.cmpi ne, %sign3A_687, %sign3A_694 : i32
          %rem3A_696 = arith.remsi %add3A_678, %jit3A_679 : i32
          %ne3A_697 = arith.constant 0 : i32
          %ne3A_698 = arith.cmpi ne, %rem3A_696, %ne3A_697 : i32
          %and3A_699 = arith.andi %ne3A_695, %ne3A_698 : i1
          %sub3A_700 = arith.constant 1 : i32
          %sub3A_701 = arith.subi %div3A_680, %sub3A_700 : i32
          %select_n3A_702 = arith.select %and3A_699, %sub3A_701, %div3A_680 : i32
          %add3A_703 = arith.addi %multiple_of3A_30, %select_n3A_702 : i32
          %jit3A_704 = arith.constant 2 : i32
          %eq3A_705 = arith.constant 0 : i32
          %eq3A_706 = arith.cmpi eq, %jit3A_704, %eq3A_705 : i32
          %jit3A_707 = arith.constant 1 : i32
          %select_n3A_708 = arith.select %eq3A_706, %jit3A_707, %jit3A_704 : i32
          %rem3A_709 = arith.remsi %add3A_678, %select_n3A_708 : i32
          %ne3A_710 = arith.constant 0 : i32
          %ne3A_711 = arith.cmpi ne, %rem3A_709, %ne3A_710 : i32
          %lt3A_712 = arith.constant 0 : i32
          %lt3A_713 = arith.cmpi slt, %rem3A_709, %lt3A_712 : i32
          %lt3A_714 = arith.constant 0 : i32
          %lt3A_715 = arith.cmpi slt, %select_n3A_708, %lt3A_714 : i32
          %ne3A_716 = arith.xori %lt3A_713, %lt3A_715 : i1
          %and3A_717 = arith.andi %ne3A_716, %ne3A_711 : i1
          %add3A_718 = arith.addi %rem3A_709, %select_n3A_708 : i32
          %select_n3A_719 = arith.select %and3A_717, %add3A_718, %rem3A_709 : i32
          %mul3A_720 = arith.constant 64 : i32
          %mul3A_721 = arith.muli %select_n3A_719, %mul3A_720 : i32
          %multiple_of3A_722 = tpu.assume_multiple %mul3A_721, 8 : i32
          %dma_start3A_723 = arith.constant 0 : i32
          %dma_start3A_724 = arith.constant 0 : i32
          %dma_start3A_725 = tpu.memref_slice %arg10[%dma_start3A_723, %dma_start3A_724] : memref<4x64xi32, #tpu.memory_space<vmem>> -> memref<1x64xi32, #tpu.memory_space<vmem>>
          %dma_start3A_726 = tpu.memref_squeeze %dma_start3A_725 : memref<1x64xi32, #tpu.memory_space<vmem>> -> memref<64xi32, #tpu.memory_space<vmem>>
          %dma_start3A_727 = tpu.memref_slice %arg4[%add3A_703, %multiple_of3A_722] : memref<2560x128xi32, #tpu.memory_space<hbm>> -> memref<1x64xi32, #tpu.memory_space<hbm>>
          %dma_start3A_728 = tpu.memref_squeeze %dma_start3A_727 : memref<1x64xi32, #tpu.memory_space<hbm>> -> memref<64xi32, #tpu.memory_space<hbm>>
          %dma_start3A_729 = arith.constant 0 : i32
          %dma_start3A_730 = tpu.memref_slice %arg10[%dma_start3A_723, %dma_start3A_729] : memref<4x64xi32, #tpu.memory_space<vmem>> -> memref<1x64xi32, #tpu.memory_space<vmem>>
          %dma_start3A_731 = tpu.memref_squeeze %dma_start3A_730 : memref<1x64xi32, #tpu.memory_space<vmem>> -> memref<64xi32, #tpu.memory_space<vmem>>
          %dma_start3A_732 = tpu.memref_slice %arg4[%add3A_703, %multiple_of3A_722] : memref<2560x128xi32, #tpu.memory_space<hbm>> -> memref<1x64xi32, #tpu.memory_space<hbm>>
          %dma_start3A_733 = tpu.memref_squeeze %dma_start3A_732 : memref<1x64xi32, #tpu.memory_space<hbm>> -> memref<64xi32, #tpu.memory_space<hbm>>
          tpu.enqueue_dma source(%dma_start3A_733 : memref<64xi32, #tpu.memory_space<hbm>>) target(%dma_start3A_731 : memref<64xi32, #tpu.memory_space<vmem>>) target_semaphore(%arg15 : memref<!tpu.dma_semaphore, #tpu.memory_space<semaphore_mem>>)
        } else {
        }
        %mul3A_259 = arith.constant 4 : i32
        %mul3A_260 = arith.muli %scan3A_146, %mul3A_259 : i32
        %add3A_261 = arith.constant 1 : i32
        %add3A_262 = arith.addi %mul3A_260, %add3A_261 : i32
        %jit3A_263 = arith.constant 2 : i32
        %div3A_264 = arith.divsi %add3A_262, %jit3A_263 : i32
        %sign3A_265 = arith.constant 0 : i32
        %sign3A_266 = arith.cmpi sgt, %add3A_262, %sign3A_265 : i32
        %sign3A_267 = arith.extui %sign3A_266 : i1 to i32
        %sign3A_268 = arith.constant 0 : i32
        %sign3A_269 = arith.cmpi slt, %add3A_262, %sign3A_268 : i32
        %sign3A_270 = arith.extui %sign3A_269 : i1 to i32
        %sign3A_271 = arith.subi %sign3A_267, %sign3A_270 : i32
        %sign3A_272 = arith.constant 0 : i32
        %sign3A_273 = arith.cmpi sgt, %jit3A_263, %sign3A_272 : i32
        %sign3A_274 = arith.extui %sign3A_273 : i1 to i32
        %sign3A_275 = arith.constant 0 : i32
        %sign3A_276 = arith.cmpi slt, %jit3A_263, %sign3A_275 : i32
        %sign3A_277 = arith.extui %sign3A_276 : i1 to i32
        %sign3A_278 = arith.subi %sign3A_274, %sign3A_277 : i32
        %ne3A_279 = arith.cmpi ne, %sign3A_271, %sign3A_278 : i32
        %rem3A_280 = arith.remsi %add3A_262, %jit3A_263 : i32
        %ne3A_281 = arith.constant 0 : i32
        %ne3A_282 = arith.cmpi ne, %rem3A_280, %ne3A_281 : i32
        %and3A_283 = arith.andi %ne3A_279, %ne3A_282 : i1
        %sub3A_284 = arith.constant 1 : i32
        %sub3A_285 = arith.subi %div3A_264, %sub3A_284 : i32
        %select_n3A_286 = arith.select %and3A_283, %sub3A_285, %div3A_264 : i32
        %jit3A_287 = arith.constant 2 : i32
        %eq3A_288 = arith.constant 0 : i32
        %eq3A_289 = arith.cmpi eq, %jit3A_287, %eq3A_288 : i32
        %jit3A_290 = arith.constant 1 : i32
        %select_n3A_291 = arith.select %eq3A_289, %jit3A_290, %jit3A_287 : i32
        %rem3A_292 = arith.remsi %add3A_262, %select_n3A_291 : i32
        %ne3A_293 = arith.constant 0 : i32
        %ne3A_294 = arith.cmpi ne, %rem3A_292, %ne3A_293 : i32
        %lt3A_295 = arith.constant 0 : i32
        %lt3A_296 = arith.cmpi slt, %rem3A_292, %lt3A_295 : i32
        %lt3A_297 = arith.constant 0 : i32
        %lt3A_298 = arith.cmpi slt, %select_n3A_291, %lt3A_297 : i32
        %ne3A_299 = arith.xori %lt3A_296, %lt3A_298 : i1
        %and3A_300 = arith.andi %ne3A_299, %ne3A_294 : i1
        %add3A_301 = arith.addi %rem3A_292, %select_n3A_291 : i32
        %select_n3A_302 = arith.select %and3A_300, %add3A_301, %rem3A_292 : i32
        %mul3A_303 = arith.constant 64 : i32
        %mul3A_304 = arith.muli %select_n3A_302, %mul3A_303 : i32
        %multiple_of3A_305 = tpu.assume_multiple %mul3A_304, 8 : i32
        %dma_wait3A_306 = arith.constant 1 : i32
        %dma_wait3A_307 = arith.constant 0 : i32
        %dma_wait3A_308 = arith.constant 0 : i32
        %dma_wait3A_309 = tpu.memref_slice %arg8[%dma_wait3A_306, %dma_wait3A_307, %dma_wait3A_308] : memref<4x64x128xf32, #tpu.memory_space<vmem>> -> memref<1x64x128xf32, #tpu.memory_space<vmem>>
        %dma_wait3A_310 = tpu.memref_squeeze %dma_wait3A_309 : memref<1x64x128xf32, #tpu.memory_space<vmem>> -> memref<64x128xf32, #tpu.memory_space<vmem>>
        %dma_wait3A_311 = tpu.memref_slice %arg9[%select_n3A_286, %multiple_of3A_305] : memref<80x128xi32, #tpu.memory_space<vmem>> -> memref<1x64xi32, #tpu.memory_space<vmem>>
        %dma_wait3A_312 = tpu.memref_squeeze %dma_wait3A_311 : memref<1x64xi32, #tpu.memory_space<vmem>> -> memref<64xi32, #tpu.memory_space<vmem>>
        %dma_wait3A_313 = arith.constant 0 : i32
        %dma_wait3A_314 = arith.constant 0 : i32
        %dma_wait3A_315 = tpu.memref_slice %arg2[%dma_wait3A_313, %dma_wait3A_314] : memref<10000x128xf32, #tpu.memory_space<hbm>> -> memref<10000x128xf32, #tpu.memory_space<hbm>>
        tpu.wait_indirect_dma semaphore(%arg12 : memref<!tpu.dma_semaphore, #tpu.memory_space<semaphore_mem>>) src(%dma_wait3A_315 : memref<10000x128xf32, #tpu.memory_space<hbm>>) dst(%dma_wait3A_310 : memref<64x128xf32, #tpu.memory_space<vmem>>)
        %jit3A_316 = arith.constant 2 : i32
        %div3A_317 = arith.divsi %add3A_262, %jit3A_316 : i32
        %sign3A_318 = arith.constant 0 : i32
        %sign3A_319 = arith.cmpi sgt, %add3A_262, %sign3A_318 : i32
        %sign3A_320 = arith.extui %sign3A_319 : i1 to i32
        %sign3A_321 = arith.constant 0 : i32
        %sign3A_322 = arith.cmpi slt, %add3A_262, %sign3A_321 : i32
        %sign3A_323 = arith.extui %sign3A_322 : i1 to i32
        %sign3A_324 = arith.subi %sign3A_320, %sign3A_323 : i32
        %sign3A_325 = arith.constant 0 : i32
        %sign3A_326 = arith.cmpi sgt, %jit3A_316, %sign3A_325 : i32
        %sign3A_327 = arith.extui %sign3A_326 : i1 to i32
        %sign3A_328 = arith.constant 0 : i32
        %sign3A_329 = arith.cmpi slt, %jit3A_316, %sign3A_328 : i32
        %sign3A_330 = arith.extui %sign3A_329 : i1 to i32
        %sign3A_331 = arith.subi %sign3A_327, %sign3A_330 : i32
        %ne3A_332 = arith.cmpi ne, %sign3A_324, %sign3A_331 : i32
        %rem3A_333 = arith.remsi %add3A_262, %jit3A_316 : i32
        %ne3A_334 = arith.constant 0 : i32
        %ne3A_335 = arith.cmpi ne, %rem3A_333, %ne3A_334 : i32
        %and3A_336 = arith.andi %ne3A_332, %ne3A_335 : i1
        %sub3A_337 = arith.constant 1 : i32
        %sub3A_338 = arith.subi %div3A_317, %sub3A_337 : i32
        %select_n3A_339 = arith.select %and3A_336, %sub3A_338, %div3A_317 : i32
        %add3A_340 = arith.addi %multiple_of3A_30, %select_n3A_339 : i32
        %jit3A_341 = arith.constant 2 : i32
        %eq3A_342 = arith.constant 0 : i32
        %eq3A_343 = arith.cmpi eq, %jit3A_341, %eq3A_342 : i32
        %jit3A_344 = arith.constant 1 : i32
        %select_n3A_345 = arith.select %eq3A_343, %jit3A_344, %jit3A_341 : i32
        %rem3A_346 = arith.remsi %add3A_262, %select_n3A_345 : i32
        %ne3A_347 = arith.constant 0 : i32
        %ne3A_348 = arith.cmpi ne, %rem3A_346, %ne3A_347 : i32
        %lt3A_349 = arith.constant 0 : i32
        %lt3A_350 = arith.cmpi slt, %rem3A_346, %lt3A_349 : i32
        %lt3A_351 = arith.constant 0 : i32
        %lt3A_352 = arith.cmpi slt, %select_n3A_345, %lt3A_351 : i32
        %ne3A_353 = arith.xori %lt3A_350, %lt3A_352 : i1
        %and3A_354 = arith.andi %ne3A_353, %ne3A_348 : i1
        %add3A_355 = arith.addi %rem3A_346, %select_n3A_345 : i32
        %select_n3A_356 = arith.select %and3A_354, %add3A_355, %rem3A_346 : i32
        %mul3A_357 = arith.constant 64 : i32
        %mul3A_358 = arith.muli %select_n3A_356, %mul3A_357 : i32
        %multiple_of3A_359 = tpu.assume_multiple %mul3A_358, 8 : i32
        %dma_wait3A_360 = arith.constant 1 : i32
        %dma_wait3A_361 = arith.constant 0 : i32
        %dma_wait3A_362 = tpu.memref_slice %arg10[%dma_wait3A_360, %dma_wait3A_361] : memref<4x64xi32, #tpu.memory_space<vmem>> -> memref<1x64xi32, #tpu.memory_space<vmem>>
        %dma_wait3A_363 = tpu.memref_squeeze %dma_wait3A_362 : memref<1x64xi32, #tpu.memory_space<vmem>> -> memref<64xi32, #tpu.memory_space<vmem>>
        %dma_wait3A_364 = tpu.memref_slice %arg4[%add3A_340, %multiple_of3A_359] : memref<2560x128xi32, #tpu.memory_space<hbm>> -> memref<1x64xi32, #tpu.memory_space<hbm>>
        %dma_wait3A_365 = tpu.memref_squeeze %dma_wait3A_364 : memref<1x64xi32, #tpu.memory_space<hbm>> -> memref<64xi32, #tpu.memory_space<hbm>>
        %dma_wait3A_366 = arith.constant 0 : i32
        %dma_wait3A_367 = tpu.memref_slice %arg10[%dma_wait3A_360, %dma_wait3A_366] : memref<4x64xi32, #tpu.memory_space<vmem>> -> memref<1x64xi32, #tpu.memory_space<vmem>>
        %dma_wait3A_368 = tpu.memref_squeeze %dma_wait3A_367 : memref<1x64xi32, #tpu.memory_space<vmem>> -> memref<64xi32, #tpu.memory_space<vmem>>
        %dma_wait3A_369 = tpu.memref_slice %arg4[%add3A_340, %multiple_of3A_359] : memref<2560x128xi32, #tpu.memory_space<hbm>> -> memref<1x64xi32, #tpu.memory_space<hbm>>
        %dma_wait3A_370 = tpu.memref_squeeze %dma_wait3A_369 : memref<1x64xi32, #tpu.memory_space<hbm>> -> memref<64xi32, #tpu.memory_space<hbm>>
        tpu.wait_dma2 semaphore(%arg16 : memref<!tpu.dma_semaphore, #tpu.memory_space<semaphore_mem>>) src(%dma_wait3A_370 : memref<64xi32, #tpu.memory_space<hbm>>) dst(%dma_wait3A_368 : memref<64xi32, #tpu.memory_space<vmem>>)
        %run_scoped3A_371 = arith.constant 1 : i32
        %run_scoped3A_372 = arith.constant 1 : i32
        "tpu.region"() ({
          %run_scoped3A_622 = tpu.sem_alloc : memref<!tpu.dma_semaphore, #tpu.memory_space<semaphore_mem>>
          %dma_start3A_623 = arith.constant 0 : i32
          %dma_start3A_624 = arith.constant 0 : i32
          %dma_start3A_625 = tpu.memref_slice %arg8[%run_scoped3A_371, %dma_start3A_623, %dma_start3A_624] : memref<4x64x128xf32, #tpu.memory_space<vmem>> -> memref<1x64x128xf32, #tpu.memory_space<vmem>>
          %dma_start3A_626 = tpu.memref_squeeze %dma_start3A_625 : memref<1x64x128xf32, #tpu.memory_space<vmem>> -> memref<64x128xf32, #tpu.memory_space<vmem>>
          %dma_start3A_627 = arith.constant 0 : i32
          %dma_start3A_628 = tpu.memref_slice %arg10[%run_scoped3A_372, %dma_start3A_627] : memref<4x64xi32, #tpu.memory_space<vmem>> -> memref<1x64xi32, #tpu.memory_space<vmem>>
          %dma_start3A_629 = tpu.memref_squeeze %dma_start3A_628 : memref<1x64xi32, #tpu.memory_space<vmem>> -> memref<64xi32, #tpu.memory_space<vmem>>
          %dma_start3A_630 = arith.constant 0 : i32
          %dma_start3A_631 = arith.constant 0 : i32
          %dma_start3A_632 = tpu.memref_slice %arg7[%dma_start3A_630, %dma_start3A_631] : memref<10112x128xf32, #tpu.memory_space<vmem_shared>> -> memref<10112x128xf32, #tpu.memory_space<vmem_shared>>
          tpu.enqueue_indirect_dma source(%dma_start3A_626 : memref<64x128xf32, #tpu.memory_space<vmem>>) target(%dma_start3A_632 : memref<10112x128xf32, #tpu.memory_space<vmem_shared>>) offsets(%dma_start3A_629 : memref<64xi32, #tpu.memory_space<vmem>>) semaphore(%run_scoped3A_622 : memref<!tpu.dma_semaphore, #tpu.memory_space<semaphore_mem>>) {add = true}
          %dma_wait3A_633 = arith.constant 0 : i32
          %dma_wait3A_634 = arith.constant 0 : i32
          %dma_wait3A_635 = tpu.memref_slice %arg8[%run_scoped3A_371, %dma_wait3A_633, %dma_wait3A_634] : memref<4x64x128xf32, #tpu.memory_space<vmem>> -> memref<1x64x128xf32, #tpu.memory_space<vmem>>
          %dma_wait3A_636 = tpu.memref_squeeze %dma_wait3A_635 : memref<1x64x128xf32, #tpu.memory_space<vmem>> -> memref<64x128xf32, #tpu.memory_space<vmem>>
          %dma_wait3A_637 = arith.constant 0 : i32
          %dma_wait3A_638 = tpu.memref_slice %arg10[%run_scoped3A_372, %dma_wait3A_637] : memref<4x64xi32, #tpu.memory_space<vmem>> -> memref<1x64xi32, #tpu.memory_space<vmem>>
          %dma_wait3A_639 = tpu.memref_squeeze %dma_wait3A_638 : memref<1x64xi32, #tpu.memory_space<vmem>> -> memref<64xi32, #tpu.memory_space<vmem>>
          %dma_wait3A_640 = arith.constant 0 : i32
          %dma_wait3A_641 = arith.constant 0 : i32
          %dma_wait3A_642 = tpu.memref_slice %arg7[%dma_wait3A_640, %dma_wait3A_641] : memref<10112x128xf32, #tpu.memory_space<vmem_shared>> -> memref<10112x128xf32, #tpu.memory_space<vmem_shared>>
          tpu.wait_indirect_dma semaphore(%run_scoped3A_622 : memref<!tpu.dma_semaphore, #tpu.memory_space<semaphore_mem>>) src(%dma_wait3A_636 : memref<64x128xf32, #tpu.memory_space<vmem>>) dst(%dma_wait3A_642 : memref<10112x128xf32, #tpu.memory_space<vmem_shared>>)
          tpu.yield
        }) : () -> ()
        %add3A_373 = arith.constant 4 : i32
        %add3A_374 = arith.addi %add3A_262, %add3A_373 : i32
        %lt3A_375 = arith.constant 160 : i32
        %lt3A_376 = arith.cmpi slt, %add3A_374, %lt3A_375 : i32
        %convert_element_type3A_377 = arith.extui %lt3A_376 : i1 to i32
        %cond3A_378 = arith.constant 0 : i32
        %cond3A_379 = arith.cmpi ne, %convert_element_type3A_377, %cond3A_378 : i32
        scf.if %cond3A_379 {
          %add3A_622 = arith.constant 4 : i32
          %add3A_623 = arith.addi %add3A_262, %add3A_622 : i32
          %jit3A_624 = arith.constant 2 : i32
          %div3A_625 = arith.divsi %add3A_623, %jit3A_624 : i32
          %sign3A_626 = arith.constant 0 : i32
          %sign3A_627 = arith.cmpi sgt, %add3A_623, %sign3A_626 : i32
          %sign3A_628 = arith.extui %sign3A_627 : i1 to i32
          %sign3A_629 = arith.constant 0 : i32
          %sign3A_630 = arith.cmpi slt, %add3A_623, %sign3A_629 : i32
          %sign3A_631 = arith.extui %sign3A_630 : i1 to i32
          %sign3A_632 = arith.subi %sign3A_628, %sign3A_631 : i32
          %sign3A_633 = arith.constant 0 : i32
          %sign3A_634 = arith.cmpi sgt, %jit3A_624, %sign3A_633 : i32
          %sign3A_635 = arith.extui %sign3A_634 : i1 to i32
          %sign3A_636 = arith.constant 0 : i32
          %sign3A_637 = arith.cmpi slt, %jit3A_624, %sign3A_636 : i32
          %sign3A_638 = arith.extui %sign3A_637 : i1 to i32
          %sign3A_639 = arith.subi %sign3A_635, %sign3A_638 : i32
          %ne3A_640 = arith.cmpi ne, %sign3A_632, %sign3A_639 : i32
          %rem3A_641 = arith.remsi %add3A_623, %jit3A_624 : i32
          %ne3A_642 = arith.constant 0 : i32
          %ne3A_643 = arith.cmpi ne, %rem3A_641, %ne3A_642 : i32
          %and3A_644 = arith.andi %ne3A_640, %ne3A_643 : i1
          %sub3A_645 = arith.constant 1 : i32
          %sub3A_646 = arith.subi %div3A_625, %sub3A_645 : i32
          %select_n3A_647 = arith.select %and3A_644, %sub3A_646, %div3A_625 : i32
          %jit3A_648 = arith.constant 2 : i32
          %eq3A_649 = arith.constant 0 : i32
          %eq3A_650 = arith.cmpi eq, %jit3A_648, %eq3A_649 : i32
          %jit3A_651 = arith.constant 1 : i32
          %select_n3A_652 = arith.select %eq3A_650, %jit3A_651, %jit3A_648 : i32
          %rem3A_653 = arith.remsi %add3A_623, %select_n3A_652 : i32
          %ne3A_654 = arith.constant 0 : i32
          %ne3A_655 = arith.cmpi ne, %rem3A_653, %ne3A_654 : i32
          %lt3A_656 = arith.constant 0 : i32
          %lt3A_657 = arith.cmpi slt, %rem3A_653, %lt3A_656 : i32
          %lt3A_658 = arith.constant 0 : i32
          %lt3A_659 = arith.cmpi slt, %select_n3A_652, %lt3A_658 : i32
          %ne3A_660 = arith.xori %lt3A_657, %lt3A_659 : i1
          %and3A_661 = arith.andi %ne3A_660, %ne3A_655 : i1
          %add3A_662 = arith.addi %rem3A_653, %select_n3A_652 : i32
          %select_n3A_663 = arith.select %and3A_661, %add3A_662, %rem3A_653 : i32
          %mul3A_664 = arith.constant 64 : i32
          %mul3A_665 = arith.muli %select_n3A_663, %mul3A_664 : i32
          %multiple_of3A_666 = tpu.assume_multiple %mul3A_665, 8 : i32
          %dma_start3A_667 = arith.constant 1 : i32
          %dma_start3A_668 = arith.constant 0 : i32
          %dma_start3A_669 = arith.constant 0 : i32
          %dma_start3A_670 = tpu.memref_slice %arg8[%dma_start3A_667, %dma_start3A_668, %dma_start3A_669] : memref<4x64x128xf32, #tpu.memory_space<vmem>> -> memref<1x64x128xf32, #tpu.memory_space<vmem>>
          %dma_start3A_671 = tpu.memref_squeeze %dma_start3A_670 : memref<1x64x128xf32, #tpu.memory_space<vmem>> -> memref<64x128xf32, #tpu.memory_space<vmem>>
          %dma_start3A_672 = tpu.memref_slice %arg9[%select_n3A_647, %multiple_of3A_666] : memref<80x128xi32, #tpu.memory_space<vmem>> -> memref<1x64xi32, #tpu.memory_space<vmem>>
          %dma_start3A_673 = tpu.memref_squeeze %dma_start3A_672 : memref<1x64xi32, #tpu.memory_space<vmem>> -> memref<64xi32, #tpu.memory_space<vmem>>
          %dma_start3A_674 = arith.constant 0 : i32
          %dma_start3A_675 = arith.constant 0 : i32
          %dma_start3A_676 = tpu.memref_slice %arg2[%dma_start3A_674, %dma_start3A_675] : memref<10000x128xf32, #tpu.memory_space<hbm>> -> memref<10000x128xf32, #tpu.memory_space<hbm>>
          tpu.enqueue_indirect_dma source(%dma_start3A_676 : memref<10000x128xf32, #tpu.memory_space<hbm>>) target(%dma_start3A_671 : memref<64x128xf32, #tpu.memory_space<vmem>>) offsets(%dma_start3A_673 : memref<64xi32, #tpu.memory_space<vmem>>) semaphore(%arg12 : memref<!tpu.dma_semaphore, #tpu.memory_space<semaphore_mem>>)
          %add3A_677 = arith.constant 4 : i32
          %add3A_678 = arith.addi %add3A_262, %add3A_677 : i32
          %jit3A_679 = arith.constant 2 : i32
          %div3A_680 = arith.divsi %add3A_678, %jit3A_679 : i32
          %sign3A_681 = arith.constant 0 : i32
          %sign3A_682 = arith.cmpi sgt, %add3A_678, %sign3A_681 : i32
          %sign3A_683 = arith.extui %sign3A_682 : i1 to i32
          %sign3A_684 = arith.constant 0 : i32
          %sign3A_685 = arith.cmpi slt, %add3A_678, %sign3A_684 : i32
          %sign3A_686 = arith.extui %sign3A_685 : i1 to i32
          %sign3A_687 = arith.subi %sign3A_683, %sign3A_686 : i32
          %sign3A_688 = arith.constant 0 : i32
          %sign3A_689 = arith.cmpi sgt, %jit3A_679, %sign3A_688 : i32
          %sign3A_690 = arith.extui %sign3A_689 : i1 to i32
          %sign3A_691 = arith.constant 0 : i32
          %sign3A_692 = arith.cmpi slt, %jit3A_679, %sign3A_691 : i32
          %sign3A_693 = arith.extui %sign3A_692 : i1 to i32
          %sign3A_694 = arith.subi %sign3A_690, %sign3A_693 : i32
          %ne3A_695 = arith.cmpi ne, %sign3A_687, %sign3A_694 : i32
          %rem3A_696 = arith.remsi %add3A_678, %jit3A_679 : i32
          %ne3A_697 = arith.constant 0 : i32
          %ne3A_698 = arith.cmpi ne, %rem3A_696, %ne3A_697 : i32
          %and3A_699 = arith.andi %ne3A_695, %ne3A_698 : i1
          %sub3A_700 = arith.constant 1 : i32
          %sub3A_701 = arith.subi %div3A_680, %sub3A_700 : i32
          %select_n3A_702 = arith.select %and3A_699, %sub3A_701, %div3A_680 : i32
          %add3A_703 = arith.addi %multiple_of3A_30, %select_n3A_702 : i32
          %jit3A_704 = arith.constant 2 : i32
          %eq3A_705 = arith.constant 0 : i32
          %eq3A_706 = arith.cmpi eq, %jit3A_704, %eq3A_705 : i32
          %jit3A_707 = arith.constant 1 : i32
          %select_n3A_708 = arith.select %eq3A_706, %jit3A_707, %jit3A_704 : i32
          %rem3A_709 = arith.remsi %add3A_678, %select_n3A_708 : i32
          %ne3A_710 = arith.constant 0 : i32
          %ne3A_711 = arith.cmpi ne, %rem3A_709, %ne3A_710 : i32
          %lt3A_712 = arith.constant 0 : i32
          %lt3A_713 = arith.cmpi slt, %rem3A_709, %lt3A_712 : i32
          %lt3A_714 = arith.constant 0 : i32
          %lt3A_715 = arith.cmpi slt, %select_n3A_708, %lt3A_714 : i32
          %ne3A_716 = arith.xori %lt3A_713, %lt3A_715 : i1
          %and3A_717 = arith.andi %ne3A_716, %ne3A_711 : i1
          %add3A_718 = arith.addi %rem3A_709, %select_n3A_708 : i32
          %select_n3A_719 = arith.select %and3A_717, %add3A_718, %rem3A_709 : i32
          %mul3A_720 = arith.constant 64 : i32
          %mul3A_721 = arith.muli %select_n3A_719, %mul3A_720 : i32
          %multiple_of3A_722 = tpu.assume_multiple %mul3A_721, 8 : i32
          %dma_start3A_723 = arith.constant 1 : i32
          %dma_start3A_724 = arith.constant 0 : i32
          %dma_start3A_725 = tpu.memref_slice %arg10[%dma_start3A_723, %dma_start3A_724] : memref<4x64xi32, #tpu.memory_space<vmem>> -> memref<1x64xi32, #tpu.memory_space<vmem>>
          %dma_start3A_726 = tpu.memref_squeeze %dma_start3A_725 : memref<1x64xi32, #tpu.memory_space<vmem>> -> memref<64xi32, #tpu.memory_space<vmem>>
          %dma_start3A_727 = tpu.memref_slice %arg4[%add3A_703, %multiple_of3A_722] : memref<2560x128xi32, #tpu.memory_space<hbm>> -> memref<1x64xi32, #tpu.memory_space<hbm>>
          %dma_start3A_728 = tpu.memref_squeeze %dma_start3A_727 : memref<1x64xi32, #tpu.memory_space<hbm>> -> memref<64xi32, #tpu.memory_space<hbm>>
          %dma_start3A_729 = arith.constant 0 : i32
          %dma_start3A_730 = tpu.memref_slice %arg10[%dma_start3A_723, %dma_start3A_729] : memref<4x64xi32, #tpu.memory_space<vmem>> -> memref<1x64xi32, #tpu.memory_space<vmem>>
          %dma_start3A_731 = tpu.memref_squeeze %dma_start3A_730 : memref<1x64xi32, #tpu.memory_space<vmem>> -> memref<64xi32, #tpu.memory_space<vmem>>
          %dma_start3A_732 = tpu.memref_slice %arg4[%add3A_703, %multiple_of3A_722] : memref<2560x128xi32, #tpu.memory_space<hbm>> -> memref<1x64xi32, #tpu.memory_space<hbm>>
          %dma_start3A_733 = tpu.memref_squeeze %dma_start3A_732 : memref<1x64xi32, #tpu.memory_space<hbm>> -> memref<64xi32, #tpu.memory_space<hbm>>
          tpu.enqueue_dma source(%dma_start3A_733 : memref<64xi32, #tpu.memory_space<hbm>>) target(%dma_start3A_731 : memref<64xi32, #tpu.memory_space<vmem>>) target_semaphore(%arg16 : memref<!tpu.dma_semaphore, #tpu.memory_space<semaphore_mem>>)
        } else {
        }
        %mul3A_380 = arith.constant 4 : i32
        %mul3A_381 = arith.muli %scan3A_146, %mul3A_380 : i32
        %add3A_382 = arith.constant 2 : i32
        %add3A_383 = arith.addi %mul3A_381, %add3A_382 : i32
        %jit3A_384 = arith.constant 2 : i32
        %div3A_385 = arith.divsi %add3A_383, %jit3A_384 : i32
        %sign3A_386 = arith.constant 0 : i32
        %sign3A_387 = arith.cmpi sgt, %add3A_383, %sign3A_386 : i32
        %sign3A_388 = arith.extui %sign3A_387 : i1 to i32
        %sign3A_389 = arith.constant 0 : i32
        %sign3A_390 = arith.cmpi slt, %add3A_383, %sign3A_389 : i32
        %sign3A_391 = arith.extui %sign3A_390 : i1 to i32
        %sign3A_392 = arith.subi %sign3A_388, %sign3A_391 : i32
        %sign3A_393 = arith.constant 0 : i32
        %sign3A_394 = arith.cmpi sgt, %jit3A_384, %sign3A_393 : i32
        %sign3A_395 = arith.extui %sign3A_394 : i1 to i32
        %sign3A_396 = arith.constant 0 : i32
        %sign3A_397 = arith.cmpi slt, %jit3A_384, %sign3A_396 : i32
        %sign3A_398 = arith.extui %sign3A_397 : i1 to i32
        %sign3A_399 = arith.subi %sign3A_395, %sign3A_398 : i32
        %ne3A_400 = arith.cmpi ne, %sign3A_392, %sign3A_399 : i32
        %rem3A_401 = arith.remsi %add3A_383, %jit3A_384 : i32
        %ne3A_402 = arith.constant 0 : i32
        %ne3A_403 = arith.cmpi ne, %rem3A_401, %ne3A_402 : i32
        %and3A_404 = arith.andi %ne3A_400, %ne3A_403 : i1
        %sub3A_405 = arith.constant 1 : i32
        %sub3A_406 = arith.subi %div3A_385, %sub3A_405 : i32
        %select_n3A_407 = arith.select %and3A_404, %sub3A_406, %div3A_385 : i32
        %jit3A_408 = arith.constant 2 : i32
        %eq3A_409 = arith.constant 0 : i32
        %eq3A_410 = arith.cmpi eq, %jit3A_408, %eq3A_409 : i32
        %jit3A_411 = arith.constant 1 : i32
        %select_n3A_412 = arith.select %eq3A_410, %jit3A_411, %jit3A_408 : i32
        %rem3A_413 = arith.remsi %add3A_383, %select_n3A_412 : i32
        %ne3A_414 = arith.constant 0 : i32
        %ne3A_415 = arith.cmpi ne, %rem3A_413, %ne3A_414 : i32
        %lt3A_416 = arith.constant 0 : i32
        %lt3A_417 = arith.cmpi slt, %rem3A_413, %lt3A_416 : i32
        %lt3A_418 = arith.constant 0 : i32
        %lt3A_419 = arith.cmpi slt, %select_n3A_412, %lt3A_418 : i32
        %ne3A_420 = arith.xori %lt3A_417, %lt3A_419 : i1
        %and3A_421 = arith.andi %ne3A_420, %ne3A_415 : i1
        %add3A_422 = arith.addi %rem3A_413, %select_n3A_412 : i32
        %select_n3A_423 = arith.select %and3A_421, %add3A_422, %rem3A_413 : i32
        %mul3A_424 = arith.constant 64 : i32
        %mul3A_425 = arith.muli %select_n3A_423, %mul3A_424 : i32
        %multiple_of3A_426 = tpu.assume_multiple %mul3A_425, 8 : i32
        %dma_wait3A_427 = arith.constant 2 : i32
        %dma_wait3A_428 = arith.constant 0 : i32
        %dma_wait3A_429 = arith.constant 0 : i32
        %dma_wait3A_430 = tpu.memref_slice %arg8[%dma_wait3A_427, %dma_wait3A_428, %dma_wait3A_429] : memref<4x64x128xf32, #tpu.memory_space<vmem>> -> memref<1x64x128xf32, #tpu.memory_space<vmem>>
        %dma_wait3A_431 = tpu.memref_squeeze %dma_wait3A_430 : memref<1x64x128xf32, #tpu.memory_space<vmem>> -> memref<64x128xf32, #tpu.memory_space<vmem>>
        %dma_wait3A_432 = tpu.memref_slice %arg9[%select_n3A_407, %multiple_of3A_426] : memref<80x128xi32, #tpu.memory_space<vmem>> -> memref<1x64xi32, #tpu.memory_space<vmem>>
        %dma_wait3A_433 = tpu.memref_squeeze %dma_wait3A_432 : memref<1x64xi32, #tpu.memory_space<vmem>> -> memref<64xi32, #tpu.memory_space<vmem>>
        %dma_wait3A_434 = arith.constant 0 : i32
        %dma_wait3A_435 = arith.constant 0 : i32
        %dma_wait3A_436 = tpu.memref_slice %arg2[%dma_wait3A_434, %dma_wait3A_435] : memref<10000x128xf32, #tpu.memory_space<hbm>> -> memref<10000x128xf32, #tpu.memory_space<hbm>>
        tpu.wait_indirect_dma semaphore(%arg13 : memref<!tpu.dma_semaphore, #tpu.memory_space<semaphore_mem>>) src(%dma_wait3A_436 : memref<10000x128xf32, #tpu.memory_space<hbm>>) dst(%dma_wait3A_431 : memref<64x128xf32, #tpu.memory_space<vmem>>)
        %jit3A_437 = arith.constant 2 : i32
        %div3A_438 = arith.divsi %add3A_383, %jit3A_437 : i32
        %sign3A_439 = arith.constant 0 : i32
        %sign3A_440 = arith.cmpi sgt, %add3A_383, %sign3A_439 : i32
        %sign3A_441 = arith.extui %sign3A_440 : i1 to i32
        %sign3A_442 = arith.constant 0 : i32
        %sign3A_443 = arith.cmpi slt, %add3A_383, %sign3A_442 : i32
        %sign3A_444 = arith.extui %sign3A_443 : i1 to i32
        %sign3A_445 = arith.subi %sign3A_441, %sign3A_444 : i32
        %sign3A_446 = arith.constant 0 : i32
        %sign3A_447 = arith.cmpi sgt, %jit3A_437, %sign3A_446 : i32
        %sign3A_448 = arith.extui %sign3A_447 : i1 to i32
        %sign3A_449 = arith.constant 0 : i32
        %sign3A_450 = arith.cmpi slt, %jit3A_437, %sign3A_449 : i32
        %sign3A_451 = arith.extui %sign3A_450 : i1 to i32
        %sign3A_452 = arith.subi %sign3A_448, %sign3A_451 : i32
        %ne3A_453 = arith.cmpi ne, %sign3A_445, %sign3A_452 : i32
        %rem3A_454 = arith.remsi %add3A_383, %jit3A_437 : i32
        %ne3A_455 = arith.constant 0 : i32
        %ne3A_456 = arith.cmpi ne, %rem3A_454, %ne3A_455 : i32
        %and3A_457 = arith.andi %ne3A_453, %ne3A_456 : i1
        %sub3A_458 = arith.constant 1 : i32
        %sub3A_459 = arith.subi %div3A_438, %sub3A_458 : i32
        %select_n3A_460 = arith.select %and3A_457, %sub3A_459, %div3A_438 : i32
        %add3A_461 = arith.addi %multiple_of3A_30, %select_n3A_460 : i32
        %jit3A_462 = arith.constant 2 : i32
        %eq3A_463 = arith.constant 0 : i32
        %eq3A_464 = arith.cmpi eq, %jit3A_462, %eq3A_463 : i32
        %jit3A_465 = arith.constant 1 : i32
        %select_n3A_466 = arith.select %eq3A_464, %jit3A_465, %jit3A_462 : i32
        %rem3A_467 = arith.remsi %add3A_383, %select_n3A_466 : i32
        %ne3A_468 = arith.constant 0 : i32
        %ne3A_469 = arith.cmpi ne, %rem3A_467, %ne3A_468 : i32
        %lt3A_470 = arith.constant 0 : i32
        %lt3A_471 = arith.cmpi slt, %rem3A_467, %lt3A_470 : i32
        %lt3A_472 = arith.constant 0 : i32
        %lt3A_473 = arith.cmpi slt, %select_n3A_466, %lt3A_472 : i32
        %ne3A_474 = arith.xori %lt3A_471, %lt3A_473 : i1
        %and3A_475 = arith.andi %ne3A_474, %ne3A_469 : i1
        %add3A_476 = arith.addi %rem3A_467, %select_n3A_466 : i32
        %select_n3A_477 = arith.select %and3A_475, %add3A_476, %rem3A_467 : i32
        %mul3A_478 = arith.constant 64 : i32
        %mul3A_479 = arith.muli %select_n3A_477, %mul3A_478 : i32
        %multiple_of3A_480 = tpu.assume_multiple %mul3A_479, 8 : i32
        %dma_wait3A_481 = arith.constant 2 : i32
        %dma_wait3A_482 = arith.constant 0 : i32
        %dma_wait3A_483 = tpu.memref_slice %arg10[%dma_wait3A_481, %dma_wait3A_482] : memref<4x64xi32, #tpu.memory_space<vmem>> -> memref<1x64xi32, #tpu.memory_space<vmem>>
        %dma_wait3A_484 = tpu.memref_squeeze %dma_wait3A_483 : memref<1x64xi32, #tpu.memory_space<vmem>> -> memref<64xi32, #tpu.memory_space<vmem>>
        %dma_wait3A_485 = tpu.memref_slice %arg4[%add3A_461, %multiple_of3A_480] : memref<2560x128xi32, #tpu.memory_space<hbm>> -> memref<1x64xi32, #tpu.memory_space<hbm>>
        %dma_wait3A_486 = tpu.memref_squeeze %dma_wait3A_485 : memref<1x64xi32, #tpu.memory_space<hbm>> -> memref<64xi32, #tpu.memory_space<hbm>>
        %dma_wait3A_487 = arith.constant 0 : i32
        %dma_wait3A_488 = tpu.memref_slice %arg10[%dma_wait3A_481, %dma_wait3A_487] : memref<4x64xi32, #tpu.memory_space<vmem>> -> memref<1x64xi32, #tpu.memory_space<vmem>>
        %dma_wait3A_489 = tpu.memref_squeeze %dma_wait3A_488 : memref<1x64xi32, #tpu.memory_space<vmem>> -> memref<64xi32, #tpu.memory_space<vmem>>
        %dma_wait3A_490 = tpu.memref_slice %arg4[%add3A_461, %multiple_of3A_480] : memref<2560x128xi32, #tpu.memory_space<hbm>> -> memref<1x64xi32, #tpu.memory_space<hbm>>
        %dma_wait3A_491 = tpu.memref_squeeze %dma_wait3A_490 : memref<1x64xi32, #tpu.memory_space<hbm>> -> memref<64xi32, #tpu.memory_space<hbm>>
        tpu.wait_dma2 semaphore(%arg17 : memref<!tpu.dma_semaphore, #tpu.memory_space<semaphore_mem>>) src(%dma_wait3A_491 : memref<64xi32, #tpu.memory_space<hbm>>) dst(%dma_wait3A_489 : memref<64xi32, #tpu.memory_space<vmem>>)
        %run_scoped3A_492 = arith.constant 2 : i32
        %run_scoped3A_493 = arith.constant 2 : i32
        "tpu.region"() ({
          %run_scoped3A_622 = tpu.sem_alloc : memref<!tpu.dma_semaphore, #tpu.memory_space<semaphore_mem>>
          %dma_start3A_623 = arith.constant 0 : i32
          %dma_start3A_624 = arith.constant 0 : i32
          %dma_start3A_625 = tpu.memref_slice %arg8[%run_scoped3A_492, %dma_start3A_623, %dma_start3A_624] : memref<4x64x128xf32, #tpu.memory_space<vmem>> -> memref<1x64x128xf32, #tpu.memory_space<vmem>>
          %dma_start3A_626 = tpu.memref_squeeze %dma_start3A_625 : memref<1x64x128xf32, #tpu.memory_space<vmem>> -> memref<64x128xf32, #tpu.memory_space<vmem>>
          %dma_start3A_627 = arith.constant 0 : i32
          %dma_start3A_628 = tpu.memref_slice %arg10[%run_scoped3A_493, %dma_start3A_627] : memref<4x64xi32, #tpu.memory_space<vmem>> -> memref<1x64xi32, #tpu.memory_space<vmem>>
          %dma_start3A_629 = tpu.memref_squeeze %dma_start3A_628 : memref<1x64xi32, #tpu.memory_space<vmem>> -> memref<64xi32, #tpu.memory_space<vmem>>
          %dma_start3A_630 = arith.constant 0 : i32
          %dma_start3A_631 = arith.constant 0 : i32
          %dma_start3A_632 = tpu.memref_slice %arg7[%dma_start3A_630, %dma_start3A_631] : memref<10112x128xf32, #tpu.memory_space<vmem_shared>> -> memref<10112x128xf32, #tpu.memory_space<vmem_shared>>
          tpu.enqueue_indirect_dma source(%dma_start3A_626 : memref<64x128xf32, #tpu.memory_space<vmem>>) target(%dma_start3A_632 : memref<10112x128xf32, #tpu.memory_space<vmem_shared>>) offsets(%dma_start3A_629 : memref<64xi32, #tpu.memory_space<vmem>>) semaphore(%run_scoped3A_622 : memref<!tpu.dma_semaphore, #tpu.memory_space<semaphore_mem>>) {add = true}
          %dma_wait3A_633 = arith.constant 0 : i32
          %dma_wait3A_634 = arith.constant 0 : i32
          %dma_wait3A_635 = tpu.memref_slice %arg8[%run_scoped3A_492, %dma_wait3A_633, %dma_wait3A_634] : memref<4x64x128xf32, #tpu.memory_space<vmem>> -> memref<1x64x128xf32, #tpu.memory_space<vmem>>
          %dma_wait3A_636 = tpu.memref_squeeze %dma_wait3A_635 : memref<1x64x128xf32, #tpu.memory_space<vmem>> -> memref<64x128xf32, #tpu.memory_space<vmem>>
          %dma_wait3A_637 = arith.constant 0 : i32
          %dma_wait3A_638 = tpu.memref_slice %arg10[%run_scoped3A_493, %dma_wait3A_637] : memref<4x64xi32, #tpu.memory_space<vmem>> -> memref<1x64xi32, #tpu.memory_space<vmem>>
          %dma_wait3A_639 = tpu.memref_squeeze %dma_wait3A_638 : memref<1x64xi32, #tpu.memory_space<vmem>> -> memref<64xi32, #tpu.memory_space<vmem>>
          %dma_wait3A_640 = arith.constant 0 : i32
          %dma_wait3A_641 = arith.constant 0 : i32
          %dma_wait3A_642 = tpu.memref_slice %arg7[%dma_wait3A_640, %dma_wait3A_641] : memref<10112x128xf32, #tpu.memory_space<vmem_shared>> -> memref<10112x128xf32, #tpu.memory_space<vmem_shared>>
          tpu.wait_indirect_dma semaphore(%run_scoped3A_622 : memref<!tpu.dma_semaphore, #tpu.memory_space<semaphore_mem>>) src(%dma_wait3A_636 : memref<64x128xf32, #tpu.memory_space<vmem>>) dst(%dma_wait3A_642 : memref<10112x128xf32, #tpu.memory_space<vmem_shared>>)
          tpu.yield
        }) : () -> ()
        %add3A_494 = arith.constant 4 : i32
        %add3A_495 = arith.addi %add3A_383, %add3A_494 : i32
        %lt3A_496 = arith.constant 160 : i32
        %lt3A_497 = arith.cmpi slt, %add3A_495, %lt3A_496 : i32
        %convert_element_type3A_498 = arith.extui %lt3A_497 : i1 to i32
        %cond3A_499 = arith.constant 0 : i32
        %cond3A_500 = arith.cmpi ne, %convert_element_type3A_498, %cond3A_499 : i32
        scf.if %cond3A_500 {
          %add3A_622 = arith.constant 4 : i32
          %add3A_623 = arith.addi %add3A_383, %add3A_622 : i32
          %jit3A_624 = arith.constant 2 : i32
          %div3A_625 = arith.divsi %add3A_623, %jit3A_624 : i32
          %sign3A_626 = arith.constant 0 : i32
          %sign3A_627 = arith.cmpi sgt, %add3A_623, %sign3A_626 : i32
          %sign3A_628 = arith.extui %sign3A_627 : i1 to i32
          %sign3A_629 = arith.constant 0 : i32
          %sign3A_630 = arith.cmpi slt, %add3A_623, %sign3A_629 : i32
          %sign3A_631 = arith.extui %sign3A_630 : i1 to i32
          %sign3A_632 = arith.subi %sign3A_628, %sign3A_631 : i32
          %sign3A_633 = arith.constant 0 : i32
          %sign3A_634 = arith.cmpi sgt, %jit3A_624, %sign3A_633 : i32
          %sign3A_635 = arith.extui %sign3A_634 : i1 to i32
          %sign3A_636 = arith.constant 0 : i32
          %sign3A_637 = arith.cmpi slt, %jit3A_624, %sign3A_636 : i32
          %sign3A_638 = arith.extui %sign3A_637 : i1 to i32
          %sign3A_639 = arith.subi %sign3A_635, %sign3A_638 : i32
          %ne3A_640 = arith.cmpi ne, %sign3A_632, %sign3A_639 : i32
          %rem3A_641 = arith.remsi %add3A_623, %jit3A_624 : i32
          %ne3A_642 = arith.constant 0 : i32
          %ne3A_643 = arith.cmpi ne, %rem3A_641, %ne3A_642 : i32
          %and3A_644 = arith.andi %ne3A_640, %ne3A_643 : i1
          %sub3A_645 = arith.constant 1 : i32
          %sub3A_646 = arith.subi %div3A_625, %sub3A_645 : i32
          %select_n3A_647 = arith.select %and3A_644, %sub3A_646, %div3A_625 : i32
          %jit3A_648 = arith.constant 2 : i32
          %eq3A_649 = arith.constant 0 : i32
          %eq3A_650 = arith.cmpi eq, %jit3A_648, %eq3A_649 : i32
          %jit3A_651 = arith.constant 1 : i32
          %select_n3A_652 = arith.select %eq3A_650, %jit3A_651, %jit3A_648 : i32
          %rem3A_653 = arith.remsi %add3A_623, %select_n3A_652 : i32
          %ne3A_654 = arith.constant 0 : i32
          %ne3A_655 = arith.cmpi ne, %rem3A_653, %ne3A_654 : i32
          %lt3A_656 = arith.constant 0 : i32
          %lt3A_657 = arith.cmpi slt, %rem3A_653, %lt3A_656 : i32
          %lt3A_658 = arith.constant 0 : i32
          %lt3A_659 = arith.cmpi slt, %select_n3A_652, %lt3A_658 : i32
          %ne3A_660 = arith.xori %lt3A_657, %lt3A_659 : i1
          %and3A_661 = arith.andi %ne3A_660, %ne3A_655 : i1
          %add3A_662 = arith.addi %rem3A_653, %select_n3A_652 : i32
          %select_n3A_663 = arith.select %and3A_661, %add3A_662, %rem3A_653 : i32
          %mul3A_664 = arith.constant 64 : i32
          %mul3A_665 = arith.muli %select_n3A_663, %mul3A_664 : i32
          %multiple_of3A_666 = tpu.assume_multiple %mul3A_665, 8 : i32
          %dma_start3A_667 = arith.constant 2 : i32
          %dma_start3A_668 = arith.constant 0 : i32
          %dma_start3A_669 = arith.constant 0 : i32
          %dma_start3A_670 = tpu.memref_slice %arg8[%dma_start3A_667, %dma_start3A_668, %dma_start3A_669] : memref<4x64x128xf32, #tpu.memory_space<vmem>> -> memref<1x64x128xf32, #tpu.memory_space<vmem>>
          %dma_start3A_671 = tpu.memref_squeeze %dma_start3A_670 : memref<1x64x128xf32, #tpu.memory_space<vmem>> -> memref<64x128xf32, #tpu.memory_space<vmem>>
          %dma_start3A_672 = tpu.memref_slice %arg9[%select_n3A_647, %multiple_of3A_666] : memref<80x128xi32, #tpu.memory_space<vmem>> -> memref<1x64xi32, #tpu.memory_space<vmem>>
          %dma_start3A_673 = tpu.memref_squeeze %dma_start3A_672 : memref<1x64xi32, #tpu.memory_space<vmem>> -> memref<64xi32, #tpu.memory_space<vmem>>
          %dma_start3A_674 = arith.constant 0 : i32
          %dma_start3A_675 = arith.constant 0 : i32
          %dma_start3A_676 = tpu.memref_slice %arg2[%dma_start3A_674, %dma_start3A_675] : memref<10000x128xf32, #tpu.memory_space<hbm>> -> memref<10000x128xf32, #tpu.memory_space<hbm>>
          tpu.enqueue_indirect_dma source(%dma_start3A_676 : memref<10000x128xf32, #tpu.memory_space<hbm>>) target(%dma_start3A_671 : memref<64x128xf32, #tpu.memory_space<vmem>>) offsets(%dma_start3A_673 : memref<64xi32, #tpu.memory_space<vmem>>) semaphore(%arg13 : memref<!tpu.dma_semaphore, #tpu.memory_space<semaphore_mem>>)
          %add3A_677 = arith.constant 4 : i32
          %add3A_678 = arith.addi %add3A_383, %add3A_677 : i32
          %jit3A_679 = arith.constant 2 : i32
          %div3A_680 = arith.divsi %add3A_678, %jit3A_679 : i32
          %sign3A_681 = arith.constant 0 : i32
          %sign3A_682 = arith.cmpi sgt, %add3A_678, %sign3A_681 : i32
          %sign3A_683 = arith.extui %sign3A_682 : i1 to i32
          %sign3A_684 = arith.constant 0 : i32
          %sign3A_685 = arith.cmpi slt, %add3A_678, %sign3A_684 : i32
          %sign3A_686 = arith.extui %sign3A_685 : i1 to i32
          %sign3A_687 = arith.subi %sign3A_683, %sign3A_686 : i32
          %sign3A_688 = arith.constant 0 : i32
          %sign3A_689 = arith.cmpi sgt, %jit3A_679, %sign3A_688 : i32
          %sign3A_690 = arith.extui %sign3A_689 : i1 to i32
          %sign3A_691 = arith.constant 0 : i32
          %sign3A_692 = arith.cmpi slt, %jit3A_679, %sign3A_691 : i32
          %sign3A_693 = arith.extui %sign3A_692 : i1 to i32
          %sign3A_694 = arith.subi %sign3A_690, %sign3A_693 : i32
          %ne3A_695 = arith.cmpi ne, %sign3A_687, %sign3A_694 : i32
          %rem3A_696 = arith.remsi %add3A_678, %jit3A_679 : i32
          %ne3A_697 = arith.constant 0 : i32
          %ne3A_698 = arith.cmpi ne, %rem3A_696, %ne3A_697 : i32
          %and3A_699 = arith.andi %ne3A_695, %ne3A_698 : i1
          %sub3A_700 = arith.constant 1 : i32
          %sub3A_701 = arith.subi %div3A_680, %sub3A_700 : i32
          %select_n3A_702 = arith.select %and3A_699, %sub3A_701, %div3A_680 : i32
          %add3A_703 = arith.addi %multiple_of3A_30, %select_n3A_702 : i32
          %jit3A_704 = arith.constant 2 : i32
          %eq3A_705 = arith.constant 0 : i32
          %eq3A_706 = arith.cmpi eq, %jit3A_704, %eq3A_705 : i32
          %jit3A_707 = arith.constant 1 : i32
          %select_n3A_708 = arith.select %eq3A_706, %jit3A_707, %jit3A_704 : i32
          %rem3A_709 = arith.remsi %add3A_678, %select_n3A_708 : i32
          %ne3A_710 = arith.constant 0 : i32
          %ne3A_711 = arith.cmpi ne, %rem3A_709, %ne3A_710 : i32
          %lt3A_712 = arith.constant 0 : i32
          %lt3A_713 = arith.cmpi slt, %rem3A_709, %lt3A_712 : i32
          %lt3A_714 = arith.constant 0 : i32
          %lt3A_715 = arith.cmpi slt, %select_n3A_708, %lt3A_714 : i32
          %ne3A_716 = arith.xori %lt3A_713, %lt3A_715 : i1
          %and3A_717 = arith.andi %ne3A_716, %ne3A_711 : i1
          %add3A_718 = arith.addi %rem3A_709, %select_n3A_708 : i32
          %select_n3A_719 = arith.select %and3A_717, %add3A_718, %rem3A_709 : i32
          %mul3A_720 = arith.constant 64 : i32
          %mul3A_721 = arith.muli %select_n3A_719, %mul3A_720 : i32
          %multiple_of3A_722 = tpu.assume_multiple %mul3A_721, 8 : i32
          %dma_start3A_723 = arith.constant 2 : i32
          %dma_start3A_724 = arith.constant 0 : i32
          %dma_start3A_725 = tpu.memref_slice %arg10[%dma_start3A_723, %dma_start3A_724] : memref<4x64xi32, #tpu.memory_space<vmem>> -> memref<1x64xi32, #tpu.memory_space<vmem>>
          %dma_start3A_726 = tpu.memref_squeeze %dma_start3A_725 : memref<1x64xi32, #tpu.memory_space<vmem>> -> memref<64xi32, #tpu.memory_space<vmem>>
          %dma_start3A_727 = tpu.memref_slice %arg4[%add3A_703, %multiple_of3A_722] : memref<2560x128xi32, #tpu.memory_space<hbm>> -> memref<1x64xi32, #tpu.memory_space<hbm>>
          %dma_start3A_728 = tpu.memref_squeeze %dma_start3A_727 : memref<1x64xi32, #tpu.memory_space<hbm>> -> memref<64xi32, #tpu.memory_space<hbm>>
          %dma_start3A_729 = arith.constant 0 : i32
          %dma_start3A_730 = tpu.memref_slice %arg10[%dma_start3A_723, %dma_start3A_729] : memref<4x64xi32, #tpu.memory_space<vmem>> -> memref<1x64xi32, #tpu.memory_space<vmem>>
          %dma_start3A_731 = tpu.memref_squeeze %dma_start3A_730 : memref<1x64xi32, #tpu.memory_space<vmem>> -> memref<64xi32, #tpu.memory_space<vmem>>
          %dma_start3A_732 = tpu.memref_slice %arg4[%add3A_703, %multiple_of3A_722] : memref<2560x128xi32, #tpu.memory_space<hbm>> -> memref<1x64xi32, #tpu.memory_space<hbm>>
          %dma_start3A_733 = tpu.memref_squeeze %dma_start3A_732 : memref<1x64xi32, #tpu.memory_space<hbm>> -> memref<64xi32, #tpu.memory_space<hbm>>
          tpu.enqueue_dma source(%dma_start3A_733 : memref<64xi32, #tpu.memory_space<hbm>>) target(%dma_start3A_731 : memref<64xi32, #tpu.memory_space<vmem>>) target_semaphore(%arg17 : memref<!tpu.dma_semaphore, #tpu.memory_space<semaphore_mem>>)
        } else {
        }
        %mul3A_501 = arith.constant 4 : i32
        %mul3A_502 = arith.muli %scan3A_146, %mul3A_501 : i32
        %add3A_503 = arith.constant 3 : i32
        %add3A_504 = arith.addi %mul3A_502, %add3A_503 : i32
        %jit3A_505 = arith.constant 2 : i32
        %div3A_506 = arith.divsi %add3A_504, %jit3A_505 : i32
        %sign3A_507 = arith.constant 0 : i32
        %sign3A_508 = arith.cmpi sgt, %add3A_504, %sign3A_507 : i32
        %sign3A_509 = arith.extui %sign3A_508 : i1 to i32
        %sign3A_510 = arith.constant 0 : i32
        %sign3A_511 = arith.cmpi slt, %add3A_504, %sign3A_510 : i32
        %sign3A_512 = arith.extui %sign3A_511 : i1 to i32
        %sign3A_513 = arith.subi %sign3A_509, %sign3A_512 : i32
        %sign3A_514 = arith.constant 0 : i32
        %sign3A_515 = arith.cmpi sgt, %jit3A_505, %sign3A_514 : i32
        %sign3A_516 = arith.extui %sign3A_515 : i1 to i32
        %sign3A_517 = arith.constant 0 : i32
        %sign3A_518 = arith.cmpi slt, %jit3A_505, %sign3A_517 : i32
        %sign3A_519 = arith.extui %sign3A_518 : i1 to i32
        %sign3A_520 = arith.subi %sign3A_516, %sign3A_519 : i32
        %ne3A_521 = arith.cmpi ne, %sign3A_513, %sign3A_520 : i32
        %rem3A_522 = arith.remsi %add3A_504, %jit3A_505 : i32
        %ne3A_523 = arith.constant 0 : i32
        %ne3A_524 = arith.cmpi ne, %rem3A_522, %ne3A_523 : i32
        %and3A_525 = arith.andi %ne3A_521, %ne3A_524 : i1
        %sub3A_526 = arith.constant 1 : i32
        %sub3A_527 = arith.subi %div3A_506, %sub3A_526 : i32
        %select_n3A_528 = arith.select %and3A_525, %sub3A_527, %div3A_506 : i32
        %jit3A_529 = arith.constant 2 : i32
        %eq3A_530 = arith.constant 0 : i32
        %eq3A_531 = arith.cmpi eq, %jit3A_529, %eq3A_530 : i32
        %jit3A_532 = arith.constant 1 : i32
        %select_n3A_533 = arith.select %eq3A_531, %jit3A_532, %jit3A_529 : i32
        %rem3A_534 = arith.remsi %add3A_504, %select_n3A_533 : i32
        %ne3A_535 = arith.constant 0 : i32
        %ne3A_536 = arith.cmpi ne, %rem3A_534, %ne3A_535 : i32
        %lt3A_537 = arith.constant 0 : i32
        %lt3A_538 = arith.cmpi slt, %rem3A_534, %lt3A_537 : i32
        %lt3A_539 = arith.constant 0 : i32
        %lt3A_540 = arith.cmpi slt, %select_n3A_533, %lt3A_539 : i32
        %ne3A_541 = arith.xori %lt3A_538, %lt3A_540 : i1
        %and3A_542 = arith.andi %ne3A_541, %ne3A_536 : i1
        %add3A_543 = arith.addi %rem3A_534, %select_n3A_533 : i32
        %select_n3A_544 = arith.select %and3A_542, %add3A_543, %rem3A_534 : i32
        %mul3A_545 = arith.constant 64 : i32
        %mul3A_546 = arith.muli %select_n3A_544, %mul3A_545 : i32
        %multiple_of3A_547 = tpu.assume_multiple %mul3A_546, 8 : i32
        %dma_wait3A_548 = arith.constant 3 : i32
        %dma_wait3A_549 = arith.constant 0 : i32
        %dma_wait3A_550 = arith.constant 0 : i32
        %dma_wait3A_551 = tpu.memref_slice %arg8[%dma_wait3A_548, %dma_wait3A_549, %dma_wait3A_550] : memref<4x64x128xf32, #tpu.memory_space<vmem>> -> memref<1x64x128xf32, #tpu.memory_space<vmem>>
        %dma_wait3A_552 = tpu.memref_squeeze %dma_wait3A_551 : memref<1x64x128xf32, #tpu.memory_space<vmem>> -> memref<64x128xf32, #tpu.memory_space<vmem>>
        %dma_wait3A_553 = tpu.memref_slice %arg9[%select_n3A_528, %multiple_of3A_547] : memref<80x128xi32, #tpu.memory_space<vmem>> -> memref<1x64xi32, #tpu.memory_space<vmem>>
        %dma_wait3A_554 = tpu.memref_squeeze %dma_wait3A_553 : memref<1x64xi32, #tpu.memory_space<vmem>> -> memref<64xi32, #tpu.memory_space<vmem>>
        %dma_wait3A_555 = arith.constant 0 : i32
        %dma_wait3A_556 = arith.constant 0 : i32
        %dma_wait3A_557 = tpu.memref_slice %arg2[%dma_wait3A_555, %dma_wait3A_556] : memref<10000x128xf32, #tpu.memory_space<hbm>> -> memref<10000x128xf32, #tpu.memory_space<hbm>>
        tpu.wait_indirect_dma semaphore(%arg14 : memref<!tpu.dma_semaphore, #tpu.memory_space<semaphore_mem>>) src(%dma_wait3A_557 : memref<10000x128xf32, #tpu.memory_space<hbm>>) dst(%dma_wait3A_552 : memref<64x128xf32, #tpu.memory_space<vmem>>)
        %jit3A_558 = arith.constant 2 : i32
        %div3A_559 = arith.divsi %add3A_504, %jit3A_558 : i32
        %sign3A_560 = arith.constant 0 : i32
        %sign3A_561 = arith.cmpi sgt, %add3A_504, %sign3A_560 : i32
        %sign3A_562 = arith.extui %sign3A_561 : i1 to i32
        %sign3A_563 = arith.constant 0 : i32
        %sign3A_564 = arith.cmpi slt, %add3A_504, %sign3A_563 : i32
        %sign3A_565 = arith.extui %sign3A_564 : i1 to i32
        %sign3A_566 = arith.subi %sign3A_562, %sign3A_565 : i32
        %sign3A_567 = arith.constant 0 : i32
        %sign3A_568 = arith.cmpi sgt, %jit3A_558, %sign3A_567 : i32
        %sign3A_569 = arith.extui %sign3A_568 : i1 to i32
        %sign3A_570 = arith.constant 0 : i32
        %sign3A_571 = arith.cmpi slt, %jit3A_558, %sign3A_570 : i32
        %sign3A_572 = arith.extui %sign3A_571 : i1 to i32
        %sign3A_573 = arith.subi %sign3A_569, %sign3A_572 : i32
        %ne3A_574 = arith.cmpi ne, %sign3A_566, %sign3A_573 : i32
        %rem3A_575 = arith.remsi %add3A_504, %jit3A_558 : i32
        %ne3A_576 = arith.constant 0 : i32
        %ne3A_577 = arith.cmpi ne, %rem3A_575, %ne3A_576 : i32
        %and3A_578 = arith.andi %ne3A_574, %ne3A_577 : i1
        %sub3A_579 = arith.constant 1 : i32
        %sub3A_580 = arith.subi %div3A_559, %sub3A_579 : i32
        %select_n3A_581 = arith.select %and3A_578, %sub3A_580, %div3A_559 : i32
        %add3A_582 = arith.addi %multiple_of3A_30, %select_n3A_581 : i32
        %jit3A_583 = arith.constant 2 : i32
        %eq3A_584 = arith.constant 0 : i32
        %eq3A_585 = arith.cmpi eq, %jit3A_583, %eq3A_584 : i32
        %jit3A_586 = arith.constant 1 : i32
        %select_n3A_587 = arith.select %eq3A_585, %jit3A_586, %jit3A_583 : i32
        %rem3A_588 = arith.remsi %add3A_504, %select_n3A_587 : i32
        %ne3A_589 = arith.constant 0 : i32
        %ne3A_590 = arith.cmpi ne, %rem3A_588, %ne3A_589 : i32
        %lt3A_591 = arith.constant 0 : i32
        %lt3A_592 = arith.cmpi slt, %rem3A_588, %lt3A_591 : i32
        %lt3A_593 = arith.constant 0 : i32
        %lt3A_594 = arith.cmpi slt, %select_n3A_587, %lt3A_593 : i32
        %ne3A_595 = arith.xori %lt3A_592, %lt3A_594 : i1
        %and3A_596 = arith.andi %ne3A_595, %ne3A_590 : i1
        %add3A_597 = arith.addi %rem3A_588, %select_n3A_587 : i32
        %select_n3A_598 = arith.select %and3A_596, %add3A_597, %rem3A_588 : i32
        %mul3A_599 = arith.constant 64 : i32
        %mul3A_600 = arith.muli %select_n3A_598, %mul3A_599 : i32
        %multiple_of3A_601 = tpu.assume_multiple %mul3A_600, 8 : i32
        %dma_wait3A_602 = arith.constant 3 : i32
        %dma_wait3A_603 = arith.constant 0 : i32
        %dma_wait3A_604 = tpu.memref_slice %arg10[%dma_wait3A_602, %dma_wait3A_603] : memref<4x64xi32, #tpu.memory_space<vmem>> -> memref<1x64xi32, #tpu.memory_space<vmem>>
        %dma_wait3A_605 = tpu.memref_squeeze %dma_wait3A_604 : memref<1x64xi32, #tpu.memory_space<vmem>> -> memref<64xi32, #tpu.memory_space<vmem>>
        %dma_wait3A_606 = tpu.memref_slice %arg4[%add3A_582, %multiple_of3A_601] : memref<2560x128xi32, #tpu.memory_space<hbm>> -> memref<1x64xi32, #tpu.memory_space<hbm>>
        %dma_wait3A_607 = tpu.memref_squeeze %dma_wait3A_606 : memref<1x64xi32, #tpu.memory_space<hbm>> -> memref<64xi32, #tpu.memory_space<hbm>>
        %dma_wait3A_608 = arith.constant 0 : i32
        %dma_wait3A_609 = tpu.memref_slice %arg10[%dma_wait3A_602, %dma_wait3A_608] : memref<4x64xi32, #tpu.memory_space<vmem>> -> memref<1x64xi32, #tpu.memory_space<vmem>>
        %dma_wait3A_610 = tpu.memref_squeeze %dma_wait3A_609 : memref<1x64xi32, #tpu.memory_space<vmem>> -> memref<64xi32, #tpu.memory_space<vmem>>
        %dma_wait3A_611 = tpu.memref_slice %arg4[%add3A_582, %multiple_of3A_601] : memref<2560x128xi32, #tpu.memory_space<hbm>> -> memref<1x64xi32, #tpu.memory_space<hbm>>
        %dma_wait3A_612 = tpu.memref_squeeze %dma_wait3A_611 : memref<1x64xi32, #tpu.memory_space<hbm>> -> memref<64xi32, #tpu.memory_space<hbm>>
        tpu.wait_dma2 semaphore(%arg18 : memref<!tpu.dma_semaphore, #tpu.memory_space<semaphore_mem>>) src(%dma_wait3A_612 : memref<64xi32, #tpu.memory_space<hbm>>) dst(%dma_wait3A_610 : memref<64xi32, #tpu.memory_space<vmem>>)
        %run_scoped3A_613 = arith.constant 3 : i32
        %run_scoped3A_614 = arith.constant 3 : i32
        "tpu.region"() ({
          %run_scoped3A_622 = tpu.sem_alloc : memref<!tpu.dma_semaphore, #tpu.memory_space<semaphore_mem>>
          %dma_start3A_623 = arith.constant 0 : i32
          %dma_start3A_624 = arith.constant 0 : i32
          %dma_start3A_625 = tpu.memref_slice %arg8[%run_scoped3A_613, %dma_start3A_623, %dma_start3A_624] : memref<4x64x128xf32, #tpu.memory_space<vmem>> -> memref<1x64x128xf32, #tpu.memory_space<vmem>>
          %dma_start3A_626 = tpu.memref_squeeze %dma_start3A_625 : memref<1x64x128xf32, #tpu.memory_space<vmem>> -> memref<64x128xf32, #tpu.memory_space<vmem>>
          %dma_start3A_627 = arith.constant 0 : i32
          %dma_start3A_628 = tpu.memref_slice %arg10[%run_scoped3A_614, %dma_start3A_627] : memref<4x64xi32, #tpu.memory_space<vmem>> -> memref<1x64xi32, #tpu.memory_space<vmem>>
          %dma_start3A_629 = tpu.memref_squeeze %dma_start3A_628 : memref<1x64xi32, #tpu.memory_space<vmem>> -> memref<64xi32, #tpu.memory_space<vmem>>
          %dma_start3A_630 = arith.constant 0 : i32
          %dma_start3A_631 = arith.constant 0 : i32
          %dma_start3A_632 = tpu.memref_slice %arg7[%dma_start3A_630, %dma_start3A_631] : memref<10112x128xf32, #tpu.memory_space<vmem_shared>> -> memref<10112x128xf32, #tpu.memory_space<vmem_shared>>
          tpu.enqueue_indirect_dma source(%dma_start3A_626 : memref<64x128xf32, #tpu.memory_space<vmem>>) target(%dma_start3A_632 : memref<10112x128xf32, #tpu.memory_space<vmem_shared>>) offsets(%dma_start3A_629 : memref<64xi32, #tpu.memory_space<vmem>>) semaphore(%run_scoped3A_622 : memref<!tpu.dma_semaphore, #tpu.memory_space<semaphore_mem>>) {add = true}
          %dma_wait3A_633 = arith.constant 0 : i32
          %dma_wait3A_634 = arith.constant 0 : i32
          %dma_wait3A_635 = tpu.memref_slice %arg8[%run_scoped3A_613, %dma_wait3A_633, %dma_wait3A_634] : memref<4x64x128xf32, #tpu.memory_space<vmem>> -> memref<1x64x128xf32, #tpu.memory_space<vmem>>
          %dma_wait3A_636 = tpu.memref_squeeze %dma_wait3A_635 : memref<1x64x128xf32, #tpu.memory_space<vmem>> -> memref<64x128xf32, #tpu.memory_space<vmem>>
          %dma_wait3A_637 = arith.constant 0 : i32
          %dma_wait3A_638 = tpu.memref_slice %arg10[%run_scoped3A_614, %dma_wait3A_637] : memref<4x64xi32, #tpu.memory_space<vmem>> -> memref<1x64xi32, #tpu.memory_space<vmem>>
          %dma_wait3A_639 = tpu.memref_squeeze %dma_wait3A_638 : memref<1x64xi32, #tpu.memory_space<vmem>> -> memref<64xi32, #tpu.memory_space<vmem>>
          %dma_wait3A_640 = arith.constant 0 : i32
          %dma_wait3A_641 = arith.constant 0 : i32
          %dma_wait3A_642 = tpu.memref_slice %arg7[%dma_wait3A_640, %dma_wait3A_641] : memref<10112x128xf32, #tpu.memory_space<vmem_shared>> -> memref<10112x128xf32, #tpu.memory_space<vmem_shared>>
          tpu.wait_indirect_dma semaphore(%run_scoped3A_622 : memref<!tpu.dma_semaphore, #tpu.memory_space<semaphore_mem>>) src(%dma_wait3A_636 : memref<64x128xf32, #tpu.memory_space<vmem>>) dst(%dma_wait3A_642 : memref<10112x128xf32, #tpu.memory_space<vmem_shared>>)
          tpu.yield
        }) : () -> ()
        %add3A_615 = arith.constant 4 : i32
        %add3A_616 = arith.addi %add3A_504, %add3A_615 : i32
        %lt3A_617 = arith.constant 160 : i32
        %lt3A_618 = arith.cmpi slt, %add3A_616, %lt3A_617 : i32
        %convert_element_type3A_619 = arith.extui %lt3A_618 : i1 to i32
        %cond3A_620 = arith.constant 0 : i32
        %cond3A_621 = arith.cmpi ne, %convert_element_type3A_619, %cond3A_620 : i32
        scf.if %cond3A_621 {
          %add3A_622 = arith.constant 4 : i32
          %add3A_623 = arith.addi %add3A_504, %add3A_622 : i32
          %jit3A_624 = arith.constant 2 : i32
          %div3A_625 = arith.divsi %add3A_623, %jit3A_624 : i32
          %sign3A_626 = arith.constant 0 : i32
          %sign3A_627 = arith.cmpi sgt, %add3A_623, %sign3A_626 : i32
          %sign3A_628 = arith.extui %sign3A_627 : i1 to i32
          %sign3A_629 = arith.constant 0 : i32
          %sign3A_630 = arith.cmpi slt, %add3A_623, %sign3A_629 : i32
          %sign3A_631 = arith.extui %sign3A_630 : i1 to i32
          %sign3A_632 = arith.subi %sign3A_628, %sign3A_631 : i32
          %sign3A_633 = arith.constant 0 : i32
          %sign3A_634 = arith.cmpi sgt, %jit3A_624, %sign3A_633 : i32
          %sign3A_635 = arith.extui %sign3A_634 : i1 to i32
          %sign3A_636 = arith.constant 0 : i32
          %sign3A_637 = arith.cmpi slt, %jit3A_624, %sign3A_636 : i32
          %sign3A_638 = arith.extui %sign3A_637 : i1 to i32
          %sign3A_639 = arith.subi %sign3A_635, %sign3A_638 : i32
          %ne3A_640 = arith.cmpi ne, %sign3A_632, %sign3A_639 : i32
          %rem3A_641 = arith.remsi %add3A_623, %jit3A_624 : i32
          %ne3A_642 = arith.constant 0 : i32
          %ne3A_643 = arith.cmpi ne, %rem3A_641, %ne3A_642 : i32
          %and3A_644 = arith.andi %ne3A_640, %ne3A_643 : i1
          %sub3A_645 = arith.constant 1 : i32
          %sub3A_646 = arith.subi %div3A_625, %sub3A_645 : i32
          %select_n3A_647 = arith.select %and3A_644, %sub3A_646, %div3A_625 : i32
          %jit3A_648 = arith.constant 2 : i32
          %eq3A_649 = arith.constant 0 : i32
          %eq3A_650 = arith.cmpi eq, %jit3A_648, %eq3A_649 : i32
          %jit3A_651 = arith.constant 1 : i32
          %select_n3A_652 = arith.select %eq3A_650, %jit3A_651, %jit3A_648 : i32
          %rem3A_653 = arith.remsi %add3A_623, %select_n3A_652 : i32
          %ne3A_654 = arith.constant 0 : i32
          %ne3A_655 = arith.cmpi ne, %rem3A_653, %ne3A_654 : i32
          %lt3A_656 = arith.constant 0 : i32
          %lt3A_657 = arith.cmpi slt, %rem3A_653, %lt3A_656 : i32
          %lt3A_658 = arith.constant 0 : i32
          %lt3A_659 = arith.cmpi slt, %select_n3A_652, %lt3A_658 : i32
          %ne3A_660 = arith.xori %lt3A_657, %lt3A_659 : i1
          %and3A_661 = arith.andi %ne3A_660, %ne3A_655 : i1
          %add3A_662 = arith.addi %rem3A_653, %select_n3A_652 : i32
          %select_n3A_663 = arith.select %and3A_661, %add3A_662, %rem3A_653 : i32
          %mul3A_664 = arith.constant 64 : i32
          %mul3A_665 = arith.muli %select_n3A_663, %mul3A_664 : i32
          %multiple_of3A_666 = tpu.assume_multiple %mul3A_665, 8 : i32
          %dma_start3A_667 = arith.constant 3 : i32
          %dma_start3A_668 = arith.constant 0 : i32
          %dma_start3A_669 = arith.constant 0 : i32
          %dma_start3A_670 = tpu.memref_slice %arg8[%dma_start3A_667, %dma_start3A_668, %dma_start3A_669] : memref<4x64x128xf32, #tpu.memory_space<vmem>> -> memref<1x64x128xf32, #tpu.memory_space<vmem>>
          %dma_start3A_671 = tpu.memref_squeeze %dma_start3A_670 : memref<1x64x128xf32, #tpu.memory_space<vmem>> -> memref<64x128xf32, #tpu.memory_space<vmem>>
          %dma_start3A_672 = tpu.memref_slice %arg9[%select_n3A_647, %multiple_of3A_666] : memref<80x128xi32, #tpu.memory_space<vmem>> -> memref<1x64xi32, #tpu.memory_space<vmem>>
          %dma_start3A_673 = tpu.memref_squeeze %dma_start3A_672 : memref<1x64xi32, #tpu.memory_space<vmem>> -> memref<64xi32, #tpu.memory_space<vmem>>
          %dma_start3A_674 = arith.constant 0 : i32
          %dma_start3A_675 = arith.constant 0 : i32
          %dma_start3A_676 = tpu.memref_slice %arg2[%dma_start3A_674, %dma_start3A_675] : memref<10000x128xf32, #tpu.memory_space<hbm>> -> memref<10000x128xf32, #tpu.memory_space<hbm>>
          tpu.enqueue_indirect_dma source(%dma_start3A_676 : memref<10000x128xf32, #tpu.memory_space<hbm>>) target(%dma_start3A_671 : memref<64x128xf32, #tpu.memory_space<vmem>>) offsets(%dma_start3A_673 : memref<64xi32, #tpu.memory_space<vmem>>) semaphore(%arg14 : memref<!tpu.dma_semaphore, #tpu.memory_space<semaphore_mem>>)
          %add3A_677 = arith.constant 4 : i32
          %add3A_678 = arith.addi %add3A_504, %add3A_677 : i32
          %jit3A_679 = arith.constant 2 : i32
          %div3A_680 = arith.divsi %add3A_678, %jit3A_679 : i32
          %sign3A_681 = arith.constant 0 : i32
          %sign3A_682 = arith.cmpi sgt, %add3A_678, %sign3A_681 : i32
          %sign3A_683 = arith.extui %sign3A_682 : i1 to i32
          %sign3A_684 = arith.constant 0 : i32
          %sign3A_685 = arith.cmpi slt, %add3A_678, %sign3A_684 : i32
          %sign3A_686 = arith.extui %sign3A_685 : i1 to i32
          %sign3A_687 = arith.subi %sign3A_683, %sign3A_686 : i32
          %sign3A_688 = arith.constant 0 : i32
          %sign3A_689 = arith.cmpi sgt, %jit3A_679, %sign3A_688 : i32
          %sign3A_690 = arith.extui %sign3A_689 : i1 to i32
          %sign3A_691 = arith.constant 0 : i32
          %sign3A_692 = arith.cmpi slt, %jit3A_679, %sign3A_691 : i32
          %sign3A_693 = arith.extui %sign3A_692 : i1 to i32
          %sign3A_694 = arith.subi %sign3A_690, %sign3A_693 : i32
          %ne3A_695 = arith.cmpi ne, %sign3A_687, %sign3A_694 : i32
          %rem3A_696 = arith.remsi %add3A_678, %jit3A_679 : i32
          %ne3A_697 = arith.constant 0 : i32
          %ne3A_698 = arith.cmpi ne, %rem3A_696, %ne3A_697 : i32
          %and3A_699 = arith.andi %ne3A_695, %ne3A_698 : i1
          %sub3A_700 = arith.constant 1 : i32
          %sub3A_701 = arith.subi %div3A_680, %sub3A_700 : i32
          %select_n3A_702 = arith.select %and3A_699, %sub3A_701, %div3A_680 : i32
          %add3A_703 = arith.addi %multiple_of3A_30, %select_n3A_702 : i32
          %jit3A_704 = arith.constant 2 : i32
          %eq3A_705 = arith.constant 0 : i32
          %eq3A_706 = arith.cmpi eq, %jit3A_704, %eq3A_705 : i32
          %jit3A_707 = arith.constant 1 : i32
          %select_n3A_708 = arith.select %eq3A_706, %jit3A_707, %jit3A_704 : i32
          %rem3A_709 = arith.remsi %add3A_678, %select_n3A_708 : i32
          %ne3A_710 = arith.constant 0 : i32
          %ne3A_711 = arith.cmpi ne, %rem3A_709, %ne3A_710 : i32
          %lt3A_712 = arith.constant 0 : i32
          %lt3A_713 = arith.cmpi slt, %rem3A_709, %lt3A_712 : i32
          %lt3A_714 = arith.constant 0 : i32
          %lt3A_715 = arith.cmpi slt, %select_n3A_708, %lt3A_714 : i32
          %ne3A_716 = arith.xori %lt3A_713, %lt3A_715 : i1
          %and3A_717 = arith.andi %ne3A_716, %ne3A_711 : i1
          %add3A_718 = arith.addi %rem3A_709, %select_n3A_708 : i32
          %select_n3A_719 = arith.select %and3A_717, %add3A_718, %rem3A_709 : i32
          %mul3A_720 = arith.constant 64 : i32
          %mul3A_721 = arith.muli %select_n3A_719, %mul3A_720 : i32
          %multiple_of3A_722 = tpu.assume_multiple %mul3A_721, 8 : i32
          %dma_start3A_723 = arith.constant 3 : i32
          %dma_start3A_724 = arith.constant 0 : i32
          %dma_start3A_725 = tpu.memref_slice %arg10[%dma_start3A_723, %dma_start3A_724] : memref<4x64xi32, #tpu.memory_space<vmem>> -> memref<1x64xi32, #tpu.memory_space<vmem>>
          %dma_start3A_726 = tpu.memref_squeeze %dma_start3A_725 : memref<1x64xi32, #tpu.memory_space<vmem>> -> memref<64xi32, #tpu.memory_space<vmem>>
          %dma_start3A_727 = tpu.memref_slice %arg4[%add3A_703, %multiple_of3A_722] : memref<2560x128xi32, #tpu.memory_space<hbm>> -> memref<1x64xi32, #tpu.memory_space<hbm>>
          %dma_start3A_728 = tpu.memref_squeeze %dma_start3A_727 : memref<1x64xi32, #tpu.memory_space<hbm>> -> memref<64xi32, #tpu.memory_space<hbm>>
          %dma_start3A_729 = arith.constant 0 : i32
          %dma_start3A_730 = tpu.memref_slice %arg10[%dma_start3A_723, %dma_start3A_729] : memref<4x64xi32, #tpu.memory_space<vmem>> -> memref<1x64xi32, #tpu.memory_space<vmem>>
          %dma_start3A_731 = tpu.memref_squeeze %dma_start3A_730 : memref<1x64xi32, #tpu.memory_space<vmem>> -> memref<64xi32, #tpu.memory_space<vmem>>
          %dma_start3A_732 = tpu.memref_slice %arg4[%add3A_703, %multiple_of3A_722] : memref<2560x128xi32, #tpu.memory_space<hbm>> -> memref<1x64xi32, #tpu.memory_space<hbm>>
          %dma_start3A_733 = tpu.memref_squeeze %dma_start3A_732 : memref<1x64xi32, #tpu.memory_space<hbm>> -> memref<64xi32, #tpu.memory_space<hbm>>
          tpu.enqueue_dma source(%dma_start3A_733 : memref<64xi32, #tpu.memory_space<hbm>>) target(%dma_start3A_731 : memref<64xi32, #tpu.memory_space<vmem>>) target_semaphore(%arg18 : memref<!tpu.dma_semaphore, #tpu.memory_space<semaphore_mem>>)
        } else {
        }
      }
      %scan3A_145 = arith.constant 40 : i32
    } else {
    }
    %eq3A_22 = arith.constant 1 : i32
    %eq3A_23 = arith.cmpi eq, %arg0, %eq3A_22 : i32
    %convert_element_type3A_24 = arith.extui %eq3A_23 : i1 to i32
    %cond3A_25 = arith.constant 0 : i32
    %cond3A_26 = arith.cmpi ne, %convert_element_type3A_24, %cond3A_25 : i32
    scf.if %cond3A_26 {
      %mul3A_28 = arith.constant 80 : i32
      %mul3A_29 = arith.muli %arg1, %mul3A_28 : i32
      %add3A = arith.constant 1280 : i32
      %add3A_30 = arith.addi %add3A, %mul3A_29 : i32
      %multiple_of3A_31 = tpu.assume_multiple %add3A_30, 8 : i32
      "tpu.region"() ({
        %run_scoped3A = tpu.sem_alloc : memref<!tpu.dma_semaphore, #tpu.memory_space<semaphore_mem>>
        %dma_start3A_148 = arith.constant 0 : i32
        %dma_start3A_149 = arith.constant 0 : i32
        %dma_start3A_150 = tpu.memref_slice %arg9[%dma_start3A_148, %dma_start3A_149] : memref<80x128xi32, #tpu.memory_space<vmem>> -> memref<80x128xi32, #tpu.memory_space<vmem>>
        %dma_start3A_151 = arith.constant 0 : i32
        %dma_start3A_152 = tpu.memref_slice %arg3[%multiple_of3A_31, %dma_start3A_151] : memref<2560x128xi32, #tpu.memory_space<hbm>> -> memref<80x128xi32, #tpu.memory_space<hbm>>
        %dma_start3A_153 = arith.constant 0 : i32
        %dma_start3A_154 = arith.constant 0 : i32
        %dma_start3A_155 = tpu.memref_slice %arg9[%dma_start3A_153, %dma_start3A_154] : memref<80x128xi32, #tpu.memory_space<vmem>> -> memref<80x128xi32, #tpu.memory_space<vmem>>
        %dma_start3A_156 = arith.constant 0 : i32
        %dma_start3A_157 = tpu.memref_slice %arg3[%multiple_of3A_31, %dma_start3A_156] : memref<2560x128xi32, #tpu.memory_space<hbm>> -> memref<80x128xi32, #tpu.memory_space<hbm>>
        tpu.enqueue_dma source(%dma_start3A_157 : memref<80x128xi32, #tpu.memory_space<hbm>>) target(%dma_start3A_155 : memref<80x128xi32, #tpu.memory_space<vmem>>) target_semaphore(%run_scoped3A : memref<!tpu.dma_semaphore, #tpu.memory_space<semaphore_mem>>)
        %dma_wait3A = arith.constant 0 : i32
        %dma_wait3A_158 = arith.constant 0 : i32
        %dma_wait3A_159 = tpu.memref_slice %arg9[%dma_wait3A, %dma_wait3A_158] : memref<80x128xi32, #tpu.memory_space<vmem>> -> memref<80x128xi32, #tpu.memory_space<vmem>>
        %dma_wait3A_160 = arith.constant 0 : i32
        %dma_wait3A_161 = tpu.memref_slice %arg3[%multiple_of3A_31, %dma_wait3A_160] : memref<2560x128xi32, #tpu.memory_space<hbm>> -> memref<80x128xi32, #tpu.memory_space<hbm>>
        %dma_wait3A_162 = arith.constant 0 : i32
        %dma_wait3A_163 = arith.constant 0 : i32
        %dma_wait3A_164 = tpu.memref_slice %arg9[%dma_wait3A_162, %dma_wait3A_163] : memref<80x128xi32, #tpu.memory_space<vmem>> -> memref<80x128xi32, #tpu.memory_space<vmem>>
        %dma_wait3A_165 = arith.constant 0 : i32
        %dma_wait3A_166 = tpu.memref_slice %arg3[%multiple_of3A_31, %dma_wait3A_165] : memref<2560x128xi32, #tpu.memory_space<hbm>> -> memref<80x128xi32, #tpu.memory_space<hbm>>
        tpu.wait_dma2 semaphore(%run_scoped3A : memref<!tpu.dma_semaphore, #tpu.memory_space<semaphore_mem>>) src(%dma_wait3A_166 : memref<80x128xi32, #tpu.memory_space<hbm>>) dst(%dma_wait3A_164 : memref<80x128xi32, #tpu.memory_space<vmem>>)
        tpu.yield
      }) : () -> ()
      %multiple_of3A_32 = arith.constant 0 : i32
      %multiple_of3A_33 = tpu.assume_multiple %multiple_of3A_32, 8 : i32
      %dma_start3A = arith.constant 0 : i32
      %dma_start3A_34 = arith.constant 0 : i32
      %dma_start3A_35 = arith.constant 0 : i32
      %dma_start3A_36 = arith.constant 0 : i32
      %dma_start3A_37 = tpu.memref_slice %arg8[%dma_start3A_34, %dma_start3A_35, %dma_start3A_36] : memref<4x64x128xf32, #tpu.memory_space<vmem>> -> memref<1x64x128xf32, #tpu.memory_space<vmem>>
      %dma_start3A_38 = tpu.memref_squeeze %dma_start3A_37 : memref<1x64x128xf32, #tpu.memory_space<vmem>> -> memref<64x128xf32, #tpu.memory_space<vmem>>
      %dma_start3A_39 = tpu.memref_slice %arg9[%dma_start3A, %multiple_of3A_33] : memref<80x128xi32, #tpu.memory_space<vmem>> -> memref<1x64xi32, #tpu.memory_space<vmem>>
      %dma_start3A_40 = tpu.memref_squeeze %dma_start3A_39 : memref<1x64xi32, #tpu.memory_space<vmem>> -> memref<64xi32, #tpu.memory_space<vmem>>
      %dma_start3A_41 = arith.constant 0 : i32
      %dma_start3A_42 = arith.constant 0 : i32
      %dma_start3A_43 = tpu.memref_slice %arg2[%dma_start3A_41, %dma_start3A_42] : memref<10000x128xf32, #tpu.memory_space<hbm>> -> memref<10000x128xf32, #tpu.memory_space<hbm>>
      tpu.enqueue_indirect_dma source(%dma_start3A_43 : memref<10000x128xf32, #tpu.memory_space<hbm>>) target(%dma_start3A_38 : memref<64x128xf32, #tpu.memory_space<vmem>>) offsets(%dma_start3A_40 : memref<64xi32, #tpu.memory_space<vmem>>) semaphore(%arg11 : memref<!tpu.dma_semaphore, #tpu.memory_space<semaphore_mem>>)
      %add3A_44 = arith.constant 0 : i32
      %add3A_45 = arith.addi %multiple_of3A_31, %add3A_44 : i32
      %multiple_of3A_46 = arith.constant 0 : i32
      %multiple_of3A_47 = tpu.assume_multiple %multiple_of3A_46, 8 : i32
      %dma_start3A_48 = arith.constant 0 : i32
      %dma_start3A_49 = arith.constant 0 : i32
      %dma_start3A_50 = tpu.memref_slice %arg10[%dma_start3A_48, %dma_start3A_49] : memref<4x64xi32, #tpu.memory_space<vmem>> -> memref<1x64xi32, #tpu.memory_space<vmem>>
      %dma_start3A_51 = tpu.memref_squeeze %dma_start3A_50 : memref<1x64xi32, #tpu.memory_space<vmem>> -> memref<64xi32, #tpu.memory_space<vmem>>
      %dma_start3A_52 = tpu.memref_slice %arg4[%add3A_45, %multiple_of3A_47] : memref<2560x128xi32, #tpu.memory_space<hbm>> -> memref<1x64xi32, #tpu.memory_space<hbm>>
      %dma_start3A_53 = tpu.memref_squeeze %dma_start3A_52 : memref<1x64xi32, #tpu.memory_space<hbm>> -> memref<64xi32, #tpu.memory_space<hbm>>
      %dma_start3A_54 = arith.constant 0 : i32
      %dma_start3A_55 = tpu.memref_slice %arg10[%dma_start3A_48, %dma_start3A_54] : memref<4x64xi32, #tpu.memory_space<vmem>> -> memref<1x64xi32, #tpu.memory_space<vmem>>
      %dma_start3A_56 = tpu.memref_squeeze %dma_start3A_55 : memref<1x64xi32, #tpu.memory_space<vmem>> -> memref<64xi32, #tpu.memory_space<vmem>>
      %dma_start3A_57 = tpu.memref_slice %arg4[%add3A_45, %multiple_of3A_47] : memref<2560x128xi32, #tpu.memory_space<hbm>> -> memref<1x64xi32, #tpu.memory_space<hbm>>
      %dma_start3A_58 = tpu.memref_squeeze %dma_start3A_57 : memref<1x64xi32, #tpu.memory_space<hbm>> -> memref<64xi32, #tpu.memory_space<hbm>>
      tpu.enqueue_dma source(%dma_start3A_58 : memref<64xi32, #tpu.memory_space<hbm>>) target(%dma_start3A_56 : memref<64xi32, #tpu.memory_space<vmem>>) target_semaphore(%arg15 : memref<!tpu.dma_semaphore, #tpu.memory_space<semaphore_mem>>)
      %multiple_of3A_59 = arith.constant 64 : i32
      %multiple_of3A_60 = tpu.assume_multiple %multiple_of3A_59, 8 : i32
      %dma_start3A_61 = arith.constant 0 : i32
      %dma_start3A_62 = arith.constant 1 : i32
      %dma_start3A_63 = arith.constant 0 : i32
      %dma_start3A_64 = arith.constant 0 : i32
      %dma_start3A_65 = tpu.memref_slice %arg8[%dma_start3A_62, %dma_start3A_63, %dma_start3A_64] : memref<4x64x128xf32, #tpu.memory_space<vmem>> -> memref<1x64x128xf32, #tpu.memory_space<vmem>>
      %dma_start3A_66 = tpu.memref_squeeze %dma_start3A_65 : memref<1x64x128xf32, #tpu.memory_space<vmem>> -> memref<64x128xf32, #tpu.memory_space<vmem>>
      %dma_start3A_67 = tpu.memref_slice %arg9[%dma_start3A_61, %multiple_of3A_60] : memref<80x128xi32, #tpu.memory_space<vmem>> -> memref<1x64xi32, #tpu.memory_space<vmem>>
      %dma_start3A_68 = tpu.memref_squeeze %dma_start3A_67 : memref<1x64xi32, #tpu.memory_space<vmem>> -> memref<64xi32, #tpu.memory_space<vmem>>
      %dma_start3A_69 = arith.constant 0 : i32
      %dma_start3A_70 = arith.constant 0 : i32
      %dma_start3A_71 = tpu.memref_slice %arg2[%dma_start3A_69, %dma_start3A_70] : memref<10000x128xf32, #tpu.memory_space<hbm>> -> memref<10000x128xf32, #tpu.memory_space<hbm>>
      tpu.enqueue_indirect_dma source(%dma_start3A_71 : memref<10000x128xf32, #tpu.memory_space<hbm>>) target(%dma_start3A_66 : memref<64x128xf32, #tpu.memory_space<vmem>>) offsets(%dma_start3A_68 : memref<64xi32, #tpu.memory_space<vmem>>) semaphore(%arg12 : memref<!tpu.dma_semaphore, #tpu.memory_space<semaphore_mem>>)
      %add3A_72 = arith.constant 0 : i32
      %add3A_73 = arith.addi %multiple_of3A_31, %add3A_72 : i32
      %multiple_of3A_74 = arith.constant 64 : i32
      %multiple_of3A_75 = tpu.assume_multiple %multiple_of3A_74, 8 : i32
      %dma_start3A_76 = arith.constant 1 : i32
      %dma_start3A_77 = arith.constant 0 : i32
      %dma_start3A_78 = tpu.memref_slice %arg10[%dma_start3A_76, %dma_start3A_77] : memref<4x64xi32, #tpu.memory_space<vmem>> -> memref<1x64xi32, #tpu.memory_space<vmem>>
      %dma_start3A_79 = tpu.memref_squeeze %dma_start3A_78 : memref<1x64xi32, #tpu.memory_space<vmem>> -> memref<64xi32, #tpu.memory_space<vmem>>
      %dma_start3A_80 = tpu.memref_slice %arg4[%add3A_73, %multiple_of3A_75] : memref<2560x128xi32, #tpu.memory_space<hbm>> -> memref<1x64xi32, #tpu.memory_space<hbm>>
      %dma_start3A_81 = tpu.memref_squeeze %dma_start3A_80 : memref<1x64xi32, #tpu.memory_space<hbm>> -> memref<64xi32, #tpu.memory_space<hbm>>
      %dma_start3A_82 = arith.constant 0 : i32
      %dma_start3A_83 = tpu.memref_slice %arg10[%dma_start3A_76, %dma_start3A_82] : memref<4x64xi32, #tpu.memory_space<vmem>> -> memref<1x64xi32, #tpu.memory_space<vmem>>
      %dma_start3A_84 = tpu.memref_squeeze %dma_start3A_83 : memref<1x64xi32, #tpu.memory_space<vmem>> -> memref<64xi32, #tpu.memory_space<vmem>>
      %dma_start3A_85 = tpu.memref_slice %arg4[%add3A_73, %multiple_of3A_75] : memref<2560x128xi32, #tpu.memory_space<hbm>> -> memref<1x64xi32, #tpu.memory_space<hbm>>
      %dma_start3A_86 = tpu.memref_squeeze %dma_start3A_85 : memref<1x64xi32, #tpu.memory_space<hbm>> -> memref<64xi32, #tpu.memory_space<hbm>>
      tpu.enqueue_dma source(%dma_start3A_86 : memref<64xi32, #tpu.memory_space<hbm>>) target(%dma_start3A_84 : memref<64xi32, #tpu.memory_space<vmem>>) target_semaphore(%arg16 : memref<!tpu.dma_semaphore, #tpu.memory_space<semaphore_mem>>)
      %multiple_of3A_87 = arith.constant 0 : i32
      %multiple_of3A_88 = tpu.assume_multiple %multiple_of3A_87, 8 : i32
      %dma_start3A_89 = arith.constant 1 : i32
      %dma_start3A_90 = arith.constant 2 : i32
      %dma_start3A_91 = arith.constant 0 : i32
      %dma_start3A_92 = arith.constant 0 : i32
      %dma_start3A_93 = tpu.memref_slice %arg8[%dma_start3A_90, %dma_start3A_91, %dma_start3A_92] : memref<4x64x128xf32, #tpu.memory_space<vmem>> -> memref<1x64x128xf32, #tpu.memory_space<vmem>>
      %dma_start3A_94 = tpu.memref_squeeze %dma_start3A_93 : memref<1x64x128xf32, #tpu.memory_space<vmem>> -> memref<64x128xf32, #tpu.memory_space<vmem>>
      %dma_start3A_95 = tpu.memref_slice %arg9[%dma_start3A_89, %multiple_of3A_88] : memref<80x128xi32, #tpu.memory_space<vmem>> -> memref<1x64xi32, #tpu.memory_space<vmem>>
      %dma_start3A_96 = tpu.memref_squeeze %dma_start3A_95 : memref<1x64xi32, #tpu.memory_space<vmem>> -> memref<64xi32, #tpu.memory_space<vmem>>
      %dma_start3A_97 = arith.constant 0 : i32
      %dma_start3A_98 = arith.constant 0 : i32
      %dma_start3A_99 = tpu.memref_slice %arg2[%dma_start3A_97, %dma_start3A_98] : memref<10000x128xf32, #tpu.memory_space<hbm>> -> memref<10000x128xf32, #tpu.memory_space<hbm>>
      tpu.enqueue_indirect_dma source(%dma_start3A_99 : memref<10000x128xf32, #tpu.memory_space<hbm>>) target(%dma_start3A_94 : memref<64x128xf32, #tpu.memory_space<vmem>>) offsets(%dma_start3A_96 : memref<64xi32, #tpu.memory_space<vmem>>) semaphore(%arg13 : memref<!tpu.dma_semaphore, #tpu.memory_space<semaphore_mem>>)
      %add3A_100 = arith.constant 1 : i32
      %add3A_101 = arith.addi %multiple_of3A_31, %add3A_100 : i32
      %multiple_of3A_102 = arith.constant 0 : i32
      %multiple_of3A_103 = tpu.assume_multiple %multiple_of3A_102, 8 : i32
      %dma_start3A_104 = arith.constant 2 : i32
      %dma_start3A_105 = arith.constant 0 : i32
      %dma_start3A_106 = tpu.memref_slice %arg10[%dma_start3A_104, %dma_start3A_105] : memref<4x64xi32, #tpu.memory_space<vmem>> -> memref<1x64xi32, #tpu.memory_space<vmem>>
      %dma_start3A_107 = tpu.memref_squeeze %dma_start3A_106 : memref<1x64xi32, #tpu.memory_space<vmem>> -> memref<64xi32, #tpu.memory_space<vmem>>
      %dma_start3A_108 = tpu.memref_slice %arg4[%add3A_101, %multiple_of3A_103] : memref<2560x128xi32, #tpu.memory_space<hbm>> -> memref<1x64xi32, #tpu.memory_space<hbm>>
      %dma_start3A_109 = tpu.memref_squeeze %dma_start3A_108 : memref<1x64xi32, #tpu.memory_space<hbm>> -> memref<64xi32, #tpu.memory_space<hbm>>
      %dma_start3A_110 = arith.constant 0 : i32
      %dma_start3A_111 = tpu.memref_slice %arg10[%dma_start3A_104, %dma_start3A_110] : memref<4x64xi32, #tpu.memory_space<vmem>> -> memref<1x64xi32, #tpu.memory_space<vmem>>
      %dma_start3A_112 = tpu.memref_squeeze %dma_start3A_111 : memref<1x64xi32, #tpu.memory_space<vmem>> -> memref<64xi32, #tpu.memory_space<vmem>>
      %dma_start3A_113 = tpu.memref_slice %arg4[%add3A_101, %multiple_of3A_103] : memref<2560x128xi32, #tpu.memory_space<hbm>> -> memref<1x64xi32, #tpu.memory_space<hbm>>
      %dma_start3A_114 = tpu.memref_squeeze %dma_start3A_113 : memref<1x64xi32, #tpu.memory_space<hbm>> -> memref<64xi32, #tpu.memory_space<hbm>>
      tpu.enqueue_dma source(%dma_start3A_114 : memref<64xi32, #tpu.memory_space<hbm>>) target(%dma_start3A_112 : memref<64xi32, #tpu.memory_space<vmem>>) target_semaphore(%arg17 : memref<!tpu.dma_semaphore, #tpu.memory_space<semaphore_mem>>)
      %multiple_of3A_115 = arith.constant 64 : i32
      %multiple_of3A_116 = tpu.assume_multiple %multiple_of3A_115, 8 : i32
      %dma_start3A_117 = arith.constant 1 : i32
      %dma_start3A_118 = arith.constant 3 : i32
      %dma_start3A_119 = arith.constant 0 : i32
      %dma_start3A_120 = arith.constant 0 : i32
      %dma_start3A_121 = tpu.memref_slice %arg8[%dma_start3A_118, %dma_start3A_119, %dma_start3A_120] : memref<4x64x128xf32, #tpu.memory_space<vmem>> -> memref<1x64x128xf32, #tpu.memory_space<vmem>>
      %dma_start3A_122 = tpu.memref_squeeze %dma_start3A_121 : memref<1x64x128xf32, #tpu.memory_space<vmem>> -> memref<64x128xf32, #tpu.memory_space<vmem>>
      %dma_start3A_123 = tpu.memref_slice %arg9[%dma_start3A_117, %multiple_of3A_116] : memref<80x128xi32, #tpu.memory_space<vmem>> -> memref<1x64xi32, #tpu.memory_space<vmem>>
      %dma_start3A_124 = tpu.memref_squeeze %dma_start3A_123 : memref<1x64xi32, #tpu.memory_space<vmem>> -> memref<64xi32, #tpu.memory_space<vmem>>
      %dma_start3A_125 = arith.constant 0 : i32
      %dma_start3A_126 = arith.constant 0 : i32
      %dma_start3A_127 = tpu.memref_slice %arg2[%dma_start3A_125, %dma_start3A_126] : memref<10000x128xf32, #tpu.memory_space<hbm>> -> memref<10000x128xf32, #tpu.memory_space<hbm>>
      tpu.enqueue_indirect_dma source(%dma_start3A_127 : memref<10000x128xf32, #tpu.memory_space<hbm>>) target(%dma_start3A_122 : memref<64x128xf32, #tpu.memory_space<vmem>>) offsets(%dma_start3A_124 : memref<64xi32, #tpu.memory_space<vmem>>) semaphore(%arg14 : memref<!tpu.dma_semaphore, #tpu.memory_space<semaphore_mem>>)
      %add3A_128 = arith.constant 1 : i32
      %add3A_129 = arith.addi %multiple_of3A_31, %add3A_128 : i32
      %multiple_of3A_130 = arith.constant 64 : i32
      %multiple_of3A_131 = tpu.assume_multiple %multiple_of3A_130, 8 : i32
      %dma_start3A_132 = arith.constant 3 : i32
      %dma_start3A_133 = arith.constant 0 : i32
      %dma_start3A_134 = tpu.memref_slice %arg10[%dma_start3A_132, %dma_start3A_133] : memref<4x64xi32, #tpu.memory_space<vmem>> -> memref<1x64xi32, #tpu.memory_space<vmem>>
      %dma_start3A_135 = tpu.memref_squeeze %dma_start3A_134 : memref<1x64xi32, #tpu.memory_space<vmem>> -> memref<64xi32, #tpu.memory_space<vmem>>
      %dma_start3A_136 = tpu.memref_slice %arg4[%add3A_129, %multiple_of3A_131] : memref<2560x128xi32, #tpu.memory_space<hbm>> -> memref<1x64xi32, #tpu.memory_space<hbm>>
      %dma_start3A_137 = tpu.memref_squeeze %dma_start3A_136 : memref<1x64xi32, #tpu.memory_space<hbm>> -> memref<64xi32, #tpu.memory_space<hbm>>
      %dma_start3A_138 = arith.constant 0 : i32
      %dma_start3A_139 = tpu.memref_slice %arg10[%dma_start3A_132, %dma_start3A_138] : memref<4x64xi32, #tpu.memory_space<vmem>> -> memref<1x64xi32, #tpu.memory_space<vmem>>
      %dma_start3A_140 = tpu.memref_squeeze %dma_start3A_139 : memref<1x64xi32, #tpu.memory_space<vmem>> -> memref<64xi32, #tpu.memory_space<vmem>>
      %dma_start3A_141 = tpu.memref_slice %arg4[%add3A_129, %multiple_of3A_131] : memref<2560x128xi32, #tpu.memory_space<hbm>> -> memref<1x64xi32, #tpu.memory_space<hbm>>
      %dma_start3A_142 = tpu.memref_squeeze %dma_start3A_141 : memref<1x64xi32, #tpu.memory_space<hbm>> -> memref<64xi32, #tpu.memory_space<hbm>>
      tpu.enqueue_dma source(%dma_start3A_142 : memref<64xi32, #tpu.memory_space<hbm>>) target(%dma_start3A_140 : memref<64xi32, #tpu.memory_space<vmem>>) target_semaphore(%arg18 : memref<!tpu.dma_semaphore, #tpu.memory_space<semaphore_mem>>)
      %scan3A = arith.constant 0 : i32
      %scan3A_143 = arith.constant 0 : i32
      %scan3A_144 = arith.constant 40 : i32
      %scan3A_145 = arith.addi %scan3A_143, %scan3A_144 : i32
      %scan3A_146 = arith.constant 1 : i32
      scf.for %scan3A_148 = %scan3A_143 to %scan3A_145 step %scan3A_146  : i32 {
        %mul3A_149 = arith.constant 4 : i32
        %mul3A_150 = arith.muli %scan3A_148, %mul3A_149 : i32
        %add3A_151 = arith.constant 0 : i32
        %add3A_152 = arith.addi %mul3A_150, %add3A_151 : i32
        %jit3A = arith.constant 2 : i32
        %div3A = arith.divsi %add3A_152, %jit3A : i32
        %sign3A = arith.constant 0 : i32
        %sign3A_153 = arith.cmpi sgt, %add3A_152, %sign3A : i32
        %sign3A_154 = arith.extui %sign3A_153 : i1 to i32
        %sign3A_155 = arith.constant 0 : i32
        %sign3A_156 = arith.cmpi slt, %add3A_152, %sign3A_155 : i32
        %sign3A_157 = arith.extui %sign3A_156 : i1 to i32
        %sign3A_158 = arith.subi %sign3A_154, %sign3A_157 : i32
        %sign3A_159 = arith.constant 0 : i32
        %sign3A_160 = arith.cmpi sgt, %jit3A, %sign3A_159 : i32
        %sign3A_161 = arith.extui %sign3A_160 : i1 to i32
        %sign3A_162 = arith.constant 0 : i32
        %sign3A_163 = arith.cmpi slt, %jit3A, %sign3A_162 : i32
        %sign3A_164 = arith.extui %sign3A_163 : i1 to i32
        %sign3A_165 = arith.subi %sign3A_161, %sign3A_164 : i32
        %ne3A = arith.cmpi ne, %sign3A_158, %sign3A_165 : i32
        %rem3A = arith.remsi %add3A_152, %jit3A : i32
        %ne3A_166 = arith.constant 0 : i32
        %ne3A_167 = arith.cmpi ne, %rem3A, %ne3A_166 : i32
        %and3A_168 = arith.andi %ne3A, %ne3A_167 : i1
        %sub3A = arith.constant 1 : i32
        %sub3A_169 = arith.subi %div3A, %sub3A : i32
        %select_n3A = arith.select %and3A_168, %sub3A_169, %div3A : i32
        %jit3A_170 = arith.constant 2 : i32
        %eq3A_171 = arith.constant 0 : i32
        %eq3A_172 = arith.cmpi eq, %jit3A_170, %eq3A_171 : i32
        %jit3A_173 = arith.constant 1 : i32
        %select_n3A_174 = arith.select %eq3A_172, %jit3A_173, %jit3A_170 : i32
        %rem3A_175 = arith.remsi %add3A_152, %select_n3A_174 : i32
        %ne3A_176 = arith.constant 0 : i32
        %ne3A_177 = arith.cmpi ne, %rem3A_175, %ne3A_176 : i32
        %lt3A_178 = arith.constant 0 : i32
        %lt3A_179 = arith.cmpi slt, %rem3A_175, %lt3A_178 : i32
        %lt3A_180 = arith.constant 0 : i32
        %lt3A_181 = arith.cmpi slt, %select_n3A_174, %lt3A_180 : i32
        %ne3A_182 = arith.xori %lt3A_179, %lt3A_181 : i1
        %and3A_183 = arith.andi %ne3A_182, %ne3A_177 : i1
        %add3A_184 = arith.addi %rem3A_175, %select_n3A_174 : i32
        %select_n3A_185 = arith.select %and3A_183, %add3A_184, %rem3A_175 : i32
        %mul3A_186 = arith.constant 64 : i32
        %mul3A_187 = arith.muli %select_n3A_185, %mul3A_186 : i32
        %multiple_of3A_188 = tpu.assume_multiple %mul3A_187, 8 : i32
        %dma_wait3A = arith.constant 0 : i32
        %dma_wait3A_189 = arith.constant 0 : i32
        %dma_wait3A_190 = arith.constant 0 : i32
        %dma_wait3A_191 = tpu.memref_slice %arg8[%dma_wait3A, %dma_wait3A_189, %dma_wait3A_190] : memref<4x64x128xf32, #tpu.memory_space<vmem>> -> memref<1x64x128xf32, #tpu.memory_space<vmem>>
        %dma_wait3A_192 = tpu.memref_squeeze %dma_wait3A_191 : memref<1x64x128xf32, #tpu.memory_space<vmem>> -> memref<64x128xf32, #tpu.memory_space<vmem>>
        %dma_wait3A_193 = tpu.memref_slice %arg9[%select_n3A, %multiple_of3A_188] : memref<80x128xi32, #tpu.memory_space<vmem>> -> memref<1x64xi32, #tpu.memory_space<vmem>>
        %dma_wait3A_194 = tpu.memref_squeeze %dma_wait3A_193 : memref<1x64xi32, #tpu.memory_space<vmem>> -> memref<64xi32, #tpu.memory_space<vmem>>
        %dma_wait3A_195 = arith.constant 0 : i32
        %dma_wait3A_196 = arith.constant 0 : i32
        %dma_wait3A_197 = tpu.memref_slice %arg2[%dma_wait3A_195, %dma_wait3A_196] : memref<10000x128xf32, #tpu.memory_space<hbm>> -> memref<10000x128xf32, #tpu.memory_space<hbm>>
        tpu.wait_indirect_dma semaphore(%arg11 : memref<!tpu.dma_semaphore, #tpu.memory_space<semaphore_mem>>) src(%dma_wait3A_197 : memref<10000x128xf32, #tpu.memory_space<hbm>>) dst(%dma_wait3A_192 : memref<64x128xf32, #tpu.memory_space<vmem>>)
        %jit3A_198 = arith.constant 2 : i32
        %div3A_199 = arith.divsi %add3A_152, %jit3A_198 : i32
        %sign3A_200 = arith.constant 0 : i32
        %sign3A_201 = arith.cmpi sgt, %add3A_152, %sign3A_200 : i32
        %sign3A_202 = arith.extui %sign3A_201 : i1 to i32
        %sign3A_203 = arith.constant 0 : i32
        %sign3A_204 = arith.cmpi slt, %add3A_152, %sign3A_203 : i32
        %sign3A_205 = arith.extui %sign3A_204 : i1 to i32
        %sign3A_206 = arith.subi %sign3A_202, %sign3A_205 : i32
        %sign3A_207 = arith.constant 0 : i32
        %sign3A_208 = arith.cmpi sgt, %jit3A_198, %sign3A_207 : i32
        %sign3A_209 = arith.extui %sign3A_208 : i1 to i32
        %sign3A_210 = arith.constant 0 : i32
        %sign3A_211 = arith.cmpi slt, %jit3A_198, %sign3A_210 : i32
        %sign3A_212 = arith.extui %sign3A_211 : i1 to i32
        %sign3A_213 = arith.subi %sign3A_209, %sign3A_212 : i32
        %ne3A_214 = arith.cmpi ne, %sign3A_206, %sign3A_213 : i32
        %rem3A_215 = arith.remsi %add3A_152, %jit3A_198 : i32
        %ne3A_216 = arith.constant 0 : i32
        %ne3A_217 = arith.cmpi ne, %rem3A_215, %ne3A_216 : i32
        %and3A_218 = arith.andi %ne3A_214, %ne3A_217 : i1
        %sub3A_219 = arith.constant 1 : i32
        %sub3A_220 = arith.subi %div3A_199, %sub3A_219 : i32
        %select_n3A_221 = arith.select %and3A_218, %sub3A_220, %div3A_199 : i32
        %add3A_222 = arith.addi %multiple_of3A_31, %select_n3A_221 : i32
        %jit3A_223 = arith.constant 2 : i32
        %eq3A_224 = arith.constant 0 : i32
        %eq3A_225 = arith.cmpi eq, %jit3A_223, %eq3A_224 : i32
        %jit3A_226 = arith.constant 1 : i32
        %select_n3A_227 = arith.select %eq3A_225, %jit3A_226, %jit3A_223 : i32
        %rem3A_228 = arith.remsi %add3A_152, %select_n3A_227 : i32
        %ne3A_229 = arith.constant 0 : i32
        %ne3A_230 = arith.cmpi ne, %rem3A_228, %ne3A_229 : i32
        %lt3A_231 = arith.constant 0 : i32
        %lt3A_232 = arith.cmpi slt, %rem3A_228, %lt3A_231 : i32
        %lt3A_233 = arith.constant 0 : i32
        %lt3A_234 = arith.cmpi slt, %select_n3A_227, %lt3A_233 : i32
        %ne3A_235 = arith.xori %lt3A_232, %lt3A_234 : i1
        %and3A_236 = arith.andi %ne3A_235, %ne3A_230 : i1
        %add3A_237 = arith.addi %rem3A_228, %select_n3A_227 : i32
        %select_n3A_238 = arith.select %and3A_236, %add3A_237, %rem3A_228 : i32
        %mul3A_239 = arith.constant 64 : i32
        %mul3A_240 = arith.muli %select_n3A_238, %mul3A_239 : i32
        %multiple_of3A_241 = tpu.assume_multiple %mul3A_240, 8 : i32
        %dma_wait3A_242 = arith.constant 0 : i32
        %dma_wait3A_243 = arith.constant 0 : i32
        %dma_wait3A_244 = tpu.memref_slice %arg10[%dma_wait3A_242, %dma_wait3A_243] : memref<4x64xi32, #tpu.memory_space<vmem>> -> memref<1x64xi32, #tpu.memory_space<vmem>>
        %dma_wait3A_245 = tpu.memref_squeeze %dma_wait3A_244 : memref<1x64xi32, #tpu.memory_space<vmem>> -> memref<64xi32, #tpu.memory_space<vmem>>
        %dma_wait3A_246 = tpu.memref_slice %arg4[%add3A_222, %multiple_of3A_241] : memref<2560x128xi32, #tpu.memory_space<hbm>> -> memref<1x64xi32, #tpu.memory_space<hbm>>
        %dma_wait3A_247 = tpu.memref_squeeze %dma_wait3A_246 : memref<1x64xi32, #tpu.memory_space<hbm>> -> memref<64xi32, #tpu.memory_space<hbm>>
        %dma_wait3A_248 = arith.constant 0 : i32
        %dma_wait3A_249 = tpu.memref_slice %arg10[%dma_wait3A_242, %dma_wait3A_248] : memref<4x64xi32, #tpu.memory_space<vmem>> -> memref<1x64xi32, #tpu.memory_space<vmem>>
        %dma_wait3A_250 = tpu.memref_squeeze %dma_wait3A_249 : memref<1x64xi32, #tpu.memory_space<vmem>> -> memref<64xi32, #tpu.memory_space<vmem>>
        %dma_wait3A_251 = tpu.memref_slice %arg4[%add3A_222, %multiple_of3A_241] : memref<2560x128xi32, #tpu.memory_space<hbm>> -> memref<1x64xi32, #tpu.memory_space<hbm>>
        %dma_wait3A_252 = tpu.memref_squeeze %dma_wait3A_251 : memref<1x64xi32, #tpu.memory_space<hbm>> -> memref<64xi32, #tpu.memory_space<hbm>>
        tpu.wait_dma2 semaphore(%arg15 : memref<!tpu.dma_semaphore, #tpu.memory_space<semaphore_mem>>) src(%dma_wait3A_252 : memref<64xi32, #tpu.memory_space<hbm>>) dst(%dma_wait3A_250 : memref<64xi32, #tpu.memory_space<vmem>>)
        %run_scoped3A = arith.constant 0 : i32
        %run_scoped3A_253 = arith.constant 0 : i32
        "tpu.region"() ({
          %run_scoped3A_624 = tpu.sem_alloc : memref<!tpu.dma_semaphore, #tpu.memory_space<semaphore_mem>>
          %dma_start3A_625 = arith.constant 0 : i32
          %dma_start3A_626 = arith.constant 0 : i32
          %dma_start3A_627 = tpu.memref_slice %arg8[%run_scoped3A, %dma_start3A_625, %dma_start3A_626] : memref<4x64x128xf32, #tpu.memory_space<vmem>> -> memref<1x64x128xf32, #tpu.memory_space<vmem>>
          %dma_start3A_628 = tpu.memref_squeeze %dma_start3A_627 : memref<1x64x128xf32, #tpu.memory_space<vmem>> -> memref<64x128xf32, #tpu.memory_space<vmem>>
          %dma_start3A_629 = arith.constant 0 : i32
          %dma_start3A_630 = tpu.memref_slice %arg10[%run_scoped3A_253, %dma_start3A_629] : memref<4x64xi32, #tpu.memory_space<vmem>> -> memref<1x64xi32, #tpu.memory_space<vmem>>
          %dma_start3A_631 = tpu.memref_squeeze %dma_start3A_630 : memref<1x64xi32, #tpu.memory_space<vmem>> -> memref<64xi32, #tpu.memory_space<vmem>>
          %dma_start3A_632 = arith.constant 0 : i32
          %dma_start3A_633 = arith.constant 0 : i32
          %dma_start3A_634 = tpu.memref_slice %arg7[%dma_start3A_632, %dma_start3A_633] : memref<10112x128xf32, #tpu.memory_space<vmem_shared>> -> memref<10112x128xf32, #tpu.memory_space<vmem_shared>>
          tpu.enqueue_indirect_dma source(%dma_start3A_628 : memref<64x128xf32, #tpu.memory_space<vmem>>) target(%dma_start3A_634 : memref<10112x128xf32, #tpu.memory_space<vmem_shared>>) offsets(%dma_start3A_631 : memref<64xi32, #tpu.memory_space<vmem>>) semaphore(%run_scoped3A_624 : memref<!tpu.dma_semaphore, #tpu.memory_space<semaphore_mem>>) {add = true}
          %dma_wait3A_635 = arith.constant 0 : i32
          %dma_wait3A_636 = arith.constant 0 : i32
          %dma_wait3A_637 = tpu.memref_slice %arg8[%run_scoped3A, %dma_wait3A_635, %dma_wait3A_636] : memref<4x64x128xf32, #tpu.memory_space<vmem>> -> memref<1x64x128xf32, #tpu.memory_space<vmem>>
          %dma_wait3A_638 = tpu.memref_squeeze %dma_wait3A_637 : memref<1x64x128xf32, #tpu.memory_space<vmem>> -> memref<64x128xf32, #tpu.memory_space<vmem>>
          %dma_wait3A_639 = arith.constant 0 : i32
          %dma_wait3A_640 = tpu.memref_slice %arg10[%run_scoped3A_253, %dma_wait3A_639] : memref<4x64xi32, #tpu.memory_space<vmem>> -> memref<1x64xi32, #tpu.memory_space<vmem>>
          %dma_wait3A_641 = tpu.memref_squeeze %dma_wait3A_640 : memref<1x64xi32, #tpu.memory_space<vmem>> -> memref<64xi32, #tpu.memory_space<vmem>>
          %dma_wait3A_642 = arith.constant 0 : i32
          %dma_wait3A_643 = arith.constant 0 : i32
          %dma_wait3A_644 = tpu.memref_slice %arg7[%dma_wait3A_642, %dma_wait3A_643] : memref<10112x128xf32, #tpu.memory_space<vmem_shared>> -> memref<10112x128xf32, #tpu.memory_space<vmem_shared>>
          tpu.wait_indirect_dma semaphore(%run_scoped3A_624 : memref<!tpu.dma_semaphore, #tpu.memory_space<semaphore_mem>>) src(%dma_wait3A_638 : memref<64x128xf32, #tpu.memory_space<vmem>>) dst(%dma_wait3A_644 : memref<10112x128xf32, #tpu.memory_space<vmem_shared>>)
          tpu.yield
        }) : () -> ()
        %add3A_254 = arith.constant 4 : i32
        %add3A_255 = arith.addi %add3A_152, %add3A_254 : i32
        %lt3A_256 = arith.constant 160 : i32
        %lt3A_257 = arith.cmpi slt, %add3A_255, %lt3A_256 : i32
        %convert_element_type3A_258 = arith.extui %lt3A_257 : i1 to i32
        %cond3A_259 = arith.constant 0 : i32
        %cond3A_260 = arith.cmpi ne, %convert_element_type3A_258, %cond3A_259 : i32
        scf.if %cond3A_260 {
          %add3A_624 = arith.constant 4 : i32
          %add3A_625 = arith.addi %add3A_152, %add3A_624 : i32
          %jit3A_626 = arith.constant 2 : i32
          %div3A_627 = arith.divsi %add3A_625, %jit3A_626 : i32
          %sign3A_628 = arith.constant 0 : i32
          %sign3A_629 = arith.cmpi sgt, %add3A_625, %sign3A_628 : i32
          %sign3A_630 = arith.extui %sign3A_629 : i1 to i32
          %sign3A_631 = arith.constant 0 : i32
          %sign3A_632 = arith.cmpi slt, %add3A_625, %sign3A_631 : i32
          %sign3A_633 = arith.extui %sign3A_632 : i1 to i32
          %sign3A_634 = arith.subi %sign3A_630, %sign3A_633 : i32
          %sign3A_635 = arith.constant 0 : i32
          %sign3A_636 = arith.cmpi sgt, %jit3A_626, %sign3A_635 : i32
          %sign3A_637 = arith.extui %sign3A_636 : i1 to i32
          %sign3A_638 = arith.constant 0 : i32
          %sign3A_639 = arith.cmpi slt, %jit3A_626, %sign3A_638 : i32
          %sign3A_640 = arith.extui %sign3A_639 : i1 to i32
          %sign3A_641 = arith.subi %sign3A_637, %sign3A_640 : i32
          %ne3A_642 = arith.cmpi ne, %sign3A_634, %sign3A_641 : i32
          %rem3A_643 = arith.remsi %add3A_625, %jit3A_626 : i32
          %ne3A_644 = arith.constant 0 : i32
          %ne3A_645 = arith.cmpi ne, %rem3A_643, %ne3A_644 : i32
          %and3A_646 = arith.andi %ne3A_642, %ne3A_645 : i1
          %sub3A_647 = arith.constant 1 : i32
          %sub3A_648 = arith.subi %div3A_627, %sub3A_647 : i32
          %select_n3A_649 = arith.select %and3A_646, %sub3A_648, %div3A_627 : i32
          %jit3A_650 = arith.constant 2 : i32
          %eq3A_651 = arith.constant 0 : i32
          %eq3A_652 = arith.cmpi eq, %jit3A_650, %eq3A_651 : i32
          %jit3A_653 = arith.constant 1 : i32
          %select_n3A_654 = arith.select %eq3A_652, %jit3A_653, %jit3A_650 : i32
          %rem3A_655 = arith.remsi %add3A_625, %select_n3A_654 : i32
          %ne3A_656 = arith.constant 0 : i32
          %ne3A_657 = arith.cmpi ne, %rem3A_655, %ne3A_656 : i32
          %lt3A_658 = arith.constant 0 : i32
          %lt3A_659 = arith.cmpi slt, %rem3A_655, %lt3A_658 : i32
          %lt3A_660 = arith.constant 0 : i32
          %lt3A_661 = arith.cmpi slt, %select_n3A_654, %lt3A_660 : i32
          %ne3A_662 = arith.xori %lt3A_659, %lt3A_661 : i1
          %and3A_663 = arith.andi %ne3A_662, %ne3A_657 : i1
          %add3A_664 = arith.addi %rem3A_655, %select_n3A_654 : i32
          %select_n3A_665 = arith.select %and3A_663, %add3A_664, %rem3A_655 : i32
          %mul3A_666 = arith.constant 64 : i32
          %mul3A_667 = arith.muli %select_n3A_665, %mul3A_666 : i32
          %multiple_of3A_668 = tpu.assume_multiple %mul3A_667, 8 : i32
          %dma_start3A_669 = arith.constant 0 : i32
          %dma_start3A_670 = arith.constant 0 : i32
          %dma_start3A_671 = arith.constant 0 : i32
          %dma_start3A_672 = tpu.memref_slice %arg8[%dma_start3A_669, %dma_start3A_670, %dma_start3A_671] : memref<4x64x128xf32, #tpu.memory_space<vmem>> -> memref<1x64x128xf32, #tpu.memory_space<vmem>>
          %dma_start3A_673 = tpu.memref_squeeze %dma_start3A_672 : memref<1x64x128xf32, #tpu.memory_space<vmem>> -> memref<64x128xf32, #tpu.memory_space<vmem>>
          %dma_start3A_674 = tpu.memref_slice %arg9[%select_n3A_649, %multiple_of3A_668] : memref<80x128xi32, #tpu.memory_space<vmem>> -> memref<1x64xi32, #tpu.memory_space<vmem>>
          %dma_start3A_675 = tpu.memref_squeeze %dma_start3A_674 : memref<1x64xi32, #tpu.memory_space<vmem>> -> memref<64xi32, #tpu.memory_space<vmem>>
          %dma_start3A_676 = arith.constant 0 : i32
          %dma_start3A_677 = arith.constant 0 : i32
          %dma_start3A_678 = tpu.memref_slice %arg2[%dma_start3A_676, %dma_start3A_677] : memref<10000x128xf32, #tpu.memory_space<hbm>> -> memref<10000x128xf32, #tpu.memory_space<hbm>>
          tpu.enqueue_indirect_dma source(%dma_start3A_678 : memref<10000x128xf32, #tpu.memory_space<hbm>>) target(%dma_start3A_673 : memref<64x128xf32, #tpu.memory_space<vmem>>) offsets(%dma_start3A_675 : memref<64xi32, #tpu.memory_space<vmem>>) semaphore(%arg11 : memref<!tpu.dma_semaphore, #tpu.memory_space<semaphore_mem>>)
          %add3A_679 = arith.constant 4 : i32
          %add3A_680 = arith.addi %add3A_152, %add3A_679 : i32
          %jit3A_681 = arith.constant 2 : i32
          %div3A_682 = arith.divsi %add3A_680, %jit3A_681 : i32
          %sign3A_683 = arith.constant 0 : i32
          %sign3A_684 = arith.cmpi sgt, %add3A_680, %sign3A_683 : i32
          %sign3A_685 = arith.extui %sign3A_684 : i1 to i32
          %sign3A_686 = arith.constant 0 : i32
          %sign3A_687 = arith.cmpi slt, %add3A_680, %sign3A_686 : i32
          %sign3A_688 = arith.extui %sign3A_687 : i1 to i32
          %sign3A_689 = arith.subi %sign3A_685, %sign3A_688 : i32
          %sign3A_690 = arith.constant 0 : i32
          %sign3A_691 = arith.cmpi sgt, %jit3A_681, %sign3A_690 : i32
          %sign3A_692 = arith.extui %sign3A_691 : i1 to i32
          %sign3A_693 = arith.constant 0 : i32
          %sign3A_694 = arith.cmpi slt, %jit3A_681, %sign3A_693 : i32
          %sign3A_695 = arith.extui %sign3A_694 : i1 to i32
          %sign3A_696 = arith.subi %sign3A_692, %sign3A_695 : i32
          %ne3A_697 = arith.cmpi ne, %sign3A_689, %sign3A_696 : i32
          %rem3A_698 = arith.remsi %add3A_680, %jit3A_681 : i32
          %ne3A_699 = arith.constant 0 : i32
          %ne3A_700 = arith.cmpi ne, %rem3A_698, %ne3A_699 : i32
          %and3A_701 = arith.andi %ne3A_697, %ne3A_700 : i1
          %sub3A_702 = arith.constant 1 : i32
          %sub3A_703 = arith.subi %div3A_682, %sub3A_702 : i32
          %select_n3A_704 = arith.select %and3A_701, %sub3A_703, %div3A_682 : i32
          %add3A_705 = arith.addi %multiple_of3A_31, %select_n3A_704 : i32
          %jit3A_706 = arith.constant 2 : i32
          %eq3A_707 = arith.constant 0 : i32
          %eq3A_708 = arith.cmpi eq, %jit3A_706, %eq3A_707 : i32
          %jit3A_709 = arith.constant 1 : i32
          %select_n3A_710 = arith.select %eq3A_708, %jit3A_709, %jit3A_706 : i32
          %rem3A_711 = arith.remsi %add3A_680, %select_n3A_710 : i32
          %ne3A_712 = arith.constant 0 : i32
          %ne3A_713 = arith.cmpi ne, %rem3A_711, %ne3A_712 : i32
          %lt3A_714 = arith.constant 0 : i32
          %lt3A_715 = arith.cmpi slt, %rem3A_711, %lt3A_714 : i32
          %lt3A_716 = arith.constant 0 : i32
          %lt3A_717 = arith.cmpi slt, %select_n3A_710, %lt3A_716 : i32
          %ne3A_718 = arith.xori %lt3A_715, %lt3A_717 : i1
          %and3A_719 = arith.andi %ne3A_718, %ne3A_713 : i1
          %add3A_720 = arith.addi %rem3A_711, %select_n3A_710 : i32
          %select_n3A_721 = arith.select %and3A_719, %add3A_720, %rem3A_711 : i32
          %mul3A_722 = arith.constant 64 : i32
          %mul3A_723 = arith.muli %select_n3A_721, %mul3A_722 : i32
          %multiple_of3A_724 = tpu.assume_multiple %mul3A_723, 8 : i32
          %dma_start3A_725 = arith.constant 0 : i32
          %dma_start3A_726 = arith.constant 0 : i32
          %dma_start3A_727 = tpu.memref_slice %arg10[%dma_start3A_725, %dma_start3A_726] : memref<4x64xi32, #tpu.memory_space<vmem>> -> memref<1x64xi32, #tpu.memory_space<vmem>>
          %dma_start3A_728 = tpu.memref_squeeze %dma_start3A_727 : memref<1x64xi32, #tpu.memory_space<vmem>> -> memref<64xi32, #tpu.memory_space<vmem>>
          %dma_start3A_729 = tpu.memref_slice %arg4[%add3A_705, %multiple_of3A_724] : memref<2560x128xi32, #tpu.memory_space<hbm>> -> memref<1x64xi32, #tpu.memory_space<hbm>>
          %dma_start3A_730 = tpu.memref_squeeze %dma_start3A_729 : memref<1x64xi32, #tpu.memory_space<hbm>> -> memref<64xi32, #tpu.memory_space<hbm>>
          %dma_start3A_731 = arith.constant 0 : i32
          %dma_start3A_732 = tpu.memref_slice %arg10[%dma_start3A_725, %dma_start3A_731] : memref<4x64xi32, #tpu.memory_space<vmem>> -> memref<1x64xi32, #tpu.memory_space<vmem>>
          %dma_start3A_733 = tpu.memref_squeeze %dma_start3A_732 : memref<1x64xi32, #tpu.memory_space<vmem>> -> memref<64xi32, #tpu.memory_space<vmem>>
          %dma_start3A_734 = tpu.memref_slice %arg4[%add3A_705, %multiple_of3A_724] : memref<2560x128xi32, #tpu.memory_space<hbm>> -> memref<1x64xi32, #tpu.memory_space<hbm>>
          %dma_start3A_735 = tpu.memref_squeeze %dma_start3A_734 : memref<1x64xi32, #tpu.memory_space<hbm>> -> memref<64xi32, #tpu.memory_space<hbm>>
          tpu.enqueue_dma source(%dma_start3A_735 : memref<64xi32, #tpu.memory_space<hbm>>) target(%dma_start3A_733 : memref<64xi32, #tpu.memory_space<vmem>>) target_semaphore(%arg15 : memref<!tpu.dma_semaphore, #tpu.memory_space<semaphore_mem>>)
        } else {
        }
        %mul3A_261 = arith.constant 4 : i32
        %mul3A_262 = arith.muli %scan3A_148, %mul3A_261 : i32
        %add3A_263 = arith.constant 1 : i32
        %add3A_264 = arith.addi %mul3A_262, %add3A_263 : i32
        %jit3A_265 = arith.constant 2 : i32
        %div3A_266 = arith.divsi %add3A_264, %jit3A_265 : i32
        %sign3A_267 = arith.constant 0 : i32
        %sign3A_268 = arith.cmpi sgt, %add3A_264, %sign3A_267 : i32
        %sign3A_269 = arith.extui %sign3A_268 : i1 to i32
        %sign3A_270 = arith.constant 0 : i32
        %sign3A_271 = arith.cmpi slt, %add3A_264, %sign3A_270 : i32
        %sign3A_272 = arith.extui %sign3A_271 : i1 to i32
        %sign3A_273 = arith.subi %sign3A_269, %sign3A_272 : i32
        %sign3A_274 = arith.constant 0 : i32
        %sign3A_275 = arith.cmpi sgt, %jit3A_265, %sign3A_274 : i32
        %sign3A_276 = arith.extui %sign3A_275 : i1 to i32
        %sign3A_277 = arith.constant 0 : i32
        %sign3A_278 = arith.cmpi slt, %jit3A_265, %sign3A_277 : i32
        %sign3A_279 = arith.extui %sign3A_278 : i1 to i32
        %sign3A_280 = arith.subi %sign3A_276, %sign3A_279 : i32
        %ne3A_281 = arith.cmpi ne, %sign3A_273, %sign3A_280 : i32
        %rem3A_282 = arith.remsi %add3A_264, %jit3A_265 : i32
        %ne3A_283 = arith.constant 0 : i32
        %ne3A_284 = arith.cmpi ne, %rem3A_282, %ne3A_283 : i32
        %and3A_285 = arith.andi %ne3A_281, %ne3A_284 : i1
        %sub3A_286 = arith.constant 1 : i32
        %sub3A_287 = arith.subi %div3A_266, %sub3A_286 : i32
        %select_n3A_288 = arith.select %and3A_285, %sub3A_287, %div3A_266 : i32
        %jit3A_289 = arith.constant 2 : i32
        %eq3A_290 = arith.constant 0 : i32
        %eq3A_291 = arith.cmpi eq, %jit3A_289, %eq3A_290 : i32
        %jit3A_292 = arith.constant 1 : i32
        %select_n3A_293 = arith.select %eq3A_291, %jit3A_292, %jit3A_289 : i32
        %rem3A_294 = arith.remsi %add3A_264, %select_n3A_293 : i32
        %ne3A_295 = arith.constant 0 : i32
        %ne3A_296 = arith.cmpi ne, %rem3A_294, %ne3A_295 : i32
        %lt3A_297 = arith.constant 0 : i32
        %lt3A_298 = arith.cmpi slt, %rem3A_294, %lt3A_297 : i32
        %lt3A_299 = arith.constant 0 : i32
        %lt3A_300 = arith.cmpi slt, %select_n3A_293, %lt3A_299 : i32
        %ne3A_301 = arith.xori %lt3A_298, %lt3A_300 : i1
        %and3A_302 = arith.andi %ne3A_301, %ne3A_296 : i1
        %add3A_303 = arith.addi %rem3A_294, %select_n3A_293 : i32
        %select_n3A_304 = arith.select %and3A_302, %add3A_303, %rem3A_294 : i32
        %mul3A_305 = arith.constant 64 : i32
        %mul3A_306 = arith.muli %select_n3A_304, %mul3A_305 : i32
        %multiple_of3A_307 = tpu.assume_multiple %mul3A_306, 8 : i32
        %dma_wait3A_308 = arith.constant 1 : i32
        %dma_wait3A_309 = arith.constant 0 : i32
        %dma_wait3A_310 = arith.constant 0 : i32
        %dma_wait3A_311 = tpu.memref_slice %arg8[%dma_wait3A_308, %dma_wait3A_309, %dma_wait3A_310] : memref<4x64x128xf32, #tpu.memory_space<vmem>> -> memref<1x64x128xf32, #tpu.memory_space<vmem>>
        %dma_wait3A_312 = tpu.memref_squeeze %dma_wait3A_311 : memref<1x64x128xf32, #tpu.memory_space<vmem>> -> memref<64x128xf32, #tpu.memory_space<vmem>>
        %dma_wait3A_313 = tpu.memref_slice %arg9[%select_n3A_288, %multiple_of3A_307] : memref<80x128xi32, #tpu.memory_space<vmem>> -> memref<1x64xi32, #tpu.memory_space<vmem>>
        %dma_wait3A_314 = tpu.memref_squeeze %dma_wait3A_313 : memref<1x64xi32, #tpu.memory_space<vmem>> -> memref<64xi32, #tpu.memory_space<vmem>>
        %dma_wait3A_315 = arith.constant 0 : i32
        %dma_wait3A_316 = arith.constant 0 : i32
        %dma_wait3A_317 = tpu.memref_slice %arg2[%dma_wait3A_315, %dma_wait3A_316] : memref<10000x128xf32, #tpu.memory_space<hbm>> -> memref<10000x128xf32, #tpu.memory_space<hbm>>
        tpu.wait_indirect_dma semaphore(%arg12 : memref<!tpu.dma_semaphore, #tpu.memory_space<semaphore_mem>>) src(%dma_wait3A_317 : memref<10000x128xf32, #tpu.memory_space<hbm>>) dst(%dma_wait3A_312 : memref<64x128xf32, #tpu.memory_space<vmem>>)
        %jit3A_318 = arith.constant 2 : i32
        %div3A_319 = arith.divsi %add3A_264, %jit3A_318 : i32
        %sign3A_320 = arith.constant 0 : i32
        %sign3A_321 = arith.cmpi sgt, %add3A_264, %sign3A_320 : i32
        %sign3A_322 = arith.extui %sign3A_321 : i1 to i32
        %sign3A_323 = arith.constant 0 : i32
        %sign3A_324 = arith.cmpi slt, %add3A_264, %sign3A_323 : i32
        %sign3A_325 = arith.extui %sign3A_324 : i1 to i32
        %sign3A_326 = arith.subi %sign3A_322, %sign3A_325 : i32
        %sign3A_327 = arith.constant 0 : i32
        %sign3A_328 = arith.cmpi sgt, %jit3A_318, %sign3A_327 : i32
        %sign3A_329 = arith.extui %sign3A_328 : i1 to i32
        %sign3A_330 = arith.constant 0 : i32
        %sign3A_331 = arith.cmpi slt, %jit3A_318, %sign3A_330 : i32
        %sign3A_332 = arith.extui %sign3A_331 : i1 to i32
        %sign3A_333 = arith.subi %sign3A_329, %sign3A_332 : i32
        %ne3A_334 = arith.cmpi ne, %sign3A_326, %sign3A_333 : i32
        %rem3A_335 = arith.remsi %add3A_264, %jit3A_318 : i32
        %ne3A_336 = arith.constant 0 : i32
        %ne3A_337 = arith.cmpi ne, %rem3A_335, %ne3A_336 : i32
        %and3A_338 = arith.andi %ne3A_334, %ne3A_337 : i1
        %sub3A_339 = arith.constant 1 : i32
        %sub3A_340 = arith.subi %div3A_319, %sub3A_339 : i32
        %select_n3A_341 = arith.select %and3A_338, %sub3A_340, %div3A_319 : i32
        %add3A_342 = arith.addi %multiple_of3A_31, %select_n3A_341 : i32
        %jit3A_343 = arith.constant 2 : i32
        %eq3A_344 = arith.constant 0 : i32
        %eq3A_345 = arith.cmpi eq, %jit3A_343, %eq3A_344 : i32
        %jit3A_346 = arith.constant 1 : i32
        %select_n3A_347 = arith.select %eq3A_345, %jit3A_346, %jit3A_343 : i32
        %rem3A_348 = arith.remsi %add3A_264, %select_n3A_347 : i32
        %ne3A_349 = arith.constant 0 : i32
        %ne3A_350 = arith.cmpi ne, %rem3A_348, %ne3A_349 : i32
        %lt3A_351 = arith.constant 0 : i32
        %lt3A_352 = arith.cmpi slt, %rem3A_348, %lt3A_351 : i32
        %lt3A_353 = arith.constant 0 : i32
        %lt3A_354 = arith.cmpi slt, %select_n3A_347, %lt3A_353 : i32
        %ne3A_355 = arith.xori %lt3A_352, %lt3A_354 : i1
        %and3A_356 = arith.andi %ne3A_355, %ne3A_350 : i1
        %add3A_357 = arith.addi %rem3A_348, %select_n3A_347 : i32
        %select_n3A_358 = arith.select %and3A_356, %add3A_357, %rem3A_348 : i32
        %mul3A_359 = arith.constant 64 : i32
        %mul3A_360 = arith.muli %select_n3A_358, %mul3A_359 : i32
        %multiple_of3A_361 = tpu.assume_multiple %mul3A_360, 8 : i32
        %dma_wait3A_362 = arith.constant 1 : i32
        %dma_wait3A_363 = arith.constant 0 : i32
        %dma_wait3A_364 = tpu.memref_slice %arg10[%dma_wait3A_362, %dma_wait3A_363] : memref<4x64xi32, #tpu.memory_space<vmem>> -> memref<1x64xi32, #tpu.memory_space<vmem>>
        %dma_wait3A_365 = tpu.memref_squeeze %dma_wait3A_364 : memref<1x64xi32, #tpu.memory_space<vmem>> -> memref<64xi32, #tpu.memory_space<vmem>>
        %dma_wait3A_366 = tpu.memref_slice %arg4[%add3A_342, %multiple_of3A_361] : memref<2560x128xi32, #tpu.memory_space<hbm>> -> memref<1x64xi32, #tpu.memory_space<hbm>>
        %dma_wait3A_367 = tpu.memref_squeeze %dma_wait3A_366 : memref<1x64xi32, #tpu.memory_space<hbm>> -> memref<64xi32, #tpu.memory_space<hbm>>
        %dma_wait3A_368 = arith.constant 0 : i32
        %dma_wait3A_369 = tpu.memref_slice %arg10[%dma_wait3A_362, %dma_wait3A_368] : memref<4x64xi32, #tpu.memory_space<vmem>> -> memref<1x64xi32, #tpu.memory_space<vmem>>
        %dma_wait3A_370 = tpu.memref_squeeze %dma_wait3A_369 : memref<1x64xi32, #tpu.memory_space<vmem>> -> memref<64xi32, #tpu.memory_space<vmem>>
        %dma_wait3A_371 = tpu.memref_slice %arg4[%add3A_342, %multiple_of3A_361] : memref<2560x128xi32, #tpu.memory_space<hbm>> -> memref<1x64xi32, #tpu.memory_space<hbm>>
        %dma_wait3A_372 = tpu.memref_squeeze %dma_wait3A_371 : memref<1x64xi32, #tpu.memory_space<hbm>> -> memref<64xi32, #tpu.memory_space<hbm>>
        tpu.wait_dma2 semaphore(%arg16 : memref<!tpu.dma_semaphore, #tpu.memory_space<semaphore_mem>>) src(%dma_wait3A_372 : memref<64xi32, #tpu.memory_space<hbm>>) dst(%dma_wait3A_370 : memref<64xi32, #tpu.memory_space<vmem>>)
        %run_scoped3A_373 = arith.constant 1 : i32
        %run_scoped3A_374 = arith.constant 1 : i32
        "tpu.region"() ({
          %run_scoped3A_624 = tpu.sem_alloc : memref<!tpu.dma_semaphore, #tpu.memory_space<semaphore_mem>>
          %dma_start3A_625 = arith.constant 0 : i32
          %dma_start3A_626 = arith.constant 0 : i32
          %dma_start3A_627 = tpu.memref_slice %arg8[%run_scoped3A_373, %dma_start3A_625, %dma_start3A_626] : memref<4x64x128xf32, #tpu.memory_space<vmem>> -> memref<1x64x128xf32, #tpu.memory_space<vmem>>
          %dma_start3A_628 = tpu.memref_squeeze %dma_start3A_627 : memref<1x64x128xf32, #tpu.memory_space<vmem>> -> memref<64x128xf32, #tpu.memory_space<vmem>>
          %dma_start3A_629 = arith.constant 0 : i32
          %dma_start3A_630 = tpu.memref_slice %arg10[%run_scoped3A_374, %dma_start3A_629] : memref<4x64xi32, #tpu.memory_space<vmem>> -> memref<1x64xi32, #tpu.memory_space<vmem>>
          %dma_start3A_631 = tpu.memref_squeeze %dma_start3A_630 : memref<1x64xi32, #tpu.memory_space<vmem>> -> memref<64xi32, #tpu.memory_space<vmem>>
          %dma_start3A_632 = arith.constant 0 : i32
          %dma_start3A_633 = arith.constant 0 : i32
          %dma_start3A_634 = tpu.memref_slice %arg7[%dma_start3A_632, %dma_start3A_633] : memref<10112x128xf32, #tpu.memory_space<vmem_shared>> -> memref<10112x128xf32, #tpu.memory_space<vmem_shared>>
          tpu.enqueue_indirect_dma source(%dma_start3A_628 : memref<64x128xf32, #tpu.memory_space<vmem>>) target(%dma_start3A_634 : memref<10112x128xf32, #tpu.memory_space<vmem_shared>>) offsets(%dma_start3A_631 : memref<64xi32, #tpu.memory_space<vmem>>) semaphore(%run_scoped3A_624 : memref<!tpu.dma_semaphore, #tpu.memory_space<semaphore_mem>>) {add = true}
          %dma_wait3A_635 = arith.constant 0 : i32
          %dma_wait3A_636 = arith.constant 0 : i32
          %dma_wait3A_637 = tpu.memref_slice %arg8[%run_scoped3A_373, %dma_wait3A_635, %dma_wait3A_636] : memref<4x64x128xf32, #tpu.memory_space<vmem>> -> memref<1x64x128xf32, #tpu.memory_space<vmem>>
          %dma_wait3A_638 = tpu.memref_squeeze %dma_wait3A_637 : memref<1x64x128xf32, #tpu.memory_space<vmem>> -> memref<64x128xf32, #tpu.memory_space<vmem>>
          %dma_wait3A_639 = arith.constant 0 : i32
          %dma_wait3A_640 = tpu.memref_slice %arg10[%run_scoped3A_374, %dma_wait3A_639] : memref<4x64xi32, #tpu.memory_space<vmem>> -> memref<1x64xi32, #tpu.memory_space<vmem>>
          %dma_wait3A_641 = tpu.memref_squeeze %dma_wait3A_640 : memref<1x64xi32, #tpu.memory_space<vmem>> -> memref<64xi32, #tpu.memory_space<vmem>>
          %dma_wait3A_642 = arith.constant 0 : i32
          %dma_wait3A_643 = arith.constant 0 : i32
          %dma_wait3A_644 = tpu.memref_slice %arg7[%dma_wait3A_642, %dma_wait3A_643] : memref<10112x128xf32, #tpu.memory_space<vmem_shared>> -> memref<10112x128xf32, #tpu.memory_space<vmem_shared>>
          tpu.wait_indirect_dma semaphore(%run_scoped3A_624 : memref<!tpu.dma_semaphore, #tpu.memory_space<semaphore_mem>>) src(%dma_wait3A_638 : memref<64x128xf32, #tpu.memory_space<vmem>>) dst(%dma_wait3A_644 : memref<10112x128xf32, #tpu.memory_space<vmem_shared>>)
          tpu.yield
        }) : () -> ()
        %add3A_375 = arith.constant 4 : i32
        %add3A_376 = arith.addi %add3A_264, %add3A_375 : i32
        %lt3A_377 = arith.constant 160 : i32
        %lt3A_378 = arith.cmpi slt, %add3A_376, %lt3A_377 : i32
        %convert_element_type3A_379 = arith.extui %lt3A_378 : i1 to i32
        %cond3A_380 = arith.constant 0 : i32
        %cond3A_381 = arith.cmpi ne, %convert_element_type3A_379, %cond3A_380 : i32
        scf.if %cond3A_381 {
          %add3A_624 = arith.constant 4 : i32
          %add3A_625 = arith.addi %add3A_264, %add3A_624 : i32
          %jit3A_626 = arith.constant 2 : i32
          %div3A_627 = arith.divsi %add3A_625, %jit3A_626 : i32
          %sign3A_628 = arith.constant 0 : i32
          %sign3A_629 = arith.cmpi sgt, %add3A_625, %sign3A_628 : i32
          %sign3A_630 = arith.extui %sign3A_629 : i1 to i32
          %sign3A_631 = arith.constant 0 : i32
          %sign3A_632 = arith.cmpi slt, %add3A_625, %sign3A_631 : i32
          %sign3A_633 = arith.extui %sign3A_632 : i1 to i32
          %sign3A_634 = arith.subi %sign3A_630, %sign3A_633 : i32
          %sign3A_635 = arith.constant 0 : i32
          %sign3A_636 = arith.cmpi sgt, %jit3A_626, %sign3A_635 : i32
          %sign3A_637 = arith.extui %sign3A_636 : i1 to i32
          %sign3A_638 = arith.constant 0 : i32
          %sign3A_639 = arith.cmpi slt, %jit3A_626, %sign3A_638 : i32
          %sign3A_640 = arith.extui %sign3A_639 : i1 to i32
          %sign3A_641 = arith.subi %sign3A_637, %sign3A_640 : i32
          %ne3A_642 = arith.cmpi ne, %sign3A_634, %sign3A_641 : i32
          %rem3A_643 = arith.remsi %add3A_625, %jit3A_626 : i32
          %ne3A_644 = arith.constant 0 : i32
          %ne3A_645 = arith.cmpi ne, %rem3A_643, %ne3A_644 : i32
          %and3A_646 = arith.andi %ne3A_642, %ne3A_645 : i1
          %sub3A_647 = arith.constant 1 : i32
          %sub3A_648 = arith.subi %div3A_627, %sub3A_647 : i32
          %select_n3A_649 = arith.select %and3A_646, %sub3A_648, %div3A_627 : i32
          %jit3A_650 = arith.constant 2 : i32
          %eq3A_651 = arith.constant 0 : i32
          %eq3A_652 = arith.cmpi eq, %jit3A_650, %eq3A_651 : i32
          %jit3A_653 = arith.constant 1 : i32
          %select_n3A_654 = arith.select %eq3A_652, %jit3A_653, %jit3A_650 : i32
          %rem3A_655 = arith.remsi %add3A_625, %select_n3A_654 : i32
          %ne3A_656 = arith.constant 0 : i32
          %ne3A_657 = arith.cmpi ne, %rem3A_655, %ne3A_656 : i32
          %lt3A_658 = arith.constant 0 : i32
          %lt3A_659 = arith.cmpi slt, %rem3A_655, %lt3A_658 : i32
          %lt3A_660 = arith.constant 0 : i32
          %lt3A_661 = arith.cmpi slt, %select_n3A_654, %lt3A_660 : i32
          %ne3A_662 = arith.xori %lt3A_659, %lt3A_661 : i1
          %and3A_663 = arith.andi %ne3A_662, %ne3A_657 : i1
          %add3A_664 = arith.addi %rem3A_655, %select_n3A_654 : i32
          %select_n3A_665 = arith.select %and3A_663, %add3A_664, %rem3A_655 : i32
          %mul3A_666 = arith.constant 64 : i32
          %mul3A_667 = arith.muli %select_n3A_665, %mul3A_666 : i32
          %multiple_of3A_668 = tpu.assume_multiple %mul3A_667, 8 : i32
          %dma_start3A_669 = arith.constant 1 : i32
          %dma_start3A_670 = arith.constant 0 : i32
          %dma_start3A_671 = arith.constant 0 : i32
          %dma_start3A_672 = tpu.memref_slice %arg8[%dma_start3A_669, %dma_start3A_670, %dma_start3A_671] : memref<4x64x128xf32, #tpu.memory_space<vmem>> -> memref<1x64x128xf32, #tpu.memory_space<vmem>>
          %dma_start3A_673 = tpu.memref_squeeze %dma_start3A_672 : memref<1x64x128xf32, #tpu.memory_space<vmem>> -> memref<64x128xf32, #tpu.memory_space<vmem>>
          %dma_start3A_674 = tpu.memref_slice %arg9[%select_n3A_649, %multiple_of3A_668] : memref<80x128xi32, #tpu.memory_space<vmem>> -> memref<1x64xi32, #tpu.memory_space<vmem>>
          %dma_start3A_675 = tpu.memref_squeeze %dma_start3A_674 : memref<1x64xi32, #tpu.memory_space<vmem>> -> memref<64xi32, #tpu.memory_space<vmem>>
          %dma_start3A_676 = arith.constant 0 : i32
          %dma_start3A_677 = arith.constant 0 : i32
          %dma_start3A_678 = tpu.memref_slice %arg2[%dma_start3A_676, %dma_start3A_677] : memref<10000x128xf32, #tpu.memory_space<hbm>> -> memref<10000x128xf32, #tpu.memory_space<hbm>>
          tpu.enqueue_indirect_dma source(%dma_start3A_678 : memref<10000x128xf32, #tpu.memory_space<hbm>>) target(%dma_start3A_673 : memref<64x128xf32, #tpu.memory_space<vmem>>) offsets(%dma_start3A_675 : memref<64xi32, #tpu.memory_space<vmem>>) semaphore(%arg12 : memref<!tpu.dma_semaphore, #tpu.memory_space<semaphore_mem>>)
          %add3A_679 = arith.constant 4 : i32
          %add3A_680 = arith.addi %add3A_264, %add3A_679 : i32
          %jit3A_681 = arith.constant 2 : i32
          %div3A_682 = arith.divsi %add3A_680, %jit3A_681 : i32
          %sign3A_683 = arith.constant 0 : i32
          %sign3A_684 = arith.cmpi sgt, %add3A_680, %sign3A_683 : i32
          %sign3A_685 = arith.extui %sign3A_684 : i1 to i32
          %sign3A_686 = arith.constant 0 : i32
          %sign3A_687 = arith.cmpi slt, %add3A_680, %sign3A_686 : i32
          %sign3A_688 = arith.extui %sign3A_687 : i1 to i32
          %sign3A_689 = arith.subi %sign3A_685, %sign3A_688 : i32
          %sign3A_690 = arith.constant 0 : i32
          %sign3A_691 = arith.cmpi sgt, %jit3A_681, %sign3A_690 : i32
          %sign3A_692 = arith.extui %sign3A_691 : i1 to i32
          %sign3A_693 = arith.constant 0 : i32
          %sign3A_694 = arith.cmpi slt, %jit3A_681, %sign3A_693 : i32
          %sign3A_695 = arith.extui %sign3A_694 : i1 to i32
          %sign3A_696 = arith.subi %sign3A_692, %sign3A_695 : i32
          %ne3A_697 = arith.cmpi ne, %sign3A_689, %sign3A_696 : i32
          %rem3A_698 = arith.remsi %add3A_680, %jit3A_681 : i32
          %ne3A_699 = arith.constant 0 : i32
          %ne3A_700 = arith.cmpi ne, %rem3A_698, %ne3A_699 : i32
          %and3A_701 = arith.andi %ne3A_697, %ne3A_700 : i1
          %sub3A_702 = arith.constant 1 : i32
          %sub3A_703 = arith.subi %div3A_682, %sub3A_702 : i32
          %select_n3A_704 = arith.select %and3A_701, %sub3A_703, %div3A_682 : i32
          %add3A_705 = arith.addi %multiple_of3A_31, %select_n3A_704 : i32
          %jit3A_706 = arith.constant 2 : i32
          %eq3A_707 = arith.constant 0 : i32
          %eq3A_708 = arith.cmpi eq, %jit3A_706, %eq3A_707 : i32
          %jit3A_709 = arith.constant 1 : i32
          %select_n3A_710 = arith.select %eq3A_708, %jit3A_709, %jit3A_706 : i32
          %rem3A_711 = arith.remsi %add3A_680, %select_n3A_710 : i32
          %ne3A_712 = arith.constant 0 : i32
          %ne3A_713 = arith.cmpi ne, %rem3A_711, %ne3A_712 : i32
          %lt3A_714 = arith.constant 0 : i32
          %lt3A_715 = arith.cmpi slt, %rem3A_711, %lt3A_714 : i32
          %lt3A_716 = arith.constant 0 : i32
          %lt3A_717 = arith.cmpi slt, %select_n3A_710, %lt3A_716 : i32
          %ne3A_718 = arith.xori %lt3A_715, %lt3A_717 : i1
          %and3A_719 = arith.andi %ne3A_718, %ne3A_713 : i1
          %add3A_720 = arith.addi %rem3A_711, %select_n3A_710 : i32
          %select_n3A_721 = arith.select %and3A_719, %add3A_720, %rem3A_711 : i32
          %mul3A_722 = arith.constant 64 : i32
          %mul3A_723 = arith.muli %select_n3A_721, %mul3A_722 : i32
          %multiple_of3A_724 = tpu.assume_multiple %mul3A_723, 8 : i32
          %dma_start3A_725 = arith.constant 1 : i32
          %dma_start3A_726 = arith.constant 0 : i32
          %dma_start3A_727 = tpu.memref_slice %arg10[%dma_start3A_725, %dma_start3A_726] : memref<4x64xi32, #tpu.memory_space<vmem>> -> memref<1x64xi32, #tpu.memory_space<vmem>>
          %dma_start3A_728 = tpu.memref_squeeze %dma_start3A_727 : memref<1x64xi32, #tpu.memory_space<vmem>> -> memref<64xi32, #tpu.memory_space<vmem>>
          %dma_start3A_729 = tpu.memref_slice %arg4[%add3A_705, %multiple_of3A_724] : memref<2560x128xi32, #tpu.memory_space<hbm>> -> memref<1x64xi32, #tpu.memory_space<hbm>>
          %dma_start3A_730 = tpu.memref_squeeze %dma_start3A_729 : memref<1x64xi32, #tpu.memory_space<hbm>> -> memref<64xi32, #tpu.memory_space<hbm>>
          %dma_start3A_731 = arith.constant 0 : i32
          %dma_start3A_732 = tpu.memref_slice %arg10[%dma_start3A_725, %dma_start3A_731] : memref<4x64xi32, #tpu.memory_space<vmem>> -> memref<1x64xi32, #tpu.memory_space<vmem>>
          %dma_start3A_733 = tpu.memref_squeeze %dma_start3A_732 : memref<1x64xi32, #tpu.memory_space<vmem>> -> memref<64xi32, #tpu.memory_space<vmem>>
          %dma_start3A_734 = tpu.memref_slice %arg4[%add3A_705, %multiple_of3A_724] : memref<2560x128xi32, #tpu.memory_space<hbm>> -> memref<1x64xi32, #tpu.memory_space<hbm>>
          %dma_start3A_735 = tpu.memref_squeeze %dma_start3A_734 : memref<1x64xi32, #tpu.memory_space<hbm>> -> memref<64xi32, #tpu.memory_space<hbm>>
          tpu.enqueue_dma source(%dma_start3A_735 : memref<64xi32, #tpu.memory_space<hbm>>) target(%dma_start3A_733 : memref<64xi32, #tpu.memory_space<vmem>>) target_semaphore(%arg16 : memref<!tpu.dma_semaphore, #tpu.memory_space<semaphore_mem>>)
        } else {
        }
        %mul3A_382 = arith.constant 4 : i32
        %mul3A_383 = arith.muli %scan3A_148, %mul3A_382 : i32
        %add3A_384 = arith.constant 2 : i32
        %add3A_385 = arith.addi %mul3A_383, %add3A_384 : i32
        %jit3A_386 = arith.constant 2 : i32
        %div3A_387 = arith.divsi %add3A_385, %jit3A_386 : i32
        %sign3A_388 = arith.constant 0 : i32
        %sign3A_389 = arith.cmpi sgt, %add3A_385, %sign3A_388 : i32
        %sign3A_390 = arith.extui %sign3A_389 : i1 to i32
        %sign3A_391 = arith.constant 0 : i32
        %sign3A_392 = arith.cmpi slt, %add3A_385, %sign3A_391 : i32
        %sign3A_393 = arith.extui %sign3A_392 : i1 to i32
        %sign3A_394 = arith.subi %sign3A_390, %sign3A_393 : i32
        %sign3A_395 = arith.constant 0 : i32
        %sign3A_396 = arith.cmpi sgt, %jit3A_386, %sign3A_395 : i32
        %sign3A_397 = arith.extui %sign3A_396 : i1 to i32
        %sign3A_398 = arith.constant 0 : i32
        %sign3A_399 = arith.cmpi slt, %jit3A_386, %sign3A_398 : i32
        %sign3A_400 = arith.extui %sign3A_399 : i1 to i32
        %sign3A_401 = arith.subi %sign3A_397, %sign3A_400 : i32
        %ne3A_402 = arith.cmpi ne, %sign3A_394, %sign3A_401 : i32
        %rem3A_403 = arith.remsi %add3A_385, %jit3A_386 : i32
        %ne3A_404 = arith.constant 0 : i32
        %ne3A_405 = arith.cmpi ne, %rem3A_403, %ne3A_404 : i32
        %and3A_406 = arith.andi %ne3A_402, %ne3A_405 : i1
        %sub3A_407 = arith.constant 1 : i32
        %sub3A_408 = arith.subi %div3A_387, %sub3A_407 : i32
        %select_n3A_409 = arith.select %and3A_406, %sub3A_408, %div3A_387 : i32
        %jit3A_410 = arith.constant 2 : i32
        %eq3A_411 = arith.constant 0 : i32
        %eq3A_412 = arith.cmpi eq, %jit3A_410, %eq3A_411 : i32
        %jit3A_413 = arith.constant 1 : i32
        %select_n3A_414 = arith.select %eq3A_412, %jit3A_413, %jit3A_410 : i32
        %rem3A_415 = arith.remsi %add3A_385, %select_n3A_414 : i32
        %ne3A_416 = arith.constant 0 : i32
        %ne3A_417 = arith.cmpi ne, %rem3A_415, %ne3A_416 : i32
        %lt3A_418 = arith.constant 0 : i32
        %lt3A_419 = arith.cmpi slt, %rem3A_415, %lt3A_418 : i32
        %lt3A_420 = arith.constant 0 : i32
        %lt3A_421 = arith.cmpi slt, %select_n3A_414, %lt3A_420 : i32
        %ne3A_422 = arith.xori %lt3A_419, %lt3A_421 : i1
        %and3A_423 = arith.andi %ne3A_422, %ne3A_417 : i1
        %add3A_424 = arith.addi %rem3A_415, %select_n3A_414 : i32
        %select_n3A_425 = arith.select %and3A_423, %add3A_424, %rem3A_415 : i32
        %mul3A_426 = arith.constant 64 : i32
        %mul3A_427 = arith.muli %select_n3A_425, %mul3A_426 : i32
        %multiple_of3A_428 = tpu.assume_multiple %mul3A_427, 8 : i32
        %dma_wait3A_429 = arith.constant 2 : i32
        %dma_wait3A_430 = arith.constant 0 : i32
        %dma_wait3A_431 = arith.constant 0 : i32
        %dma_wait3A_432 = tpu.memref_slice %arg8[%dma_wait3A_429, %dma_wait3A_430, %dma_wait3A_431] : memref<4x64x128xf32, #tpu.memory_space<vmem>> -> memref<1x64x128xf32, #tpu.memory_space<vmem>>
        %dma_wait3A_433 = tpu.memref_squeeze %dma_wait3A_432 : memref<1x64x128xf32, #tpu.memory_space<vmem>> -> memref<64x128xf32, #tpu.memory_space<vmem>>
        %dma_wait3A_434 = tpu.memref_slice %arg9[%select_n3A_409, %multiple_of3A_428] : memref<80x128xi32, #tpu.memory_space<vmem>> -> memref<1x64xi32, #tpu.memory_space<vmem>>
        %dma_wait3A_435 = tpu.memref_squeeze %dma_wait3A_434 : memref<1x64xi32, #tpu.memory_space<vmem>> -> memref<64xi32, #tpu.memory_space<vmem>>
        %dma_wait3A_436 = arith.constant 0 : i32
        %dma_wait3A_437 = arith.constant 0 : i32
        %dma_wait3A_438 = tpu.memref_slice %arg2[%dma_wait3A_436, %dma_wait3A_437] : memref<10000x128xf32, #tpu.memory_space<hbm>> -> memref<10000x128xf32, #tpu.memory_space<hbm>>
        tpu.wait_indirect_dma semaphore(%arg13 : memref<!tpu.dma_semaphore, #tpu.memory_space<semaphore_mem>>) src(%dma_wait3A_438 : memref<10000x128xf32, #tpu.memory_space<hbm>>) dst(%dma_wait3A_433 : memref<64x128xf32, #tpu.memory_space<vmem>>)
        %jit3A_439 = arith.constant 2 : i32
        %div3A_440 = arith.divsi %add3A_385, %jit3A_439 : i32
        %sign3A_441 = arith.constant 0 : i32
        %sign3A_442 = arith.cmpi sgt, %add3A_385, %sign3A_441 : i32
        %sign3A_443 = arith.extui %sign3A_442 : i1 to i32
        %sign3A_444 = arith.constant 0 : i32
        %sign3A_445 = arith.cmpi slt, %add3A_385, %sign3A_444 : i32
        %sign3A_446 = arith.extui %sign3A_445 : i1 to i32
        %sign3A_447 = arith.subi %sign3A_443, %sign3A_446 : i32
        %sign3A_448 = arith.constant 0 : i32
        %sign3A_449 = arith.cmpi sgt, %jit3A_439, %sign3A_448 : i32
        %sign3A_450 = arith.extui %sign3A_449 : i1 to i32
        %sign3A_451 = arith.constant 0 : i32
        %sign3A_452 = arith.cmpi slt, %jit3A_439, %sign3A_451 : i32
        %sign3A_453 = arith.extui %sign3A_452 : i1 to i32
        %sign3A_454 = arith.subi %sign3A_450, %sign3A_453 : i32
        %ne3A_455 = arith.cmpi ne, %sign3A_447, %sign3A_454 : i32
        %rem3A_456 = arith.remsi %add3A_385, %jit3A_439 : i32
        %ne3A_457 = arith.constant 0 : i32
        %ne3A_458 = arith.cmpi ne, %rem3A_456, %ne3A_457 : i32
        %and3A_459 = arith.andi %ne3A_455, %ne3A_458 : i1
        %sub3A_460 = arith.constant 1 : i32
        %sub3A_461 = arith.subi %div3A_440, %sub3A_460 : i32
        %select_n3A_462 = arith.select %and3A_459, %sub3A_461, %div3A_440 : i32
        %add3A_463 = arith.addi %multiple_of3A_31, %select_n3A_462 : i32
        %jit3A_464 = arith.constant 2 : i32
        %eq3A_465 = arith.constant 0 : i32
        %eq3A_466 = arith.cmpi eq, %jit3A_464, %eq3A_465 : i32
        %jit3A_467 = arith.constant 1 : i32
        %select_n3A_468 = arith.select %eq3A_466, %jit3A_467, %jit3A_464 : i32
        %rem3A_469 = arith.remsi %add3A_385, %select_n3A_468 : i32
        %ne3A_470 = arith.constant 0 : i32
        %ne3A_471 = arith.cmpi ne, %rem3A_469, %ne3A_470 : i32
        %lt3A_472 = arith.constant 0 : i32
        %lt3A_473 = arith.cmpi slt, %rem3A_469, %lt3A_472 : i32
        %lt3A_474 = arith.constant 0 : i32
        %lt3A_475 = arith.cmpi slt, %select_n3A_468, %lt3A_474 : i32
        %ne3A_476 = arith.xori %lt3A_473, %lt3A_475 : i1
        %and3A_477 = arith.andi %ne3A_476, %ne3A_471 : i1
        %add3A_478 = arith.addi %rem3A_469, %select_n3A_468 : i32
        %select_n3A_479 = arith.select %and3A_477, %add3A_478, %rem3A_469 : i32
        %mul3A_480 = arith.constant 64 : i32
        %mul3A_481 = arith.muli %select_n3A_479, %mul3A_480 : i32
        %multiple_of3A_482 = tpu.assume_multiple %mul3A_481, 8 : i32
        %dma_wait3A_483 = arith.constant 2 : i32
        %dma_wait3A_484 = arith.constant 0 : i32
        %dma_wait3A_485 = tpu.memref_slice %arg10[%dma_wait3A_483, %dma_wait3A_484] : memref<4x64xi32, #tpu.memory_space<vmem>> -> memref<1x64xi32, #tpu.memory_space<vmem>>
        %dma_wait3A_486 = tpu.memref_squeeze %dma_wait3A_485 : memref<1x64xi32, #tpu.memory_space<vmem>> -> memref<64xi32, #tpu.memory_space<vmem>>
        %dma_wait3A_487 = tpu.memref_slice %arg4[%add3A_463, %multiple_of3A_482] : memref<2560x128xi32, #tpu.memory_space<hbm>> -> memref<1x64xi32, #tpu.memory_space<hbm>>
        %dma_wait3A_488 = tpu.memref_squeeze %dma_wait3A_487 : memref<1x64xi32, #tpu.memory_space<hbm>> -> memref<64xi32, #tpu.memory_space<hbm>>
        %dma_wait3A_489 = arith.constant 0 : i32
        %dma_wait3A_490 = tpu.memref_slice %arg10[%dma_wait3A_483, %dma_wait3A_489] : memref<4x64xi32, #tpu.memory_space<vmem>> -> memref<1x64xi32, #tpu.memory_space<vmem>>
        %dma_wait3A_491 = tpu.memref_squeeze %dma_wait3A_490 : memref<1x64xi32, #tpu.memory_space<vmem>> -> memref<64xi32, #tpu.memory_space<vmem>>
        %dma_wait3A_492 = tpu.memref_slice %arg4[%add3A_463, %multiple_of3A_482] : memref<2560x128xi32, #tpu.memory_space<hbm>> -> memref<1x64xi32, #tpu.memory_space<hbm>>
        %dma_wait3A_493 = tpu.memref_squeeze %dma_wait3A_492 : memref<1x64xi32, #tpu.memory_space<hbm>> -> memref<64xi32, #tpu.memory_space<hbm>>
        tpu.wait_dma2 semaphore(%arg17 : memref<!tpu.dma_semaphore, #tpu.memory_space<semaphore_mem>>) src(%dma_wait3A_493 : memref<64xi32, #tpu.memory_space<hbm>>) dst(%dma_wait3A_491 : memref<64xi32, #tpu.memory_space<vmem>>)
        %run_scoped3A_494 = arith.constant 2 : i32
        %run_scoped3A_495 = arith.constant 2 : i32
        "tpu.region"() ({
          %run_scoped3A_624 = tpu.sem_alloc : memref<!tpu.dma_semaphore, #tpu.memory_space<semaphore_mem>>
          %dma_start3A_625 = arith.constant 0 : i32
          %dma_start3A_626 = arith.constant 0 : i32
          %dma_start3A_627 = tpu.memref_slice %arg8[%run_scoped3A_494, %dma_start3A_625, %dma_start3A_626] : memref<4x64x128xf32, #tpu.memory_space<vmem>> -> memref<1x64x128xf32, #tpu.memory_space<vmem>>
          %dma_start3A_628 = tpu.memref_squeeze %dma_start3A_627 : memref<1x64x128xf32, #tpu.memory_space<vmem>> -> memref<64x128xf32, #tpu.memory_space<vmem>>
          %dma_start3A_629 = arith.constant 0 : i32
          %dma_start3A_630 = tpu.memref_slice %arg10[%run_scoped3A_495, %dma_start3A_629] : memref<4x64xi32, #tpu.memory_space<vmem>> -> memref<1x64xi32, #tpu.memory_space<vmem>>
          %dma_start3A_631 = tpu.memref_squeeze %dma_start3A_630 : memref<1x64xi32, #tpu.memory_space<vmem>> -> memref<64xi32, #tpu.memory_space<vmem>>
          %dma_start3A_632 = arith.constant 0 : i32
          %dma_start3A_633 = arith.constant 0 : i32
          %dma_start3A_634 = tpu.memref_slice %arg7[%dma_start3A_632, %dma_start3A_633] : memref<10112x128xf32, #tpu.memory_space<vmem_shared>> -> memref<10112x128xf32, #tpu.memory_space<vmem_shared>>
          tpu.enqueue_indirect_dma source(%dma_start3A_628 : memref<64x128xf32, #tpu.memory_space<vmem>>) target(%dma_start3A_634 : memref<10112x128xf32, #tpu.memory_space<vmem_shared>>) offsets(%dma_start3A_631 : memref<64xi32, #tpu.memory_space<vmem>>) semaphore(%run_scoped3A_624 : memref<!tpu.dma_semaphore, #tpu.memory_space<semaphore_mem>>) {add = true}
          %dma_wait3A_635 = arith.constant 0 : i32
          %dma_wait3A_636 = arith.constant 0 : i32
          %dma_wait3A_637 = tpu.memref_slice %arg8[%run_scoped3A_494, %dma_wait3A_635, %dma_wait3A_636] : memref<4x64x128xf32, #tpu.memory_space<vmem>> -> memref<1x64x128xf32, #tpu.memory_space<vmem>>
          %dma_wait3A_638 = tpu.memref_squeeze %dma_wait3A_637 : memref<1x64x128xf32, #tpu.memory_space<vmem>> -> memref<64x128xf32, #tpu.memory_space<vmem>>
          %dma_wait3A_639 = arith.constant 0 : i32
          %dma_wait3A_640 = tpu.memref_slice %arg10[%run_scoped3A_495, %dma_wait3A_639] : memref<4x64xi32, #tpu.memory_space<vmem>> -> memref<1x64xi32, #tpu.memory_space<vmem>>
          %dma_wait3A_641 = tpu.memref_squeeze %dma_wait3A_640 : memref<1x64xi32, #tpu.memory_space<vmem>> -> memref<64xi32, #tpu.memory_space<vmem>>
          %dma_wait3A_642 = arith.constant 0 : i32
          %dma_wait3A_643 = arith.constant 0 : i32
          %dma_wait3A_644 = tpu.memref_slice %arg7[%dma_wait3A_642, %dma_wait3A_643] : memref<10112x128xf32, #tpu.memory_space<vmem_shared>> -> memref<10112x128xf32, #tpu.memory_space<vmem_shared>>
          tpu.wait_indirect_dma semaphore(%run_scoped3A_624 : memref<!tpu.dma_semaphore, #tpu.memory_space<semaphore_mem>>) src(%dma_wait3A_638 : memref<64x128xf32, #tpu.memory_space<vmem>>) dst(%dma_wait3A_644 : memref<10112x128xf32, #tpu.memory_space<vmem_shared>>)
          tpu.yield
        }) : () -> ()
        %add3A_496 = arith.constant 4 : i32
        %add3A_497 = arith.addi %add3A_385, %add3A_496 : i32
        %lt3A_498 = arith.constant 160 : i32
        %lt3A_499 = arith.cmpi slt, %add3A_497, %lt3A_498 : i32
        %convert_element_type3A_500 = arith.extui %lt3A_499 : i1 to i32
        %cond3A_501 = arith.constant 0 : i32
        %cond3A_502 = arith.cmpi ne, %convert_element_type3A_500, %cond3A_501 : i32
        scf.if %cond3A_502 {
          %add3A_624 = arith.constant 4 : i32
          %add3A_625 = arith.addi %add3A_385, %add3A_624 : i32
          %jit3A_626 = arith.constant 2 : i32
          %div3A_627 = arith.divsi %add3A_625, %jit3A_626 : i32
          %sign3A_628 = arith.constant 0 : i32
          %sign3A_629 = arith.cmpi sgt, %add3A_625, %sign3A_628 : i32
          %sign3A_630 = arith.extui %sign3A_629 : i1 to i32
          %sign3A_631 = arith.constant 0 : i32
          %sign3A_632 = arith.cmpi slt, %add3A_625, %sign3A_631 : i32
          %sign3A_633 = arith.extui %sign3A_632 : i1 to i32
          %sign3A_634 = arith.subi %sign3A_630, %sign3A_633 : i32
          %sign3A_635 = arith.constant 0 : i32
          %sign3A_636 = arith.cmpi sgt, %jit3A_626, %sign3A_635 : i32
          %sign3A_637 = arith.extui %sign3A_636 : i1 to i32
          %sign3A_638 = arith.constant 0 : i32
          %sign3A_639 = arith.cmpi slt, %jit3A_626, %sign3A_638 : i32
          %sign3A_640 = arith.extui %sign3A_639 : i1 to i32
          %sign3A_641 = arith.subi %sign3A_637, %sign3A_640 : i32
          %ne3A_642 = arith.cmpi ne, %sign3A_634, %sign3A_641 : i32
          %rem3A_643 = arith.remsi %add3A_625, %jit3A_626 : i32
          %ne3A_644 = arith.constant 0 : i32
          %ne3A_645 = arith.cmpi ne, %rem3A_643, %ne3A_644 : i32
          %and3A_646 = arith.andi %ne3A_642, %ne3A_645 : i1
          %sub3A_647 = arith.constant 1 : i32
          %sub3A_648 = arith.subi %div3A_627, %sub3A_647 : i32
          %select_n3A_649 = arith.select %and3A_646, %sub3A_648, %div3A_627 : i32
          %jit3A_650 = arith.constant 2 : i32
          %eq3A_651 = arith.constant 0 : i32
          %eq3A_652 = arith.cmpi eq, %jit3A_650, %eq3A_651 : i32
          %jit3A_653 = arith.constant 1 : i32
          %select_n3A_654 = arith.select %eq3A_652, %jit3A_653, %jit3A_650 : i32
          %rem3A_655 = arith.remsi %add3A_625, %select_n3A_654 : i32
          %ne3A_656 = arith.constant 0 : i32
          %ne3A_657 = arith.cmpi ne, %rem3A_655, %ne3A_656 : i32
          %lt3A_658 = arith.constant 0 : i32
          %lt3A_659 = arith.cmpi slt, %rem3A_655, %lt3A_658 : i32
          %lt3A_660 = arith.constant 0 : i32
          %lt3A_661 = arith.cmpi slt, %select_n3A_654, %lt3A_660 : i32
          %ne3A_662 = arith.xori %lt3A_659, %lt3A_661 : i1
          %and3A_663 = arith.andi %ne3A_662, %ne3A_657 : i1
          %add3A_664 = arith.addi %rem3A_655, %select_n3A_654 : i32
          %select_n3A_665 = arith.select %and3A_663, %add3A_664, %rem3A_655 : i32
          %mul3A_666 = arith.constant 64 : i32
          %mul3A_667 = arith.muli %select_n3A_665, %mul3A_666 : i32
          %multiple_of3A_668 = tpu.assume_multiple %mul3A_667, 8 : i32
          %dma_start3A_669 = arith.constant 2 : i32
          %dma_start3A_670 = arith.constant 0 : i32
          %dma_start3A_671 = arith.constant 0 : i32
          %dma_start3A_672 = tpu.memref_slice %arg8[%dma_start3A_669, %dma_start3A_670, %dma_start3A_671] : memref<4x64x128xf32, #tpu.memory_space<vmem>> -> memref<1x64x128xf32, #tpu.memory_space<vmem>>
          %dma_start3A_673 = tpu.memref_squeeze %dma_start3A_672 : memref<1x64x128xf32, #tpu.memory_space<vmem>> -> memref<64x128xf32, #tpu.memory_space<vmem>>
          %dma_start3A_674 = tpu.memref_slice %arg9[%select_n3A_649, %multiple_of3A_668] : memref<80x128xi32, #tpu.memory_space<vmem>> -> memref<1x64xi32, #tpu.memory_space<vmem>>
          %dma_start3A_675 = tpu.memref_squeeze %dma_start3A_674 : memref<1x64xi32, #tpu.memory_space<vmem>> -> memref<64xi32, #tpu.memory_space<vmem>>
          %dma_start3A_676 = arith.constant 0 : i32
          %dma_start3A_677 = arith.constant 0 : i32
          %dma_start3A_678 = tpu.memref_slice %arg2[%dma_start3A_676, %dma_start3A_677] : memref<10000x128xf32, #tpu.memory_space<hbm>> -> memref<10000x128xf32, #tpu.memory_space<hbm>>
          tpu.enqueue_indirect_dma source(%dma_start3A_678 : memref<10000x128xf32, #tpu.memory_space<hbm>>) target(%dma_start3A_673 : memref<64x128xf32, #tpu.memory_space<vmem>>) offsets(%dma_start3A_675 : memref<64xi32, #tpu.memory_space<vmem>>) semaphore(%arg13 : memref<!tpu.dma_semaphore, #tpu.memory_space<semaphore_mem>>)
          %add3A_679 = arith.constant 4 : i32
          %add3A_680 = arith.addi %add3A_385, %add3A_679 : i32
          %jit3A_681 = arith.constant 2 : i32
          %div3A_682 = arith.divsi %add3A_680, %jit3A_681 : i32
          %sign3A_683 = arith.constant 0 : i32
          %sign3A_684 = arith.cmpi sgt, %add3A_680, %sign3A_683 : i32
          %sign3A_685 = arith.extui %sign3A_684 : i1 to i32
          %sign3A_686 = arith.constant 0 : i32
          %sign3A_687 = arith.cmpi slt, %add3A_680, %sign3A_686 : i32
          %sign3A_688 = arith.extui %sign3A_687 : i1 to i32
          %sign3A_689 = arith.subi %sign3A_685, %sign3A_688 : i32
          %sign3A_690 = arith.constant 0 : i32
          %sign3A_691 = arith.cmpi sgt, %jit3A_681, %sign3A_690 : i32
          %sign3A_692 = arith.extui %sign3A_691 : i1 to i32
          %sign3A_693 = arith.constant 0 : i32
          %sign3A_694 = arith.cmpi slt, %jit3A_681, %sign3A_693 : i32
          %sign3A_695 = arith.extui %sign3A_694 : i1 to i32
          %sign3A_696 = arith.subi %sign3A_692, %sign3A_695 : i32
          %ne3A_697 = arith.cmpi ne, %sign3A_689, %sign3A_696 : i32
          %rem3A_698 = arith.remsi %add3A_680, %jit3A_681 : i32
          %ne3A_699 = arith.constant 0 : i32
          %ne3A_700 = arith.cmpi ne, %rem3A_698, %ne3A_699 : i32
          %and3A_701 = arith.andi %ne3A_697, %ne3A_700 : i1
          %sub3A_702 = arith.constant 1 : i32
          %sub3A_703 = arith.subi %div3A_682, %sub3A_702 : i32
          %select_n3A_704 = arith.select %and3A_701, %sub3A_703, %div3A_682 : i32
          %add3A_705 = arith.addi %multiple_of3A_31, %select_n3A_704 : i32
          %jit3A_706 = arith.constant 2 : i32
          %eq3A_707 = arith.constant 0 : i32
          %eq3A_708 = arith.cmpi eq, %jit3A_706, %eq3A_707 : i32
          %jit3A_709 = arith.constant 1 : i32
          %select_n3A_710 = arith.select %eq3A_708, %jit3A_709, %jit3A_706 : i32
          %rem3A_711 = arith.remsi %add3A_680, %select_n3A_710 : i32
          %ne3A_712 = arith.constant 0 : i32
          %ne3A_713 = arith.cmpi ne, %rem3A_711, %ne3A_712 : i32
          %lt3A_714 = arith.constant 0 : i32
          %lt3A_715 = arith.cmpi slt, %rem3A_711, %lt3A_714 : i32
          %lt3A_716 = arith.constant 0 : i32
          %lt3A_717 = arith.cmpi slt, %select_n3A_710, %lt3A_716 : i32
          %ne3A_718 = arith.xori %lt3A_715, %lt3A_717 : i1
          %and3A_719 = arith.andi %ne3A_718, %ne3A_713 : i1
          %add3A_720 = arith.addi %rem3A_711, %select_n3A_710 : i32
          %select_n3A_721 = arith.select %and3A_719, %add3A_720, %rem3A_711 : i32
          %mul3A_722 = arith.constant 64 : i32
          %mul3A_723 = arith.muli %select_n3A_721, %mul3A_722 : i32
          %multiple_of3A_724 = tpu.assume_multiple %mul3A_723, 8 : i32
          %dma_start3A_725 = arith.constant 2 : i32
          %dma_start3A_726 = arith.constant 0 : i32
          %dma_start3A_727 = tpu.memref_slice %arg10[%dma_start3A_725, %dma_start3A_726] : memref<4x64xi32, #tpu.memory_space<vmem>> -> memref<1x64xi32, #tpu.memory_space<vmem>>
          %dma_start3A_728 = tpu.memref_squeeze %dma_start3A_727 : memref<1x64xi32, #tpu.memory_space<vmem>> -> memref<64xi32, #tpu.memory_space<vmem>>
          %dma_start3A_729 = tpu.memref_slice %arg4[%add3A_705, %multiple_of3A_724] : memref<2560x128xi32, #tpu.memory_space<hbm>> -> memref<1x64xi32, #tpu.memory_space<hbm>>
          %dma_start3A_730 = tpu.memref_squeeze %dma_start3A_729 : memref<1x64xi32, #tpu.memory_space<hbm>> -> memref<64xi32, #tpu.memory_space<hbm>>
          %dma_start3A_731 = arith.constant 0 : i32
          %dma_start3A_732 = tpu.memref_slice %arg10[%dma_start3A_725, %dma_start3A_731] : memref<4x64xi32, #tpu.memory_space<vmem>> -> memref<1x64xi32, #tpu.memory_space<vmem>>
          %dma_start3A_733 = tpu.memref_squeeze %dma_start3A_732 : memref<1x64xi32, #tpu.memory_space<vmem>> -> memref<64xi32, #tpu.memory_space<vmem>>
          %dma_start3A_734 = tpu.memref_slice %arg4[%add3A_705, %multiple_of3A_724] : memref<2560x128xi32, #tpu.memory_space<hbm>> -> memref<1x64xi32, #tpu.memory_space<hbm>>
          %dma_start3A_735 = tpu.memref_squeeze %dma_start3A_734 : memref<1x64xi32, #tpu.memory_space<hbm>> -> memref<64xi32, #tpu.memory_space<hbm>>
          tpu.enqueue_dma source(%dma_start3A_735 : memref<64xi32, #tpu.memory_space<hbm>>) target(%dma_start3A_733 : memref<64xi32, #tpu.memory_space<vmem>>) target_semaphore(%arg17 : memref<!tpu.dma_semaphore, #tpu.memory_space<semaphore_mem>>)
        } else {
        }
        %mul3A_503 = arith.constant 4 : i32
        %mul3A_504 = arith.muli %scan3A_148, %mul3A_503 : i32
        %add3A_505 = arith.constant 3 : i32
        %add3A_506 = arith.addi %mul3A_504, %add3A_505 : i32
        %jit3A_507 = arith.constant 2 : i32
        %div3A_508 = arith.divsi %add3A_506, %jit3A_507 : i32
        %sign3A_509 = arith.constant 0 : i32
        %sign3A_510 = arith.cmpi sgt, %add3A_506, %sign3A_509 : i32
        %sign3A_511 = arith.extui %sign3A_510 : i1 to i32
        %sign3A_512 = arith.constant 0 : i32
        %sign3A_513 = arith.cmpi slt, %add3A_506, %sign3A_512 : i32
        %sign3A_514 = arith.extui %sign3A_513 : i1 to i32
        %sign3A_515 = arith.subi %sign3A_511, %sign3A_514 : i32
        %sign3A_516 = arith.constant 0 : i32
        %sign3A_517 = arith.cmpi sgt, %jit3A_507, %sign3A_516 : i32
        %sign3A_518 = arith.extui %sign3A_517 : i1 to i32
        %sign3A_519 = arith.constant 0 : i32
        %sign3A_520 = arith.cmpi slt, %jit3A_507, %sign3A_519 : i32
        %sign3A_521 = arith.extui %sign3A_520 : i1 to i32
        %sign3A_522 = arith.subi %sign3A_518, %sign3A_521 : i32
        %ne3A_523 = arith.cmpi ne, %sign3A_515, %sign3A_522 : i32
        %rem3A_524 = arith.remsi %add3A_506, %jit3A_507 : i32
        %ne3A_525 = arith.constant 0 : i32
        %ne3A_526 = arith.cmpi ne, %rem3A_524, %ne3A_525 : i32
        %and3A_527 = arith.andi %ne3A_523, %ne3A_526 : i1
        %sub3A_528 = arith.constant 1 : i32
        %sub3A_529 = arith.subi %div3A_508, %sub3A_528 : i32
        %select_n3A_530 = arith.select %and3A_527, %sub3A_529, %div3A_508 : i32
        %jit3A_531 = arith.constant 2 : i32
        %eq3A_532 = arith.constant 0 : i32
        %eq3A_533 = arith.cmpi eq, %jit3A_531, %eq3A_532 : i32
        %jit3A_534 = arith.constant 1 : i32
        %select_n3A_535 = arith.select %eq3A_533, %jit3A_534, %jit3A_531 : i32
        %rem3A_536 = arith.remsi %add3A_506, %select_n3A_535 : i32
        %ne3A_537 = arith.constant 0 : i32
        %ne3A_538 = arith.cmpi ne, %rem3A_536, %ne3A_537 : i32
        %lt3A_539 = arith.constant 0 : i32
        %lt3A_540 = arith.cmpi slt, %rem3A_536, %lt3A_539 : i32
        %lt3A_541 = arith.constant 0 : i32
        %lt3A_542 = arith.cmpi slt, %select_n3A_535, %lt3A_541 : i32
        %ne3A_543 = arith.xori %lt3A_540, %lt3A_542 : i1
        %and3A_544 = arith.andi %ne3A_543, %ne3A_538 : i1
        %add3A_545 = arith.addi %rem3A_536, %select_n3A_535 : i32
        %select_n3A_546 = arith.select %and3A_544, %add3A_545, %rem3A_536 : i32
        %mul3A_547 = arith.constant 64 : i32
        %mul3A_548 = arith.muli %select_n3A_546, %mul3A_547 : i32
        %multiple_of3A_549 = tpu.assume_multiple %mul3A_548, 8 : i32
        %dma_wait3A_550 = arith.constant 3 : i32
        %dma_wait3A_551 = arith.constant 0 : i32
        %dma_wait3A_552 = arith.constant 0 : i32
        %dma_wait3A_553 = tpu.memref_slice %arg8[%dma_wait3A_550, %dma_wait3A_551, %dma_wait3A_552] : memref<4x64x128xf32, #tpu.memory_space<vmem>> -> memref<1x64x128xf32, #tpu.memory_space<vmem>>
        %dma_wait3A_554 = tpu.memref_squeeze %dma_wait3A_553 : memref<1x64x128xf32, #tpu.memory_space<vmem>> -> memref<64x128xf32, #tpu.memory_space<vmem>>
        %dma_wait3A_555 = tpu.memref_slice %arg9[%select_n3A_530, %multiple_of3A_549] : memref<80x128xi32, #tpu.memory_space<vmem>> -> memref<1x64xi32, #tpu.memory_space<vmem>>
        %dma_wait3A_556 = tpu.memref_squeeze %dma_wait3A_555 : memref<1x64xi32, #tpu.memory_space<vmem>> -> memref<64xi32, #tpu.memory_space<vmem>>
        %dma_wait3A_557 = arith.constant 0 : i32
        %dma_wait3A_558 = arith.constant 0 : i32
        %dma_wait3A_559 = tpu.memref_slice %arg2[%dma_wait3A_557, %dma_wait3A_558] : memref<10000x128xf32, #tpu.memory_space<hbm>> -> memref<10000x128xf32, #tpu.memory_space<hbm>>
        tpu.wait_indirect_dma semaphore(%arg14 : memref<!tpu.dma_semaphore, #tpu.memory_space<semaphore_mem>>) src(%dma_wait3A_559 : memref<10000x128xf32, #tpu.memory_space<hbm>>) dst(%dma_wait3A_554 : memref<64x128xf32, #tpu.memory_space<vmem>>)
        %jit3A_560 = arith.constant 2 : i32
        %div3A_561 = arith.divsi %add3A_506, %jit3A_560 : i32
        %sign3A_562 = arith.constant 0 : i32
        %sign3A_563 = arith.cmpi sgt, %add3A_506, %sign3A_562 : i32
        %sign3A_564 = arith.extui %sign3A_563 : i1 to i32
        %sign3A_565 = arith.constant 0 : i32
        %sign3A_566 = arith.cmpi slt, %add3A_506, %sign3A_565 : i32
        %sign3A_567 = arith.extui %sign3A_566 : i1 to i32
        %sign3A_568 = arith.subi %sign3A_564, %sign3A_567 : i32
        %sign3A_569 = arith.constant 0 : i32
        %sign3A_570 = arith.cmpi sgt, %jit3A_560, %sign3A_569 : i32
        %sign3A_571 = arith.extui %sign3A_570 : i1 to i32
        %sign3A_572 = arith.constant 0 : i32
        %sign3A_573 = arith.cmpi slt, %jit3A_560, %sign3A_572 : i32
        %sign3A_574 = arith.extui %sign3A_573 : i1 to i32
        %sign3A_575 = arith.subi %sign3A_571, %sign3A_574 : i32
        %ne3A_576 = arith.cmpi ne, %sign3A_568, %sign3A_575 : i32
        %rem3A_577 = arith.remsi %add3A_506, %jit3A_560 : i32
        %ne3A_578 = arith.constant 0 : i32
        %ne3A_579 = arith.cmpi ne, %rem3A_577, %ne3A_578 : i32
        %and3A_580 = arith.andi %ne3A_576, %ne3A_579 : i1
        %sub3A_581 = arith.constant 1 : i32
        %sub3A_582 = arith.subi %div3A_561, %sub3A_581 : i32
        %select_n3A_583 = arith.select %and3A_580, %sub3A_582, %div3A_561 : i32
        %add3A_584 = arith.addi %multiple_of3A_31, %select_n3A_583 : i32
        %jit3A_585 = arith.constant 2 : i32
        %eq3A_586 = arith.constant 0 : i32
        %eq3A_587 = arith.cmpi eq, %jit3A_585, %eq3A_586 : i32
        %jit3A_588 = arith.constant 1 : i32
        %select_n3A_589 = arith.select %eq3A_587, %jit3A_588, %jit3A_585 : i32
        %rem3A_590 = arith.remsi %add3A_506, %select_n3A_589 : i32
        %ne3A_591 = arith.constant 0 : i32
        %ne3A_592 = arith.cmpi ne, %rem3A_590, %ne3A_591 : i32
        %lt3A_593 = arith.constant 0 : i32
        %lt3A_594 = arith.cmpi slt, %rem3A_590, %lt3A_593 : i32
        %lt3A_595 = arith.constant 0 : i32
        %lt3A_596 = arith.cmpi slt, %select_n3A_589, %lt3A_595 : i32
        %ne3A_597 = arith.xori %lt3A_594, %lt3A_596 : i1
        %and3A_598 = arith.andi %ne3A_597, %ne3A_592 : i1
        %add3A_599 = arith.addi %rem3A_590, %select_n3A_589 : i32
        %select_n3A_600 = arith.select %and3A_598, %add3A_599, %rem3A_590 : i32
        %mul3A_601 = arith.constant 64 : i32
        %mul3A_602 = arith.muli %select_n3A_600, %mul3A_601 : i32
        %multiple_of3A_603 = tpu.assume_multiple %mul3A_602, 8 : i32
        %dma_wait3A_604 = arith.constant 3 : i32
        %dma_wait3A_605 = arith.constant 0 : i32
        %dma_wait3A_606 = tpu.memref_slice %arg10[%dma_wait3A_604, %dma_wait3A_605] : memref<4x64xi32, #tpu.memory_space<vmem>> -> memref<1x64xi32, #tpu.memory_space<vmem>>
        %dma_wait3A_607 = tpu.memref_squeeze %dma_wait3A_606 : memref<1x64xi32, #tpu.memory_space<vmem>> -> memref<64xi32, #tpu.memory_space<vmem>>
        %dma_wait3A_608 = tpu.memref_slice %arg4[%add3A_584, %multiple_of3A_603] : memref<2560x128xi32, #tpu.memory_space<hbm>> -> memref<1x64xi32, #tpu.memory_space<hbm>>
        %dma_wait3A_609 = tpu.memref_squeeze %dma_wait3A_608 : memref<1x64xi32, #tpu.memory_space<hbm>> -> memref<64xi32, #tpu.memory_space<hbm>>
        %dma_wait3A_610 = arith.constant 0 : i32
        %dma_wait3A_611 = tpu.memref_slice %arg10[%dma_wait3A_604, %dma_wait3A_610] : memref<4x64xi32, #tpu.memory_space<vmem>> -> memref<1x64xi32, #tpu.memory_space<vmem>>
        %dma_wait3A_612 = tpu.memref_squeeze %dma_wait3A_611 : memref<1x64xi32, #tpu.memory_space<vmem>> -> memref<64xi32, #tpu.memory_space<vmem>>
        %dma_wait3A_613 = tpu.memref_slice %arg4[%add3A_584, %multiple_of3A_603] : memref<2560x128xi32, #tpu.memory_space<hbm>> -> memref<1x64xi32, #tpu.memory_space<hbm>>
        %dma_wait3A_614 = tpu.memref_squeeze %dma_wait3A_613 : memref<1x64xi32, #tpu.memory_space<hbm>> -> memref<64xi32, #tpu.memory_space<hbm>>
        tpu.wait_dma2 semaphore(%arg18 : memref<!tpu.dma_semaphore, #tpu.memory_space<semaphore_mem>>) src(%dma_wait3A_614 : memref<64xi32, #tpu.memory_space<hbm>>) dst(%dma_wait3A_612 : memref<64xi32, #tpu.memory_space<vmem>>)
        %run_scoped3A_615 = arith.constant 3 : i32
        %run_scoped3A_616 = arith.constant 3 : i32
        "tpu.region"() ({
          %run_scoped3A_624 = tpu.sem_alloc : memref<!tpu.dma_semaphore, #tpu.memory_space<semaphore_mem>>
          %dma_start3A_625 = arith.constant 0 : i32
          %dma_start3A_626 = arith.constant 0 : i32
          %dma_start3A_627 = tpu.memref_slice %arg8[%run_scoped3A_615, %dma_start3A_625, %dma_start3A_626] : memref<4x64x128xf32, #tpu.memory_space<vmem>> -> memref<1x64x128xf32, #tpu.memory_space<vmem>>
          %dma_start3A_628 = tpu.memref_squeeze %dma_start3A_627 : memref<1x64x128xf32, #tpu.memory_space<vmem>> -> memref<64x128xf32, #tpu.memory_space<vmem>>
          %dma_start3A_629 = arith.constant 0 : i32
          %dma_start3A_630 = tpu.memref_slice %arg10[%run_scoped3A_616, %dma_start3A_629] : memref<4x64xi32, #tpu.memory_space<vmem>> -> memref<1x64xi32, #tpu.memory_space<vmem>>
          %dma_start3A_631 = tpu.memref_squeeze %dma_start3A_630 : memref<1x64xi32, #tpu.memory_space<vmem>> -> memref<64xi32, #tpu.memory_space<vmem>>
          %dma_start3A_632 = arith.constant 0 : i32
          %dma_start3A_633 = arith.constant 0 : i32
          %dma_start3A_634 = tpu.memref_slice %arg7[%dma_start3A_632, %dma_start3A_633] : memref<10112x128xf32, #tpu.memory_space<vmem_shared>> -> memref<10112x128xf32, #tpu.memory_space<vmem_shared>>
          tpu.enqueue_indirect_dma source(%dma_start3A_628 : memref<64x128xf32, #tpu.memory_space<vmem>>) target(%dma_start3A_634 : memref<10112x128xf32, #tpu.memory_space<vmem_shared>>) offsets(%dma_start3A_631 : memref<64xi32, #tpu.memory_space<vmem>>) semaphore(%run_scoped3A_624 : memref<!tpu.dma_semaphore, #tpu.memory_space<semaphore_mem>>) {add = true}
          %dma_wait3A_635 = arith.constant 0 : i32
          %dma_wait3A_636 = arith.constant 0 : i32
          %dma_wait3A_637 = tpu.memref_slice %arg8[%run_scoped3A_615, %dma_wait3A_635, %dma_wait3A_636] : memref<4x64x128xf32, #tpu.memory_space<vmem>> -> memref<1x64x128xf32, #tpu.memory_space<vmem>>
          %dma_wait3A_638 = tpu.memref_squeeze %dma_wait3A_637 : memref<1x64x128xf32, #tpu.memory_space<vmem>> -> memref<64x128xf32, #tpu.memory_space<vmem>>
          %dma_wait3A_639 = arith.constant 0 : i32
          %dma_wait3A_640 = tpu.memref_slice %arg10[%run_scoped3A_616, %dma_wait3A_639] : memref<4x64xi32, #tpu.memory_space<vmem>> -> memref<1x64xi32, #tpu.memory_space<vmem>>
          %dma_wait3A_641 = tpu.memref_squeeze %dma_wait3A_640 : memref<1x64xi32, #tpu.memory_space<vmem>> -> memref<64xi32, #tpu.memory_space<vmem>>
          %dma_wait3A_642 = arith.constant 0 : i32
          %dma_wait3A_643 = arith.constant 0 : i32
          %dma_wait3A_644 = tpu.memref_slice %arg7[%dma_wait3A_642, %dma_wait3A_643] : memref<10112x128xf32, #tpu.memory_space<vmem_shared>> -> memref<10112x128xf32, #tpu.memory_space<vmem_shared>>
          tpu.wait_indirect_dma semaphore(%run_scoped3A_624 : memref<!tpu.dma_semaphore, #tpu.memory_space<semaphore_mem>>) src(%dma_wait3A_638 : memref<64x128xf32, #tpu.memory_space<vmem>>) dst(%dma_wait3A_644 : memref<10112x128xf32, #tpu.memory_space<vmem_shared>>)
          tpu.yield
        }) : () -> ()
        %add3A_617 = arith.constant 4 : i32
        %add3A_618 = arith.addi %add3A_506, %add3A_617 : i32
        %lt3A_619 = arith.constant 160 : i32
        %lt3A_620 = arith.cmpi slt, %add3A_618, %lt3A_619 : i32
        %convert_element_type3A_621 = arith.extui %lt3A_620 : i1 to i32
        %cond3A_622 = arith.constant 0 : i32
        %cond3A_623 = arith.cmpi ne, %convert_element_type3A_621, %cond3A_622 : i32
        scf.if %cond3A_623 {
          %add3A_624 = arith.constant 4 : i32
          %add3A_625 = arith.addi %add3A_506, %add3A_624 : i32
          %jit3A_626 = arith.constant 2 : i32
          %div3A_627 = arith.divsi %add3A_625, %jit3A_626 : i32
          %sign3A_628 = arith.constant 0 : i32
          %sign3A_629 = arith.cmpi sgt, %add3A_625, %sign3A_628 : i32
          %sign3A_630 = arith.extui %sign3A_629 : i1 to i32
          %sign3A_631 = arith.constant 0 : i32
          %sign3A_632 = arith.cmpi slt, %add3A_625, %sign3A_631 : i32
          %sign3A_633 = arith.extui %sign3A_632 : i1 to i32
          %sign3A_634 = arith.subi %sign3A_630, %sign3A_633 : i32
          %sign3A_635 = arith.constant 0 : i32
          %sign3A_636 = arith.cmpi sgt, %jit3A_626, %sign3A_635 : i32
          %sign3A_637 = arith.extui %sign3A_636 : i1 to i32
          %sign3A_638 = arith.constant 0 : i32
          %sign3A_639 = arith.cmpi slt, %jit3A_626, %sign3A_638 : i32
          %sign3A_640 = arith.extui %sign3A_639 : i1 to i32
          %sign3A_641 = arith.subi %sign3A_637, %sign3A_640 : i32
          %ne3A_642 = arith.cmpi ne, %sign3A_634, %sign3A_641 : i32
          %rem3A_643 = arith.remsi %add3A_625, %jit3A_626 : i32
          %ne3A_644 = arith.constant 0 : i32
          %ne3A_645 = arith.cmpi ne, %rem3A_643, %ne3A_644 : i32
          %and3A_646 = arith.andi %ne3A_642, %ne3A_645 : i1
          %sub3A_647 = arith.constant 1 : i32
          %sub3A_648 = arith.subi %div3A_627, %sub3A_647 : i32
          %select_n3A_649 = arith.select %and3A_646, %sub3A_648, %div3A_627 : i32
          %jit3A_650 = arith.constant 2 : i32
          %eq3A_651 = arith.constant 0 : i32
          %eq3A_652 = arith.cmpi eq, %jit3A_650, %eq3A_651 : i32
          %jit3A_653 = arith.constant 1 : i32
          %select_n3A_654 = arith.select %eq3A_652, %jit3A_653, %jit3A_650 : i32
          %rem3A_655 = arith.remsi %add3A_625, %select_n3A_654 : i32
          %ne3A_656 = arith.constant 0 : i32
          %ne3A_657 = arith.cmpi ne, %rem3A_655, %ne3A_656 : i32
          %lt3A_658 = arith.constant 0 : i32
          %lt3A_659 = arith.cmpi slt, %rem3A_655, %lt3A_658 : i32
          %lt3A_660 = arith.constant 0 : i32
          %lt3A_661 = arith.cmpi slt, %select_n3A_654, %lt3A_660 : i32
          %ne3A_662 = arith.xori %lt3A_659, %lt3A_661 : i1
          %and3A_663 = arith.andi %ne3A_662, %ne3A_657 : i1
          %add3A_664 = arith.addi %rem3A_655, %select_n3A_654 : i32
          %select_n3A_665 = arith.select %and3A_663, %add3A_664, %rem3A_655 : i32
          %mul3A_666 = arith.constant 64 : i32
          %mul3A_667 = arith.muli %select_n3A_665, %mul3A_666 : i32
          %multiple_of3A_668 = tpu.assume_multiple %mul3A_667, 8 : i32
          %dma_start3A_669 = arith.constant 3 : i32
          %dma_start3A_670 = arith.constant 0 : i32
          %dma_start3A_671 = arith.constant 0 : i32
          %dma_start3A_672 = tpu.memref_slice %arg8[%dma_start3A_669, %dma_start3A_670, %dma_start3A_671] : memref<4x64x128xf32, #tpu.memory_space<vmem>> -> memref<1x64x128xf32, #tpu.memory_space<vmem>>
          %dma_start3A_673 = tpu.memref_squeeze %dma_start3A_672 : memref<1x64x128xf32, #tpu.memory_space<vmem>> -> memref<64x128xf32, #tpu.memory_space<vmem>>
          %dma_start3A_674 = tpu.memref_slice %arg9[%select_n3A_649, %multiple_of3A_668] : memref<80x128xi32, #tpu.memory_space<vmem>> -> memref<1x64xi32, #tpu.memory_space<vmem>>
          %dma_start3A_675 = tpu.memref_squeeze %dma_start3A_674 : memref<1x64xi32, #tpu.memory_space<vmem>> -> memref<64xi32, #tpu.memory_space<vmem>>
          %dma_start3A_676 = arith.constant 0 : i32
          %dma_start3A_677 = arith.constant 0 : i32
          %dma_start3A_678 = tpu.memref_slice %arg2[%dma_start3A_676, %dma_start3A_677] : memref<10000x128xf32, #tpu.memory_space<hbm>> -> memref<10000x128xf32, #tpu.memory_space<hbm>>
          tpu.enqueue_indirect_dma source(%dma_start3A_678 : memref<10000x128xf32, #tpu.memory_space<hbm>>) target(%dma_start3A_673 : memref<64x128xf32, #tpu.memory_space<vmem>>) offsets(%dma_start3A_675 : memref<64xi32, #tpu.memory_space<vmem>>) semaphore(%arg14 : memref<!tpu.dma_semaphore, #tpu.memory_space<semaphore_mem>>)
          %add3A_679 = arith.constant 4 : i32
          %add3A_680 = arith.addi %add3A_506, %add3A_679 : i32
          %jit3A_681 = arith.constant 2 : i32
          %div3A_682 = arith.divsi %add3A_680, %jit3A_681 : i32
          %sign3A_683 = arith.constant 0 : i32
          %sign3A_684 = arith.cmpi sgt, %add3A_680, %sign3A_683 : i32
          %sign3A_685 = arith.extui %sign3A_684 : i1 to i32
          %sign3A_686 = arith.constant 0 : i32
          %sign3A_687 = arith.cmpi slt, %add3A_680, %sign3A_686 : i32
          %sign3A_688 = arith.extui %sign3A_687 : i1 to i32
          %sign3A_689 = arith.subi %sign3A_685, %sign3A_688 : i32
          %sign3A_690 = arith.constant 0 : i32
          %sign3A_691 = arith.cmpi sgt, %jit3A_681, %sign3A_690 : i32
          %sign3A_692 = arith.extui %sign3A_691 : i1 to i32
          %sign3A_693 = arith.constant 0 : i32
          %sign3A_694 = arith.cmpi slt, %jit3A_681, %sign3A_693 : i32
          %sign3A_695 = arith.extui %sign3A_694 : i1 to i32
          %sign3A_696 = arith.subi %sign3A_692, %sign3A_695 : i32
          %ne3A_697 = arith.cmpi ne, %sign3A_689, %sign3A_696 : i32
          %rem3A_698 = arith.remsi %add3A_680, %jit3A_681 : i32
          %ne3A_699 = arith.constant 0 : i32
          %ne3A_700 = arith.cmpi ne, %rem3A_698, %ne3A_699 : i32
          %and3A_701 = arith.andi %ne3A_697, %ne3A_700 : i1
          %sub3A_702 = arith.constant 1 : i32
          %sub3A_703 = arith.subi %div3A_682, %sub3A_702 : i32
          %select_n3A_704 = arith.select %and3A_701, %sub3A_703, %div3A_682 : i32
          %add3A_705 = arith.addi %multiple_of3A_31, %select_n3A_704 : i32
          %jit3A_706 = arith.constant 2 : i32
          %eq3A_707 = arith.constant 0 : i32
          %eq3A_708 = arith.cmpi eq, %jit3A_706, %eq3A_707 : i32
          %jit3A_709 = arith.constant 1 : i32
          %select_n3A_710 = arith.select %eq3A_708, %jit3A_709, %jit3A_706 : i32
          %rem3A_711 = arith.remsi %add3A_680, %select_n3A_710 : i32
          %ne3A_712 = arith.constant 0 : i32
          %ne3A_713 = arith.cmpi ne, %rem3A_711, %ne3A_712 : i32
          %lt3A_714 = arith.constant 0 : i32
          %lt3A_715 = arith.cmpi slt, %rem3A_711, %lt3A_714 : i32
          %lt3A_716 = arith.constant 0 : i32
          %lt3A_717 = arith.cmpi slt, %select_n3A_710, %lt3A_716 : i32
          %ne3A_718 = arith.xori %lt3A_715, %lt3A_717 : i1
          %and3A_719 = arith.andi %ne3A_718, %ne3A_713 : i1
          %add3A_720 = arith.addi %rem3A_711, %select_n3A_710 : i32
          %select_n3A_721 = arith.select %and3A_719, %add3A_720, %rem3A_711 : i32
          %mul3A_722 = arith.constant 64 : i32
          %mul3A_723 = arith.muli %select_n3A_721, %mul3A_722 : i32
          %multiple_of3A_724 = tpu.assume_multiple %mul3A_723, 8 : i32
          %dma_start3A_725 = arith.constant 3 : i32
          %dma_start3A_726 = arith.constant 0 : i32
          %dma_start3A_727 = tpu.memref_slice %arg10[%dma_start3A_725, %dma_start3A_726] : memref<4x64xi32, #tpu.memory_space<vmem>> -> memref<1x64xi32, #tpu.memory_space<vmem>>
          %dma_start3A_728 = tpu.memref_squeeze %dma_start3A_727 : memref<1x64xi32, #tpu.memory_space<vmem>> -> memref<64xi32, #tpu.memory_space<vmem>>
          %dma_start3A_729 = tpu.memref_slice %arg4[%add3A_705, %multiple_of3A_724] : memref<2560x128xi32, #tpu.memory_space<hbm>> -> memref<1x64xi32, #tpu.memory_space<hbm>>
          %dma_start3A_730 = tpu.memref_squeeze %dma_start3A_729 : memref<1x64xi32, #tpu.memory_space<hbm>> -> memref<64xi32, #tpu.memory_space<hbm>>
          %dma_start3A_731 = arith.constant 0 : i32
          %dma_start3A_732 = tpu.memref_slice %arg10[%dma_start3A_725, %dma_start3A_731] : memref<4x64xi32, #tpu.memory_space<vmem>> -> memref<1x64xi32, #tpu.memory_space<vmem>>
          %dma_start3A_733 = tpu.memref_squeeze %dma_start3A_732 : memref<1x64xi32, #tpu.memory_space<vmem>> -> memref<64xi32, #tpu.memory_space<vmem>>
          %dma_start3A_734 = tpu.memref_slice %arg4[%add3A_705, %multiple_of3A_724] : memref<2560x128xi32, #tpu.memory_space<hbm>> -> memref<1x64xi32, #tpu.memory_space<hbm>>
          %dma_start3A_735 = tpu.memref_squeeze %dma_start3A_734 : memref<1x64xi32, #tpu.memory_space<hbm>> -> memref<64xi32, #tpu.memory_space<hbm>>
          tpu.enqueue_dma source(%dma_start3A_735 : memref<64xi32, #tpu.memory_space<hbm>>) target(%dma_start3A_733 : memref<64xi32, #tpu.memory_space<vmem>>) target_semaphore(%arg18 : memref<!tpu.dma_semaphore, #tpu.memory_space<semaphore_mem>>)
        } else {
        }
      }
      %scan3A_147 = arith.constant 40 : i32
    } else {
    }
    "tpu.trace_stop"() : () -> ()
    "tpu.trace_start"() <{level = 10 : i32, message = "drain"}> : () -> ()
    %barrier3A_27 = arith.constant 0 : index
    tpu.barrier barrier_id(%barrier3A_27)
    "tpu.region"() ({
      %run_scoped3A = tpu.sem_alloc : memref<!tpu.dma_semaphore, #tpu.memory_space<semaphore_mem>>
      %dma_start3A = arith.constant 0 : i32
      %dma_start3A_28 = tpu.memref_slice %arg6[%arg0, %multiple_of3A, %dma_start3A] : memref<2x10112x128xf32, #tpu.memory_space<hbm>> -> memref<1x632x128xf32, #tpu.memory_space<hbm>>
      %dma_start3A_29 = tpu.memref_squeeze %dma_start3A_28 : memref<1x632x128xf32, #tpu.memory_space<hbm>> -> memref<632x128xf32, #tpu.memory_space<hbm>>
      %dma_start3A_30 = arith.constant 0 : i32
      %dma_start3A_31 = tpu.memref_slice %arg7[%multiple_of3A, %dma_start3A_30] : memref<10112x128xf32, #tpu.memory_space<vmem_shared>> -> memref<632x128xf32, #tpu.memory_space<vmem_shared>>
      tpu.enqueue_dma source(%dma_start3A_31 : memref<632x128xf32, #tpu.memory_space<vmem_shared>>) target(%dma_start3A_29 : memref<632x128xf32, #tpu.memory_space<hbm>>) target_semaphore(%run_scoped3A : memref<!tpu.dma_semaphore, #tpu.memory_space<semaphore_mem>>)
      %dma_wait3A = arith.constant 0 : i32
      %dma_wait3A_32 = tpu.memref_slice %arg6[%arg0, %multiple_of3A, %dma_wait3A] : memref<2x10112x128xf32, #tpu.memory_space<hbm>> -> memref<1x632x128xf32, #tpu.memory_space<hbm>>
      %dma_wait3A_33 = tpu.memref_squeeze %dma_wait3A_32 : memref<1x632x128xf32, #tpu.memory_space<hbm>> -> memref<632x128xf32, #tpu.memory_space<hbm>>
      %dma_wait3A_34 = arith.constant 0 : i32
      %dma_wait3A_35 = tpu.memref_slice %arg7[%multiple_of3A, %dma_wait3A_34] : memref<10112x128xf32, #tpu.memory_space<vmem_shared>> -> memref<632x128xf32, #tpu.memory_space<vmem_shared>>
      tpu.wait_dma2 semaphore(%run_scoped3A : memref<!tpu.dma_semaphore, #tpu.memory_space<semaphore_mem>>) src(%dma_wait3A_35 : memref<632x128xf32, #tpu.memory_space<vmem_shared>>) dst(%dma_wait3A_33 : memref<632x128xf32, #tpu.memory_space<hbm>>)
      tpu.yield
    }) : () -> ()
    "tpu.trace_stop"() : () -> ()
    return
  }
}

module attributes {stable_mosaic.version = 14 : i64} {
  func.func @_tc_first_body(%arg0: i32, %arg1: memref<1000x128xf32, #tpu.memory_space<vmem>>, %arg2: memref<128x128xf32, #tpu.memory_space<vmem>>, %arg3: memref<2x1000x128xf32, #tpu.memory_space<vmem>>, %arg4: memref<1000x128xf32, #tpu.memory_space<vmem>>) attributes {dimension_semantics = [#tpu.dimension_semantics<arbitrary>], iteration_bounds = array<i64: 10>, scalar_prefetch = 0 : i64, scratch_operands = 0 : i64, tpu.core_type = #tpu.core_type<tc>, window_params = [{transform_indices = @transform_0, window_bounds = array<i64: 1000, 128>}, {pipeline_mode = #tpu.pipeline_mode<synchronous>, transform_indices = @transform_1, window_bounds = array<i64: 128, 128>}, {transform_indices = @transform_2, window_bounds = array<i64: 2, 1000, 128>}, {transform_indices = @transform_3, window_bounds = array<i64: 1000, 128>}]} {
    %get3A = arith.constant 0 : index
    %get3A_0 = arith.constant 0 : index
    %get3A_1 = arith.constant 0 : index
    %get3A_2 = vector.load %arg3[%get3A, %get3A_0, %get3A_1] : memref<2x1000x128xf32, #tpu.memory_space<vmem>>, vector<1x1000x1xf32>
    %get3A_3 = vector.shape_cast %get3A_2 : vector<1x1000x1xf32> to vector<1000x1xf32>
    %get3A_4 = arith.constant 1 : index
    %get3A_5 = arith.constant 0 : index
    %get3A_6 = arith.constant 0 : index
    %get3A_7 = vector.load %arg3[%get3A_4, %get3A_5, %get3A_6] : memref<2x1000x128xf32, #tpu.memory_space<vmem>>, vector<1x1000x1xf32>
    %get3A_8 = vector.shape_cast %get3A_7 : vector<1x1000x1xf32> to vector<1000x1xf32>
    %add3A = arith.addf %get3A_3, %get3A_8 : vector<1000x1xf32>
    %add3A_9 = arith.constant 1.000000e+00 : f32
    %add3A_10 = vector.broadcast %add3A_9 : f32 to vector<1000x1xf32>
    %add3A_11 = arith.addf %add3A, %add3A_10 : vector<1000x1xf32>
    %rsqrt3A = math.rsqrt %add3A_11 : vector<1000x1xf32>
    %get3A_12 = arith.constant 0 : index
    %get3A_13 = arith.constant 0 : index
    %get3A_14 = vector.load %arg1[%get3A_12, %get3A_13] : memref<1000x128xf32, #tpu.memory_space<vmem>>, vector<1000x128xf32>
    %get3A_15 = arith.constant 0 : index
    %get3A_16 = arith.constant 0 : index
    %get3A_17 = vector.load %arg2[%get3A_15, %get3A_16] : memref<128x128xf32, #tpu.memory_space<vmem>>, vector<128x128xf32>
    %dot_general3A = arith.constant dense<0.000000e+00> : vector<1000x128xf32>
    %dot_general3A_18 = tpu.matmul %get3A_14, %get3A_17, %dot_general3A {dimension_numbers = #tpu.dot_dimension_numbers<[1], [0], [0], [1], [0, 0, 1, 1], [], []>, transpose_lhs_hint = false} : vector<1000x128xf32>, vector<128x128xf32>, vector<1000x128xf32> -> vector<1000x128xf32>
    %mul3A = vector.broadcast %rsqrt3A : vector<1000x1xf32> to vector<1000x128xf32>
    %mul3A_19 = arith.mulf %mul3A, %dot_general3A_18 : vector<1000x128xf32>
    %swap3A = arith.constant 0 : index
    %swap3A_20 = arith.constant 0 : index
    %swap3A_21 = vector.load %arg4[%swap3A, %swap3A_20] : memref<1000x128xf32, #tpu.memory_space<vmem>>, vector<1000x128xf32>
    tpu.vector_store %arg4[%swap3A, %swap3A_20], %mul3A_19 {strides = array<i32>} : memref<1000x128xf32, #tpu.memory_space<vmem>>, vector<1000x128xf32>,
    return
  }
  func.func @transform_0(%arg0: i32) -> (i32, i32) {
    %c0_i32 = arith.constant 0 : i32
    %c0_i32_0 = arith.constant 0 : i32
    return %arg0, %c0_i32 : i32, i32
  }
  func.func @transform_1(%arg0: i32) -> (i32, i32) {
    %c0_i32 = arith.constant 0 : i32
    %c0_i32_0 = arith.constant 0 : i32
    %c0_i32_1 = arith.constant 0 : i32
    return %c0_i32, %c0_i32_0 : i32, i32
  }
  func.func @transform_2(%arg0: i32) -> (i32, i32, i32) {
    %c0_i32 = arith.constant 0 : i32
    %c0_i32_0 = arith.constant 0 : i32
    %c0_i32_1 = arith.constant 0 : i32
    return %c0_i32, %arg0, %c0_i32_0 : i32, i32, i32
  }
  func.func @transform_3(%arg0: i32) -> (i32, i32) {
    %c0_i32 = arith.constant 0 : i32
    %c0_i32_0 = arith.constant 0 : i32
    return %arg0, %c0_i32 : i32, i32
  }
}

module attributes {stable_mosaic.version = 14 : i64} {
  func.func @_tc_mid_body(%arg0: i32, %arg1: memref<2x1000x128xf32, #tpu.memory_space<vmem>>, %arg2: memref<2x1000x128xf32, #tpu.memory_space<vmem>>, %arg3: memref<128x128xf32, #tpu.memory_space<vmem>>, %arg4: memref<1x128xf32, #tpu.memory_space<vmem>>, %arg5: memref<1000x128xf32, #tpu.memory_space<vmem>>) attributes {dimension_semantics = [#tpu.dimension_semantics<arbitrary>], iteration_bounds = array<i64: 10>, scalar_prefetch = 0 : i64, scratch_operands = 0 : i64, tpu.core_type = #tpu.core_type<tc>, window_params = [{transform_indices = @transform_0, window_bounds = array<i64: 2, 1000, 128>}, {transform_indices = @transform_1, window_bounds = array<i64: 2, 1000, 128>}, {pipeline_mode = #tpu.pipeline_mode<synchronous>, transform_indices = @transform_2, window_bounds = array<i64: 128, 128>}, {pipeline_mode = #tpu.pipeline_mode<synchronous>, transform_indices = @transform_3, window_bounds = array<i64: 1, 128>}, {transform_indices = @transform_4, window_bounds = array<i64: 1000, 128>}]} {
    %get3A = arith.constant 0 : index
    %get3A_0 = arith.constant 0 : index
    %get3A_1 = arith.constant 0 : index
    %get3A_2 = vector.load %arg1[%get3A, %get3A_0, %get3A_1] : memref<2x1000x128xf32, #tpu.memory_space<vmem>>, vector<1x1000x1xf32>
    %get3A_3 = vector.shape_cast %get3A_2 : vector<1x1000x1xf32> to vector<1000x1xf32>
    %get3A_4 = arith.constant 1 : index
    %get3A_5 = arith.constant 0 : index
    %get3A_6 = arith.constant 0 : index
    %get3A_7 = vector.load %arg1[%get3A_4, %get3A_5, %get3A_6] : memref<2x1000x128xf32, #tpu.memory_space<vmem>>, vector<1x1000x1xf32>
    %get3A_8 = vector.shape_cast %get3A_7 : vector<1x1000x1xf32> to vector<1000x1xf32>
    %add3A = arith.addf %get3A_3, %get3A_8 : vector<1000x1xf32>
    %add3A_9 = arith.constant 1.000000e+00 : f32
    %add3A_10 = vector.broadcast %add3A_9 : f32 to vector<1000x1xf32>
    %add3A_11 = arith.addf %add3A, %add3A_10 : vector<1000x1xf32>
    %rsqrt3A = math.rsqrt %add3A_11 : vector<1000x1xf32>
    %get3A_12 = arith.constant 0 : index
    %get3A_13 = arith.constant 0 : index
    %get3A_14 = arith.constant 0 : index
    %get3A_15 = vector.load %arg2[%get3A_12, %get3A_13, %get3A_14] : memref<2x1000x128xf32, #tpu.memory_space<vmem>>, vector<1x1000x128xf32>
    %get3A_16 = vector.shape_cast %get3A_15 : vector<1x1000x128xf32> to vector<1000x128xf32>
    %get3A_17 = arith.constant 1 : index
    %get3A_18 = arith.constant 0 : index
    %get3A_19 = arith.constant 0 : index
    %get3A_20 = vector.load %arg2[%get3A_17, %get3A_18, %get3A_19] : memref<2x1000x128xf32, #tpu.memory_space<vmem>>, vector<1x1000x128xf32>
    %get3A_21 = vector.shape_cast %get3A_20 : vector<1x1000x128xf32> to vector<1000x128xf32>
    %add3A_22 = arith.addf %get3A_16, %get3A_21 : vector<1000x128xf32>
    %mul3A = vector.broadcast %rsqrt3A : vector<1000x1xf32> to vector<1000x128xf32>
    %mul3A_23 = arith.mulf %mul3A, %add3A_22 : vector<1000x128xf32>
    %get3A_24 = arith.constant 0 : index
    %get3A_25 = arith.constant 0 : index
    %get3A_26 = vector.load %arg4[%get3A_24, %get3A_25] : memref<1x128xf32, #tpu.memory_space<vmem>>, vector<1x128xf32>
    %add3A_27 = vector.broadcast %get3A_26 : vector<1x128xf32> to vector<1000x128xf32>
    %add3A_28 = arith.addf %mul3A_23, %add3A_27 : vector<1000x128xf32>
    %max3A = arith.constant 0.000000e+00 : f32
    %max3A_29 = vector.broadcast %max3A : f32 to vector<1000x128xf32>
    %max3A_30 = arith.maximumf %add3A_28, %max3A_29 : vector<1000x128xf32>
    %get3A_31 = arith.constant 0 : index
    %get3A_32 = arith.constant 0 : index
    %get3A_33 = vector.load %arg3[%get3A_31, %get3A_32] : memref<128x128xf32, #tpu.memory_space<vmem>>, vector<128x128xf32>
    %dot_general3A = arith.constant dense<0.000000e+00> : vector<1000x128xf32>
    %dot_general3A_34 = tpu.matmul %max3A_30, %get3A_33, %dot_general3A {dimension_numbers = #tpu.dot_dimension_numbers<[1], [0], [0], [1], [0, 0, 1, 1], [], []>, transpose_lhs_hint = false} : vector<1000x128xf32>, vector<128x128xf32>, vector<1000x128xf32> -> vector<1000x128xf32>
    %mul3A_35 = vector.broadcast %rsqrt3A : vector<1000x1xf32> to vector<1000x128xf32>
    %mul3A_36 = arith.mulf %mul3A_35, %dot_general3A_34 : vector<1000x128xf32>
    %swap3A = arith.constant 0 : index
    %swap3A_37 = arith.constant 0 : index
    %swap3A_38 = vector.load %arg5[%swap3A, %swap3A_37] : memref<1000x128xf32, #tpu.memory_space<vmem>>, vector<1000x128xf32>
    tpu.vector_store %arg5[%swap3A, %swap3A_37], %mul3A_36 {strides = array<i32>} : memref<1000x128xf32, #tpu.memory_space<vmem>>, vector<1000x128xf32>,
    return
  }
  func.func @transform_0(%arg0: i32) -> (i32, i32, i32) {
    %c0_i32 = arith.constant 0 : i32
    %c0_i32_0 = arith.constant 0 : i32
    %c0_i32_1 = arith.constant 0 : i32
    return %c0_i32, %arg0, %c0_i32_0 : i32, i32, i32
  }
  func.func @transform_1(%arg0: i32) -> (i32, i32, i32) {
    %c0_i32 = arith.constant 0 : i32
    %c0_i32_0 = arith.constant 0 : i32
    %c0_i32_1 = arith.constant 0 : i32
    return %c0_i32, %arg0, %c0_i32_0 : i32, i32, i32
  }
  func.func @transform_2(%arg0: i32) -> (i32, i32) {
    %c0_i32 = arith.constant 0 : i32
    %c0_i32_0 = arith.constant 0 : i32
    %c0_i32_1 = arith.constant 0 : i32
    return %c0_i32, %c0_i32_0 : i32, i32
  }
  func.func @transform_3(%arg0: i32) -> (i32, i32) {
    %c0_i32 = arith.constant 0 : i32
    %c0_i32_0 = arith.constant 0 : i32
    %c0_i32_1 = arith.constant 0 : i32
    return %c0_i32, %c0_i32_0 : i32, i32
  }
  func.func @transform_4(%arg0: i32) -> (i32, i32) {
    %c0_i32 = arith.constant 0 : i32
    %c0_i32_0 = arith.constant 0 : i32
    return %arg0, %c0_i32 : i32, i32
  }
}

module attributes {stable_mosaic.version = 14 : i64} {
  func.func @_tc_last_body(%arg0: i32, %arg1: memref<2x1000x128xf32, #tpu.memory_space<vmem>>, %arg2: memref<2x1000x128xf32, #tpu.memory_space<vmem>>, %arg3: memref<1x128xf32, #tpu.memory_space<vmem>>, %arg4: memref<1000x128xf32, #tpu.memory_space<vmem>>) attributes {dimension_semantics = [#tpu.dimension_semantics<arbitrary>], iteration_bounds = array<i64: 10>, scalar_prefetch = 0 : i64, scratch_operands = 0 : i64, tpu.core_type = #tpu.core_type<tc>, window_params = [{transform_indices = @transform_0, window_bounds = array<i64: 2, 1000, 128>}, {transform_indices = @transform_1, window_bounds = array<i64: 2, 1000, 128>}, {pipeline_mode = #tpu.pipeline_mode<synchronous>, transform_indices = @transform_2, window_bounds = array<i64: 1, 128>}, {transform_indices = @transform_3, window_bounds = array<i64: 1000, 128>}]} {
    %get3A = arith.constant 0 : index
    %get3A_0 = arith.constant 0 : index
    %get3A_1 = arith.constant 0 : index
    %get3A_2 = vector.load %arg1[%get3A, %get3A_0, %get3A_1] : memref<2x1000x128xf32, #tpu.memory_space<vmem>>, vector<1x1000x1xf32>
    %get3A_3 = vector.shape_cast %get3A_2 : vector<1x1000x1xf32> to vector<1000x1xf32>
    %get3A_4 = arith.constant 1 : index
    %get3A_5 = arith.constant 0 : index
    %get3A_6 = arith.constant 0 : index
    %get3A_7 = vector.load %arg1[%get3A_4, %get3A_5, %get3A_6] : memref<2x1000x128xf32, #tpu.memory_space<vmem>>, vector<1x1000x1xf32>
    %get3A_8 = vector.shape_cast %get3A_7 : vector<1x1000x1xf32> to vector<1000x1xf32>
    %add3A = arith.addf %get3A_3, %get3A_8 : vector<1000x1xf32>
    %add3A_9 = arith.constant 1.000000e+00 : f32
    %add3A_10 = vector.broadcast %add3A_9 : f32 to vector<1000x1xf32>
    %add3A_11 = arith.addf %add3A, %add3A_10 : vector<1000x1xf32>
    %rsqrt3A = math.rsqrt %add3A_11 : vector<1000x1xf32>
    %get3A_12 = arith.constant 0 : index
    %get3A_13 = arith.constant 0 : index
    %get3A_14 = arith.constant 0 : index
    %get3A_15 = vector.load %arg2[%get3A_12, %get3A_13, %get3A_14] : memref<2x1000x128xf32, #tpu.memory_space<vmem>>, vector<1x1000x128xf32>
    %get3A_16 = vector.shape_cast %get3A_15 : vector<1x1000x128xf32> to vector<1000x128xf32>
    %get3A_17 = arith.constant 1 : index
    %get3A_18 = arith.constant 0 : index
    %get3A_19 = arith.constant 0 : index
    %get3A_20 = vector.load %arg2[%get3A_17, %get3A_18, %get3A_19] : memref<2x1000x128xf32, #tpu.memory_space<vmem>>, vector<1x1000x128xf32>
    %get3A_21 = vector.shape_cast %get3A_20 : vector<1x1000x128xf32> to vector<1000x128xf32>
    %add3A_22 = arith.addf %get3A_16, %get3A_21 : vector<1000x128xf32>
    %mul3A = vector.broadcast %rsqrt3A : vector<1000x1xf32> to vector<1000x128xf32>
    %mul3A_23 = arith.mulf %mul3A, %add3A_22 : vector<1000x128xf32>
    %get3A_24 = arith.constant 0 : index
    %get3A_25 = arith.constant 0 : index
    %get3A_26 = vector.load %arg3[%get3A_24, %get3A_25] : memref<1x128xf32, #tpu.memory_space<vmem>>, vector<1x128xf32>
    %add3A_27 = vector.broadcast %get3A_26 : vector<1x128xf32> to vector<1000x128xf32>
    %add3A_28 = arith.addf %mul3A_23, %add3A_27 : vector<1000x128xf32>
    %swap3A = arith.constant 0 : index
    %swap3A_29 = arith.constant 0 : index
    %swap3A_30 = vector.load %arg4[%swap3A, %swap3A_29] : memref<1000x128xf32, #tpu.memory_space<vmem>>, vector<1000x128xf32>
    tpu.vector_store %arg4[%swap3A, %swap3A_29], %add3A_28 {strides = array<i32>} : memref<1000x128xf32, #tpu.memory_space<vmem>>, vector<1000x128xf32>,
    return
  }
  func.func @transform_0(%arg0: i32) -> (i32, i32, i32) {
    %c0_i32 = arith.constant 0 : i32
    %c0_i32_0 = arith.constant 0 : i32
    %c0_i32_1 = arith.constant 0 : i32
    return %c0_i32, %arg0, %c0_i32_0 : i32, i32, i32
  }
  func.func @transform_1(%arg0: i32) -> (i32, i32, i32) {
    %c0_i32 = arith.constant 0 : i32
    %c0_i32_0 = arith.constant 0 : i32
    %c0_i32_1 = arith.constant 0 : i32
    return %c0_i32, %arg0, %c0_i32_0 : i32, i32, i32
  }
  func.func @transform_2(%arg0: i32) -> (i32, i32) {
    %c0_i32 = arith.constant 0 : i32
    %c0_i32_0 = arith.constant 0 : i32
    %c0_i32_1 = arith.constant 0 : i32
    return %c0_i32, %c0_i32_0 : i32, i32
  }
  func.func @transform_3(%arg0: i32) -> (i32, i32) {
    %c0_i32 = arith.constant 0 : i32
    %c0_i32_0 = arith.constant 0 : i32
    return %arg0, %c0_i32 : i32, i32
  }
}

</mosaic_0001>

<sc_bundles>
// kernel: kernel.11.cloned.1.call-start
scs
__scs_entry_jumppad:
0x0: {  	(pc) =	sbr.rel $0x88, $3  }
0x1: {  	(tag) =	ssettag $0x0;
	lr =	simm.s32 $0x1  }
0x2: {  	[smem:$0x3F9B] =	sst lr;
	_ =	strace $0xD0000000  }
0x3: {  	_ = 	snop  }
0x4: {  	_ = 	snop  }
0x5: {  	_ = 	snop  }
0x6: {  	_ = 	snop  }
0x7: {  	_ = 	snop  }
__scs_overlays_trampoline_lowered:
0x8: {  	[smem:$0x3FAA] =	sst s0  }
0x9: {  	[smem:$0x3FAB] =	sst s1  }
0xa: {  	[smem:$0x3FAC] =	sst s2  }
0xb: {  	[smem:$0x3FAD] =	sst s3  }
0xc: {  	[smem:$0x3FAE] =	sst s4  }
0xd: {  	[smem:$0x3FAF] =	sst s5  }
0xe: {  	[smem:$0x3FB0] =	sst s6  }
0xf: {  	[smem:$0x3FB1] =	sst s7  }
0x10: {  	[smem:$0x3FB2] =	sst s8  }
0x11: {  	[smem:$0x3FB3] =	sst s9;
	s0 =	simm.s32 @!p0 $0x0  }
0x12: {  	s1 =	sld [smem:$0x3F99];
	s0 =	simm.s32 @p0 $0x1  }
0x13: {  	[smem:$0x3FB4] =	sst s0;
	s0 =	simm.s32 @!p1 $0x0  }
0x14: {  	s2 =	sld [smem:$0x3F98];
	s0 =	simm.s32 @p1 $0x1  }
0x15: {  	[smem:$0x3FB5] =	sst s0;
	s0 =	simm.s32 @!p2 $0x0  }
0x16: {  	s3 =	sld [smem:$0x3FDB];
	s0 =	simm.s32 @p2 $0x1  }
0x17: {  	s4 =	simm.s32 $0x1BF5;
	[smem:$0x3FB7] =	sst s0  }
0x18: {  	s0 =	sld [smem:$0x3F9A];
	_ =	swait.ge [sflag:s4], $0x0  }
0x19: {  	s7 =	sld [smem:$0x3F9B]  }
0x1a: {  	s8 =	sadd.s32 $0xFFFFE003, lr  }
0x1b: {  	s9 =	sadd.s32 $0xFFFFFEF7, lr;
	s5 =	simm.s32 $0xFFFFFFFF;
	p2 =	slt.u32 s8, $0xFFFFF086  }
0x1c: {  	p1 =	slt.u32 s9, $0xF7A;
	s5 =	simm.s32 @!p2 $0x0  }
0x1d: {  	s5 =	simm.s32 @p1 $0x1;
	p0 =	seq.s32 s7, s2  }
0x1e: {  	s7 =	smul.u32 @!p0 $0xF7A, s2;
	p2 =	seq.s32 @!p0 s5, $0x0  }
0x1f: {  	s9 =	smul.u32 $0xF7A, s1;
	s8 =	simm.s32 @!p0 $0x1BF5;
	p2 =	por !p2, p0  }
0x20: {  	[sflag:s8] =	ssyncset.s32 @!p0 $0xFFFFF086;
	s6 =	sadd.s32 @!p0 s3, s7;
	s7 =	simm.s32 @!p0 $0x108  }
0x21: {  	s3 =	sadd.s32 s3, s9;
	s6 =	sadd.s32 @!p0 $0x88, s6;
	s7 =	simm.s32 @p2 $0x1082  }
0x22: {  	[simem:s7], [sflag:s8] =	dma.local @!p0 [hbm:s6], $0xF7A  }
0x23: {  	s9 =	sor.u32 $0xD0000000, s2;
	s6 =	simm.s32 $0x108;
	_ =	swait.ge @!p0 [sflag:s8], $0x0  }
0x24: {  	s3 =	sadd.s32 $0x88, s3;
	s6 =	simm.s32 @!p1 $0x1082;
	[sflag:s4] =	ssyncset.s32 $0xFFFFF086  }
0x25: {  	[simem:s6], [sflag:s4] =	dma.local [hbm:s3], $0xF7A  }
0x26: {  	[smem:$0x3F9B] =	sst s1;
	(tag) =	ssettag s2;
	_ =	strace s9  }
0x27: {  	s1 =	sld [smem:$0x3FAB]  }
0x28: {  	s2 =	sld [smem:$0x3FAC]  }
0x29: {  	s4 =	sld [smem:$0x3FAE]  }
0x2a: {  	p0 =	seq.s32 s5, $0x0;
	s5 =	sld [smem:$0x3FAF]  }
0x2b: {  	s6 =	sld [smem:$0x3FB0]  }
0x2c: {  	s7 =	sld [smem:$0x3FB1]  }
0x2d: {  	s3 =	simm.s32 $0x108;
	s8 =	sld [smem:$0x3FB2]  }
0x2e: {  	s3 =	simm.s32 @!p0 $0x1082;
	s9 =	sld [smem:$0x3FB3]  }
0x2f: {  	lr =	sadd.s32 s0, s3;
	s0 =	sld [smem:$0x3FAA]  }
0x30: {  	s3 =	sld [smem:$0x3FAD]  }
0x31: {  	[smem:$0x3FB6] =	sst s10  }
0x32: {  	s10 =	sld [smem:$0x3FB4];
	_ =	sdelay $0x3  }
0x33: {  	p0 =	seq.s32 s10, $0x1;
	s10 =	sld [smem:$0x3FB6];
	_ =	sdelay $0x3  }
0x34: {  	[smem:$0x3FB6] =	sst s10  }
0x35: {  	s10 =	sld [smem:$0x3FB5];
	_ =	sdelay $0x3  }
0x36: {  	p1 =	seq.s32 s10, $0x1;
	s10 =	sld [smem:$0x3FB6];
	_ =	sdelay $0x3  }
0x37: {  	[smem:$0x3FB6] =	sst s10  }
0x38: {  	s10 =	sld [smem:$0x3FB7]  }
0x39: {  	_ = 	snop;
	(pc) =	sbr.ind lr, $3  }
0x3a: {  	_ = 	snop  }
0x3b: {  	_ = 	snop  }
0x3c: {  	p2 =	seq.s32 s10, $0x1;
	s10 =	sld [smem:$0x3FB6]  }
0x3d: {  	_ =	shalt  }
0x3e: {  	_ =	shalt  }
0x3f: {  	_ =	shalt  }
0x40: {  	_ =	shalt  }
0x41: {  	_ =	shalt  }
0x42: {  	_ =	shalt  }
0x43: {  	_ =	shalt  }
0x44: {  	_ =	shalt  }
0x45: {  	_ =	shalt  }
0x46: {  	_ =	shalt  }
0x47: {  	_ =	shalt  }
0x48: {  	_ =	shalt  }
0x49: {  	_ =	shalt  }
0x4a: {  	_ =	shalt  }
0x4b: {  	_ =	shalt  }
0x4c: {  	_ =	shalt  }
0x4d: {  	_ =	shalt  }
0x4e: {  	_ =	shalt  }
0x4f: {  	_ =	shalt  }
0x50: {  	_ =	shalt  }
0x51: {  	_ =	shalt  }
0x52: {  	_ =	shalt  }
0x53: {  	_ =	shalt  }
0x54: {  	_ =	shalt  }
0x55: {  	_ =	shalt  }
0x56: {  	_ =	shalt  }
0x57: {  	_ =	shalt  }
0x58: {  	_ =	shalt  }
0x59: {  	_ =	shalt  }
0x5a: {  	_ =	shalt  }
0x5b: {  	_ =	shalt  }
0x5c: {  	_ =	shalt  }
0x5d: {  	_ =	shalt  }
0x5e: {  	_ =	shalt  }
0x5f: {  	_ =	shalt  }
0x60: {  	_ =	shalt  }
0x61: {  	_ =	shalt  }
0x62: {  	_ =	shalt  }
0x63: {  	_ =	shalt  }
0x64: {  	_ =	shalt  }
0x65: {  	_ =	shalt  }
0x66: {  	_ =	shalt  }
0x67: {  	_ =	shalt  }
0x68: {  	_ =	shalt  }
0x69: {  	_ =	shalt  }
0x6a: {  	_ =	shalt  }
0x6b: {  	_ =	shalt  }
0x6c: {  	_ =	shalt  }
0x6d: {  	_ =	shalt  }
0x6e: {  	_ =	shalt  }
0x6f: {  	_ =	shalt  }
0x70: {  	_ =	shalt  }
0x71: {  	_ =	shalt  }
0x72: {  	_ =	shalt  }
0x73: {  	_ =	shalt  }
0x74: {  	_ =	shalt  }
0x75: {  	_ =	shalt  }
0x76: {  	_ =	shalt  }
0x77: {  	_ =	shalt  }
0x78: {  	_ =	shalt  }
0x79: {  	_ =	shalt  }
0x7a: {  	_ =	shalt  }
0x7b: {  	_ =	shalt  }
0x7c: {  	_ =	shalt  }
0x7d: {  	_ =	shalt  }
0x7e: {  	_ =	shalt  }
0x7f: {  	_ =	shalt  }
0x80: {  	_ =	shalt  }
0x81: {  	_ =	shalt  }
0x82: {  	_ =	shalt  }
0x83: {  	_ =	shalt  }
0x84: {  	_ =	shalt  }
0x85: {  	_ =	shalt  }
0x86: {  	_ =	shalt  }
0x87: {  	_ =	shalt  }
.Lfunc_end0:
.L_simem_size_0:
called_computation.1_lowered:
.L_overlay_start_0:
0x88: {  	s2 =	sld [smem:$0x3FD9]  }
0x89: {  	s3 =	sld [smem:$0x3FFE];
	_ =	sdelay $0x1  }
0x8a: {  	s1 =	srdreg.scid  }
0x8b: {  	s0 =	sand.u32 $0x1, s1  }
0x8c: {  	s17 =	sshll.u32 s0, $0xA;
	s2 =	sadd.s32 s3, s2  }
0x8d: {  	s2 =	sadd.s32 s2, s17  }
0x8e: {  	[smem:$0x3FC2] =	sst s2  }
0x8f: {  	_ = 	snop  }
0x90: {  	s2 =	sld [smem:$0x3FD0];
	(tm) =	ssettm $0x1  }
0x91: {  	s18 =	sld [smem:$0x3FFB];
	_ =	sdelay $0x3  }
0x92: {  	_ =	strace s18  }
0x93: {  	s3 =	sld [smem:$0x3FFC];
	_ =	sdelay $0x3  }
0x94: {  	_ =	strace s3  }
0x95: {  	s3 =	sld [smem:$0x3FFD];
	_ =	sdelay $0x3  }
0x96: {  	_ =	strace s3  }
0x97: {  	_ =	strace $0x8FFFFFFF  }
0x98: {  	s19 =	sld [smem:$0x3FDB];
	_ =	sdelay $0x1  }
0x99: {  	s4 =	simm.s32 $_scs_section_size  }
0x9a: {  	s5 =	simm.s32 $_size__tile_overlayer_lowered;
	s6 =	simm.s32 $_tile_overlayer_lowered  }
0x9b: {  	s22 =	simm.s32 $0x1BFF;
	s21 =	sshll.u32 s6, $0x1;
	s3 =	sadd.s32 s4, s19  }
0x9c: {  	s7 =	simm.s32 $0x0;
	s20 =	sshll.u32 s5, $0x1;
	s5 =	sadd.s32 s21, s3  }
0x9d: {  	[timem:s7], [sflag:s22] =	dma.local [hbm:s5], s20  }
0x9e: {  	_ =	swait.ge [sflag:s22], s20  }
0x9f: {  	s4 =	ssub.s32 $0x0, s20;
	[sflag:s22] =	ssyncset.done $0x0  }
0xa0: {  	[sflag:s22] =	ssyncadd.s32 s4;
	_ =	sdelay $0x1  }
0xa1: {  	s23 =	simm.s32 $0x1B8B  }
0xa2: {  	_ =	swait.ge [sflag:s23], $0x1  }
0xa3: {  	[sflag:s23] =	ssyncset.done $0x0  }
0xa4: {  	s25 =	simm.s32 $0x1B8E;
	s24 =	sld [smem:$0x3FFE];
	[sflag:s23] =	ssyncadd.s32 $0xFFFFFFFF  }
0xa5: {  	s26 =	simm.s32 $execute0_lowered;
	[smem:$0x3FD2] =	sst s25  }
0xa6: {  	s5 =	sshll.u32 s26, $0x1;
	_ =	strace $0x80000049;
	[dreg:$0x1] =	wrdreg $0xFFFFFFFF  }
0xa7: {  	s28 =	simm.s32 $_size_execute0_lowered;
	s3 =	sadd.s32 s3, s5;
	[dreg:$0x0] =	wrdreg $0x0  }
0xa8: {  	s5 =	sshll.u32 s28, $0x1;
	[dreg:$0x2] =	wrdreg s3  }
0xa9: {  	[dreg:$0x3] =	wrdreg s5  }
0xaa: {  	[dreg:$0x4] =	wrdreg $0xC0  }
0xab: {  	_ =	task [dreg:s7], $0x5FFFF  }
0xac: {  	[dreg:$0x1] =	wrdreg $0xFFFFFFFF  }
0xad: {  	[dreg:$0x0] =	wrdreg $0x60  }
0xae: {  	[dreg:$0x2] =	wrdreg s2  }
0xaf: {  	[dreg:$0x3] =	wrdreg s24  }
0xb0: {  	[dreg:$0x4] =	wrdreg $0x0  }
0xb1: {  	[dreg:$0x5] =	wrdreg $0x9  }
0xb2: {  	_ =	task.clear_ibuf [dreg:s7], $0x6FFFF;
	_ =	strace $0x90000049  }
0xb3: {  	s29 =	simm.s32 $0x9;
	_ =	strace $0x8000004E  }
0xb4: {  	_ =	swait.ge [sflag:s29], $0x1  }
0xb5: {  	[sflag:s29] =	ssyncadd.s32 $0xFFFFFFFF  }
0xb6: {  	_ =	strace $0x9000004E  }
0xb7: {  	_ =	sfence  }
0xb8: {  	s30 =	sld [smem:$0x0];
	_ =	sdelay $0x2  }
0xb9: {  	s31 =	sshll.u32 s1, $0xD;
	s1 =	sshrl.u32 s1, $0x2  }
0xba: {  	s3 =	sand.u32 $0x4000, s31;
	s1 =	sadd.s32 s1, s30  }
0xbb: {  	s0 =	sor.u32 s3, s0;
	s1 =	sshll.u32 s1, $0x11  }
0xbc: {  	s0 =	sor.u32 s1, s0  }
0xbd: {  	s0 =	sadd.s32 $0x8F2B, s0  }
0xbe: {  	[sflag:s0] =	ssyncadd.remote.s32 $0x1  }
0xbf: {  	_ =	sfence.sel $0xFFFF  }
0xc0: {  	[dreg:$0x0] =	wrdreg $0xFFFFFFFF;
	(pc) =	sbr.abs _section_cstart, $3  }
0xc1: {  	[dreg:$0x1] =	wrdreg $0xFFFFFFFF  }
0xc2: {  	_ =	task.clear_ibuf [dreg:s7], $0x2FFFF;
	_ =	strace $0x9FFFFFFF  }
0xc3: {  	(tm) =	ssettm $0x7FFFFFFF  }
tec
execute0_lowered:
.L_overlay_start_1:
0x0: {  	(tag) =	ssettag $0x1  }
0x1: {  	s1 =	rddreg [dreg:$0x0]  }
0x2: {  	s0 =	rddreg [dreg:$0x1]  }
0x3: {  	s2 =	rddreg [dreg:$0x2];
	s3 =	srdreg.scid  }
0x4: {  	s4 =	simm.s32 $0x0;
	s14 =	stileid.u32;
	s28 =	simm.s32 $0x9  }
0x5: {  	s30 =	simm.s32 $0x40;
	s31 =	simm.s32 $0x13C00;
	s7 =	smul.u32 $0x13C00, s14  }
0x6: {  	s3 =	sand.u32 $0x1, s3;
	[smem:$0x7FF] =	sst s4;
	s9 =	smul.u32 $0x2780, s14  }
0x7: {  	s8 =	sadd.s32 $0xC000, s0;
	s5 =	sadd.s32 $0x2000, s0;
	s22 =	smul.u32 $0x4F000, s14  }
0x8: {  	p1 =	sne.s32 s14, $0xF;
	p2 =	seq.s32 s14, $0xF;
	s25 =	sadd.s32 $0x128400, s2  }
0x9: {  	s26 =	sadd.s32 $0x25080, s1;
	s29 =	sadd.s32 $0x138800, s2;
	s12 =	sadd.s32 $0x3D100, s0  }
0xa: {  	s6 =	smul.u32 $0x13C000, s3;
	_ =	strace $0x8000004A;
	[dreg:$0x5] =	wrdreg s26  }
0xb: {  	s21 =	ssub.s32 $0x2, s3;
	p0 =	seq.s32 s3, $0x0;
	[dreg:$0x6] =	wrdreg s12  }
0xc: {  	s12 =	sadd.s32 $0x2008, s0;
	s25 =	sshrl.u32 s25, $0x3;
	s26 =	sshrl.u32 s29, $0x3  }
0xd: {  	s10 =	sadd.s32 s9, s0;
	s11 =	sshrl.u32 s21, $0x1;
	p1 =	por !p0, !p1  }
0xe: {  	p2 =	por !p0, !p2;
	s23 =	sshrl.u32 s22, $0x2;
	[dreg:$0x13] =	wrdreg s25  }
0xf: {  	s9 =	sadd.s32 s1, s9;
	[dreg:$0x14] =	wrdreg s26;
	s25 =	simm.s32 $0x17C00  }
0x10: {  	s6 =	sadd.s32 s7, s6;
	s7 =	ssub.s32 s21, s11;
	p1 =	por !p1, !p1  }
0x11: {  	p2 =	por !p2, !p2;
	s24 =	sadd.s32 $0x16000, s10;
	s10 =	smul.u32 $0x500, s14  }
0x12: {  	[dreg:$0x7] =	wrdreg s9;
	s14 =	smul.u32 $0x2800, s14;
	s11 =	simm.s32 $0x1E500  }
0x13: {  	s9 =	simm.s32 $0x4;
	s6 =	sshrl.u32 s6, $0x3;
	[dreg:$0x4] =	wrdreg s24  }
0x14: {  	s24 =	smax.u32 s7, $0x1;
	s7 =	simm.s32 $0x3;
	s13 =	sadd.s32 s6, s0  }
0x15: {  	s6 =	sadd.s32 s23, s2;
	s15 =	sadd.s32 s8, s10;
	[dreg:$0x12] =	wrdreg s24  }
0x16: {  	s16 =	sadd.s32 s5, s10;
	s17 =	sadd.s32 s10, s12;
	[dreg:$0x8] =	wrdreg s15  }
0x17: {  	s19 =	sadd.s32 $0x5000, s10;
	s0 =	sshrl.u32 s14, $0x3;
	[dreg:$0xa] =	wrdreg s17  }
0x18: {  	s24 =	simm.s32 $0x8;
	s18 =	sadd.s32 $0x10, s16;
	[dreg:$0x9] =	wrdreg s16  }
0x19: {  	s8 =	sadd.s32 s8, s19;
	s20 =	sadd.s32 s5, s19;
	[dreg:$0xb] =	wrdreg s18  }
0x1a: {  	s0 =	sadd.s32 s5, s0;
	s21 =	sadd.s32 s19, s12;
	[dreg:$0xc] =	wrdreg s8  }
0x1b: {  	s23 =	sadd.s32 $0x3D800, s13;
	s29 =	sadd.s32 $0x18, s16;
	[dreg:$0xd] =	wrdreg s20  }
.Ltmp0:
0x1c: {  	s19 =	simm.s32 $0x1E580;
	[dreg:$0xe] =	wrdreg s21;
	(pc) =	sbr.rel .LBB2_1-.Ltmp0, $4  }
0x1d: {  	s17 =	simm.s32 $0x0;
	s22 =	sadd.s32 $0x5010, s0;
	[dreg:$0x11] =	wrdreg s23  }
0x1e: {  	s0 =	sadd.s32 $0x5018, s0;
	[dreg:$0x15] =	wrdreg s29;
	s18 =	simm.s32 $0x19C00  }
0x1f: {  	s20 =	simm.s32 $0x1;
	s21 =	simm.s32 $0x5;
	[dreg:$0xf] =	wrdreg s22  }
0x20: {  	s8 =	simm.s32 $0x7;
	[dreg:$0x10] =	wrdreg s0;
	s0 =	simm.s32 $0x1E400  }
.LBB2_14:
0x21: {  	_ =	swait.ge [sflag:s9], $0x2000  }
0x22: {  	[sflag:s9] =	ssyncset.done $0x0  }
0x23: {  	[sflag:s9] =	ssyncadd.s32 $0xFFFFE000  }
0x24: {  	_ =	swait.ge [sflag:s24], $0x40  }
0x25: {  	[sflag:s24] =	ssyncset.done $0x0  }
0x26: {  	[sflag:s24] =	ssyncadd.s32 $0xFFFFFFC0  }
0x27: {  	[spmem:s2] =	stream.indirect.scatter.add.f32 [tilespmem:s18], [sflag:$0x9], $0x80, s19, s30, $0x2000b8;
	[tilespmem:$0x1E600] =	vst v63  }
0x28: {  	_ =	swait.ge [sflag:s28], $0x2000  }
0x29: {  	[sflag:s28] =	ssyncset.done $0x0  }
0x2a: {  	[sflag:s28] =	ssyncadd.s32 $0xFFFFE000  }
.LBB2_15:
0x2b: {  	_ =	strace $0x9000004C  }
0x2c: {  	s3 =	stileid.u32;
	_ =	strace $0x8000004D  }
0x2d: {  	s3 =	sshll.u32 s3, $0x6;
	[bflag:$0x0] =	sbarrier.arrive $0xFFFF  }
0x2e: {  	s13 =	sshrl.u32 s6, $0x3;
	s3 =	sor.u32 $0x1C09, s3;
	s14 =	rddreg [dreg:$0x11]  }
0x2f: {  	[hbm:s14], [sflag:s3] =	dma.local [spmem:s13], $0x2780  }
0x30: {  	_ =	swait.ge [sflag:s28], $0x2780  }
0x31: {  	s17 =	sadd.s32 $0x1, s17;
	s29 =	rddreg [dreg:$0x12]  }
0x32: {  	p3 =	sne.s32 s17, s29  }
.Ltmp1:
0x33: {  	_ = 	snop;
	(pc) =	sbr.rel @!p3 .LBB2_16-.Ltmp1, $4  }
0x34: {  	_ = 	snop  }
0x35: {  	[sflag:s28] =	ssyncset.done $0x0  }
0x36: {  	[sflag:s28] =	ssyncadd.s32 $0xFFFFD880  }
0x37: {  	_ =	strace $0x9000004D  }
.LBB2_1:
.Ltmp2:
0x38: {  	(pc) =	sbr.rel @!p1 .LBB2_3-.Ltmp2, $2  }
0x39: {  	_ =	sdelay $0x2  }
0x3a: {  	_ =	strace $0x8000004B  }
0x3b: {  	s3 =	stileid.u32  }
0x3c: {  	s13 =	sshrl.u32 s6, $0x3;
	s3 =	sshll.u32 s3, $0x6  }
.Ltmp3:
0x3d: {  	s14 =	rddreg [dreg:$0x7];
	s3 =	sor.u32 $0x1C09, s3;
	(pc) =	sbr.rel .LBB2_5-.Ltmp3, $4  }
0x3e: {  	[spmem:s13], [sflag:s3] =	dma.local [hbm:s14], $0x2780  }
0x3f: {  	_ =	swait.ge [sflag:s28], $0x2780  }
0x40: {  	[sflag:s28] =	ssyncset.done $0x0  }
0x41: {  	[sflag:s28] =	ssyncadd.s32 $0xFFFFD880  }
.LBB2_3:
.Ltmp4:
0x42: {  	(pc) =	sbr.rel @!p2 .LBB2_8-.Ltmp4, $1  }
0x43: {  	_ =	sdelay $0x3  }
0x44: {  	s3 =	rddreg [dreg:$0x5]  }
0x45: {  	s13 =	rddreg [dreg:$0x13];
	s14 =	simm.s32 $0x1FC9  }
0x46: {  	[spmem:s13], [sflag:s14] =	dma.local [hbm:s3], $0x2080  }
0x47: {  	_ =	swait.ge [sflag:s28], $0x2080  }
0x48: {  	[sflag:s28] =	ssyncset.done $0x0;
	s26 =	rddreg [dreg:$0x6]  }
.Ltmp5:
0x49: {  	s29 =	rddreg [dreg:$0x14];
	[sflag:s28] =	ssyncadd.s32 $0xFFFFDF80;
	(pc) =	sbr.rel .LBB2_5-.Ltmp5, $4  }
0x4a: {  	[spmem:s29], [sflag:s14] =	dma.local [hbm:s26], $0x700  }
0x4b: {  	_ =	swait.ge [sflag:s28], $0x700  }
0x4c: {  	[sflag:s28] =	ssyncset.done $0x0  }
0x4d: {  	[sflag:s28] =	ssyncadd.s32 $0xFFFFF900  }
.LBB2_8:
.Ltmp6:
0x4e: {  	(pc) =	sbr.rel @!p0 .LBB2_9-.Ltmp6, $1  }
0x4f: {  	_ =	sdelay $0x3  }
.LBB2_5:
0x50: {  	[bflag:$0x0] =	sbarrier.arrive $0xFFFF  }
0x51: {  	_ =	strace $0x9000004B  }
0x52: {  	_ =	strace $0x8000004C  }
0x53: {  	s3 =	simm.s32 $0x0;
	s14 =	simm.s32 $0x1BC00;
	s13 =	rddreg [dreg:$0x8]  }
0x54: {  	[tilespmem:s14], [sflag:$0x9] =	stream.linear.gather [hbm4b:s13+s3], $0x2800, $0x200038;
	[tilespmem:$0x1E600] =	vst v63  }
0x55: {  	_ =	swait.ge [sflag:s28], $0x2800  }
0x56: {  	[sflag:s28] =	ssyncset.done $0x0  }
0x57: {  	[sflag:s28] =	ssyncadd.s32 $0xFFFFD800  }
0x58: {  	[tilespmem:s31], [sflag:$0x1] =	stream.indirect.gather [hbm4b:s1+s30], $0x80, s14, s30, $0x2000b8;
	[tilespmem:$0x1E600] =	vst v63  }
0x59: {  	s23 =	rddreg [dreg:$0x9]  }
0x5a: {  	[tilespmem:s0], [sflag:$0x5] =	stream.linear.gather [hbm4b:s23+s3], $0x40, $0x200038;
	[tilespmem:$0x1E600] =	vst v63  }
0x5b: {  	s26 =	simm.s32 $0x1BC40;
	s29 =	simm.s32 $0x15C00  }
0x5c: {  	[tilespmem:s29], [sflag:$0x2] =	stream.indirect.gather [hbm4b:s1+s30], $0x80, s26, s30, $0x2000b8;
	[tilespmem:$0x1E600] =	vst v63  }
0x5d: {  	s16 =	simm.s32 $0x1E480;
	s15 =	rddreg [dreg:$0xa]  }
0x5e: {  	[tilespmem:s16], [sflag:$0x6] =	stream.linear.gather [hbm4b:s15+s3], $0x40, $0x200038;
	[tilespmem:$0x1E600] =	vst v63  }
0x5f: {  	s22 =	simm.s32 $0x1BC80  }
0x60: {  	[tilespmem:s25], [sflag:$0x3] =	stream.indirect.gather [hbm4b:s1+s30], $0x80, s22, s30, $0x2000b8;
	[tilespmem:$0x1E600] =	vst v63  }
0x61: {  	s23 =	rddreg [dreg:$0xb]  }
0x62: {  	[tilespmem:s11], [sflag:$0x7] =	stream.linear.gather [hbm4b:s23+s3], $0x40, $0x200038;
	[tilespmem:$0x1E600] =	vst v63  }
0x63: {  	s26 =	simm.s32 $0x1BCC0  }
0x64: {  	[tilespmem:s18], [sflag:$0x4] =	stream.indirect.gather [hbm4b:s1+s30], $0x80, s26, s30, $0x2000b8;
	[tilespmem:$0x1E600] =	vst v63  }
0x65: {  	s13 =	simm.s32 $0x1BDC0;
	s29 =	rddreg [dreg:$0x15]  }
0x66: {  	[tilespmem:s19], [sflag:$0x8] =	stream.linear.gather [hbm4b:s29+s3], $0x40, $0x200038;
	[tilespmem:$0x1E600] =	vst v63  }
.LBB2_6:
0x67: {  	_ =	swait.ge [sflag:s20], $0x2000  }
0x68: {  	[sflag:s20] =	ssyncset.done $0x0  }
0x69: {  	[sflag:s20] =	ssyncadd.s32 $0xFFFFE000  }
0x6a: {  	_ =	swait.ge [sflag:s21], $0x40  }
0x6b: {  	[sflag:s21] =	ssyncset.done $0x0  }
0x6c: {  	[sflag:s21] =	ssyncadd.s32 $0xFFFFFFC0  }
0x6d: {  	[spmem:s2] =	stream.indirect.scatter.add.f32 [tilespmem:s31], [sflag:$0x9], $0x80, s0, s30, $0x2000b8;
	[tilespmem:$0x1E600] =	vst v63  }
0x6e: {  	_ =	swait.ge [sflag:s28], $0x2000  }
0x6f: {  	p3 =	seq.s32 s3, $0x4E0;
	[sflag:s28] =	ssyncset.done $0x0  }
0x70: {  	s15 =	simm.s32 @p3 $0x2;
	[sflag:s28] =	ssyncadd.s32 $0xFFFFE000  }
0x71: {  	_ =	swait.ge @p3 [sflag:s15], $0x2000  }
0x72: {  	[sflag:s15] =	ssyncset.done @p3 $0x0  }
0x73: {  	[sflag:s15] =	ssyncadd.s32 @p3 $0xFFFFE000;
	s15 =	simm.s32 @p3 $0x6  }
0x74: {  	_ =	swait.ge @p3 [sflag:s15], $0x40  }
0x75: {  	s16 =	simm.s32 @p3 $0x1E480;
	[sflag:s15] =	ssyncset.done @p3 $0x0  }
0x76: {  	s26 =	simm.s32 @p3 $0x15C00;
	[sflag:s15] =	ssyncadd.s32 @p3 $0xFFFFFFC0;
	s15 =	simm.s32 @p3 $0x40  }
0x77: {  	[spmem:s2] =	stream.indirect.scatter.add.f32 @p3 [tilespmem:s26], [sflag:$0x9], $0x80, s16, s15, $0x2000b8;
	[tilespmem:$0x1E600] =	vst v63  }
0x78: {  	s15 =	simm.s32 @p3 $0x9  }
0x79: {  	_ =	swait.ge @p3 [sflag:s15], $0x2000  }
0x7a: {  	s16 =	simm.s32 @!p3 $0x40;
	[sflag:s15] =	ssyncset.done @p3 $0x0  }
0x7b: {  	s26 =	simm.s32 @!p3 $0x13C00;
	[sflag:s15] =	ssyncadd.s32 @p3 $0xFFFFE000;
	s15 =	sadd.s32 @!p3 $0xFFFFFF40, s13  }
0x7c: {  	[tilespmem:s26], [sflag:$0x1] =	stream.indirect.gather @!p3 [hbm4b:s1+s16], $0x80, s15, s16, $0x2000b8;
	[tilespmem:$0x1E600] =	vst v63  }
0x7d: {  	s15 =	sadd.s32 @!p3 $0x20, s3  }
0x7e: {  	s26 =	sadd.s32 @!p3 s10, s15;
	s15 =	sand.u32 @!p3 $0x60, s15  }
0x7f: {  	s26 =	sand.u32 @!p3 $0xFFFFF80, s26;
	s14 =	sadd.s32 @!p3 s5, s15  }
0x80: {  	s22 =	simm.s32 @!p3 $0x0;
	s23 =	simm.s32 @!p3 $0x1E400;
	s14 =	sadd.s32 @!p3 s26, s14  }
0x81: {  	[tilespmem:s23], [sflag:$0x5] =	stream.linear.gather @!p3 [hbm4b:s14+s22], $0x40, $0x200038;
	[tilespmem:$0x1E600] =	vst v63  }
0x82: {  	s14 =	simm.s32 @!p3 $0x2  }
0x83: {  	_ =	swait.ge @!p3 [sflag:s14], $0x2000  }
0x84: {  	[sflag:s14] =	ssyncset.done @!p3 $0x0  }
0x85: {  	[sflag:s14] =	ssyncadd.s32 @!p3 $0xFFFFE000;
	s14 =	simm.s32 @!p3 $0x6  }
0x86: {  	_ =	swait.ge @!p3 [sflag:s14], $0x40  }
0x87: {  	s29 =	simm.s32 @!p3 $0x9;
	[sflag:s14] =	ssyncset.done @!p3 $0x0  }
0x88: {  	s23 =	simm.s32 @!p3 $0x15C00;
	[sflag:s14] =	ssyncadd.s32 @!p3 $0xFFFFFFC0;
	s14 =	simm.s32 @!p3 $0x1E480  }
0x89: {  	[spmem:s2] =	stream.indirect.scatter.add.f32 @!p3 [tilespmem:s23], [sflag:$0x9], $0x80, s14, s16, $0x2000b8;
	[tilespmem:$0x1E600] =	vst v63  }
0x8a: {  	_ =	swait.ge @!p3 [sflag:s29], $0x2000  }
0x8b: {  	[sflag:s29] =	ssyncset.done @!p3 $0x0  }
0x8c: {  	s15 =	sor.u32 @!p3 s26, s15;
	[sflag:s29] =	ssyncadd.s32 @!p3 $0xFFFFE000;
	s29 =	sadd.s32 @!p3 $0xFFFFFF80, s13  }
0x8d: {  	[tilespmem:s23], [sflag:$0x2] =	stream.indirect.gather @!p3 [hbm4b:s1+s16], $0x80, s29, s16, $0x2000b8;
	[tilespmem:$0x1E600] =	vst v63  }
0x8e: {  	s15 =	sadd.s32 @!p3 s15, s12  }
0x8f: {  	[tilespmem:s14], [sflag:$0x6] =	stream.linear.gather @!p3 [hbm4b:s15+s22], $0x40, $0x200038;
	[tilespmem:$0x1E600] =	vst v63  }
0x90: {  	_ =	swait.ge [sflag:s7], $0x2000  }
0x91: {  	[sflag:s7] =	ssyncset.done $0x0  }
0x92: {  	[sflag:s7] =	ssyncadd.s32 $0xFFFFE000  }
0x93: {  	_ =	swait.ge [sflag:s8], $0x40  }
0x94: {  	[sflag:s8] =	ssyncset.done $0x0  }
.Ltmp7:
0x95: {  	[sflag:s8] =	ssyncadd.s32 $0xFFFFFFC0;
	(pc) =	sbr.rel @p3 .LBB2_10-.Ltmp7, $4  }
0x96: {  	[spmem:s2] =	stream.indirect.scatter.add.f32 [tilespmem:s25], [sflag:$0x9], $0x80, s11, s30, $0x2000b8;
	[tilespmem:$0x1E600] =	vst v63  }
0x97: {  	_ =	swait.ge [sflag:s28], $0x2000  }
0x98: {  	[sflag:s28] =	ssyncset.done $0x0  }
0x99: {  	[sflag:s28] =	ssyncadd.s32 $0xFFFFE000  }
0x9a: {  	s14 =	sadd.s32 $0xFFFFFFC0, s13;
	s29 =	sadd.s32 $0x30, s3  }
0x9b: {  	[tilespmem:s25], [sflag:$0x3] =	stream.indirect.gather [hbm4b:s1+s30], $0x80, s14, s30, $0x2000b8;
	[tilespmem:$0x1E600] =	vst v63  }
0x9c: {  	s15 =	sadd.s32 s10, s29;
	s14 =	sand.u32 $0x70, s29  }
0x9d: {  	s15 =	sand.u32 $0xFFFFF80, s15;
	s16 =	sadd.s32 s5, s14  }
0x9e: {  	s16 =	sadd.s32 s15, s16  }
0x9f: {  	[tilespmem:s11], [sflag:$0x7] =	stream.linear.gather [hbm4b:s16+s4], $0x40, $0x200038;
	[tilespmem:$0x1E600] =	vst v63  }
0xa0: {  	_ =	swait.ge [sflag:s9], $0x2000  }
0xa1: {  	[sflag:s9] =	ssyncset.done $0x0  }
0xa2: {  	[sflag:s9] =	ssyncadd.s32 $0xFFFFE000  }
0xa3: {  	_ =	swait.ge [sflag:s24], $0x40  }
0xa4: {  	[sflag:s24] =	ssyncset.done $0x0  }
0xa5: {  	[sflag:s24] =	ssyncadd.s32 $0xFFFFFFC0  }
0xa6: {  	[spmem:s2] =	stream.indirect.scatter.add.f32 [tilespmem:s18], [sflag:$0x9], $0x80, s19, s30, $0x2000b8;
	[tilespmem:$0x1E600] =	vst v63  }
0xa7: {  	_ =	swait.ge [sflag:s28], $0x2000  }
.Ltmp8:
0xa8: {  	[sflag:s28] =	ssyncset.done $0x0;
	(pc) =	sbr.rel .LBB2_6-.Ltmp8, $4  }
0xa9: {  	s14 =	sor.u32 s15, s14;
	[sflag:s28] =	ssyncadd.s32 $0xFFFFE000  }
0xaa: {  	[tilespmem:s18], [sflag:$0x4] =	stream.indirect.gather [hbm4b:s1+s30], $0x80, s13, s30, $0x2000b8;
	[tilespmem:$0x1E600] =	vst v63  }
0xab: {  	s3 =	sadd.s32 $0x20, s3;
	s14 =	sadd.s32 s14, s12;
	s13 =	sadd.s32 $0x100, s13  }
0xac: {  	[tilespmem:s19], [sflag:$0x8] =	stream.linear.gather [hbm4b:s14+s4], $0x40, $0x200038;
	[tilespmem:$0x1E600] =	vst v63  }
.LBB2_10:
0xad: {  	_ =	swait.ge [sflag:s9], $0x2000  }
0xae: {  	[sflag:s9] =	ssyncset.done $0x0  }
0xaf: {  	[sflag:s9] =	ssyncadd.s32 $0xFFFFE000  }
0xb0: {  	_ =	swait.ge [sflag:s24], $0x40  }
0xb1: {  	[sflag:s24] =	ssyncset.done $0x0  }
0xb2: {  	[sflag:s24] =	ssyncadd.s32 $0xFFFFFFC0  }
0xb3: {  	[spmem:s2] =	stream.indirect.scatter.add.f32 [tilespmem:s18], [sflag:$0x9], $0x80, s19, s30, $0x2000b8;
	[tilespmem:$0x1E600] =	vst v63  }
.Ltmp9:
0xb4: {  	_ = 	snop;
	(pc) =	sbr.rel @p0 .LBB2_15-.Ltmp9, $4  }
.Ltmp10:
0xb5: {  	_ = 	snop;
	(pc) =	sbr.rel @!p0 .LBB2_11-.Ltmp10, $4  }
0xb6: {  	_ =	swait.ge [sflag:s28], $0x2000  }
0xb7: {  	[sflag:s28] =	ssyncset.done $0x0  }
0xb8: {  	[sflag:s28] =	ssyncadd.s32 $0xFFFFE000  }
0xb9: {  	_ = 	snop  }
.LBB2_9:
0xba: {  	s3 =	stileid.u32  }
0xbb: {  	s3 =	sshll.u32 s3, $0x6  }
0xbc: {  	s13 =	sshrl.u32 s6, $0x3;
	s14 =	rddreg [dreg:$0x4];
	s3 =	sor.u32 $0x1C09, s3  }
0xbd: {  	[spmem:s13], [sflag:s3] =	dma.local [hbm:s14], $0x2780  }
0xbe: {  	_ =	swait.ge [sflag:s28], $0x2780  }
0xbf: {  	[sflag:s28] =	ssyncset.done $0x0  }
0xc0: {  	[sflag:s28] =	ssyncadd.s32 $0xFFFFD880  }
0xc1: {  	[bflag:$0x0] =	sbarrier.arrive $0xFFFF  }
0xc2: {  	_ =	strace $0x9000004B  }
0xc3: {  	_ =	strace $0x8000004C  }
.LBB2_11:
0xc4: {  	s3 =	simm.s32 $0x0;
	s13 =	rddreg [dreg:$0xc];
	s14 =	simm.s32 $0x1BC00  }
0xc5: {  	[tilespmem:s14], [sflag:$0x9] =	stream.linear.gather [hbm4b:s13+s3], $0x2800, $0x200038;
	[tilespmem:$0x1E600] =	vst v63  }
0xc6: {  	_ =	swait.ge [sflag:s28], $0x2800  }
0xc7: {  	[sflag:s28] =	ssyncset.done $0x0  }
0xc8: {  	[sflag:s28] =	ssyncadd.s32 $0xFFFFD800  }
0xc9: {  	[tilespmem:s31], [sflag:$0x1] =	stream.indirect.gather [hbm4b:s1+s30], $0x80, s14, s30, $0x2000b8;
	[tilespmem:$0x1E600] =	vst v63  }
0xca: {  	s23 =	rddreg [dreg:$0xd]  }
0xcb: {  	[tilespmem:s0], [sflag:$0x5] =	stream.linear.gather [hbm4b:s23+s3], $0x40, $0x200038;
	[tilespmem:$0x1E600] =	vst v63  }
0xcc: {  	s26 =	simm.s32 $0x1BC40;
	s29 =	simm.s32 $0x15C00  }
0xcd: {  	[tilespmem:s29], [sflag:$0x2] =	stream.indirect.gather [hbm4b:s1+s30], $0x80, s26, s30, $0x2000b8;
	[tilespmem:$0x1E600] =	vst v63  }
0xce: {  	s16 =	simm.s32 $0x1E480;
	s15 =	rddreg [dreg:$0xe]  }
0xcf: {  	[tilespmem:s16], [sflag:$0x6] =	stream.linear.gather [hbm4b:s15+s3], $0x40, $0x200038;
	[tilespmem:$0x1E600] =	vst v63  }
0xd0: {  	s22 =	simm.s32 $0x1BC80  }
0xd1: {  	[tilespmem:s25], [sflag:$0x3] =	stream.indirect.gather [hbm4b:s1+s30], $0x80, s22, s30, $0x2000b8;
	[tilespmem:$0x1E600] =	vst v63  }
0xd2: {  	s23 =	rddreg [dreg:$0xf]  }
0xd3: {  	[tilespmem:s11], [sflag:$0x7] =	stream.linear.gather [hbm4b:s23+s3], $0x40, $0x200038;
	[tilespmem:$0x1E600] =	vst v63  }
0xd4: {  	s26 =	simm.s32 $0x1BCC0  }
0xd5: {  	[tilespmem:s18], [sflag:$0x4] =	stream.indirect.gather [hbm4b:s1+s30], $0x80, s26, s30, $0x2000b8;
	[tilespmem:$0x1E600] =	vst v63  }
0xd6: {  	s13 =	simm.s32 $0x1BDC0;
	s29 =	rddreg [dreg:$0x10]  }
0xd7: {  	[tilespmem:s19], [sflag:$0x8] =	stream.linear.gather [hbm4b:s29+s3], $0x40, $0x200038;
	[tilespmem:$0x1E600] =	vst v63  }
.LBB2_12:
0xd8: {  	_ =	swait.ge [sflag:s20], $0x2000  }
0xd9: {  	[sflag:s20] =	ssyncset.done $0x0  }
0xda: {  	[sflag:s20] =	ssyncadd.s32 $0xFFFFE000  }
0xdb: {  	_ =	swait.ge [sflag:s21], $0x40  }
0xdc: {  	[sflag:s21] =	ssyncset.done $0x0  }
0xdd: {  	[sflag:s21] =	ssyncadd.s32 $0xFFFFFFC0  }
0xde: {  	[spmem:s2] =	stream.indirect.scatter.add.f32 [tilespmem:s31], [sflag:$0x9], $0x80, s0, s30, $0x2000b8;
	[tilespmem:$0x1E600] =	vst v63  }
0xdf: {  	_ =	swait.ge [sflag:s28], $0x2000  }
0xe0: {  	p3 =	seq.s32 s3, $0x4E0;
	[sflag:s28] =	ssyncset.done $0x0  }
0xe1: {  	s14 =	simm.s32 @p3 $0x2;
	[sflag:s28] =	ssyncadd.s32 $0xFFFFE000  }
0xe2: {  	_ =	swait.ge @p3 [sflag:s14], $0x2000  }
0xe3: {  	[sflag:s14] =	ssyncset.done @p3 $0x0  }
0xe4: {  	[sflag:s14] =	ssyncadd.s32 @p3 $0xFFFFE000;
	s14 =	simm.s32 @p3 $0x6  }
0xe5: {  	_ =	swait.ge @p3 [sflag:s14], $0x40  }
0xe6: {  	s15 =	simm.s32 @p3 $0x1E480;
	[sflag:s14] =	ssyncset.done @p3 $0x0  }
0xe7: {  	s16 =	simm.s32 @p3 $0x15C00;
	[sflag:s14] =	ssyncadd.s32 @p3 $0xFFFFFFC0;
	s14 =	simm.s32 @p3 $0x40  }
0xe8: {  	[spmem:s2] =	stream.indirect.scatter.add.f32 @p3 [tilespmem:s16], [sflag:$0x9], $0x80, s15, s14, $0x2000b8;
	[tilespmem:$0x1E600] =	vst v63  }
0xe9: {  	s14 =	simm.s32 @p3 $0x9  }
0xea: {  	_ =	swait.ge @p3 [sflag:s14], $0x2000  }
0xeb: {  	s15 =	simm.s32 @!p3 $0x40;
	[sflag:s14] =	ssyncset.done @p3 $0x0  }
0xec: {  	s16 =	simm.s32 @!p3 $0x13C00;
	[sflag:s14] =	ssyncadd.s32 @p3 $0xFFFFE000;
	s14 =	sadd.s32 @!p3 $0xFFFFFF40, s13  }
0xed: {  	[tilespmem:s16], [sflag:$0x1] =	stream.indirect.gather @!p3 [hbm4b:s1+s15], $0x80, s14, s15, $0x2000b8;
	[tilespmem:$0x1E600] =	vst v63  }
0xee: {  	s14 =	sadd.s32 @!p3 s3, s10;
	s16 =	sadd.s32 @!p3 $0x20, s3  }
0xef: {  	s14 =	sadd.s32 @!p3 $0x5020, s14;
	s16 =	sand.u32 @!p3 $0x60, s16  }
0xf0: {  	s14 =	sand.u32 @!p3 $0xFFFFF80, s14;
	s22 =	sadd.s32 @!p3 s5, s16  }
0xf1: {  	s23 =	simm.s32 @!p3 $0x0;
	s26 =	simm.s32 @!p3 $0x1E400;
	s22 =	sadd.s32 @!p3 s14, s22  }
0xf2: {  	[tilespmem:s26], [sflag:$0x5] =	stream.linear.gather @!p3 [hbm4b:s22+s23], $0x40, $0x200038;
	[tilespmem:$0x1E600] =	vst v63  }
0xf3: {  	s22 =	simm.s32 @!p3 $0x2  }
0xf4: {  	_ =	swait.ge @!p3 [sflag:s22], $0x2000  }
0xf5: {  	[sflag:s22] =	ssyncset.done @!p3 $0x0  }
0xf6: {  	[sflag:s22] =	ssyncadd.s32 @!p3 $0xFFFFE000;
	s22 =	simm.s32 @!p3 $0x6  }
0xf7: {  	_ =	swait.ge @!p3 [sflag:s22], $0x40  }
0xf8: {  	s29 =	simm.s32 @!p3 $0x9;
	[sflag:s22] =	ssyncset.done @!p3 $0x0  }
0xf9: {  	s26 =	simm.s32 @!p3 $0x15C00;
	[sflag:s22] =	ssyncadd.s32 @!p3 $0xFFFFFFC0;
	s22 =	simm.s32 @!p3 $0x1E480  }
0xfa: {  	[spmem:s2] =	stream.indirect.scatter.add.f32 @!p3 [tilespmem:s26], [sflag:$0x9], $0x80, s22, s15, $0x2000b8;
	[tilespmem:$0x1E600] =	vst v63  }
0xfb: {  	_ =	swait.ge @!p3 [sflag:s29], $0x2000  }
0xfc: {  	[sflag:s29] =	ssyncset.done @!p3 $0x0  }
0xfd: {  	s14 =	sor.u32 @!p3 s14, s16;
	[sflag:s29] =	ssyncadd.s32 @!p3 $0xFFFFE000;
	s29 =	sadd.s32 @!p3 $0xFFFFFF80, s13  }
0xfe: {  	[tilespmem:s26], [sflag:$0x2] =	stream.indirect.gather @!p3 [hbm4b:s1+s15], $0x80, s29, s15, $0x2000b8;
	[tilespmem:$0x1E600] =	vst v63  }
0xff: {  	s14 =	sadd.s32 @!p3 s14, s12  }
0x100: {  	[tilespmem:s22], [sflag:$0x6] =	stream.linear.gather @!p3 [hbm4b:s14+s23], $0x40, $0x200038;
	[tilespmem:$0x1E600] =	vst v63  }
0x101: {  	_ =	swait.ge [sflag:s7], $0x2000  }
0x102: {  	[sflag:s7] =	ssyncset.done $0x0  }
0x103: {  	[sflag:s7] =	ssyncadd.s32 $0xFFFFE000  }
0x104: {  	_ =	swait.ge [sflag:s8], $0x40  }
0x105: {  	[sflag:s8] =	ssyncset.done $0x0  }
.Ltmp11:
0x106: {  	[sflag:s8] =	ssyncadd.s32 $0xFFFFFFC0;
	(pc) =	sbr.rel @p3 .LBB2_14-.Ltmp11, $4  }
0x107: {  	[spmem:s2] =	stream.indirect.scatter.add.f32 [tilespmem:s25], [sflag:$0x9], $0x80, s11, s30, $0x2000b8;
	[tilespmem:$0x1E600] =	vst v63  }
0x108: {  	_ =	swait.ge [sflag:s28], $0x2000  }
0x109: {  	[sflag:s28] =	ssyncset.done $0x0  }
0x10a: {  	[sflag:s28] =	ssyncadd.s32 $0xFFFFE000  }
0x10b: {  	s14 =	sadd.s32 $0xFFFFFFC0, s13;
	s29 =	sadd.s32 s3, s10;
	s15 =	sadd.s32 $0x30, s3  }
0x10c: {  	[tilespmem:s25], [sflag:$0x3] =	stream.indirect.gather [hbm4b:s1+s30], $0x80, s14, s30, $0x2000b8;
	[tilespmem:$0x1E600] =	vst v63  }
0x10d: {  	s14 =	sadd.s32 $0x5030, s29;
	s15 =	sand.u32 $0x70, s15  }
0x10e: {  	s14 =	sand.u32 $0xFFFFF80, s14;
	s16 =	sadd.s32 s5, s15  }
0x10f: {  	s16 =	sadd.s32 s14, s16  }
0x110: {  	[tilespmem:s11], [sflag:$0x7] =	stream.linear.gather [hbm4b:s16+s4], $0x40, $0x200038;
	[tilespmem:$0x1E600] =	vst v63  }
0x111: {  	_ =	swait.ge [sflag:s9], $0x2000  }
0x112: {  	[sflag:s9] =	ssyncset.done $0x0  }
0x113: {  	[sflag:s9] =	ssyncadd.s32 $0xFFFFE000  }
0x114: {  	_ =	swait.ge [sflag:s24], $0x40  }
0x115: {  	[sflag:s24] =	ssyncset.done $0x0  }
0x116: {  	[sflag:s24] =	ssyncadd.s32 $0xFFFFFFC0  }
0x117: {  	[spmem:s2] =	stream.indirect.scatter.add.f32 [tilespmem:s18], [sflag:$0x9], $0x80, s19, s30, $0x2000b8;
	[tilespmem:$0x1E600] =	vst v63  }
0x118: {  	_ =	swait.ge [sflag:s28], $0x2000  }
.Ltmp12:
0x119: {  	[sflag:s28] =	ssyncset.done $0x0;
	(pc) =	sbr.rel .LBB2_12-.Ltmp12, $4  }
0x11a: {  	s14 =	sor.u32 s14, s15;
	[sflag:s28] =	ssyncadd.s32 $0xFFFFE000  }
0x11b: {  	[tilespmem:s18], [sflag:$0x4] =	stream.indirect.gather [hbm4b:s1+s30], $0x80, s13, s30, $0x2000b8;
	[tilespmem:$0x1E600] =	vst v63  }
0x11c: {  	s3 =	sadd.s32 $0x20, s3;
	s14 =	sadd.s32 s14, s12;
	s13 =	sadd.s32 $0x100, s13  }
0x11d: {  	[tilespmem:s19], [sflag:$0x8] =	stream.linear.gather [hbm4b:s14+s4], $0x40, $0x200038;
	[tilespmem:$0x1E600] =	vst v63  }
.LBB2_16:
0x11e: {  	_ =	sfence.sel $0x180000  }
0x11f: {  	[bflag:$0x0] =	sbarrier.arrive $0xFFFF  }
0x120: {  	_ =	strace $0x9000004A  }
0x121: {  	s0 =	stileid.u32;
	[bflag:$0x2] =	sbarrier.arrive $0xFFFF  }
0x122: {  	p0 =	sne.s32 s0, $0x0;
	s0 =	rddreg [dreg:$0x3]  }
0x123: {  	s0 =	sadd.s32 @!p0 $0x100000, s0  }
0x124: {  	[sflag:s0] =	ssyncadd.tile.s32 @!p0 $0x1;
	_ =	shalt  }
.Lfunc_end2:
_tile_overlayer_lowered:
.L_overlay_start_2:
0x125: {  	(tag) =	ssettag $0x2  }
0x126: {  	s0 =	rddreg [dreg:$0x0];
	s2 =	stileid.u32  }
0x127: {  	s1 =	rddreg [dreg:$0x1];
	p0 =	sne.s32 s2, $0x0  }
0x128: {  	s3 =	rddreg [dreg:$0x2];
	[bflag:$0x3] =	sbarrier.arrive $0xFFFF;
	s2 =	simm.s32 @!p0 $0x1C09  }
0x129: {  	[timem:s3], [sflag:s2] =	dma.local @!p0 [hbm:s0], s1  }
0x12a: {  	s0 =	simm.s32 @!p0 $0x9  }
0x12b: {  	_ =	swait.ge @!p0 [sflag:s0], s1  }
0x12c: {  	s1 =	ssub.s32 @!p0 $0x0, s1;
	[sflag:s0] =	ssyncset.done @!p0 $0x0  }
0x12d: {  	[sflag:s0] =	ssyncadd.s32 @!p0 s1  }
0x12e: {  	[bflag:$0x3] =	sbarrier.arrive $0xFFFF  }
0x12f: {  	_ =	shalt  }

// kernel: kernel.14.cloned.1.call-start
scs
__scs_entry_jumppad:
0x0: {  	(pc) =	sbr.rel $0x88, $3  }
0x1: {  	(tag) =	ssettag $0x0;
	lr =	simm.s32 $0x1  }
0x2: {  	[smem:$0x3F9B] =	sst lr;
	_ =	strace $0xD0000000  }
0x3: {  	_ = 	snop  }
0x4: {  	_ = 	snop  }
0x5: {  	_ = 	snop  }
0x6: {  	_ = 	snop  }
0x7: {  	_ = 	snop  }
__scs_overlays_trampoline_lowered:
0x8: {  	[smem:$0x3FAA] =	sst s0  }
0x9: {  	[smem:$0x3FAB] =	sst s1  }
0xa: {  	[smem:$0x3FAC] =	sst s2  }
0xb: {  	[smem:$0x3FAD] =	sst s3  }
0xc: {  	[smem:$0x3FAE] =	sst s4  }
0xd: {  	[smem:$0x3FAF] =	sst s5  }
0xe: {  	[smem:$0x3FB0] =	sst s6  }
0xf: {  	[smem:$0x3FB1] =	sst s7  }
0x10: {  	[smem:$0x3FB2] =	sst s8  }
0x11: {  	[smem:$0x3FB3] =	sst s9;
	s0 =	simm.s32 @!p0 $0x0  }
0x12: {  	s1 =	sld [smem:$0x3F99];
	s0 =	simm.s32 @p0 $0x1  }
0x13: {  	[smem:$0x3FB4] =	sst s0;
	s0 =	simm.s32 @!p1 $0x0  }
0x14: {  	s2 =	sld [smem:$0x3F98];
	s0 =	simm.s32 @p1 $0x1  }
0x15: {  	[smem:$0x3FB5] =	sst s0;
	s0 =	simm.s32 @!p2 $0x0  }
0x16: {  	s3 =	sld [smem:$0x3FDB];
	s0 =	simm.s32 @p2 $0x1  }
0x17: {  	s4 =	simm.s32 $0x1BF5;
	[smem:$0x3FB7] =	sst s0  }
0x18: {  	s0 =	sld [smem:$0x3F9A];
	_ =	swait.ge [sflag:s4], $0x0  }
0x19: {  	s7 =	sld [smem:$0x3F9B]  }
0x1a: {  	s8 =	sadd.s32 $0xFFFFE003, lr  }
0x1b: {  	s9 =	sadd.s32 $0xFFFFFEF7, lr;
	s5 =	simm.s32 $0xFFFFFFFF;
	p2 =	slt.u32 s8, $0xFFFFF086  }
0x1c: {  	p1 =	slt.u32 s9, $0xF7A;
	s5 =	simm.s32 @!p2 $0x0  }
0x1d: {  	s5 =	simm.s32 @p1 $0x1;
	p0 =	seq.s32 s7, s2  }
0x1e: {  	s7 =	smul.u32 @!p0 $0xF7A, s2;
	p2 =	seq.s32 @!p0 s5, $0x0  }
0x1f: {  	s9 =	smul.u32 $0xF7A, s1;
	s8 =	simm.s32 @!p0 $0x1BF5;
	p2 =	por !p2, p0  }
0x20: {  	[sflag:s8] =	ssyncset.s32 @!p0 $0xFFFFF086;
	s6 =	sadd.s32 @!p0 s3, s7;
	s7 =	simm.s32 @!p0 $0x108  }
0x21: {  	s3 =	sadd.s32 s3, s9;
	s6 =	sadd.s32 @!p0 $0x88, s6;
	s7 =	simm.s32 @p2 $0x1082  }
0x22: {  	[simem:s7], [sflag:s8] =	dma.local @!p0 [hbm:s6], $0xF7A  }
0x23: {  	s9 =	sor.u32 $0xD0000000, s2;
	s6 =	simm.s32 $0x108;
	_ =	swait.ge @!p0 [sflag:s8], $0x0  }
0x24: {  	s3 =	sadd.s32 $0x88, s3;
	s6 =	simm.s32 @!p1 $0x1082;
	[sflag:s4] =	ssyncset.s32 $0xFFFFF086  }
0x25: {  	[simem:s6], [sflag:s4] =	dma.local [hbm:s3], $0xF7A  }
0x26: {  	[smem:$0x3F9B] =	sst s1;
	(tag) =	ssettag s2;
	_ =	strace s9  }
0x27: {  	s1 =	sld [smem:$0x3FAB]  }
0x28: {  	s2 =	sld [smem:$0x3FAC]  }
0x29: {  	s4 =	sld [smem:$0x3FAE]  }
0x2a: {  	p0 =	seq.s32 s5, $0x0;
	s5 =	sld [smem:$0x3FAF]  }
0x2b: {  	s6 =	sld [smem:$0x3FB0]  }
0x2c: {  	s7 =	sld [smem:$0x3FB1]  }
0x2d: {  	s3 =	simm.s32 $0x108;
	s8 =	sld [smem:$0x3FB2]  }
0x2e: {  	s3 =	simm.s32 @!p0 $0x1082;
	s9 =	sld [smem:$0x3FB3]  }
0x2f: {  	lr =	sadd.s32 s0, s3;
	s0 =	sld [smem:$0x3FAA]  }
0x30: {  	s3 =	sld [smem:$0x3FAD]  }
0x31: {  	[smem:$0x3FB6] =	sst s10  }
0x32: {  	s10 =	sld [smem:$0x3FB4];
	_ =	sdelay $0x3  }
0x33: {  	p0 =	seq.s32 s10, $0x1;
	s10 =	sld [smem:$0x3FB6];
	_ =	sdelay $0x3  }
0x34: {  	[smem:$0x3FB6] =	sst s10  }
0x35: {  	s10 =	sld [smem:$0x3FB5];
	_ =	sdelay $0x3  }
0x36: {  	p1 =	seq.s32 s10, $0x1;
	s10 =	sld [smem:$0x3FB6];
	_ =	sdelay $0x3  }
0x37: {  	[smem:$0x3FB6] =	sst s10  }
0x38: {  	s10 =	sld [smem:$0x3FB7]  }
0x39: {  	_ = 	snop;
	(pc) =	sbr.ind lr, $3  }
0x3a: {  	_ = 	snop  }
0x3b: {  	_ = 	snop  }
0x3c: {  	p2 =	seq.s32 s10, $0x1;
	s10 =	sld [smem:$0x3FB6]  }
0x3d: {  	_ =	shalt  }
0x3e: {  	_ =	shalt  }
0x3f: {  	_ =	shalt  }
0x40: {  	_ =	shalt  }
0x41: {  	_ =	shalt  }
0x42: {  	_ =	shalt  }
0x43: {  	_ =	shalt  }
0x44: {  	_ =	shalt  }
0x45: {  	_ =	shalt  }
0x46: {  	_ =	shalt  }
0x47: {  	_ =	shalt  }
0x48: {  	_ =	shalt  }
0x49: {  	_ =	shalt  }
0x4a: {  	_ =	shalt  }
0x4b: {  	_ =	shalt  }
0x4c: {  	_ =	shalt  }
0x4d: {  	_ =	shalt  }
0x4e: {  	_ =	shalt  }
0x4f: {  	_ =	shalt  }
0x50: {  	_ =	shalt  }
0x51: {  	_ =	shalt  }
0x52: {  	_ =	shalt  }
0x53: {  	_ =	shalt  }
0x54: {  	_ =	shalt  }
0x55: {  	_ =	shalt  }
0x56: {  	_ =	shalt  }
0x57: {  	_ =	shalt  }
0x58: {  	_ =	shalt  }
0x59: {  	_ =	shalt  }
0x5a: {  	_ =	shalt  }
0x5b: {  	_ =	shalt  }
0x5c: {  	_ =	shalt  }
0x5d: {  	_ =	shalt  }
0x5e: {  	_ =	shalt  }
0x5f: {  	_ =	shalt  }
0x60: {  	_ =	shalt  }
0x61: {  	_ =	shalt  }
0x62: {  	_ =	shalt  }
0x63: {  	_ =	shalt  }
0x64: {  	_ =	shalt  }
0x65: {  	_ =	shalt  }
0x66: {  	_ =	shalt  }
0x67: {  	_ =	shalt  }
0x68: {  	_ =	shalt  }
0x69: {  	_ =	shalt  }
0x6a: {  	_ =	shalt  }
0x6b: {  	_ =	shalt  }
0x6c: {  	_ =	shalt  }
0x6d: {  	_ =	shalt  }
0x6e: {  	_ =	shalt  }
0x6f: {  	_ =	shalt  }
0x70: {  	_ =	shalt  }
0x71: {  	_ =	shalt  }
0x72: {  	_ =	shalt  }
0x73: {  	_ =	shalt  }
0x74: {  	_ =	shalt  }
0x75: {  	_ =	shalt  }
0x76: {  	_ =	shalt  }
0x77: {  	_ =	shalt  }
0x78: {  	_ =	shalt  }
0x79: {  	_ =	shalt  }
0x7a: {  	_ =	shalt  }
0x7b: {  	_ =	shalt  }
0x7c: {  	_ =	shalt  }
0x7d: {  	_ =	shalt  }
0x7e: {  	_ =	shalt  }
0x7f: {  	_ =	shalt  }
0x80: {  	_ =	shalt  }
0x81: {  	_ =	shalt  }
0x82: {  	_ =	shalt  }
0x83: {  	_ =	shalt  }
0x84: {  	_ =	shalt  }
0x85: {  	_ =	shalt  }
0x86: {  	_ =	shalt  }
0x87: {  	_ =	shalt  }
.Lfunc_end0:
.L_simem_size_0:
called_computation.2_lowered:
.L_overlay_start_0:
0x88: {  	s2 =	sld [smem:$0x3FD9]  }
0x89: {  	s3 =	sld [smem:$0x3FFE];
	_ =	sdelay $0x1  }
0x8a: {  	s1 =	srdreg.scid  }
0x8b: {  	s0 =	sand.u32 $0x1, s1  }
0x8c: {  	s17 =	sshll.u32 s0, $0xA;
	s2 =	sadd.s32 s3, s2  }
0x8d: {  	s2 =	sadd.s32 s2, s17  }
0x8e: {  	[smem:$0x3FC2] =	sst s2  }
0x8f: {  	_ = 	snop  }
0x90: {  	s2 =	sld [smem:$0x3FD0];
	(tm) =	ssettm $0x1  }
0x91: {  	s18 =	sld [smem:$0x3FFB];
	_ =	sdelay $0x3  }
0x92: {  	_ =	strace s18  }
0x93: {  	s3 =	sld [smem:$0x3FFC];
	_ =	sdelay $0x3  }
0x94: {  	_ =	strace s3  }
0x95: {  	s3 =	sld [smem:$0x3FFD];
	_ =	sdelay $0x3  }
0x96: {  	_ =	strace s3  }
0x97: {  	_ =	strace $0x8FFFFFFF  }
0x98: {  	s19 =	sld [smem:$0x3FDB];
	_ =	sdelay $0x1  }
0x99: {  	s4 =	simm.s32 $_scs_section_size  }
0x9a: {  	s5 =	simm.s32 $_size__tile_overlayer_lowered;
	s6 =	simm.s32 $_tile_overlayer_lowered  }
0x9b: {  	s22 =	simm.s32 $0x1BFF;
	s21 =	sshll.u32 s6, $0x1;
	s3 =	sadd.s32 s4, s19  }
0x9c: {  	s7 =	simm.s32 $0x0;
	s20 =	sshll.u32 s5, $0x1;
	s5 =	sadd.s32 s21, s3  }
0x9d: {  	[timem:s7], [sflag:s22] =	dma.local [hbm:s5], s20  }
0x9e: {  	_ =	swait.ge [sflag:s22], s20  }
0x9f: {  	s4 =	ssub.s32 $0x0, s20;
	[sflag:s22] =	ssyncset.done $0x0  }
0xa0: {  	[sflag:s22] =	ssyncadd.s32 s4;
	_ =	sdelay $0x1  }
0xa1: {  	s23 =	simm.s32 $0x1B8B  }
0xa2: {  	_ =	swait.ge [sflag:s23], $0x1  }
0xa3: {  	[sflag:s23] =	ssyncset.done $0x0  }
0xa4: {  	s25 =	simm.s32 $0x1B8E;
	s24 =	sld [smem:$0x3FFE];
	[sflag:s23] =	ssyncadd.s32 $0xFFFFFFFF  }
0xa5: {  	s26 =	simm.s32 $execute0_lowered;
	[smem:$0x3FD2] =	sst s25  }
0xa6: {  	s5 =	sshll.u32 s26, $0x1;
	_ =	strace $0x8000004F;
	[dreg:$0x1] =	wrdreg $0xFFFFFFFF  }
0xa7: {  	s28 =	simm.s32 $_size_execute0_lowered;
	s3 =	sadd.s32 s3, s5;
	[dreg:$0x0] =	wrdreg $0x0  }
0xa8: {  	s5 =	sshll.u32 s28, $0x1;
	[dreg:$0x2] =	wrdreg s3  }
0xa9: {  	[dreg:$0x3] =	wrdreg s5  }
0xaa: {  	[dreg:$0x4] =	wrdreg $0xC0  }
0xab: {  	_ =	task [dreg:s7], $0x5FFFF  }
0xac: {  	[dreg:$0x1] =	wrdreg $0xFFFFFFFF  }
0xad: {  	[dreg:$0x0] =	wrdreg $0x60  }
0xae: {  	[dreg:$0x2] =	wrdreg s2  }
0xaf: {  	[dreg:$0x3] =	wrdreg s24  }
0xb0: {  	[dreg:$0x4] =	wrdreg $0x0  }
0xb1: {  	[dreg:$0x5] =	wrdreg $0x9  }
0xb2: {  	_ =	task.clear_ibuf [dreg:s7], $0x6FFFF;
	_ =	strace $0x9000004F  }
0xb3: {  	s29 =	simm.s32 $0x9;
	_ =	strace $0x80000054  }
0xb4: {  	_ =	swait.ge [sflag:s29], $0x1  }
0xb5: {  	[sflag:s29] =	ssyncadd.s32 $0xFFFFFFFF  }
0xb6: {  	_ =	strace $0x90000054  }
0xb7: {  	_ =	sfence  }
0xb8: {  	s30 =	sld [smem:$0x0];
	_ =	sdelay $0x2  }
0xb9: {  	s31 =	sshll.u32 s1, $0xD;
	s1 =	sshrl.u32 s1, $0x2  }
0xba: {  	s3 =	sand.u32 $0x4000, s31;
	s1 =	sadd.s32 s1, s30  }
0xbb: {  	s0 =	sor.u32 s3, s0;
	s1 =	sshll.u32 s1, $0x11  }
0xbc: {  	s0 =	sor.u32 s1, s0  }
0xbd: {  	s0 =	sadd.s32 $0x8F2B, s0  }
0xbe: {  	[sflag:s0] =	ssyncadd.remote.s32 $0x1  }
0xbf: {  	_ =	sfence.sel $0xFFFF  }
0xc0: {  	[dreg:$0x0] =	wrdreg $0xFFFFFFFF;
	(pc) =	sbr.abs _section_cstart, $3  }
0xc1: {  	[dreg:$0x1] =	wrdreg $0xFFFFFFFF  }
0xc2: {  	_ =	task.clear_ibuf [dreg:s7], $0x2FFFF;
	_ =	strace $0x9FFFFFFF  }
0xc3: {  	(tm) =	ssettm $0x7FFFFFFF  }
tec
execute0_lowered:
.L_overlay_start_1:
0x0: {  	(tag) =	ssettag $0x1  }
0x1: {  	s1 =	rddreg [dreg:$0x0]  }
0x2: {  	s0 =	rddreg [dreg:$0x1]  }
0x3: {  	s2 =	rddreg [dreg:$0x2];
	s3 =	srdreg.scid  }
0x4: {  	s4 =	simm.s32 $0x0;
	s14 =	stileid.u32;
	s28 =	simm.s32 $0x9  }
0x5: {  	s30 =	simm.s32 $0x40;
	s31 =	simm.s32 $0x13C00;
	s7 =	smul.u32 $0x13C00, s14  }
0x6: {  	s3 =	sand.u32 $0x1, s3;
	[smem:$0x7FF] =	sst s4;
	s9 =	smul.u32 $0x2780, s14  }
0x7: {  	s8 =	sadd.s32 $0xC000, s0;
	s5 =	sadd.s32 $0x2000, s0;
	s22 =	smul.u32 $0x4F000, s14  }
0x8: {  	p1 =	sne.s32 s14, $0xF;
	p2 =	seq.s32 s14, $0xF;
	s25 =	sadd.s32 $0x128400, s2  }
0x9: {  	s26 =	sadd.s32 $0x25080, s1;
	s29 =	sadd.s32 $0x138800, s2;
	s12 =	sadd.s32 $0x3D100, s0  }
0xa: {  	s6 =	smul.u32 $0x13C000, s3;
	_ =	strace $0x80000050;
	[dreg:$0x5] =	wrdreg s26  }
0xb: {  	s21 =	ssub.s32 $0x2, s3;
	p0 =	seq.s32 s3, $0x0;
	[dreg:$0x6] =	wrdreg s12  }
0xc: {  	s12 =	sadd.s32 $0x2008, s0;
	s25 =	sshrl.u32 s25, $0x3;
	s26 =	sshrl.u32 s29, $0x3  }
0xd: {  	s10 =	sadd.s32 s9, s0;
	s11 =	sshrl.u32 s21, $0x1;
	p1 =	por !p0, !p1  }
0xe: {  	p2 =	por !p0, !p2;
	s23 =	sshrl.u32 s22, $0x2;
	[dreg:$0x13] =	wrdreg s25  }
0xf: {  	s9 =	sadd.s32 s1, s9;
	[dreg:$0x14] =	wrdreg s26;
	s25 =	simm.s32 $0x17C00  }
0x10: {  	s6 =	sadd.s32 s7, s6;
	s7 =	ssub.s32 s21, s11;
	p1 =	por !p1, !p1  }
0x11: {  	p2 =	por !p2, !p2;
	s24 =	sadd.s32 $0x16000, s10;
	s10 =	smul.u32 $0x500, s14  }
0x12: {  	[dreg:$0x7] =	wrdreg s9;
	s14 =	smul.u32 $0x2800, s14;
	s11 =	simm.s32 $0x1E500  }
0x13: {  	s9 =	simm.s32 $0x4;
	s6 =	sshrl.u32 s6, $0x3;
	[dreg:$0x4] =	wrdreg s24  }
0x14: {  	s24 =	smax.u32 s7, $0x1;
	s7 =	simm.s32 $0x3;
	s13 =	sadd.s32 s6, s0  }
0x15: {  	s6 =	sadd.s32 s23, s2;
	s15 =	sadd.s32 s8, s10;
	[dreg:$0x12] =	wrdreg s24  }
0x16: {  	s16 =	sadd.s32 s5, s10;
	s17 =	sadd.s32 s10, s12;
	[dreg:$0x8] =	wrdreg s15  }
0x17: {  	s19 =	sadd.s32 $0x5000, s10;
	s0 =	sshrl.u32 s14, $0x3;
	[dreg:$0xa] =	wrdreg s17  }
0x18: {  	s24 =	simm.s32 $0x8;
	s18 =	sadd.s32 $0x10, s16;
	[dreg:$0x9] =	wrdreg s16  }
0x19: {  	s8 =	sadd.s32 s8, s19;
	s20 =	sadd.s32 s5, s19;
	[dreg:$0xb] =	wrdreg s18  }
0x1a: {  	s0 =	sadd.s32 s5, s0;
	s21 =	sadd.s32 s19, s12;
	[dreg:$0xc] =	wrdreg s8  }
0x1b: {  	s23 =	sadd.s32 $0x3D800, s13;
	s29 =	sadd.s32 $0x18, s16;
	[dreg:$0xd] =	wrdreg s20  }
.Ltmp0:
0x1c: {  	s19 =	simm.s32 $0x1E580;
	[dreg:$0xe] =	wrdreg s21;
	(pc) =	sbr.rel .LBB2_1-.Ltmp0, $4  }
0x1d: {  	s17 =	simm.s32 $0x0;
	s22 =	sadd.s32 $0x5010, s0;
	[dreg:$0x11] =	wrdreg s23  }
0x1e: {  	s0 =	sadd.s32 $0x5018, s0;
	[dreg:$0x15] =	wrdreg s29;
	s18 =	simm.s32 $0x19C00  }
0x1f: {  	s20 =	simm.s32 $0x1;
	s21 =	simm.s32 $0x5;
	[dreg:$0xf] =	wrdreg s22  }
0x20: {  	s8 =	simm.s32 $0x7;
	[dreg:$0x10] =	wrdreg s0;
	s0 =	simm.s32 $0x1E400  }
.LBB2_14:
0x21: {  	_ =	swait.ge [sflag:s9], $0x2000  }
0x22: {  	[sflag:s9] =	ssyncset.done $0x0  }
0x23: {  	[sflag:s9] =	ssyncadd.s32 $0xFFFFE000  }
0x24: {  	_ =	swait.ge [sflag:s24], $0x40  }
0x25: {  	[sflag:s24] =	ssyncset.done $0x0  }
0x26: {  	[sflag:s24] =	ssyncadd.s32 $0xFFFFFFC0  }
0x27: {  	[spmem:s2] =	stream.indirect.scatter.add.f32 [tilespmem:s18], [sflag:$0x9], $0x80, s19, s30, $0x2000b8;
	[tilespmem:$0x1E600] =	vst v63  }
0x28: {  	_ =	swait.ge [sflag:s28], $0x2000  }
0x29: {  	[sflag:s28] =	ssyncset.done $0x0  }
0x2a: {  	[sflag:s28] =	ssyncadd.s32 $0xFFFFE000  }
.LBB2_15:
0x2b: {  	_ =	strace $0x90000052  }
0x2c: {  	s3 =	stileid.u32;
	_ =	strace $0x80000053  }
0x2d: {  	s3 =	sshll.u32 s3, $0x6;
	[bflag:$0x0] =	sbarrier.arrive $0xFFFF  }
0x2e: {  	s13 =	sshrl.u32 s6, $0x3;
	s3 =	sor.u32 $0x1C09, s3;
	s14 =	rddreg [dreg:$0x11]  }
0x2f: {  	[hbm:s14], [sflag:s3] =	dma.local [spmem:s13], $0x2780  }
0x30: {  	_ =	swait.ge [sflag:s28], $0x2780  }
0x31: {  	s17 =	sadd.s32 $0x1, s17;
	s29 =	rddreg [dreg:$0x12]  }
0x32: {  	p3 =	sne.s32 s17, s29  }
.Ltmp1:
0x33: {  	_ = 	snop;
	(pc) =	sbr.rel @!p3 .LBB2_16-.Ltmp1, $4  }
0x34: {  	_ = 	snop  }
0x35: {  	[sflag:s28] =	ssyncset.done $0x0  }
0x36: {  	[sflag:s28] =	ssyncadd.s32 $0xFFFFD880  }
0x37: {  	_ =	strace $0x90000053  }
.LBB2_1:
.Ltmp2:
0x38: {  	(pc) =	sbr.rel @!p1 .LBB2_3-.Ltmp2, $2  }
0x39: {  	_ =	sdelay $0x2  }
0x3a: {  	_ =	strace $0x80000051  }
0x3b: {  	s3 =	stileid.u32  }
0x3c: {  	s13 =	sshrl.u32 s6, $0x3;
	s3 =	sshll.u32 s3, $0x6  }
.Ltmp3:
0x3d: {  	s14 =	rddreg [dreg:$0x7];
	s3 =	sor.u32 $0x1C09, s3;
	(pc) =	sbr.rel .LBB2_5-.Ltmp3, $4  }
0x3e: {  	[spmem:s13], [sflag:s3] =	dma.local [hbm:s14], $0x2780  }
0x3f: {  	_ =	swait.ge [sflag:s28], $0x2780  }
0x40: {  	[sflag:s28] =	ssyncset.done $0x0  }
0x41: {  	[sflag:s28] =	ssyncadd.s32 $0xFFFFD880  }
.LBB2_3:
.Ltmp4:
0x42: {  	(pc) =	sbr.rel @!p2 .LBB2_8-.Ltmp4, $1  }
0x43: {  	_ =	sdelay $0x3  }
0x44: {  	s3 =	rddreg [dreg:$0x5]  }
0x45: {  	s13 =	rddreg [dreg:$0x13];
	s14 =	simm.s32 $0x1FC9  }
0x46: {  	[spmem:s13], [sflag:s14] =	dma.local [hbm:s3], $0x2080  }
0x47: {  	_ =	swait.ge [sflag:s28], $0x2080  }
0x48: {  	[sflag:s28] =	ssyncset.done $0x0;
	s26 =	rddreg [dreg:$0x6]  }
.Ltmp5:
0x49: {  	s29 =	rddreg [dreg:$0x14];
	[sflag:s28] =	ssyncadd.s32 $0xFFFFDF80;
	(pc) =	sbr.rel .LBB2_5-.Ltmp5, $4  }
0x4a: {  	[spmem:s29], [sflag:s14] =	dma.local [hbm:s26], $0x700  }
0x4b: {  	_ =	swait.ge [sflag:s28], $0x700  }
0x4c: {  	[sflag:s28] =	ssyncset.done $0x0  }
0x4d: {  	[sflag:s28] =	ssyncadd.s32 $0xFFFFF900  }
.LBB2_8:
.Ltmp6:
0x4e: {  	(pc) =	sbr.rel @!p0 .LBB2_9-.Ltmp6, $1  }
0x4f: {  	_ =	sdelay $0x3  }
.LBB2_5:
0x50: {  	[bflag:$0x0] =	sbarrier.arrive $0xFFFF  }
0x51: {  	_ =	strace $0x90000051  }
0x52: {  	_ =	strace $0x80000052  }
0x53: {  	s3 =	simm.s32 $0x0;
	s14 =	simm.s32 $0x1BC00;
	s13 =	rddreg [dreg:$0x8]  }
0x54: {  	[tilespmem:s14], [sflag:$0x9] =	stream.linear.gather [hbm4b:s13+s3], $0x2800, $0x200038;
	[tilespmem:$0x1E600] =	vst v63  }
0x55: {  	_ =	swait.ge [sflag:s28], $0x2800  }
0x56: {  	[sflag:s28] =	ssyncset.done $0x0  }
0x57: {  	[sflag:s28] =	ssyncadd.s32 $0xFFFFD800  }
0x58: {  	[tilespmem:s31], [sflag:$0x1] =	stream.indirect.gather [hbm4b:s1+s30], $0x80, s14, s30, $0x2000b8;
	[tilespmem:$0x1E600] =	vst v63  }
0x59: {  	s23 =	rddreg [dreg:$0x9]  }
0x5a: {  	[tilespmem:s0], [sflag:$0x5] =	stream.linear.gather [hbm4b:s23+s3], $0x40, $0x200038;
	[tilespmem:$0x1E600] =	vst v63  }
0x5b: {  	s26 =	simm.s32 $0x1BC40;
	s29 =	simm.s32 $0x15C00  }
0x5c: {  	[tilespmem:s29], [sflag:$0x2] =	stream.indirect.gather [hbm4b:s1+s30], $0x80, s26, s30, $0x2000b8;
	[tilespmem:$0x1E600] =	vst v63  }
0x5d: {  	s16 =	simm.s32 $0x1E480;
	s15 =	rddreg [dreg:$0xa]  }
0x5e: {  	[tilespmem:s16], [sflag:$0x6] =	stream.linear.gather [hbm4b:s15+s3], $0x40, $0x200038;
	[tilespmem:$0x1E600] =	vst v63  }
0x5f: {  	s22 =	simm.s32 $0x1BC80  }
0x60: {  	[tilespmem:s25], [sflag:$0x3] =	stream.indirect.gather [hbm4b:s1+s30], $0x80, s22, s30, $0x2000b8;
	[tilespmem:$0x1E600] =	vst v63  }
0x61: {  	s23 =	rddreg [dreg:$0xb]  }
0x62: {  	[tilespmem:s11], [sflag:$0x7] =	stream.linear.gather [hbm4b:s23+s3], $0x40, $0x200038;
	[tilespmem:$0x1E600] =	vst v63  }
0x63: {  	s26 =	simm.s32 $0x1BCC0  }
0x64: {  	[tilespmem:s18], [sflag:$0x4] =	stream.indirect.gather [hbm4b:s1+s30], $0x80, s26, s30, $0x2000b8;
	[tilespmem:$0x1E600] =	vst v63  }
0x65: {  	s13 =	simm.s32 $0x1BDC0;
	s29 =	rddreg [dreg:$0x15]  }
0x66: {  	[tilespmem:s19], [sflag:$0x8] =	stream.linear.gather [hbm4b:s29+s3], $0x40, $0x200038;
	[tilespmem:$0x1E600] =	vst v63  }
.LBB2_6:
0x67: {  	_ =	swait.ge [sflag:s20], $0x2000  }
0x68: {  	[sflag:s20] =	ssyncset.done $0x0  }
0x69: {  	[sflag:s20] =	ssyncadd.s32 $0xFFFFE000  }
0x6a: {  	_ =	swait.ge [sflag:s21], $0x40  }
0x6b: {  	[sflag:s21] =	ssyncset.done $0x0  }
0x6c: {  	[sflag:s21] =	ssyncadd.s32 $0xFFFFFFC0  }
0x6d: {  	[spmem:s2] =	stream.indirect.scatter.add.f32 [tilespmem:s31], [sflag:$0x9], $0x80, s0, s30, $0x2000b8;
	[tilespmem:$0x1E600] =	vst v63  }
0x6e: {  	_ =	swait.ge [sflag:s28], $0x2000  }
0x6f: {  	p3 =	seq.s32 s3, $0x4E0;
	[sflag:s28] =	ssyncset.done $0x0  }
0x70: {  	s15 =	simm.s32 @p3 $0x2;
	[sflag:s28] =	ssyncadd.s32 $0xFFFFE000  }
0x71: {  	_ =	swait.ge @p3 [sflag:s15], $0x2000  }
0x72: {  	[sflag:s15] =	ssyncset.done @p3 $0x0  }
0x73: {  	[sflag:s15] =	ssyncadd.s32 @p3 $0xFFFFE000;
	s15 =	simm.s32 @p3 $0x6  }
0x74: {  	_ =	swait.ge @p3 [sflag:s15], $0x40  }
0x75: {  	s16 =	simm.s32 @p3 $0x1E480;
	[sflag:s15] =	ssyncset.done @p3 $0x0  }
0x76: {  	s26 =	simm.s32 @p3 $0x15C00;
	[sflag:s15] =	ssyncadd.s32 @p3 $0xFFFFFFC0;
	s15 =	simm.s32 @p3 $0x40  }
0x77: {  	[spmem:s2] =	stream.indirect.scatter.add.f32 @p3 [tilespmem:s26], [sflag:$0x9], $0x80, s16, s15, $0x2000b8;
	[tilespmem:$0x1E600] =	vst v63  }
0x78: {  	s15 =	simm.s32 @p3 $0x9  }
0x79: {  	_ =	swait.ge @p3 [sflag:s15], $0x2000  }
0x7a: {  	s16 =	simm.s32 @!p3 $0x40;
	[sflag:s15] =	ssyncset.done @p3 $0x0  }
0x7b: {  	s26 =	simm.s32 @!p3 $0x13C00;
	[sflag:s15] =	ssyncadd.s32 @p3 $0xFFFFE000;
	s15 =	sadd.s32 @!p3 $0xFFFFFF40, s13  }
0x7c: {  	[tilespmem:s26], [sflag:$0x1] =	stream.indirect.gather @!p3 [hbm4b:s1+s16], $0x80, s15, s16, $0x2000b8;
	[tilespmem:$0x1E600] =	vst v63  }
0x7d: {  	s15 =	sadd.s32 @!p3 $0x20, s3  }
0x7e: {  	s26 =	sadd.s32 @!p3 s10, s15;
	s15 =	sand.u32 @!p3 $0x60, s15  }
0x7f: {  	s26 =	sand.u32 @!p3 $0xFFFFF80, s26;
	s14 =	sadd.s32 @!p3 s5, s15  }
0x80: {  	s22 =	simm.s32 @!p3 $0x0;
	s23 =	simm.s32 @!p3 $0x1E400;
	s14 =	sadd.s32 @!p3 s26, s14  }
0x81: {  	[tilespmem:s23], [sflag:$0x5] =	stream.linear.gather @!p3 [hbm4b:s14+s22], $0x40, $0x200038;
	[tilespmem:$0x1E600] =	vst v63  }
0x82: {  	s14 =	simm.s32 @!p3 $0x2  }
0x83: {  	_ =	swait.ge @!p3 [sflag:s14], $0x2000  }
0x84: {  	[sflag:s14] =	ssyncset.done @!p3 $0x0  }
0x85: {  	[sflag:s14] =	ssyncadd.s32 @!p3 $0xFFFFE000;
	s14 =	simm.s32 @!p3 $0x6  }
0x86: {  	_ =	swait.ge @!p3 [sflag:s14], $0x40  }
0x87: {  	s29 =	simm.s32 @!p3 $0x9;
	[sflag:s14] =	ssyncset.done @!p3 $0x0  }
0x88: {  	s23 =	simm.s32 @!p3 $0x15C00;
	[sflag:s14] =	ssyncadd.s32 @!p3 $0xFFFFFFC0;
	s14 =	simm.s32 @!p3 $0x1E480  }
0x89: {  	[spmem:s2] =	stream.indirect.scatter.add.f32 @!p3 [tilespmem:s23], [sflag:$0x9], $0x80, s14, s16, $0x2000b8;
	[tilespmem:$0x1E600] =	vst v63  }
0x8a: {  	_ =	swait.ge @!p3 [sflag:s29], $0x2000  }
0x8b: {  	[sflag:s29] =	ssyncset.done @!p3 $0x0  }
0x8c: {  	s15 =	sor.u32 @!p3 s26, s15;
	[sflag:s29] =	ssyncadd.s32 @!p3 $0xFFFFE000;
	s29 =	sadd.s32 @!p3 $0xFFFFFF80, s13  }
0x8d: {  	[tilespmem:s23], [sflag:$0x2] =	stream.indirect.gather @!p3 [hbm4b:s1+s16], $0x80, s29, s16, $0x2000b8;
	[tilespmem:$0x1E600] =	vst v63  }
0x8e: {  	s15 =	sadd.s32 @!p3 s15, s12  }
0x8f: {  	[tilespmem:s14], [sflag:$0x6] =	stream.linear.gather @!p3 [hbm4b:s15+s22], $0x40, $0x200038;
	[tilespmem:$0x1E600] =	vst v63  }
0x90: {  	_ =	swait.ge [sflag:s7], $0x2000  }
0x91: {  	[sflag:s7] =	ssyncset.done $0x0  }
0x92: {  	[sflag:s7] =	ssyncadd.s32 $0xFFFFE000  }
0x93: {  	_ =	swait.ge [sflag:s8], $0x40  }
0x94: {  	[sflag:s8] =	ssyncset.done $0x0  }
.Ltmp7:
0x95: {  	[sflag:s8] =	ssyncadd.s32 $0xFFFFFFC0;
	(pc) =	sbr.rel @p3 .LBB2_10-.Ltmp7, $4  }
0x96: {  	[spmem:s2] =	stream.indirect.scatter.add.f32 [tilespmem:s25], [sflag:$0x9], $0x80, s11, s30, $0x2000b8;
	[tilespmem:$0x1E600] =	vst v63  }
0x97: {  	_ =	swait.ge [sflag:s28], $0x2000  }
0x98: {  	[sflag:s28] =	ssyncset.done $0x0  }
0x99: {  	[sflag:s28] =	ssyncadd.s32 $0xFFFFE000  }
0x9a: {  	s14 =	sadd.s32 $0xFFFFFFC0, s13;
	s29 =	sadd.s32 $0x30, s3  }
0x9b: {  	[tilespmem:s25], [sflag:$0x3] =	stream.indirect.gather [hbm4b:s1+s30], $0x80, s14, s30, $0x2000b8;
	[tilespmem:$0x1E600] =	vst v63  }
0x9c: {  	s15 =	sadd.s32 s10, s29;
	s14 =	sand.u32 $0x70, s29  }
0x9d: {  	s15 =	sand.u32 $0xFFFFF80, s15;
	s16 =	sadd.s32 s5, s14  }
0x9e: {  	s16 =	sadd.s32 s15, s16  }
0x9f: {  	[tilespmem:s11], [sflag:$0x7] =	stream.linear.gather [hbm4b:s16+s4], $0x40, $0x200038;
	[tilespmem:$0x1E600] =	vst v63  }
0xa0: {  	_ =	swait.ge [sflag:s9], $0x2000  }
0xa1: {  	[sflag:s9] =	ssyncset.done $0x0  }
0xa2: {  	[sflag:s9] =	ssyncadd.s32 $0xFFFFE000  }
0xa3: {  	_ =	swait.ge [sflag:s24], $0x40  }
0xa4: {  	[sflag:s24] =	ssyncset.done $0x0  }
0xa5: {  	[sflag:s24] =	ssyncadd.s32 $0xFFFFFFC0  }
0xa6: {  	[spmem:s2] =	stream.indirect.scatter.add.f32 [tilespmem:s18], [sflag:$0x9], $0x80, s19, s30, $0x2000b8;
	[tilespmem:$0x1E600] =	vst v63  }
0xa7: {  	_ =	swait.ge [sflag:s28], $0x2000  }
.Ltmp8:
0xa8: {  	[sflag:s28] =	ssyncset.done $0x0;
	(pc) =	sbr.rel .LBB2_6-.Ltmp8, $4  }
0xa9: {  	s14 =	sor.u32 s15, s14;
	[sflag:s28] =	ssyncadd.s32 $0xFFFFE000  }
0xaa: {  	[tilespmem:s18], [sflag:$0x4] =	stream.indirect.gather [hbm4b:s1+s30], $0x80, s13, s30, $0x2000b8;
	[tilespmem:$0x1E600] =	vst v63  }
0xab: {  	s3 =	sadd.s32 $0x20, s3;
	s14 =	sadd.s32 s14, s12;
	s13 =	sadd.s32 $0x100, s13  }
0xac: {  	[tilespmem:s19], [sflag:$0x8] =	stream.linear.gather [hbm4b:s14+s4], $0x40, $0x200038;
	[tilespmem:$0x1E600] =	vst v63  }
.LBB2_10:
0xad: {  	_ =	swait.ge [sflag:s9], $0x2000  }
0xae: {  	[sflag:s9] =	ssyncset.done $0x0  }
0xaf: {  	[sflag:s9] =	ssyncadd.s32 $0xFFFFE000  }
0xb0: {  	_ =	swait.ge [sflag:s24], $0x40  }
0xb1: {  	[sflag:s24] =	ssyncset.done $0x0  }
0xb2: {  	[sflag:s24] =	ssyncadd.s32 $0xFFFFFFC0  }
0xb3: {  	[spmem:s2] =	stream.indirect.scatter.add.f32 [tilespmem:s18], [sflag:$0x9], $0x80, s19, s30, $0x2000b8;
	[tilespmem:$0x1E600] =	vst v63  }
.Ltmp9:
0xb4: {  	_ = 	snop;
	(pc) =	sbr.rel @p0 .LBB2_15-.Ltmp9, $4  }
.Ltmp10:
0xb5: {  	_ = 	snop;
	(pc) =	sbr.rel @!p0 .LBB2_11-.Ltmp10, $4  }
0xb6: {  	_ =	swait.ge [sflag:s28], $0x2000  }
0xb7: {  	[sflag:s28] =	ssyncset.done $0x0  }
0xb8: {  	[sflag:s28] =	ssyncadd.s32 $0xFFFFE000  }
0xb9: {  	_ = 	snop  }
.LBB2_9:
0xba: {  	s3 =	stileid.u32  }
0xbb: {  	s3 =	sshll.u32 s3, $0x6  }
0xbc: {  	s13 =	sshrl.u32 s6, $0x3;
	s14 =	rddreg [dreg:$0x4];
	s3 =	sor.u32 $0x1C09, s3  }
0xbd: {  	[spmem:s13], [sflag:s3] =	dma.local [hbm:s14], $0x2780  }
0xbe: {  	_ =	swait.ge [sflag:s28], $0x2780  }
0xbf: {  	[sflag:s28] =	ssyncset.done $0x0  }
0xc0: {  	[sflag:s28] =	ssyncadd.s32 $0xFFFFD880  }
0xc1: {  	[bflag:$0x0] =	sbarrier.arrive $0xFFFF  }
0xc2: {  	_ =	strace $0x90000051  }
0xc3: {  	_ =	strace $0x80000052  }
.LBB2_11:
0xc4: {  	s3 =	simm.s32 $0x0;
	s13 =	rddreg [dreg:$0xc];
	s14 =	simm.s32 $0x1BC00  }
0xc5: {  	[tilespmem:s14], [sflag:$0x9] =	stream.linear.gather [hbm4b:s13+s3], $0x2800, $0x200038;
	[tilespmem:$0x1E600] =	vst v63  }
0xc6: {  	_ =	swait.ge [sflag:s28], $0x2800  }
0xc7: {  	[sflag:s28] =	ssyncset.done $0x0  }
0xc8: {  	[sflag:s28] =	ssyncadd.s32 $0xFFFFD800  }
0xc9: {  	[tilespmem:s31], [sflag:$0x1] =	stream.indirect.gather [hbm4b:s1+s30], $0x80, s14, s30, $0x2000b8;
	[tilespmem:$0x1E600] =	vst v63  }
0xca: {  	s23 =	rddreg [dreg:$0xd]  }
0xcb: {  	[tilespmem:s0], [sflag:$0x5] =	stream.linear.gather [hbm4b:s23+s3], $0x40, $0x200038;
	[tilespmem:$0x1E600] =	vst v63  }
0xcc: {  	s26 =	simm.s32 $0x1BC40;
	s29 =	simm.s32 $0x15C00  }
0xcd: {  	[tilespmem:s29], [sflag:$0x2] =	stream.indirect.gather [hbm4b:s1+s30], $0x80, s26, s30, $0x2000b8;
	[tilespmem:$0x1E600] =	vst v63  }
0xce: {  	s16 =	simm.s32 $0x1E480;
	s15 =	rddreg [dreg:$0xe]  }
0xcf: {  	[tilespmem:s16], [sflag:$0x6] =	stream.linear.gather [hbm4b:s15+s3], $0x40, $0x200038;
	[tilespmem:$0x1E600] =	vst v63  }
0xd0: {  	s22 =	simm.s32 $0x1BC80  }
0xd1: {  	[tilespmem:s25], [sflag:$0x3] =	stream.indirect.gather [hbm4b:s1+s30], $0x80, s22, s30, $0x2000b8;
	[tilespmem:$0x1E600] =	vst v63  }
0xd2: {  	s23 =	rddreg [dreg:$0xf]  }
0xd3: {  	[tilespmem:s11], [sflag:$0x7] =	stream.linear.gather [hbm4b:s23+s3], $0x40, $0x200038;
	[tilespmem:$0x1E600] =	vst v63  }
0xd4: {  	s26 =	simm.s32 $0x1BCC0  }
0xd5: {  	[tilespmem:s18], [sflag:$0x4] =	stream.indirect.gather [hbm4b:s1+s30], $0x80, s26, s30, $0x2000b8;
	[tilespmem:$0x1E600] =	vst v63  }
0xd6: {  	s13 =	simm.s32 $0x1BDC0;
	s29 =	rddreg [dreg:$0x10]  }
0xd7: {  	[tilespmem:s19], [sflag:$0x8] =	stream.linear.gather [hbm4b:s29+s3], $0x40, $0x200038;
	[tilespmem:$0x1E600] =	vst v63  }
.LBB2_12:
0xd8: {  	_ =	swait.ge [sflag:s20], $0x2000  }
0xd9: {  	[sflag:s20] =	ssyncset.done $0x0  }
0xda: {  	[sflag:s20] =	ssyncadd.s32 $0xFFFFE000  }
0xdb: {  	_ =	swait.ge [sflag:s21], $0x40  }
0xdc: {  	[sflag:s21] =	ssyncset.done $0x0  }
0xdd: {  	[sflag:s21] =	ssyncadd.s32 $0xFFFFFFC0  }
0xde: {  	[spmem:s2] =	stream.indirect.scatter.add.f32 [tilespmem:s31], [sflag:$0x9], $0x80, s0, s30, $0x2000b8;
	[tilespmem:$0x1E600] =	vst v63  }
0xdf: {  	_ =	swait.ge [sflag:s28], $0x2000  }
0xe0: {  	p3 =	seq.s32 s3, $0x4E0;
	[sflag:s28] =	ssyncset.done $0x0  }
0xe1: {  	s14 =	simm.s32 @p3 $0x2;
	[sflag:s28] =	ssyncadd.s32 $0xFFFFE000  }
0xe2: {  	_ =	swait.ge @p3 [sflag:s14], $0x2000  }
0xe3: {  	[sflag:s14] =	ssyncset.done @p3 $0x0  }
0xe4: {  	[sflag:s14] =	ssyncadd.s32 @p3 $0xFFFFE000;
	s14 =	simm.s32 @p3 $0x6  }
0xe5: {  	_ =	swait.ge @p3 [sflag:s14], $0x40  }
0xe6: {  	s15 =	simm.s32 @p3 $0x1E480;
	[sflag:s14] =	ssyncset.done @p3 $0x0  }
0xe7: {  	s16 =	simm.s32 @p3 $0x15C00;
	[sflag:s14] =	ssyncadd.s32 @p3 $0xFFFFFFC0;
	s14 =	simm.s32 @p3 $0x40  }
0xe8: {  	[spmem:s2] =	stream.indirect.scatter.add.f32 @p3 [tilespmem:s16], [sflag:$0x9], $0x80, s15, s14, $0x2000b8;
	[tilespmem:$0x1E600] =	vst v63  }
0xe9: {  	s14 =	simm.s32 @p3 $0x9  }
0xea: {  	_ =	swait.ge @p3 [sflag:s14], $0x2000  }
0xeb: {  	s15 =	simm.s32 @!p3 $0x40;
	[sflag:s14] =	ssyncset.done @p3 $0x0  }
0xec: {  	s16 =	simm.s32 @!p3 $0x13C00;
	[sflag:s14] =	ssyncadd.s32 @p3 $0xFFFFE000;
	s14 =	sadd.s32 @!p3 $0xFFFFFF40, s13  }
0xed: {  	[tilespmem:s16], [sflag:$0x1] =	stream.indirect.gather @!p3 [hbm4b:s1+s15], $0x80, s14, s15, $0x2000b8;
	[tilespmem:$0x1E600] =	vst v63  }
0xee: {  	s14 =	sadd.s32 @!p3 s3, s10;
	s16 =	sadd.s32 @!p3 $0x20, s3  }
0xef: {  	s14 =	sadd.s32 @!p3 $0x5020, s14;
	s16 =	sand.u32 @!p3 $0x60, s16  }
0xf0: {  	s14 =	sand.u32 @!p3 $0xFFFFF80, s14;
	s22 =	sadd.s32 @!p3 s5, s16  }
0xf1: {  	s23 =	simm.s32 @!p3 $0x0;
	s26 =	simm.s32 @!p3 $0x1E400;
	s22 =	sadd.s32 @!p3 s14, s22  }
0xf2: {  	[tilespmem:s26], [sflag:$0x5] =	stream.linear.gather @!p3 [hbm4b:s22+s23], $0x40, $0x200038;
	[tilespmem:$0x1E600] =	vst v63  }
0xf3: {  	s22 =	simm.s32 @!p3 $0x2  }
0xf4: {  	_ =	swait.ge @!p3 [sflag:s22], $0x2000  }
0xf5: {  	[sflag:s22] =	ssyncset.done @!p3 $0x0  }
0xf6: {  	[sflag:s22] =	ssyncadd.s32 @!p3 $0xFFFFE000;
	s22 =	simm.s32 @!p3 $0x6  }
0xf7: {  	_ =	swait.ge @!p3 [sflag:s22], $0x40  }
0xf8: {  	s29 =	simm.s32 @!p3 $0x9;
	[sflag:s22] =	ssyncset.done @!p3 $0x0  }
0xf9: {  	s26 =	simm.s32 @!p3 $0x15C00;
	[sflag:s22] =	ssyncadd.s32 @!p3 $0xFFFFFFC0;
	s22 =	simm.s32 @!p3 $0x1E480  }
0xfa: {  	[spmem:s2] =	stream.indirect.scatter.add.f32 @!p3 [tilespmem:s26], [sflag:$0x9], $0x80, s22, s15, $0x2000b8;
	[tilespmem:$0x1E600] =	vst v63  }
0xfb: {  	_ =	swait.ge @!p3 [sflag:s29], $0x2000  }
0xfc: {  	[sflag:s29] =	ssyncset.done @!p3 $0x0  }
0xfd: {  	s14 =	sor.u32 @!p3 s14, s16;
	[sflag:s29] =	ssyncadd.s32 @!p3 $0xFFFFE000;
	s29 =	sadd.s32 @!p3 $0xFFFFFF80, s13  }
0xfe: {  	[tilespmem:s26], [sflag:$0x2] =	stream.indirect.gather @!p3 [hbm4b:s1+s15], $0x80, s29, s15, $0x2000b8;
	[tilespmem:$0x1E600] =	vst v63  }
0xff: {  	s14 =	sadd.s32 @!p3 s14, s12  }
0x100: {  	[tilespmem:s22], [sflag:$0x6] =	stream.linear.gather @!p3 [hbm4b:s14+s23], $0x40, $0x200038;
	[tilespmem:$0x1E600] =	vst v63  }
0x101: {  	_ =	swait.ge [sflag:s7], $0x2000  }
0x102: {  	[sflag:s7] =	ssyncset.done $0x0  }
0x103: {  	[sflag:s7] =	ssyncadd.s32 $0xFFFFE000  }
0x104: {  	_ =	swait.ge [sflag:s8], $0x40  }
0x105: {  	[sflag:s8] =	ssyncset.done $0x0  }
.Ltmp11:
0x106: {  	[sflag:s8] =	ssyncadd.s32 $0xFFFFFFC0;
	(pc) =	sbr.rel @p3 .LBB2_14-.Ltmp11, $4  }
0x107: {  	[spmem:s2] =	stream.indirect.scatter.add.f32 [tilespmem:s25], [sflag:$0x9], $0x80, s11, s30, $0x2000b8;
	[tilespmem:$0x1E600] =	vst v63  }
0x108: {  	_ =	swait.ge [sflag:s28], $0x2000  }
0x109: {  	[sflag:s28] =	ssyncset.done $0x0  }
0x10a: {  	[sflag:s28] =	ssyncadd.s32 $0xFFFFE000  }
0x10b: {  	s14 =	sadd.s32 $0xFFFFFFC0, s13;
	s29 =	sadd.s32 s3, s10;
	s15 =	sadd.s32 $0x30, s3  }
0x10c: {  	[tilespmem:s25], [sflag:$0x3] =	stream.indirect.gather [hbm4b:s1+s30], $0x80, s14, s30, $0x2000b8;
	[tilespmem:$0x1E600] =	vst v63  }
0x10d: {  	s14 =	sadd.s32 $0x5030, s29;
	s15 =	sand.u32 $0x70, s15  }
0x10e: {  	s14 =	sand.u32 $0xFFFFF80, s14;
	s16 =	sadd.s32 s5, s15  }
0x10f: {  	s16 =	sadd.s32 s14, s16  }
0x110: {  	[tilespmem:s11], [sflag:$0x7] =	stream.linear.gather [hbm4b:s16+s4], $0x40, $0x200038;
	[tilespmem:$0x1E600] =	vst v63  }
0x111: {  	_ =	swait.ge [sflag:s9], $0x2000  }
0x112: {  	[sflag:s9] =	ssyncset.done $0x0  }
0x113: {  	[sflag:s9] =	ssyncadd.s32 $0xFFFFE000  }
0x114: {  	_ =	swait.ge [sflag:s24], $0x40  }
0x115: {  	[sflag:s24] =	ssyncset.done $0x0  }
0x116: {  	[sflag:s24] =	ssyncadd.s32 $0xFFFFFFC0  }
0x117: {  	[spmem:s2] =	stream.indirect.scatter.add.f32 [tilespmem:s18], [sflag:$0x9], $0x80, s19, s30, $0x2000b8;
	[tilespmem:$0x1E600] =	vst v63  }
0x118: {  	_ =	swait.ge [sflag:s28], $0x2000  }
.Ltmp12:
0x119: {  	[sflag:s28] =	ssyncset.done $0x0;
	(pc) =	sbr.rel .LBB2_12-.Ltmp12, $4  }
0x11a: {  	s14 =	sor.u32 s14, s15;
	[sflag:s28] =	ssyncadd.s32 $0xFFFFE000  }
0x11b: {  	[tilespmem:s18], [sflag:$0x4] =	stream.indirect.gather [hbm4b:s1+s30], $0x80, s13, s30, $0x2000b8;
	[tilespmem:$0x1E600] =	vst v63  }
0x11c: {  	s3 =	sadd.s32 $0x20, s3;
	s14 =	sadd.s32 s14, s12;
	s13 =	sadd.s32 $0x100, s13  }
0x11d: {  	[tilespmem:s19], [sflag:$0x8] =	stream.linear.gather [hbm4b:s14+s4], $0x40, $0x200038;
	[tilespmem:$0x1E600] =	vst v63  }
.LBB2_16:
0x11e: {  	_ =	sfence.sel $0x180000  }
0x11f: {  	[bflag:$0x0] =	sbarrier.arrive $0xFFFF  }
0x120: {  	_ =	strace $0x90000050  }
0x121: {  	s0 =	stileid.u32;
	[bflag:$0x2] =	sbarrier.arrive $0xFFFF  }
0x122: {  	p0 =	sne.s32 s0, $0x0;
	s0 =	rddreg [dreg:$0x3]  }
0x123: {  	s0 =	sadd.s32 @!p0 $0x100000, s0  }
0x124: {  	[sflag:s0] =	ssyncadd.tile.s32 @!p0 $0x1;
	_ =	shalt  }
.Lfunc_end2:
_tile_overlayer_lowered:
.L_overlay_start_2:
0x125: {  	(tag) =	ssettag $0x2  }
0x126: {  	s0 =	rddreg [dreg:$0x0];
	s2 =	stileid.u32  }
0x127: {  	s1 =	rddreg [dreg:$0x1];
	p0 =	sne.s32 s2, $0x0  }
0x128: {  	s3 =	rddreg [dreg:$0x2];
	[bflag:$0x3] =	sbarrier.arrive $0xFFFF;
	s2 =	simm.s32 @!p0 $0x1C09  }
0x129: {  	[timem:s3], [sflag:s2] =	dma.local @!p0 [hbm:s0], s1  }
0x12a: {  	s0 =	simm.s32 @!p0 $0x9  }
0x12b: {  	_ =	swait.ge @!p0 [sflag:s0], s1  }
0x12c: {  	s1 =	ssub.s32 @!p0 $0x0, s1;
	[sflag:s0] =	ssyncset.done @!p0 $0x0  }
0x12d: {  	[sflag:s0] =	ssyncadd.s32 @!p0 s1  }
0x12e: {  	[bflag:$0x3] =	sbarrier.arrive $0xFFFF  }
0x12f: {  	_ =	shalt  }

// kernel: kernel.8.cloned.1.call-start
scs
__scs_entry_jumppad:
0x0: {  	(pc) =	sbr.rel $0x88, $3  }
0x1: {  	(tag) =	ssettag $0x0;
	lr =	simm.s32 $0x1  }
0x2: {  	[smem:$0x3F9B] =	sst lr;
	_ =	strace $0xD0000000  }
0x3: {  	_ = 	snop  }
0x4: {  	_ = 	snop  }
0x5: {  	_ = 	snop  }
0x6: {  	_ = 	snop  }
0x7: {  	_ = 	snop  }
__scs_overlays_trampoline_lowered:
0x8: {  	[smem:$0x3FAA] =	sst s0  }
0x9: {  	[smem:$0x3FAB] =	sst s1  }
0xa: {  	[smem:$0x3FAC] =	sst s2  }
0xb: {  	[smem:$0x3FAD] =	sst s3  }
0xc: {  	[smem:$0x3FAE] =	sst s4  }
0xd: {  	[smem:$0x3FAF] =	sst s5  }
0xe: {  	[smem:$0x3FB0] =	sst s6  }
0xf: {  	[smem:$0x3FB1] =	sst s7  }
0x10: {  	[smem:$0x3FB2] =	sst s8  }
0x11: {  	[smem:$0x3FB3] =	sst s9;
	s0 =	simm.s32 @!p0 $0x0  }
0x12: {  	s1 =	sld [smem:$0x3F99];
	s0 =	simm.s32 @p0 $0x1  }
0x13: {  	[smem:$0x3FB4] =	sst s0;
	s0 =	simm.s32 @!p1 $0x0  }
0x14: {  	s2 =	sld [smem:$0x3F98];
	s0 =	simm.s32 @p1 $0x1  }
0x15: {  	[smem:$0x3FB5] =	sst s0;
	s0 =	simm.s32 @!p2 $0x0  }
0x16: {  	s3 =	sld [smem:$0x3FDB];
	s0 =	simm.s32 @p2 $0x1  }
0x17: {  	s4 =	simm.s32 $0x1BF5;
	[smem:$0x3FB7] =	sst s0  }
0x18: {  	s0 =	sld [smem:$0x3F9A];
	_ =	swait.ge [sflag:s4], $0x0  }
0x19: {  	s7 =	sld [smem:$0x3F9B]  }
0x1a: {  	s8 =	sadd.s32 $0xFFFFE003, lr  }
0x1b: {  	s9 =	sadd.s32 $0xFFFFFEF7, lr;
	s5 =	simm.s32 $0xFFFFFFFF;
	p2 =	slt.u32 s8, $0xFFFFF086  }
0x1c: {  	p1 =	slt.u32 s9, $0xF7A;
	s5 =	simm.s32 @!p2 $0x0  }
0x1d: {  	s5 =	simm.s32 @p1 $0x1;
	p0 =	seq.s32 s7, s2  }
0x1e: {  	s7 =	smul.u32 @!p0 $0xF7A, s2;
	p2 =	seq.s32 @!p0 s5, $0x0  }
0x1f: {  	s9 =	smul.u32 $0xF7A, s1;
	s8 =	simm.s32 @!p0 $0x1BF5;
	p2 =	por !p2, p0  }
0x20: {  	[sflag:s8] =	ssyncset.s32 @!p0 $0xFFFFF086;
	s6 =	sadd.s32 @!p0 s3, s7;
	s7 =	simm.s32 @!p0 $0x108  }
0x21: {  	s3 =	sadd.s32 s3, s9;
	s6 =	sadd.s32 @!p0 $0x88, s6;
	s7 =	simm.s32 @p2 $0x1082  }
0x22: {  	[simem:s7], [sflag:s8] =	dma.local @!p0 [hbm:s6], $0xF7A  }
0x23: {  	s9 =	sor.u32 $0xD0000000, s2;
	s6 =	simm.s32 $0x108;
	_ =	swait.ge @!p0 [sflag:s8], $0x0  }
0x24: {  	s3 =	sadd.s32 $0x88, s3;
	s6 =	simm.s32 @!p1 $0x1082;
	[sflag:s4] =	ssyncset.s32 $0xFFFFF086  }
0x25: {  	[simem:s6], [sflag:s4] =	dma.local [hbm:s3], $0xF7A  }
0x26: {  	[smem:$0x3F9B] =	sst s1;
	(tag) =	ssettag s2;
	_ =	strace s9  }
0x27: {  	s1 =	sld [smem:$0x3FAB]  }
0x28: {  	s2 =	sld [smem:$0x3FAC]  }
0x29: {  	s4 =	sld [smem:$0x3FAE]  }
0x2a: {  	p0 =	seq.s32 s5, $0x0;
	s5 =	sld [smem:$0x3FAF]  }
0x2b: {  	s6 =	sld [smem:$0x3FB0]  }
0x2c: {  	s7 =	sld [smem:$0x3FB1]  }
0x2d: {  	s3 =	simm.s32 $0x108;
	s8 =	sld [smem:$0x3FB2]  }
0x2e: {  	s3 =	simm.s32 @!p0 $0x1082;
	s9 =	sld [smem:$0x3FB3]  }
0x2f: {  	lr =	sadd.s32 s0, s3;
	s0 =	sld [smem:$0x3FAA]  }
0x30: {  	s3 =	sld [smem:$0x3FAD]  }
0x31: {  	[smem:$0x3FB6] =	sst s10  }
0x32: {  	s10 =	sld [smem:$0x3FB4];
	_ =	sdelay $0x3  }
0x33: {  	p0 =	seq.s32 s10, $0x1;
	s10 =	sld [smem:$0x3FB6];
	_ =	sdelay $0x3  }
0x34: {  	[smem:$0x3FB6] =	sst s10  }
0x35: {  	s10 =	sld [smem:$0x3FB5];
	_ =	sdelay $0x3  }
0x36: {  	p1 =	seq.s32 s10, $0x1;
	s10 =	sld [smem:$0x3FB6];
	_ =	sdelay $0x3  }
0x37: {  	[smem:$0x3FB6] =	sst s10  }
0x38: {  	s10 =	sld [smem:$0x3FB7]  }
0x39: {  	_ = 	snop;
	(pc) =	sbr.ind lr, $3  }
0x3a: {  	_ = 	snop  }
0x3b: {  	_ = 	snop  }
0x3c: {  	p2 =	seq.s32 s10, $0x1;
	s10 =	sld [smem:$0x3FB6]  }
0x3d: {  	_ =	shalt  }
0x3e: {  	_ =	shalt  }
0x3f: {  	_ =	shalt  }
0x40: {  	_ =	shalt  }
0x41: {  	_ =	shalt  }
0x42: {  	_ =	shalt  }
0x43: {  	_ =	shalt  }
0x44: {  	_ =	shalt  }
0x45: {  	_ =	shalt  }
0x46: {  	_ =	shalt  }
0x47: {  	_ =	shalt  }
0x48: {  	_ =	shalt  }
0x49: {  	_ =	shalt  }
0x4a: {  	_ =	shalt  }
0x4b: {  	_ =	shalt  }
0x4c: {  	_ =	shalt  }
0x4d: {  	_ =	shalt  }
0x4e: {  	_ =	shalt  }
0x4f: {  	_ =	shalt  }
0x50: {  	_ =	shalt  }
0x51: {  	_ =	shalt  }
0x52: {  	_ =	shalt  }
0x53: {  	_ =	shalt  }
0x54: {  	_ =	shalt  }
0x55: {  	_ =	shalt  }
0x56: {  	_ =	shalt  }
0x57: {  	_ =	shalt  }
0x58: {  	_ =	shalt  }
0x59: {  	_ =	shalt  }
0x5a: {  	_ =	shalt  }
0x5b: {  	_ =	shalt  }
0x5c: {  	_ =	shalt  }
0x5d: {  	_ =	shalt  }
0x5e: {  	_ =	shalt  }
0x5f: {  	_ =	shalt  }
0x60: {  	_ =	shalt  }
0x61: {  	_ =	shalt  }
0x62: {  	_ =	shalt  }
0x63: {  	_ =	shalt  }
0x64: {  	_ =	shalt  }
0x65: {  	_ =	shalt  }
0x66: {  	_ =	shalt  }
0x67: {  	_ =	shalt  }
0x68: {  	_ =	shalt  }
0x69: {  	_ =	shalt  }
0x6a: {  	_ =	shalt  }
0x6b: {  	_ =	shalt  }
0x6c: {  	_ =	shalt  }
0x6d: {  	_ =	shalt  }
0x6e: {  	_ =	shalt  }
0x6f: {  	_ =	shalt  }
0x70: {  	_ =	shalt  }
0x71: {  	_ =	shalt  }
0x72: {  	_ =	shalt  }
0x73: {  	_ =	shalt  }
0x74: {  	_ =	shalt  }
0x75: {  	_ =	shalt  }
0x76: {  	_ =	shalt  }
0x77: {  	_ =	shalt  }
0x78: {  	_ =	shalt  }
0x79: {  	_ =	shalt  }
0x7a: {  	_ =	shalt  }
0x7b: {  	_ =	shalt  }
0x7c: {  	_ =	shalt  }
0x7d: {  	_ =	shalt  }
0x7e: {  	_ =	shalt  }
0x7f: {  	_ =	shalt  }
0x80: {  	_ =	shalt  }
0x81: {  	_ =	shalt  }
0x82: {  	_ =	shalt  }
0x83: {  	_ =	shalt  }
0x84: {  	_ =	shalt  }
0x85: {  	_ =	shalt  }
0x86: {  	_ =	shalt  }
0x87: {  	_ =	shalt  }
.Lfunc_end0:
.L_simem_size_0:
called_computation_lowered:
.L_overlay_start_0:
0x88: {  	s2 =	sld [smem:$0x3FD9]  }
0x89: {  	s3 =	sld [smem:$0x3FFE];
	_ =	sdelay $0x1  }
0x8a: {  	s1 =	srdreg.scid  }
0x8b: {  	s0 =	sand.u32 $0x1, s1  }
0x8c: {  	s17 =	sshll.u32 s0, $0xA;
	s2 =	sadd.s32 s3, s2  }
0x8d: {  	s2 =	sadd.s32 s2, s17  }
0x8e: {  	[smem:$0x3FC2] =	sst s2  }
0x8f: {  	_ = 	snop  }
0x90: {  	s2 =	sld [smem:$0x3FD0];
	(tm) =	ssettm $0x1  }
0x91: {  	s18 =	sld [smem:$0x3FFB];
	_ =	sdelay $0x3  }
0x92: {  	_ =	strace s18  }
0x93: {  	s3 =	sld [smem:$0x3FFC];
	_ =	sdelay $0x3  }
0x94: {  	_ =	strace s3  }
0x95: {  	s3 =	sld [smem:$0x3FFD];
	_ =	sdelay $0x3  }
0x96: {  	_ =	strace s3  }
0x97: {  	_ =	strace $0x8FFFFFFF  }
0x98: {  	s19 =	sld [smem:$0x3FDB];
	_ =	sdelay $0x1  }
0x99: {  	s4 =	simm.s32 $_scs_section_size  }
0x9a: {  	s5 =	simm.s32 $_size__tile_overlayer_lowered;
	s6 =	simm.s32 $_tile_overlayer_lowered  }
0x9b: {  	s22 =	simm.s32 $0x1BFF;
	s21 =	sshll.u32 s6, $0x1;
	s3 =	sadd.s32 s4, s19  }
0x9c: {  	s7 =	simm.s32 $0x0;
	s20 =	sshll.u32 s5, $0x1;
	s5 =	sadd.s32 s21, s3  }
0x9d: {  	[timem:s7], [sflag:s22] =	dma.local [hbm:s5], s20  }
0x9e: {  	_ =	swait.ge [sflag:s22], s20  }
0x9f: {  	s4 =	ssub.s32 $0x0, s20;
	[sflag:s22] =	ssyncset.done $0x0  }
0xa0: {  	[sflag:s22] =	ssyncadd.s32 s4;
	_ =	sdelay $0x1  }
0xa1: {  	s23 =	simm.s32 $0x1B8B  }
0xa2: {  	_ =	swait.ge [sflag:s23], $0x1  }
0xa3: {  	[sflag:s23] =	ssyncset.done $0x0  }
0xa4: {  	s25 =	simm.s32 $0x1B8E;
	s24 =	sld [smem:$0x3FFE];
	[sflag:s23] =	ssyncadd.s32 $0xFFFFFFFF  }
0xa5: {  	s26 =	simm.s32 $execute0_lowered;
	[smem:$0x3FD2] =	sst s25  }
0xa6: {  	s5 =	sshll.u32 s26, $0x1;
	_ =	strace $0x80000046;
	[dreg:$0x1] =	wrdreg $0xFFFFFFFF  }
0xa7: {  	s28 =	simm.s32 $_size_execute0_lowered;
	s3 =	sadd.s32 s3, s5;
	[dreg:$0x0] =	wrdreg $0x0  }
0xa8: {  	s5 =	sshll.u32 s28, $0x1;
	[dreg:$0x2] =	wrdreg s3  }
0xa9: {  	[dreg:$0x3] =	wrdreg s5  }
0xaa: {  	[dreg:$0x4] =	wrdreg $0xC0  }
0xab: {  	_ =	task [dreg:s7], $0x5FFFF  }
0xac: {  	[dreg:$0x1] =	wrdreg $0xFFFFFFFF  }
0xad: {  	[dreg:$0x0] =	wrdreg $0x60  }
0xae: {  	[dreg:$0x2] =	wrdreg s24  }
0xaf: {  	[dreg:$0x3] =	wrdreg s2  }
0xb0: {  	[dreg:$0x4] =	wrdreg $0x0  }
0xb1: {  	[dreg:$0x5] =	wrdreg $0x9  }
0xb2: {  	_ =	task.clear_ibuf [dreg:s7], $0x6FFFF;
	_ =	strace $0x90000046  }
0xb3: {  	s29 =	simm.s32 $0x9;
	_ =	strace $0x80000048  }
0xb4: {  	_ =	swait.ge [sflag:s29], $0x1  }
0xb5: {  	[sflag:s29] =	ssyncadd.s32 $0xFFFFFFFF  }
0xb6: {  	_ =	strace $0x90000048  }
0xb7: {  	_ =	sfence  }
0xb8: {  	s30 =	sld [smem:$0x0];
	_ =	sdelay $0x2  }
0xb9: {  	s31 =	sshll.u32 s1, $0xD;
	s1 =	sshrl.u32 s1, $0x2  }
0xba: {  	s3 =	sand.u32 $0x4000, s31;
	s1 =	sadd.s32 s1, s30  }
0xbb: {  	s0 =	sor.u32 s3, s0;
	s1 =	sshll.u32 s1, $0x11  }
0xbc: {  	s0 =	sor.u32 s1, s0  }
0xbd: {  	s0 =	sadd.s32 $0x8F2B, s0  }
0xbe: {  	[sflag:s0] =	ssyncadd.remote.s32 $0x1  }
0xbf: {  	_ =	sfence.sel $0xFFFF  }
0xc0: {  	[dreg:$0x0] =	wrdreg $0xFFFFFFFF;
	(pc) =	sbr.abs _section_cstart, $3  }
0xc1: {  	[dreg:$0x1] =	wrdreg $0xFFFFFFFF  }
0xc2: {  	_ =	task.clear_ibuf [dreg:s7], $0x2FFFF;
	_ =	strace $0x9FFFFFFF  }
0xc3: {  	(tm) =	ssettm $0x7FFFFFFF  }
tec
execute0_lowered:
.L_overlay_start_1:
0x0: {  	(tag) =	ssettag $0x1  }
0x1: {  	s1 =	srdreg.scid;
	s5 =	rddreg [dreg:$0x0]  }
0x2: {  	s0 =	stileid.u32;
	s2 =	rddreg [dreg:$0x1]  }
0x3: {  	s3 =	rddreg [dreg:$0x2];
	s4 =	simm.s32 $0x0;
	s13 =	simm.s32 $0x17C00  }
0x4: {  	s14 =	simm.s32 $0x80;
	s15 =	simm.s32 $0x1;
	s16 =	simm.s32 $0x0  }
0x5: {  	s6 =	sand.u32 $0x1, s1;
	s28 =	sshll.u32 s0, $0x1;
	s8 =	smul.u32 $0x13C00, s0  }
0x6: {  	[smem:$0x7FF] =	sst s4;
	s29 =	smul.u32 $0x4F000, s0;
	s31 =	sshll.u32 s0, $0x6  }
0x7: {  	s1 =	sor.u32 s6, s28;
	s9 =	smul.u32 $0x13C000, s6;
	s6 =	ssub.s32 $0x2, s6  }
0x8: {  	s7 =	smul.u32 $0x500, s1;
	s1 =	rddreg [dreg:$0x3];
	_ =	strace $0x80000047  }
0x9: {  	s10 =	sshrl.u32 s8, $0x3;
	s30 =	sshrl.u32 s6, $0x1;
	s8 =	sadd.s32 s8, s9  }
0xa: {  	s10 =	sadd.s32 s10, s5;
	s9 =	sshrl.u32 s29, $0x2;
	s11 =	ssub.s32 s6, s30  }
0xb: {  	s6 =	sor.u32 $0x1C02, s31;
	s7 =	sadd.s32 s7, s5;
	s8 =	sshrl.u32 s8, $0x3  }
0xc: {  	s12 =	sadd.s32 s9, s3;
	s9 =	smax.u32 s11, $0x1;
	s11 =	simm.s32 $0x2  }
0xd: {  	s8 =	sadd.s32 s8, s5;
	s5 =	sadd.s32 $0x16000, s10;
	s7 =	sadd.s32 $0x2000, s7  }
0xe: {  	s10 =	sshrl.u32 s12, $0x3;
	s12 =	simm.s32 $0x13C00;
	s8 =	sadd.s32 $0x3D800, s8  }
.LBB2_1:
0xf: {  	[spmem:s10], [sflag:s6] =	dma.local [hbm:s5], $0x2780  }
0x10: {  	_ =	swait.ge [sflag:s11], $0x2780  }
0x11: {  	[sflag:s11] =	ssyncset.done $0x0  }
0x12: {  	[sflag:s11] =	ssyncadd.s32 $0xFFFFD880  }
0x13: {  	[tilespmem:s12], [sflag:$0x2] =	stream.linear.gather [hbm4b:s2+s4], $0x4000, $0x38;
	[tilespmem:$0x1A400] =	vst v63  }
0x14: {  	_ =	swait.ge [sflag:s11], $0x4000  }
0x15: {  	[sflag:s11] =	ssyncset.done $0x0  }
0x16: {  	[sflag:s11] =	ssyncadd.s32 $0xFFFFC000  }
0x17: {  	[tilespmem:s13], [sflag:$0x2] =	stream.linear.gather [hbm4b:s7+s4], $0x2800, $0x38;
	[tilespmem:$0x1A400] =	vst v63  }
0x18: {  	_ =	swait.ge [sflag:s11], $0x2800  }
0x19: {  	[sflag:s11] =	ssyncset.done $0x0  }
0x1a: {  	[sflag:s11] =	ssyncadd.s32 $0xFFFFD800  }
0x1b: {  	s17 =	simm.s32 $0x0;
	[bflag:$0x0] =	sbarrier.arrive $0xFFFF  }
.LBB2_2:
0x1c: {  	p0 =	sne.s32 s17, $0x9E00  }
.Ltmp0:
0x1d: {  	_ = 	snop;
	(pc) =	sbr.rel @p0 .LBB2_2-.Ltmp0, $4  }
0x1e: {  	_ = 	snop  }
0x1f: {  	s18 =	sshra.s32 s17, $0x2  }
0x20: {  	s17 =	sadd.s32 $0x200, s17;
	s18 =	sadd.s32 $0x17C00, s18  }
0x21: {  	[spmem:s3] =	stream.indirect.scatter.add.f32 [tilespmem:s12], [sflag:$0x1], $0x80, s18, s14, $0xb8;
	[tilespmem:$0x1A400] =	vst v63  }
0x22: {  	_ =	swait.ge [sflag:s15], $0x4000  }
0x23: {  	s17 =	simm.s32 $0x4F;
	[sflag:s15] =	ssyncset.done $0x0  }
.LBB2_4:
0x24: {  	p0 =	sne.s32 s17, $0x1;
	s17 =	sadd.s32 $0xFFFFFFFF, s17;
	[sflag:s15] =	ssyncadd.s32 $0xFFFFC000  }
.Ltmp1:
0x25: {  	(pc) =	sbr.rel @p0 .LBB2_4-.Ltmp1, $3  }
0x26: {  	_ =	sdelay $0x1  }
0x27: {  	_ =	swait.ge [sflag:s15], $0x4000  }
0x28: {  	[sflag:s15] =	ssyncset.done $0x0  }
0x29: {  	s16 =	sadd.s32 $0x1, s16  }
0x2a: {  	[sflag:s15] =	ssyncadd.s32 $0xFFFFC000;
	p0 =	sne.s32 s16, s9  }
.Ltmp2:
0x2b: {  	[bflag:$0x0] =	sbarrier.arrive $0xFFFF;
	(pc) =	sbr.rel @p0 .LBB2_1-.Ltmp2, $4  }
0x2c: {  	[hbm:s8], [sflag:s6] =	dma.local [spmem:s10], $0x2780  }
0x2d: {  	_ =	swait.ge [sflag:s11], $0x2780  }
0x2e: {  	[sflag:s11] =	ssyncset.done $0x0  }
0x2f: {  	[sflag:s11] =	ssyncadd.s32 $0xFFFFD880  }
0x30: {  	_ =	sfence.sel $0x180000  }
0x31: {  	[bflag:$0x0] =	sbarrier.arrive $0xFFFF  }
0x32: {  	p0 =	sne.s32 s0, $0x0;
	_ =	strace $0x90000047  }
0x33: {  	s0 =	sadd.s32 @!p0 $0x100000, s1;
	[bflag:$0x2] =	sbarrier.arrive $0xFFFF  }
0x34: {  	[sflag:s0] =	ssyncadd.tile.s32 @!p0 $0x1;
	_ =	shalt  }
.Lfunc_end2:
_tile_overlayer_lowered:
.L_overlay_start_2:
0x35: {  	(tag) =	ssettag $0x2  }
0x36: {  	s0 =	rddreg [dreg:$0x0];
	s2 =	stileid.u32  }
0x37: {  	s1 =	rddreg [dreg:$0x1];
	p0 =	sne.s32 s2, $0x0  }
0x38: {  	s3 =	rddreg [dreg:$0x2];
	[bflag:$0x3] =	sbarrier.arrive $0xFFFF;
	s2 =	simm.s32 @!p0 $0x1C02  }
0x39: {  	[timem:s3], [sflag:s2] =	dma.local @!p0 [hbm:s0], s1  }
0x3a: {  	s0 =	simm.s32 @!p0 $0x2  }
0x3b: {  	_ =	swait.ge @!p0 [sflag:s0], s1  }
0x3c: {  	s1 =	ssub.s32 @!p0 $0x0, s1;
	[sflag:s0] =	ssyncset.done @!p0 $0x0  }
0x3d: {  	[sflag:s0] =	ssyncadd.s32 @!p0 s1  }
0x3e: {  	[bflag:$0x3] =	sbarrier.arrive $0xFFFF  }
0x3f: {  	_ =	shalt  }

</sc_bundles>
